<compile_context>
chip_gen: v7x
topology: tpu7x:2x2x1
jax: 0.10.2.dev20260603
libtpu: 0.0.44.dev20260713+nightly
codegen_flags: <defaults>
</compile_context>

<pallas_src>
import jax
import jax.numpy as jnp
from jax import lax
from jax.experimental import pallas as pl
from jax.experimental.pallas import tpu as pltpu
from jax.experimental.pallas import tpu_sc as plsc

N = 16384
M_TOTAL = 256
S = 512
C = 128
D = C + 3
DP = 128
L = 16
NC = 2
NS = 16
NW = NC * NS
BOXES_PER_W = M_TOTAL // NW
SCAN_STEPS = N // L
CAP = S
CH = 64
NCH = S // CH


def _sc_body(coords_hbm, tailc_hbm, boxtab_hbm, tablea_hbm, out_hbm,
             coords_v, tailc_v, boxtab_v, compact_v, pidx_v,
             rows0_v, rows1_v, tail_v, gsem0, gsem1, wsem):
    wid = lax.axis_index("s") * NC + lax.axis_index("c")
    b = wid // NS
    pltpu.sync_copy(coords_hbm.at[pl.ds(b * 3 * N, 3 * N)], coords_v)
    pltpu.sync_copy(tailc_hbm.at[pl.ds(b * 3 * N, 3 * N)], tailc_v)
    pltpu.sync_copy(boxtab_hbm.at[pl.ds(wid * BOXES_PER_W * 16,
                                        BOXES_PER_W * 16)], boxtab_v)
    iota = lax.iota(jnp.int32, L)
    zi = jnp.zeros((L,), jnp.int32)
    mall = iota >= 0
    rows = (rows0_v, rows1_v)
    gsem = (gsem0, gsem1)

    def box_body(k, _carry):
        m = wid * BOXES_PER_W + k
        row_v = boxtab_v[pl.ds(k * 16, 16)]
        cx = row_v[0]
        cy = row_v[1]
        czb = row_v[2]
        czc = row_v[3]
        hx = row_v[4]
        hy = row_v[5]
        hz = row_v[6]
        ca = row_v[7]
        sa = row_v[8]

        compact_v[pl.ds(0, L)] = zi

        def scan_body(i, cnt):
            base = i * L
            xv = coords_v[pl.ds(base, L)]
            yv = coords_v[pl.ds(N + base, L)]
            zv = coords_v[pl.ds(2 * N + base, L)]
            sx = xv - cx
            sy = yv - cy
            sz = zv - czc
            lx = ca * sx + sa * sy
            ly = ca * sy - sa * sx
            msk = ((jnp.abs(sz) <= hz) & (jnp.abs(lx) <= hx)
                   & (jnp.abs(ly) <= hy))
            tot = plsc.all_reduce_population_count(msk)[0]
            off = jnp.minimum(cnt, CAP)
            plsc.store_compressed(compact_v.at[pl.ds(off, L)], iota + base,
                                  mask=msk)
            return cnt + tot

        cnt = lax.fori_loop(0, SCAN_STEPS, scan_body, jnp.int32(0),
                            unroll=8)

        denom = jnp.maximum(cnt, 1)
        ne_i = (cnt > 0).astype(jnp.int32)
        ne_f = (cnt > 0).astype(jnp.float32)
        boff = b * N

        def pick_body(g, _c):
            jv = iota + g * L
            sel = jv % denom
            lidx = plsc.load_gather(compact_v, [sel]) * ne_i
            plsc.store_scatter(pidx_v, [jv], lidx + boff, mask=mall)
            return _c

        lax.fori_loop(0, S // L, pick_body, jnp.int32(0))

        def fire_gather(h):
            s = h % 2
            return pltpu.async_copy(
                tablea_hbm.at[pidx_v.at[pl.ds(h * CH, CH)]],
                rows[s], gsem[s])

        def do_patch(hp):
            sp = hp % 2

            def patch_body(g, _c):
                jl = iota + g * L
                jv = jl + hp * CH
                sel = jv % denom
                lidx = plsc.load_gather(compact_v, [sel]) * ne_i
                px = plsc.load_gather(coords_v, [lidx])
                py = plsc.load_gather(coords_v, [lidx + N])
                pz = plsc.load_gather(coords_v, [lidx + 2 * N])
                rx = px - cx
                ry = py - cy
                ox = (rx * ca + ry * sa) * ne_f
                oy = (ry * ca - rx * sa) * ne_f
                oz = (pz - czb) * ne_f
                plsc.store_scatter(rows[sp], [jl, zi], ox, mask=mall)
                plsc.store_scatter(rows[sp], [jl, zi + 1], oy, mask=mall)
                plsc.store_scatter(rows[sp], [jl, zi + 2], oz, mask=mall)
                for c in range(3):
                    tv = plsc.load_gather(tailc_v, [lidx + c * N]) * ne_f
                    plsc.store_scatter(tail_v, [jl, zi + c], tv,
                                       mask=mall)
                return _c

            lax.fori_loop(0, CH // L, patch_body, jnp.int32(0))

            @pl.when(cnt == 0)
            def _zero_rows():
                zfull = jnp.zeros((L,), jnp.float32)

                def zr(i, _c):
                    for c8 in range(C // L):
                        rows[sp][i, pl.ds(c8 * L, L)] = zfull
                    return _c
                lax.fori_loop(0, CH, zr, jnp.int32(0))

            wm = pltpu.async_copy(
                rows[sp],
                out_hbm.at[m, pl.ds(hp * CH, CH), pl.ds(0, C)], wsem)
            wt = pltpu.async_copy(
                tail_v,
                out_hbm.at[m, pl.ds(hp * CH, CH), pl.ds(C, 3)], wsem)
            return [wm, wt]

        pending_w = {0: [], 1: []}
        g_prev = fire_gather(0)
        for h in range(1, NCH + 1):
            s = h % 2
            for cp in pending_w[s]:
                cp.wait()
            pending_w[s] = []
            g_new = fire_gather(h) if h < NCH else None
            g_prev.wait()
            pending_w[(h - 1) % 2] = do_patch(h - 1)
            g_prev = g_new
        for s in range(2):
            for cp in pending_w[s]:
                cp.wait()
        return _carry

    lax.fori_loop(0, BOXES_PER_W, box_body, jnp.int32(0))


@jax.jit
def _run_sc(coords_flat, tailc_flat, boxtab_flat, tablea):
    mesh = plsc.VectorSubcoreMesh(core_axis_name="c", subcore_axis_name="s")
    f = pl.kernel(
        _sc_body,
        out_type=jax.ShapeDtypeStruct((M_TOTAL, S, D), jnp.float32),
        mesh=mesh,
        scratch_types=[
            pltpu.VMEM((3 * N,), jnp.float32),
            pltpu.VMEM((3 * N,), jnp.float32),
            pltpu.VMEM((BOXES_PER_W * 16,), jnp.float32),
            pltpu.VMEM((CAP + L,), jnp.int32),
            pltpu.VMEM((S,), jnp.int32),
            pltpu.VMEM((CH, DP), jnp.float32),
            pltpu.VMEM((CH, DP), jnp.float32),
            pltpu.VMEM((CH, 3), jnp.float32),
            pltpu.SemaphoreType.DMA,
            pltpu.SemaphoreType.DMA,
            pltpu.SemaphoreType.DMA,
        ],
        compiler_params=pltpu.CompilerParams(needs_layout_passes=False),
    )
    return f(coords_flat, tailc_flat, boxtab_flat, tablea)


def kernel(feats, coordinate, batch_inds, rois):
    del batch_inds
    B = coordinate.shape[0]
    r = rois[:, 1:]
    cx, cy, cz = r[:, 0], r[:, 1], r[:, 2]
    dx, dy, dz = r[:, 3], r[:, 4], r[:, 5]
    rz = r[:, 6]
    zcol = jnp.zeros_like(cx)
    boxtab = jnp.stack(
        [cx, cy, cz, cz + dz / 2.0, dx / 2.0, dy / 2.0, dz / 2.0,
         jnp.cos(rz), jnp.sin(rz), zcol, zcol, zcol, zcol, zcol, zcol, zcol],
        axis=-1)
    coords_flat = coordinate.transpose(0, 2, 1).reshape(B * 3 * N)
    tailc_flat = feats[:, :, C - 3:].transpose(0, 2, 1).reshape(B * 3 * N)
    tablea = jnp.concatenate([coordinate, feats[:, :, :C - 3]],
                             axis=-1).reshape(B * N, DP)
    return _run_sc(coords_flat, tailc_flat, boxtab.reshape(-1), tablea)

# --- scband reference (transcript-rebuilt; emitter-appended) ---
"""Pipeline reference for scband-single3-dro-ipoint-extractor-55336358642152 (READ-ONLY COPY).

The authoritative reference and input builder live on the scoring server;
editing this copy changes nothing except your own understanding.
"""

import jax, jax.numpy as jnp
import numpy as np

NUM_SAMPLED_POINTS = 512


def check_pts_in_box3d(pts, box):
    # box: (cx, cy, cz(bottom), dx, dy, dz, rz)
    cx, cy, cz, dx, dy, dz, rz = box[0], box[1], box[2], box[3], box[4], box[5], box[6]
    cz = cz + dz / 2.0  # shift to geometric center (mmcv convention)
    sx = pts[:, 0] - cx
    sy = pts[:, 1] - cy
    sz = pts[:, 2] - cz
    cosa = jnp.cos(rz)
    sina = jnp.sin(rz)
    local_x = cosa * sx + sina * sy
    local_y = -sina * sx + cosa * sy
    return (jnp.abs(sz) <= dz / 2.0) & (jnp.abs(local_x) <= dx / 2.0) & (jnp.abs(local_y) <= dy / 2.0)


def pool_one_box(pts_feats, mask):
    n = mask.shape[0]
    cnt = jnp.sum(mask.astype(jnp.int32))
    # stable ordering: in-box points first, preserving original point order (matches CUDA scan order)
    keys = jnp.where(mask, jnp.arange(n), n + jnp.arange(n))
    order = jnp.argsort(keys)
    # cycle through collected points if fewer than NUM_SAMPLED_POINTS (duplicate-fill semantics)
    idx = order[jnp.mod(jnp.arange(NUM_SAMPLED_POINTS), jnp.maximum(cnt, 1))]
    pooled = jnp.take(pts_feats, idx, axis=0)
    empty = (cnt == 0).astype(jnp.int32)
    pooled = jnp.where(empty > 0, jnp.zeros_like(pooled), pooled)
    return pooled, empty


def roipoint_pool3d(points, point_features, boxes3d):
    # points (B,N,3), point_features (B,N,C), boxes3d (B,M,7)
    feats = jnp.concatenate([points, point_features], axis=-1)

    def per_batch(pts, ft, boxes):
        def per_box(box):
            mask = check_pts_in_box3d(pts, box)
            return pool_one_box(ft, mask)
        return jax.vmap(per_box)(boxes)

    pooled, empty = jax.vmap(per_batch)(points, feats, boxes3d)
    return pooled, empty  # (B,M,S,3+C), (B,M)


def rotation_3d_in_axis(points, angles):
    # points (K,S,3), angles (K,), rotation about z axis (axis=2), mmdet3d convention
    cos = jnp.cos(angles)
    sin = jnp.sin(angles)
    zeros = jnp.zeros_like(cos)
    ones = jnp.ones_like(cos)
    rot_mat_T = jnp.stack([
        jnp.stack([cos, sin, zeros], axis=-1),
        jnp.stack([-sin, cos, zeros], axis=-1),
        jnp.stack([zeros, zeros, ones], axis=-1),
    ], axis=-2)  # (K,3,3)
    return jnp.einsum('ksj,kji->ksi', points, rot_mat_T)


def setup_inputs(seed: int = 0):
    key = jax.random.key(seed)
    k1, k2, k3, k4, k5 = jax.random.split(key, 5)
    B, N, C, M = 2, 16384, 128, 128
    coordinate = jax.random.uniform(k1, (B, N, 3), minval=-10.0, maxval=10.0, dtype=jnp.float32)
    feats = jax.random.normal(k2, (B, N, C), dtype=jnp.float32)
    centers = jax.random.uniform(k3, (B * M, 3), minval=-8.0, maxval=8.0, dtype=jnp.float32)
    sizes = jax.random.uniform(k4, (B * M, 3), minval=2.0, maxval=6.0, dtype=jnp.float32)
    yaw = jax.random.uniform(k5, (B * M, 1), minval=-np.pi, maxval=np.pi, dtype=jnp.float32)
    binds = jnp.repeat(jnp.arange(B, dtype=jnp.float32), M)[:, None]
    rois = jnp.concatenate([binds, centers, sizes, yaw], axis=-1)  # (B*M, 8)
    return {"feats": feats, "coordinate": coordinate, "batch_inds": 2, "rois": rois}


def reference(feats, coordinate, batch_inds, rois):
    rois = rois[..., 1:]
    batch_inds = jnp.asarray(batch_inds)
    rois = rois + (batch_inds - batch_inds).astype(rois.dtype)
    rois = rois.reshape(coordinate.shape[0], -1, rois.shape[-1])  # (B, M, 7)
    pooled, empty = roipoint_pool3d(coordinate, feats, rois)
    roi_center = rois[:, :, 0:3]
    pooled = pooled.at[:, :, :, 0:3].add(-roi_center[:, :, None, :])
    pooled = pooled.reshape(-1, pooled.shape[-2], pooled.shape[-1])  # (B*M, S, 3+C)
    xyz = rotation_3d_in_axis(pooled[:, :, 0:3], -rois.reshape(-1, rois.shape[-1])[:, 6])
    pooled = jnp.concatenate([xyz, pooled[:, :, 3:]], axis=-1)
    pooled = jnp.where((empty.reshape(-1) > 0)[:, None, None], jnp.zeros_like(pooled), pooled)
    return pooled

if __name__ == "__main__":
    import jax
    _d = setup_inputs()
    print(jax.jit(kernel)(*tuple(_d.values())))

</pallas_src>

<mosaic_0001>
#map = affine_map<(d0, d1) -> (0)>
#map1 = affine_map<(d0, d1) -> (0, 0)>
#map2 = affine_map<(d0, d1) -> (0, 0, 0)>
module attributes {stable_mosaic.version = 14 : i64} {
  func.func @_sc_body(%arg0: i32, %arg1: i32, %arg2: memref<98304xf32, #tpu.memory_space<hbm>>, %arg3: memref<98304xf32, #tpu.memory_space<hbm>>, %arg4: memref<4096xf32, #tpu.memory_space<hbm>>, %arg5: memref<32768x128xf32, #tpu.memory_space<hbm>>, %arg6: memref<256x512x131xf32, #tpu.memory_space<hbm>>, %arg7: memref<49152xf32, #tpu.memory_space<vmem>>, %arg8: memref<49152xf32, #tpu.memory_space<vmem>>, %arg9: memref<128xf32, #tpu.memory_space<vmem>>, %arg10: memref<528xi32, #tpu.memory_space<vmem>>, %arg11: memref<512xi32, #tpu.memory_space<vmem>>, %arg12: memref<64x128xf32, #tpu.memory_space<vmem>>, %arg13: memref<64x128xf32, #tpu.memory_space<vmem>>, %arg14: memref<64x3xf32, #tpu.memory_space<vmem>>, %arg15: memref<!tpu.dma_semaphore, #tpu.memory_space<semaphore_mem>>, %arg16: memref<!tpu.dma_semaphore, #tpu.memory_space<semaphore_mem>>, %arg17: memref<!tpu.dma_semaphore, #tpu.memory_space<semaphore_mem>>) attributes {dimension_semantics = [#tpu.dimension_semantics<core_parallel>, #tpu.dimension_semantics<subcore_parallel>], iteration_bounds = array<i64: 2, 16>, scalar_prefetch = 0 : i64, scratch_operands = 11 : i64, tpu.core_type = #tpu.core_type<sc_vector_subcore>, window_params = [{transform_indices = #map}, {transform_indices = #map}, {transform_indices = #map}, {transform_indices = #map1}, {transform_indices = #map2}]} {
    %mul3A = arith.constant 2 : i32
    %mul3A_0 = arith.muli %arg1, %mul3A : i32
    %add3A = arith.addi %mul3A_0, %arg0 : i32
    %jit3A = arith.constant 16 : i32
    %div3A = arith.divsi %add3A, %jit3A : i32
    %sign3A = arith.constant 0 : i32
    %sign3A_1 = arith.cmpi sgt, %add3A, %sign3A : i32
    %sign3A_2 = arith.extui %sign3A_1 : i1 to i32
    %sign3A_3 = arith.constant 0 : i32
    %sign3A_4 = arith.cmpi slt, %add3A, %sign3A_3 : i32
    %sign3A_5 = arith.extui %sign3A_4 : i1 to i32
    %sign3A_6 = arith.subi %sign3A_2, %sign3A_5 : i32
    %sign3A_7 = arith.constant 0 : i32
    %sign3A_8 = arith.cmpi sgt, %jit3A, %sign3A_7 : i32
    %sign3A_9 = arith.extui %sign3A_8 : i1 to i32
    %sign3A_10 = arith.constant 0 : i32
    %sign3A_11 = arith.cmpi slt, %jit3A, %sign3A_10 : i32
    %sign3A_12 = arith.extui %sign3A_11 : i1 to i32
    %sign3A_13 = arith.subi %sign3A_9, %sign3A_12 : i32
    %ne3A = arith.cmpi ne, %sign3A_6, %sign3A_13 : i32
    %rem3A = arith.remsi %add3A, %jit3A : i32
    %ne3A_14 = arith.constant 0 : i32
    %ne3A_15 = arith.cmpi ne, %rem3A, %ne3A_14 : i32
    %and3A = arith.andi %ne3A, %ne3A_15 : i1
    %sub3A = arith.constant 1 : i32
    %sub3A_16 = arith.subi %div3A, %sub3A : i32
    %select_n3A = arith.select %and3A, %sub3A_16, %div3A : i32
    %mul3A_17 = arith.constant 3 : i32
    %mul3A_18 = arith.muli %select_n3A, %mul3A_17 : i32
    %mul3A_19 = arith.constant 16384 : i32
    %mul3A_20 = arith.muli %mul3A_18, %mul3A_19 : i32
    "tpu.region"() ({
      %run_scoped3A = tpu.sem_alloc : memref<!tpu.dma_semaphore, #tpu.memory_space<semaphore_mem>>
      %dma_start3A = tpu.memref_slice %arg2[%mul3A_20] : memref<98304xf32, #tpu.memory_space<hbm>> -> memref<49152xf32, #tpu.memory_space<hbm>>
      %dma_start3A_37 = tpu.memref_slice %arg2[%mul3A_20] : memref<98304xf32, #tpu.memory_space<hbm>> -> memref<49152xf32, #tpu.memory_space<hbm>>
      tpu.enqueue_dma source(%dma_start3A_37 : memref<49152xf32, #tpu.memory_space<hbm>>) target(%arg7 : memref<49152xf32, #tpu.memory_space<vmem>>) target_semaphore(%run_scoped3A : memref<!tpu.dma_semaphore, #tpu.memory_space<semaphore_mem>>)
      %dma_wait3A = tpu.memref_slice %arg2[%mul3A_20] : memref<98304xf32, #tpu.memory_space<hbm>> -> memref<49152xf32, #tpu.memory_space<hbm>>
      %dma_wait3A_38 = tpu.memref_slice %arg2[%mul3A_20] : memref<98304xf32, #tpu.memory_space<hbm>> -> memref<49152xf32, #tpu.memory_space<hbm>>
      tpu.wait_dma2 semaphore(%run_scoped3A : memref<!tpu.dma_semaphore, #tpu.memory_space<semaphore_mem>>) src(%dma_wait3A_38 : memref<49152xf32, #tpu.memory_space<hbm>>) dst(%arg7 : memref<49152xf32, #tpu.memory_space<vmem>>)
      tpu.yield
    }) : () -> ()
    %mul3A_21 = arith.constant 3 : i32
    %mul3A_22 = arith.muli %select_n3A, %mul3A_21 : i32
    %mul3A_23 = arith.constant 16384 : i32
    %mul3A_24 = arith.muli %mul3A_22, %mul3A_23 : i32
    "tpu.region"() ({
      %run_scoped3A = tpu.sem_alloc : memref<!tpu.dma_semaphore, #tpu.memory_space<semaphore_mem>>
      %dma_start3A = tpu.memref_slice %arg3[%mul3A_24] : memref<98304xf32, #tpu.memory_space<hbm>> -> memref<49152xf32, #tpu.memory_space<hbm>>
      %dma_start3A_37 = tpu.memref_slice %arg3[%mul3A_24] : memref<98304xf32, #tpu.memory_space<hbm>> -> memref<49152xf32, #tpu.memory_space<hbm>>
      tpu.enqueue_dma source(%dma_start3A_37 : memref<49152xf32, #tpu.memory_space<hbm>>) target(%arg8 : memref<49152xf32, #tpu.memory_space<vmem>>) target_semaphore(%run_scoped3A : memref<!tpu.dma_semaphore, #tpu.memory_space<semaphore_mem>>)
      %dma_wait3A = tpu.memref_slice %arg3[%mul3A_24] : memref<98304xf32, #tpu.memory_space<hbm>> -> memref<49152xf32, #tpu.memory_space<hbm>>
      %dma_wait3A_38 = tpu.memref_slice %arg3[%mul3A_24] : memref<98304xf32, #tpu.memory_space<hbm>> -> memref<49152xf32, #tpu.memory_space<hbm>>
      tpu.wait_dma2 semaphore(%run_scoped3A : memref<!tpu.dma_semaphore, #tpu.memory_space<semaphore_mem>>) src(%dma_wait3A_38 : memref<49152xf32, #tpu.memory_space<hbm>>) dst(%arg8 : memref<49152xf32, #tpu.memory_space<vmem>>)
      tpu.yield
    }) : () -> ()
    %mul3A_25 = arith.constant 8 : i32
    %mul3A_26 = arith.muli %add3A, %mul3A_25 : i32
    %mul3A_27 = arith.constant 16 : i32
    %mul3A_28 = arith.muli %mul3A_26, %mul3A_27 : i32
    "tpu.region"() ({
      %run_scoped3A = tpu.sem_alloc : memref<!tpu.dma_semaphore, #tpu.memory_space<semaphore_mem>>
      %dma_start3A = tpu.memref_slice %arg4[%mul3A_28] : memref<4096xf32, #tpu.memory_space<hbm>> -> memref<128xf32, #tpu.memory_space<hbm>>
      %dma_start3A_37 = tpu.memref_slice %arg4[%mul3A_28] : memref<4096xf32, #tpu.memory_space<hbm>> -> memref<128xf32, #tpu.memory_space<hbm>>
      tpu.enqueue_dma source(%dma_start3A_37 : memref<128xf32, #tpu.memory_space<hbm>>) target(%arg9 : memref<128xf32, #tpu.memory_space<vmem>>) target_semaphore(%run_scoped3A : memref<!tpu.dma_semaphore, #tpu.memory_space<semaphore_mem>>)
      %dma_wait3A = tpu.memref_slice %arg4[%mul3A_28] : memref<4096xf32, #tpu.memory_space<hbm>> -> memref<128xf32, #tpu.memory_space<hbm>>
      %dma_wait3A_38 = tpu.memref_slice %arg4[%mul3A_28] : memref<4096xf32, #tpu.memory_space<hbm>> -> memref<128xf32, #tpu.memory_space<hbm>>
      tpu.wait_dma2 semaphore(%run_scoped3A : memref<!tpu.dma_semaphore, #tpu.memory_space<semaphore_mem>>) src(%dma_wait3A_38 : memref<128xf32, #tpu.memory_space<hbm>>) dst(%arg9 : memref<128xf32, #tpu.memory_space<vmem>>)
      tpu.yield
    }) : () -> ()
    %iota3A = tpu.iota {dimensions = array<i32: 0>} : vector<16xi32>
    %broadcast_in_dim3A = arith.constant 0 : i32
    %broadcast_in_dim3A_29 = vector.broadcast %broadcast_in_dim3A : i32 to vector<16xi32>
    %ge3A = arith.constant 0 : i32
    %ge3A_30 = vector.broadcast %ge3A : i32 to vector<16xi32>
    %ge3A_31 = arith.cmpi sge, %iota3A, %ge3A_30 : vector<16xi32>
    %scan3A = arith.constant 0 : i32
    %scan3A_32 = arith.constant 0 : i32
    %scan3A_33 = arith.constant 8 : i32
    %scan3A_34 = arith.addi %scan3A_32, %scan3A_33 : i32
    %scan3A_35 = arith.constant 1 : i32
    scf.for %scan3A_37 = %scan3A_32 to %scan3A_34 step %scan3A_35  : i32 {
      %mul3A_38 = arith.constant 8 : i32
      %mul3A_39 = arith.muli %add3A, %mul3A_38 : i32
      %add3A_40 = arith.addi %mul3A_39, %scan3A_37 : i32
      %mul3A_41 = arith.constant 16 : i32
      %mul3A_42 = arith.muli %scan3A_37, %mul3A_41 : i32
      %get3A = arith.index_cast %mul3A_42 : i32 to index
      %get3A_43 = tpu.vector_load %arg9[%get3A] {strides = array<i32>} : memref<128xf32, #tpu.memory_space<vmem>>, vector<16xf32>,
      %slice3A = vector.extract_strided_slice %get3A_43 {offsets = [0], sizes = [1], strides = [1]} : vector<16xf32> to vector<1xf32>
      %squeeze3A = vector.extract %slice3A[0] : f32 from vector<1xf32>
      %slice3A_44 = vector.extract_strided_slice %get3A_43 {offsets = [1], sizes = [1], strides = [1]} : vector<16xf32> to vector<1xf32>
      %squeeze3A_45 = vector.extract %slice3A_44[0] : f32 from vector<1xf32>
      %slice3A_46 = vector.extract_strided_slice %get3A_43 {offsets = [2], sizes = [1], strides = [1]} : vector<16xf32> to vector<1xf32>
      %squeeze3A_47 = vector.extract %slice3A_46[0] : f32 from vector<1xf32>
      %slice3A_48 = vector.extract_strided_slice %get3A_43 {offsets = [3], sizes = [1], strides = [1]} : vector<16xf32> to vector<1xf32>
      %squeeze3A_49 = vector.extract %slice3A_48[0] : f32 from vector<1xf32>
      %slice3A_50 = vector.extract_strided_slice %get3A_43 {offsets = [4], sizes = [1], strides = [1]} : vector<16xf32> to vector<1xf32>
      %squeeze3A_51 = vector.extract %slice3A_50[0] : f32 from vector<1xf32>
      %slice3A_52 = vector.extract_strided_slice %get3A_43 {offsets = [5], sizes = [1], strides = [1]} : vector<16xf32> to vector<1xf32>
      %squeeze3A_53 = vector.extract %slice3A_52[0] : f32 from vector<1xf32>
      %slice3A_54 = vector.extract_strided_slice %get3A_43 {offsets = [6], sizes = [1], strides = [1]} : vector<16xf32> to vector<1xf32>
      %squeeze3A_55 = vector.extract %slice3A_54[0] : f32 from vector<1xf32>
      %slice3A_56 = vector.extract_strided_slice %get3A_43 {offsets = [7], sizes = [1], strides = [1]} : vector<16xf32> to vector<1xf32>
      %squeeze3A_57 = vector.extract %slice3A_56[0] : f32 from vector<1xf32>
      %slice3A_58 = vector.extract_strided_slice %get3A_43 {offsets = [8], sizes = [1], strides = [1]} : vector<16xf32> to vector<1xf32>
      %squeeze3A_59 = vector.extract %slice3A_58[0] : f32 from vector<1xf32>
      %swap3A = arith.constant 0 : index
      %swap3A_60 = tpu.vector_load %arg10[%swap3A] {strides = array<i32>} : memref<528xi32, #tpu.memory_space<vmem>>, vector<16xi32>,
      tpu.vector_store %arg10[%swap3A], %broadcast_in_dim3A_29 {strides = array<i32>} : memref<528xi32, #tpu.memory_space<vmem>>, vector<16xi32>,
      %scan3A_61 = arith.constant 0 : i32
      %scan3A_62 = arith.constant 0 : i32
      %scan3A_63 = arith.constant 1024 : i32
      %scan3A_64 = arith.addi %scan3A_62, %scan3A_63 : i32
      %scan3A_65 = arith.constant 8 : i32
      %scan3A_66 = scf.for %scan3A_502 = %scan3A_62 to %scan3A_64 step %scan3A_65 iter_args(%scan3A_503 = %scan3A_61) -> (i32)  : i32 {
        %mul3A_504 = arith.constant 16 : i32
        %mul3A_505 = arith.muli %scan3A_502, %mul3A_504 : i32
        %get3A_506 = arith.index_cast %mul3A_505 : i32 to index
        %get3A_507 = tpu.vector_load %arg7[%get3A_506] {strides = array<i32>} : memref<49152xf32, #tpu.memory_space<vmem>>, vector<16xf32>,
        %add3A_508 = arith.constant 16384 : i32
        %add3A_509 = arith.addi %add3A_508, %mul3A_505 : i32
        %get3A_510 = arith.index_cast %add3A_509 : i32 to index
        %get3A_511 = tpu.vector_load %arg7[%get3A_510] {strides = array<i32>} : memref<49152xf32, #tpu.memory_space<vmem>>, vector<16xf32>,
        %add3A_512 = arith.constant 32768 : i32
        %add3A_513 = arith.addi %add3A_512, %mul3A_505 : i32
        %get3A_514 = arith.index_cast %add3A_513 : i32 to index
        %get3A_515 = tpu.vector_load %arg7[%get3A_514] {strides = array<i32>} : memref<49152xf32, #tpu.memory_space<vmem>>, vector<16xf32>,
        %sub3A_516 = vector.broadcast %squeeze3A : f32 to vector<16xf32>
        %sub3A_517 = arith.subf %get3A_507, %sub3A_516 : vector<16xf32>
        %sub3A_518 = vector.broadcast %squeeze3A_45 : f32 to vector<16xf32>
        %sub3A_519 = arith.subf %get3A_511, %sub3A_518 : vector<16xf32>
        %sub3A_520 = vector.broadcast %squeeze3A_49 : f32 to vector<16xf32>
        %sub3A_521 = arith.subf %get3A_515, %sub3A_520 : vector<16xf32>
        %mul3A_522 = vector.broadcast %squeeze3A_57 : f32 to vector<16xf32>
        %mul3A_523 = arith.mulf %mul3A_522, %sub3A_517 : vector<16xf32>
        %mul3A_524 = vector.broadcast %squeeze3A_59 : f32 to vector<16xf32>
        %mul3A_525 = arith.mulf %mul3A_524, %sub3A_519 : vector<16xf32>
        %add3A_526 = arith.addf %mul3A_523, %mul3A_525 : vector<16xf32>
        %mul3A_527 = vector.broadcast %squeeze3A_57 : f32 to vector<16xf32>
        %mul3A_528 = arith.mulf %mul3A_527, %sub3A_519 : vector<16xf32>
        %mul3A_529 = vector.broadcast %squeeze3A_59 : f32 to vector<16xf32>
        %mul3A_530 = arith.mulf %mul3A_529, %sub3A_517 : vector<16xf32>
        %sub3A_531 = arith.subf %mul3A_528, %mul3A_530 : vector<16xf32>
        %abs3A = math.absf %sub3A_521 : vector<16xf32>
        %le3A = vector.broadcast %squeeze3A_55 : f32 to vector<16xf32>
        %le3A_532 = arith.cmpf ole, %abs3A, %le3A : vector<16xf32>
        %abs3A_533 = math.absf %add3A_526 : vector<16xf32>
        %le3A_534 = vector.broadcast %squeeze3A_51 : f32 to vector<16xf32>
        %le3A_535 = arith.cmpf ole, %abs3A_533, %le3A_534 : vector<16xf32>
        %and3A_536 = arith.andi %le3A_532, %le3A_535 : vector<16xi1>
        %abs3A_537 = math.absf %sub3A_531 : vector<16xf32>
        %le3A_538 = vector.broadcast %squeeze3A_53 : f32 to vector<16xf32>
        %le3A_539 = arith.cmpf ole, %abs3A_537, %le3A_538 : vector<16xf32>
        %and3A_540 = arith.andi %and3A_536, %le3A_539 : vector<16xi1>
        %all_reduce_population_count3A = tpu.all_reduce %and3A_540 {dim = 0 : i64, kind = #tpu.reduction_kind<sum>} : vector<16xi1> -> vector<16xi32>
        %slice3A_541 = vector.extract_strided_slice %all_reduce_population_count3A {offsets = [0], sizes = [1], strides = [1]} : vector<16xi32> to vector<1xi32>
        %squeeze3A_542 = vector.extract %slice3A_541[0] : i32 from vector<1xi32>
        %min3A = arith.constant 512 : i32
        %min3A_543 = arith.minsi %scan3A_503, %min3A : i32
        %add3A_544 = vector.broadcast %mul3A_505 : i32 to vector<16xi32>
        %add3A_545 = arith.addi %iota3A, %add3A_544 : vector<16xi32>
        %swap3A_546 = arith.index_cast %min3A_543 : i32 to index
        %swap3A_547 = tpu.vector_load %arg10[%swap3A_546] masked %and3A_540 {strides = array<i32>} : memref<528xi32, #tpu.memory_space<vmem>>, vector<16xi32>, vector<16xi1>
        tpu.vector_store %arg10[%swap3A_546], %add3A_545 masked %and3A_540 {strides = array<i32>} : memref<528xi32, #tpu.memory_space<vmem>>, vector<16xi32>, vector<16xi1>
        %add3A_548 = arith.addi %scan3A_503, %squeeze3A_542 : i32
        %scan3A_549 = arith.constant 1 : i32
        %scan3A_550 = arith.addi %scan3A_502, %scan3A_549 : i32
        %mul3A_551 = arith.constant 16 : i32
        %mul3A_552 = arith.muli %scan3A_550, %mul3A_551 : i32
        %get3A_553 = arith.index_cast %mul3A_552 : i32 to index
        %get3A_554 = tpu.vector_load %arg7[%get3A_553] {strides = array<i32>} : memref<49152xf32, #tpu.memory_space<vmem>>, vector<16xf32>,
        %add3A_555 = arith.constant 16384 : i32
        %add3A_556 = arith.addi %add3A_555, %mul3A_552 : i32
        %get3A_557 = arith.index_cast %add3A_556 : i32 to index
        %get3A_558 = tpu.vector_load %arg7[%get3A_557] {strides = array<i32>} : memref<49152xf32, #tpu.memory_space<vmem>>, vector<16xf32>,
        %add3A_559 = arith.constant 32768 : i32
        %add3A_560 = arith.addi %add3A_559, %mul3A_552 : i32
        %get3A_561 = arith.index_cast %add3A_560 : i32 to index
        %get3A_562 = tpu.vector_load %arg7[%get3A_561] {strides = array<i32>} : memref<49152xf32, #tpu.memory_space<vmem>>, vector<16xf32>,
        %sub3A_563 = vector.broadcast %squeeze3A : f32 to vector<16xf32>
        %sub3A_564 = arith.subf %get3A_554, %sub3A_563 : vector<16xf32>
        %sub3A_565 = vector.broadcast %squeeze3A_45 : f32 to vector<16xf32>
        %sub3A_566 = arith.subf %get3A_558, %sub3A_565 : vector<16xf32>
        %sub3A_567 = vector.broadcast %squeeze3A_49 : f32 to vector<16xf32>
        %sub3A_568 = arith.subf %get3A_562, %sub3A_567 : vector<16xf32>
        %mul3A_569 = vector.broadcast %squeeze3A_57 : f32 to vector<16xf32>
        %mul3A_570 = arith.mulf %mul3A_569, %sub3A_564 : vector<16xf32>
        %mul3A_571 = vector.broadcast %squeeze3A_59 : f32 to vector<16xf32>
        %mul3A_572 = arith.mulf %mul3A_571, %sub3A_566 : vector<16xf32>
        %add3A_573 = arith.addf %mul3A_570, %mul3A_572 : vector<16xf32>
        %mul3A_574 = vector.broadcast %squeeze3A_57 : f32 to vector<16xf32>
        %mul3A_575 = arith.mulf %mul3A_574, %sub3A_566 : vector<16xf32>
        %mul3A_576 = vector.broadcast %squeeze3A_59 : f32 to vector<16xf32>
        %mul3A_577 = arith.mulf %mul3A_576, %sub3A_564 : vector<16xf32>
        %sub3A_578 = arith.subf %mul3A_575, %mul3A_577 : vector<16xf32>
        %abs3A_579 = math.absf %sub3A_568 : vector<16xf32>
        %le3A_580 = vector.broadcast %squeeze3A_55 : f32 to vector<16xf32>
        %le3A_581 = arith.cmpf ole, %abs3A_579, %le3A_580 : vector<16xf32>
        %abs3A_582 = math.absf %add3A_573 : vector<16xf32>
        %le3A_583 = vector.broadcast %squeeze3A_51 : f32 to vector<16xf32>
        %le3A_584 = arith.cmpf ole, %abs3A_582, %le3A_583 : vector<16xf32>
        %and3A_585 = arith.andi %le3A_581, %le3A_584 : vector<16xi1>
        %abs3A_586 = math.absf %sub3A_578 : vector<16xf32>
        %le3A_587 = vector.broadcast %squeeze3A_53 : f32 to vector<16xf32>
        %le3A_588 = arith.cmpf ole, %abs3A_586, %le3A_587 : vector<16xf32>
        %and3A_589 = arith.andi %and3A_585, %le3A_588 : vector<16xi1>
        %all_reduce_population_count3A_590 = tpu.all_reduce %and3A_589 {dim = 0 : i64, kind = #tpu.reduction_kind<sum>} : vector<16xi1> -> vector<16xi32>
        %slice3A_591 = vector.extract_strided_slice %all_reduce_population_count3A_590 {offsets = [0], sizes = [1], strides = [1]} : vector<16xi32> to vector<1xi32>
        %squeeze3A_592 = vector.extract %slice3A_591[0] : i32 from vector<1xi32>
        %min3A_593 = arith.constant 512 : i32
        %min3A_594 = arith.minsi %add3A_548, %min3A_593 : i32
        %add3A_595 = vector.broadcast %mul3A_552 : i32 to vector<16xi32>
        %add3A_596 = arith.addi %iota3A, %add3A_595 : vector<16xi32>
        %swap3A_597 = arith.index_cast %min3A_594 : i32 to index
        %swap3A_598 = tpu.vector_load %arg10[%swap3A_597] masked %and3A_589 {strides = array<i32>} : memref<528xi32, #tpu.memory_space<vmem>>, vector<16xi32>, vector<16xi1>
        tpu.vector_store %arg10[%swap3A_597], %add3A_596 masked %and3A_589 {strides = array<i32>} : memref<528xi32, #tpu.memory_space<vmem>>, vector<16xi32>, vector<16xi1>
        %add3A_599 = arith.addi %add3A_548, %squeeze3A_592 : i32
        %scan3A_600 = arith.constant 2 : i32
        %scan3A_601 = arith.addi %scan3A_502, %scan3A_600 : i32
        %mul3A_602 = arith.constant 16 : i32
        %mul3A_603 = arith.muli %scan3A_601, %mul3A_602 : i32
        %get3A_604 = arith.index_cast %mul3A_603 : i32 to index
        %get3A_605 = tpu.vector_load %arg7[%get3A_604] {strides = array<i32>} : memref<49152xf32, #tpu.memory_space<vmem>>, vector<16xf32>,
        %add3A_606 = arith.constant 16384 : i32
        %add3A_607 = arith.addi %add3A_606, %mul3A_603 : i32
        %get3A_608 = arith.index_cast %add3A_607 : i32 to index
        %get3A_609 = tpu.vector_load %arg7[%get3A_608] {strides = array<i32>} : memref<49152xf32, #tpu.memory_space<vmem>>, vector<16xf32>,
        %add3A_610 = arith.constant 32768 : i32
        %add3A_611 = arith.addi %add3A_610, %mul3A_603 : i32
        %get3A_612 = arith.index_cast %add3A_611 : i32 to index
        %get3A_613 = tpu.vector_load %arg7[%get3A_612] {strides = array<i32>} : memref<49152xf32, #tpu.memory_space<vmem>>, vector<16xf32>,
        %sub3A_614 = vector.broadcast %squeeze3A : f32 to vector<16xf32>
        %sub3A_615 = arith.subf %get3A_605, %sub3A_614 : vector<16xf32>
        %sub3A_616 = vector.broadcast %squeeze3A_45 : f32 to vector<16xf32>
        %sub3A_617 = arith.subf %get3A_609, %sub3A_616 : vector<16xf32>
        %sub3A_618 = vector.broadcast %squeeze3A_49 : f32 to vector<16xf32>
        %sub3A_619 = arith.subf %get3A_613, %sub3A_618 : vector<16xf32>
        %mul3A_620 = vector.broadcast %squeeze3A_57 : f32 to vector<16xf32>
        %mul3A_621 = arith.mulf %mul3A_620, %sub3A_615 : vector<16xf32>
        %mul3A_622 = vector.broadcast %squeeze3A_59 : f32 to vector<16xf32>
        %mul3A_623 = arith.mulf %mul3A_622, %sub3A_617 : vector<16xf32>
        %add3A_624 = arith.addf %mul3A_621, %mul3A_623 : vector<16xf32>
        %mul3A_625 = vector.broadcast %squeeze3A_57 : f32 to vector<16xf32>
        %mul3A_626 = arith.mulf %mul3A_625, %sub3A_617 : vector<16xf32>
        %mul3A_627 = vector.broadcast %squeeze3A_59 : f32 to vector<16xf32>
        %mul3A_628 = arith.mulf %mul3A_627, %sub3A_615 : vector<16xf32>
        %sub3A_629 = arith.subf %mul3A_626, %mul3A_628 : vector<16xf32>
        %abs3A_630 = math.absf %sub3A_619 : vector<16xf32>
        %le3A_631 = vector.broadcast %squeeze3A_55 : f32 to vector<16xf32>
        %le3A_632 = arith.cmpf ole, %abs3A_630, %le3A_631 : vector<16xf32>
        %abs3A_633 = math.absf %add3A_624 : vector<16xf32>
        %le3A_634 = vector.broadcast %squeeze3A_51 : f32 to vector<16xf32>
        %le3A_635 = arith.cmpf ole, %abs3A_633, %le3A_634 : vector<16xf32>
        %and3A_636 = arith.andi %le3A_632, %le3A_635 : vector<16xi1>
        %abs3A_637 = math.absf %sub3A_629 : vector<16xf32>
        %le3A_638 = vector.broadcast %squeeze3A_53 : f32 to vector<16xf32>
        %le3A_639 = arith.cmpf ole, %abs3A_637, %le3A_638 : vector<16xf32>
        %and3A_640 = arith.andi %and3A_636, %le3A_639 : vector<16xi1>
        %all_reduce_population_count3A_641 = tpu.all_reduce %and3A_640 {dim = 0 : i64, kind = #tpu.reduction_kind<sum>} : vector<16xi1> -> vector<16xi32>
        %slice3A_642 = vector.extract_strided_slice %all_reduce_population_count3A_641 {offsets = [0], sizes = [1], strides = [1]} : vector<16xi32> to vector<1xi32>
        %squeeze3A_643 = vector.extract %slice3A_642[0] : i32 from vector<1xi32>
        %min3A_644 = arith.constant 512 : i32
        %min3A_645 = arith.minsi %add3A_599, %min3A_644 : i32
        %add3A_646 = vector.broadcast %mul3A_603 : i32 to vector<16xi32>
        %add3A_647 = arith.addi %iota3A, %add3A_646 : vector<16xi32>
        %swap3A_648 = arith.index_cast %min3A_645 : i32 to index
        %swap3A_649 = tpu.vector_load %arg10[%swap3A_648] masked %and3A_640 {strides = array<i32>} : memref<528xi32, #tpu.memory_space<vmem>>, vector<16xi32>, vector<16xi1>
        tpu.vector_store %arg10[%swap3A_648], %add3A_647 masked %and3A_640 {strides = array<i32>} : memref<528xi32, #tpu.memory_space<vmem>>, vector<16xi32>, vector<16xi1>
        %add3A_650 = arith.addi %add3A_599, %squeeze3A_643 : i32
        %scan3A_651 = arith.constant 3 : i32
        %scan3A_652 = arith.addi %scan3A_502, %scan3A_651 : i32
        %mul3A_653 = arith.constant 16 : i32
        %mul3A_654 = arith.muli %scan3A_652, %mul3A_653 : i32
        %get3A_655 = arith.index_cast %mul3A_654 : i32 to index
        %get3A_656 = tpu.vector_load %arg7[%get3A_655] {strides = array<i32>} : memref<49152xf32, #tpu.memory_space<vmem>>, vector<16xf32>,
        %add3A_657 = arith.constant 16384 : i32
        %add3A_658 = arith.addi %add3A_657, %mul3A_654 : i32
        %get3A_659 = arith.index_cast %add3A_658 : i32 to index
        %get3A_660 = tpu.vector_load %arg7[%get3A_659] {strides = array<i32>} : memref<49152xf32, #tpu.memory_space<vmem>>, vector<16xf32>,
        %add3A_661 = arith.constant 32768 : i32
        %add3A_662 = arith.addi %add3A_661, %mul3A_654 : i32
        %get3A_663 = arith.index_cast %add3A_662 : i32 to index
        %get3A_664 = tpu.vector_load %arg7[%get3A_663] {strides = array<i32>} : memref<49152xf32, #tpu.memory_space<vmem>>, vector<16xf32>,
        %sub3A_665 = vector.broadcast %squeeze3A : f32 to vector<16xf32>
        %sub3A_666 = arith.subf %get3A_656, %sub3A_665 : vector<16xf32>
        %sub3A_667 = vector.broadcast %squeeze3A_45 : f32 to vector<16xf32>
        %sub3A_668 = arith.subf %get3A_660, %sub3A_667 : vector<16xf32>
        %sub3A_669 = vector.broadcast %squeeze3A_49 : f32 to vector<16xf32>
        %sub3A_670 = arith.subf %get3A_664, %sub3A_669 : vector<16xf32>
        %mul3A_671 = vector.broadcast %squeeze3A_57 : f32 to vector<16xf32>
        %mul3A_672 = arith.mulf %mul3A_671, %sub3A_666 : vector<16xf32>
        %mul3A_673 = vector.broadcast %squeeze3A_59 : f32 to vector<16xf32>
        %mul3A_674 = arith.mulf %mul3A_673, %sub3A_668 : vector<16xf32>
        %add3A_675 = arith.addf %mul3A_672, %mul3A_674 : vector<16xf32>
        %mul3A_676 = vector.broadcast %squeeze3A_57 : f32 to vector<16xf32>
        %mul3A_677 = arith.mulf %mul3A_676, %sub3A_668 : vector<16xf32>
        %mul3A_678 = vector.broadcast %squeeze3A_59 : f32 to vector<16xf32>
        %mul3A_679 = arith.mulf %mul3A_678, %sub3A_666 : vector<16xf32>
        %sub3A_680 = arith.subf %mul3A_677, %mul3A_679 : vector<16xf32>
        %abs3A_681 = math.absf %sub3A_670 : vector<16xf32>
        %le3A_682 = vector.broadcast %squeeze3A_55 : f32 to vector<16xf32>
        %le3A_683 = arith.cmpf ole, %abs3A_681, %le3A_682 : vector<16xf32>
        %abs3A_684 = math.absf %add3A_675 : vector<16xf32>
        %le3A_685 = vector.broadcast %squeeze3A_51 : f32 to vector<16xf32>
        %le3A_686 = arith.cmpf ole, %abs3A_684, %le3A_685 : vector<16xf32>
        %and3A_687 = arith.andi %le3A_683, %le3A_686 : vector<16xi1>
        %abs3A_688 = math.absf %sub3A_680 : vector<16xf32>
        %le3A_689 = vector.broadcast %squeeze3A_53 : f32 to vector<16xf32>
        %le3A_690 = arith.cmpf ole, %abs3A_688, %le3A_689 : vector<16xf32>
        %and3A_691 = arith.andi %and3A_687, %le3A_690 : vector<16xi1>
        %all_reduce_population_count3A_692 = tpu.all_reduce %and3A_691 {dim = 0 : i64, kind = #tpu.reduction_kind<sum>} : vector<16xi1> -> vector<16xi32>
        %slice3A_693 = vector.extract_strided_slice %all_reduce_population_count3A_692 {offsets = [0], sizes = [1], strides = [1]} : vector<16xi32> to vector<1xi32>
        %squeeze3A_694 = vector.extract %slice3A_693[0] : i32 from vector<1xi32>
        %min3A_695 = arith.constant 512 : i32
        %min3A_696 = arith.minsi %add3A_650, %min3A_695 : i32
        %add3A_697 = vector.broadcast %mul3A_654 : i32 to vector<16xi32>
        %add3A_698 = arith.addi %iota3A, %add3A_697 : vector<16xi32>
        %swap3A_699 = arith.index_cast %min3A_696 : i32 to index
        %swap3A_700 = tpu.vector_load %arg10[%swap3A_699] masked %and3A_691 {strides = array<i32>} : memref<528xi32, #tpu.memory_space<vmem>>, vector<16xi32>, vector<16xi1>
        tpu.vector_store %arg10[%swap3A_699], %add3A_698 masked %and3A_691 {strides = array<i32>} : memref<528xi32, #tpu.memory_space<vmem>>, vector<16xi32>, vector<16xi1>
        %add3A_701 = arith.addi %add3A_650, %squeeze3A_694 : i32
        %scan3A_702 = arith.constant 4 : i32
        %scan3A_703 = arith.addi %scan3A_502, %scan3A_702 : i32
        %mul3A_704 = arith.constant 16 : i32
        %mul3A_705 = arith.muli %scan3A_703, %mul3A_704 : i32
        %get3A_706 = arith.index_cast %mul3A_705 : i32 to index
        %get3A_707 = tpu.vector_load %arg7[%get3A_706] {strides = array<i32>} : memref<49152xf32, #tpu.memory_space<vmem>>, vector<16xf32>,
        %add3A_708 = arith.constant 16384 : i32
        %add3A_709 = arith.addi %add3A_708, %mul3A_705 : i32
        %get3A_710 = arith.index_cast %add3A_709 : i32 to index
        %get3A_711 = tpu.vector_load %arg7[%get3A_710] {strides = array<i32>} : memref<49152xf32, #tpu.memory_space<vmem>>, vector<16xf32>,
        %add3A_712 = arith.constant 32768 : i32
        %add3A_713 = arith.addi %add3A_712, %mul3A_705 : i32
        %get3A_714 = arith.index_cast %add3A_713 : i32 to index
        %get3A_715 = tpu.vector_load %arg7[%get3A_714] {strides = array<i32>} : memref<49152xf32, #tpu.memory_space<vmem>>, vector<16xf32>,
        %sub3A_716 = vector.broadcast %squeeze3A : f32 to vector<16xf32>
        %sub3A_717 = arith.subf %get3A_707, %sub3A_716 : vector<16xf32>
        %sub3A_718 = vector.broadcast %squeeze3A_45 : f32 to vector<16xf32>
        %sub3A_719 = arith.subf %get3A_711, %sub3A_718 : vector<16xf32>
        %sub3A_720 = vector.broadcast %squeeze3A_49 : f32 to vector<16xf32>
        %sub3A_721 = arith.subf %get3A_715, %sub3A_720 : vector<16xf32>
        %mul3A_722 = vector.broadcast %squeeze3A_57 : f32 to vector<16xf32>
        %mul3A_723 = arith.mulf %mul3A_722, %sub3A_717 : vector<16xf32>
        %mul3A_724 = vector.broadcast %squeeze3A_59 : f32 to vector<16xf32>
        %mul3A_725 = arith.mulf %mul3A_724, %sub3A_719 : vector<16xf32>
        %add3A_726 = arith.addf %mul3A_723, %mul3A_725 : vector<16xf32>
        %mul3A_727 = vector.broadcast %squeeze3A_57 : f32 to vector<16xf32>
        %mul3A_728 = arith.mulf %mul3A_727, %sub3A_719 : vector<16xf32>
        %mul3A_729 = vector.broadcast %squeeze3A_59 : f32 to vector<16xf32>
        %mul3A_730 = arith.mulf %mul3A_729, %sub3A_717 : vector<16xf32>
        %sub3A_731 = arith.subf %mul3A_728, %mul3A_730 : vector<16xf32>
        %abs3A_732 = math.absf %sub3A_721 : vector<16xf32>
        %le3A_733 = vector.broadcast %squeeze3A_55 : f32 to vector<16xf32>
        %le3A_734 = arith.cmpf ole, %abs3A_732, %le3A_733 : vector<16xf32>
        %abs3A_735 = math.absf %add3A_726 : vector<16xf32>
        %le3A_736 = vector.broadcast %squeeze3A_51 : f32 to vector<16xf32>
        %le3A_737 = arith.cmpf ole, %abs3A_735, %le3A_736 : vector<16xf32>
        %and3A_738 = arith.andi %le3A_734, %le3A_737 : vector<16xi1>
        %abs3A_739 = math.absf %sub3A_731 : vector<16xf32>
        %le3A_740 = vector.broadcast %squeeze3A_53 : f32 to vector<16xf32>
        %le3A_741 = arith.cmpf ole, %abs3A_739, %le3A_740 : vector<16xf32>
        %and3A_742 = arith.andi %and3A_738, %le3A_741 : vector<16xi1>
        %all_reduce_population_count3A_743 = tpu.all_reduce %and3A_742 {dim = 0 : i64, kind = #tpu.reduction_kind<sum>} : vector<16xi1> -> vector<16xi32>
        %slice3A_744 = vector.extract_strided_slice %all_reduce_population_count3A_743 {offsets = [0], sizes = [1], strides = [1]} : vector<16xi32> to vector<1xi32>
        %squeeze3A_745 = vector.extract %slice3A_744[0] : i32 from vector<1xi32>
        %min3A_746 = arith.constant 512 : i32
        %min3A_747 = arith.minsi %add3A_701, %min3A_746 : i32
        %add3A_748 = vector.broadcast %mul3A_705 : i32 to vector<16xi32>
        %add3A_749 = arith.addi %iota3A, %add3A_748 : vector<16xi32>
        %swap3A_750 = arith.index_cast %min3A_747 : i32 to index
        %swap3A_751 = tpu.vector_load %arg10[%swap3A_750] masked %and3A_742 {strides = array<i32>} : memref<528xi32, #tpu.memory_space<vmem>>, vector<16xi32>, vector<16xi1>
        tpu.vector_store %arg10[%swap3A_750], %add3A_749 masked %and3A_742 {strides = array<i32>} : memref<528xi32, #tpu.memory_space<vmem>>, vector<16xi32>, vector<16xi1>
        %add3A_752 = arith.addi %add3A_701, %squeeze3A_745 : i32
        %scan3A_753 = arith.constant 5 : i32
        %scan3A_754 = arith.addi %scan3A_502, %scan3A_753 : i32
        %mul3A_755 = arith.constant 16 : i32
        %mul3A_756 = arith.muli %scan3A_754, %mul3A_755 : i32
        %get3A_757 = arith.index_cast %mul3A_756 : i32 to index
        %get3A_758 = tpu.vector_load %arg7[%get3A_757] {strides = array<i32>} : memref<49152xf32, #tpu.memory_space<vmem>>, vector<16xf32>,
        %add3A_759 = arith.constant 16384 : i32
        %add3A_760 = arith.addi %add3A_759, %mul3A_756 : i32
        %get3A_761 = arith.index_cast %add3A_760 : i32 to index
        %get3A_762 = tpu.vector_load %arg7[%get3A_761] {strides = array<i32>} : memref<49152xf32, #tpu.memory_space<vmem>>, vector<16xf32>,
        %add3A_763 = arith.constant 32768 : i32
        %add3A_764 = arith.addi %add3A_763, %mul3A_756 : i32
        %get3A_765 = arith.index_cast %add3A_764 : i32 to index
        %get3A_766 = tpu.vector_load %arg7[%get3A_765] {strides = array<i32>} : memref<49152xf32, #tpu.memory_space<vmem>>, vector<16xf32>,
        %sub3A_767 = vector.broadcast %squeeze3A : f32 to vector<16xf32>
        %sub3A_768 = arith.subf %get3A_758, %sub3A_767 : vector<16xf32>
        %sub3A_769 = vector.broadcast %squeeze3A_45 : f32 to vector<16xf32>
        %sub3A_770 = arith.subf %get3A_762, %sub3A_769 : vector<16xf32>
        %sub3A_771 = vector.broadcast %squeeze3A_49 : f32 to vector<16xf32>
        %sub3A_772 = arith.subf %get3A_766, %sub3A_771 : vector<16xf32>
        %mul3A_773 = vector.broadcast %squeeze3A_57 : f32 to vector<16xf32>
        %mul3A_774 = arith.mulf %mul3A_773, %sub3A_768 : vector<16xf32>
        %mul3A_775 = vector.broadcast %squeeze3A_59 : f32 to vector<16xf32>
        %mul3A_776 = arith.mulf %mul3A_775, %sub3A_770 : vector<16xf32>
        %add3A_777 = arith.addf %mul3A_774, %mul3A_776 : vector<16xf32>
        %mul3A_778 = vector.broadcast %squeeze3A_57 : f32 to vector<16xf32>
        %mul3A_779 = arith.mulf %mul3A_778, %sub3A_770 : vector<16xf32>
        %mul3A_780 = vector.broadcast %squeeze3A_59 : f32 to vector<16xf32>
        %mul3A_781 = arith.mulf %mul3A_780, %sub3A_768 : vector<16xf32>
        %sub3A_782 = arith.subf %mul3A_779, %mul3A_781 : vector<16xf32>
        %abs3A_783 = math.absf %sub3A_772 : vector<16xf32>
        %le3A_784 = vector.broadcast %squeeze3A_55 : f32 to vector<16xf32>
        %le3A_785 = arith.cmpf ole, %abs3A_783, %le3A_784 : vector<16xf32>
        %abs3A_786 = math.absf %add3A_777 : vector<16xf32>
        %le3A_787 = vector.broadcast %squeeze3A_51 : f32 to vector<16xf32>
        %le3A_788 = arith.cmpf ole, %abs3A_786, %le3A_787 : vector<16xf32>
        %and3A_789 = arith.andi %le3A_785, %le3A_788 : vector<16xi1>
        %abs3A_790 = math.absf %sub3A_782 : vector<16xf32>
        %le3A_791 = vector.broadcast %squeeze3A_53 : f32 to vector<16xf32>
        %le3A_792 = arith.cmpf ole, %abs3A_790, %le3A_791 : vector<16xf32>
        %and3A_793 = arith.andi %and3A_789, %le3A_792 : vector<16xi1>
        %all_reduce_population_count3A_794 = tpu.all_reduce %and3A_793 {dim = 0 : i64, kind = #tpu.reduction_kind<sum>} : vector<16xi1> -> vector<16xi32>
        %slice3A_795 = vector.extract_strided_slice %all_reduce_population_count3A_794 {offsets = [0], sizes = [1], strides = [1]} : vector<16xi32> to vector<1xi32>
        %squeeze3A_796 = vector.extract %slice3A_795[0] : i32 from vector<1xi32>
        %min3A_797 = arith.constant 512 : i32
        %min3A_798 = arith.minsi %add3A_752, %min3A_797 : i32
        %add3A_799 = vector.broadcast %mul3A_756 : i32 to vector<16xi32>
        %add3A_800 = arith.addi %iota3A, %add3A_799 : vector<16xi32>
        %swap3A_801 = arith.index_cast %min3A_798 : i32 to index
        %swap3A_802 = tpu.vector_load %arg10[%swap3A_801] masked %and3A_793 {strides = array<i32>} : memref<528xi32, #tpu.memory_space<vmem>>, vector<16xi32>, vector<16xi1>
        tpu.vector_store %arg10[%swap3A_801], %add3A_800 masked %and3A_793 {strides = array<i32>} : memref<528xi32, #tpu.memory_space<vmem>>, vector<16xi32>, vector<16xi1>
        %add3A_803 = arith.addi %add3A_752, %squeeze3A_796 : i32
        %scan3A_804 = arith.constant 6 : i32
        %scan3A_805 = arith.addi %scan3A_502, %scan3A_804 : i32
        %mul3A_806 = arith.constant 16 : i32
        %mul3A_807 = arith.muli %scan3A_805, %mul3A_806 : i32
        %get3A_808 = arith.index_cast %mul3A_807 : i32 to index
        %get3A_809 = tpu.vector_load %arg7[%get3A_808] {strides = array<i32>} : memref<49152xf32, #tpu.memory_space<vmem>>, vector<16xf32>,
        %add3A_810 = arith.constant 16384 : i32
        %add3A_811 = arith.addi %add3A_810, %mul3A_807 : i32
        %get3A_812 = arith.index_cast %add3A_811 : i32 to index
        %get3A_813 = tpu.vector_load %arg7[%get3A_812] {strides = array<i32>} : memref<49152xf32, #tpu.memory_space<vmem>>, vector<16xf32>,
        %add3A_814 = arith.constant 32768 : i32
        %add3A_815 = arith.addi %add3A_814, %mul3A_807 : i32
        %get3A_816 = arith.index_cast %add3A_815 : i32 to index
        %get3A_817 = tpu.vector_load %arg7[%get3A_816] {strides = array<i32>} : memref<49152xf32, #tpu.memory_space<vmem>>, vector<16xf32>,
        %sub3A_818 = vector.broadcast %squeeze3A : f32 to vector<16xf32>
        %sub3A_819 = arith.subf %get3A_809, %sub3A_818 : vector<16xf32>
        %sub3A_820 = vector.broadcast %squeeze3A_45 : f32 to vector<16xf32>
        %sub3A_821 = arith.subf %get3A_813, %sub3A_820 : vector<16xf32>
        %sub3A_822 = vector.broadcast %squeeze3A_49 : f32 to vector<16xf32>
        %sub3A_823 = arith.subf %get3A_817, %sub3A_822 : vector<16xf32>
        %mul3A_824 = vector.broadcast %squeeze3A_57 : f32 to vector<16xf32>
        %mul3A_825 = arith.mulf %mul3A_824, %sub3A_819 : vector<16xf32>
        %mul3A_826 = vector.broadcast %squeeze3A_59 : f32 to vector<16xf32>
        %mul3A_827 = arith.mulf %mul3A_826, %sub3A_821 : vector<16xf32>
        %add3A_828 = arith.addf %mul3A_825, %mul3A_827 : vector<16xf32>
        %mul3A_829 = vector.broadcast %squeeze3A_57 : f32 to vector<16xf32>
        %mul3A_830 = arith.mulf %mul3A_829, %sub3A_821 : vector<16xf32>
        %mul3A_831 = vector.broadcast %squeeze3A_59 : f32 to vector<16xf32>
        %mul3A_832 = arith.mulf %mul3A_831, %sub3A_819 : vector<16xf32>
        %sub3A_833 = arith.subf %mul3A_830, %mul3A_832 : vector<16xf32>
        %abs3A_834 = math.absf %sub3A_823 : vector<16xf32>
        %le3A_835 = vector.broadcast %squeeze3A_55 : f32 to vector<16xf32>
        %le3A_836 = arith.cmpf ole, %abs3A_834, %le3A_835 : vector<16xf32>
        %abs3A_837 = math.absf %add3A_828 : vector<16xf32>
        %le3A_838 = vector.broadcast %squeeze3A_51 : f32 to vector<16xf32>
        %le3A_839 = arith.cmpf ole, %abs3A_837, %le3A_838 : vector<16xf32>
        %and3A_840 = arith.andi %le3A_836, %le3A_839 : vector<16xi1>
        %abs3A_841 = math.absf %sub3A_833 : vector<16xf32>
        %le3A_842 = vector.broadcast %squeeze3A_53 : f32 to vector<16xf32>
        %le3A_843 = arith.cmpf ole, %abs3A_841, %le3A_842 : vector<16xf32>
        %and3A_844 = arith.andi %and3A_840, %le3A_843 : vector<16xi1>
        %all_reduce_population_count3A_845 = tpu.all_reduce %and3A_844 {dim = 0 : i64, kind = #tpu.reduction_kind<sum>} : vector<16xi1> -> vector<16xi32>
        %slice3A_846 = vector.extract_strided_slice %all_reduce_population_count3A_845 {offsets = [0], sizes = [1], strides = [1]} : vector<16xi32> to vector<1xi32>
        %squeeze3A_847 = vector.extract %slice3A_846[0] : i32 from vector<1xi32>
        %min3A_848 = arith.constant 512 : i32
        %min3A_849 = arith.minsi %add3A_803, %min3A_848 : i32
        %add3A_850 = vector.broadcast %mul3A_807 : i32 to vector<16xi32>
        %add3A_851 = arith.addi %iota3A, %add3A_850 : vector<16xi32>
        %swap3A_852 = arith.index_cast %min3A_849 : i32 to index
        %swap3A_853 = tpu.vector_load %arg10[%swap3A_852] masked %and3A_844 {strides = array<i32>} : memref<528xi32, #tpu.memory_space<vmem>>, vector<16xi32>, vector<16xi1>
        tpu.vector_store %arg10[%swap3A_852], %add3A_851 masked %and3A_844 {strides = array<i32>} : memref<528xi32, #tpu.memory_space<vmem>>, vector<16xi32>, vector<16xi1>
        %add3A_854 = arith.addi %add3A_803, %squeeze3A_847 : i32
        %scan3A_855 = arith.constant 7 : i32
        %scan3A_856 = arith.addi %scan3A_502, %scan3A_855 : i32
        %mul3A_857 = arith.constant 16 : i32
        %mul3A_858 = arith.muli %scan3A_856, %mul3A_857 : i32
        %get3A_859 = arith.index_cast %mul3A_858 : i32 to index
        %get3A_860 = tpu.vector_load %arg7[%get3A_859] {strides = array<i32>} : memref<49152xf32, #tpu.memory_space<vmem>>, vector<16xf32>,
        %add3A_861 = arith.constant 16384 : i32
        %add3A_862 = arith.addi %add3A_861, %mul3A_858 : i32
        %get3A_863 = arith.index_cast %add3A_862 : i32 to index
        %get3A_864 = tpu.vector_load %arg7[%get3A_863] {strides = array<i32>} : memref<49152xf32, #tpu.memory_space<vmem>>, vector<16xf32>,
        %add3A_865 = arith.constant 32768 : i32
        %add3A_866 = arith.addi %add3A_865, %mul3A_858 : i32
        %get3A_867 = arith.index_cast %add3A_866 : i32 to index
        %get3A_868 = tpu.vector_load %arg7[%get3A_867] {strides = array<i32>} : memref<49152xf32, #tpu.memory_space<vmem>>, vector<16xf32>,
        %sub3A_869 = vector.broadcast %squeeze3A : f32 to vector<16xf32>
        %sub3A_870 = arith.subf %get3A_860, %sub3A_869 : vector<16xf32>
        %sub3A_871 = vector.broadcast %squeeze3A_45 : f32 to vector<16xf32>
        %sub3A_872 = arith.subf %get3A_864, %sub3A_871 : vector<16xf32>
        %sub3A_873 = vector.broadcast %squeeze3A_49 : f32 to vector<16xf32>
        %sub3A_874 = arith.subf %get3A_868, %sub3A_873 : vector<16xf32>
        %mul3A_875 = vector.broadcast %squeeze3A_57 : f32 to vector<16xf32>
        %mul3A_876 = arith.mulf %mul3A_875, %sub3A_870 : vector<16xf32>
        %mul3A_877 = vector.broadcast %squeeze3A_59 : f32 to vector<16xf32>
        %mul3A_878 = arith.mulf %mul3A_877, %sub3A_872 : vector<16xf32>
        %add3A_879 = arith.addf %mul3A_876, %mul3A_878 : vector<16xf32>
        %mul3A_880 = vector.broadcast %squeeze3A_57 : f32 to vector<16xf32>
        %mul3A_881 = arith.mulf %mul3A_880, %sub3A_872 : vector<16xf32>
        %mul3A_882 = vector.broadcast %squeeze3A_59 : f32 to vector<16xf32>
        %mul3A_883 = arith.mulf %mul3A_882, %sub3A_870 : vector<16xf32>
        %sub3A_884 = arith.subf %mul3A_881, %mul3A_883 : vector<16xf32>
        %abs3A_885 = math.absf %sub3A_874 : vector<16xf32>
        %le3A_886 = vector.broadcast %squeeze3A_55 : f32 to vector<16xf32>
        %le3A_887 = arith.cmpf ole, %abs3A_885, %le3A_886 : vector<16xf32>
        %abs3A_888 = math.absf %add3A_879 : vector<16xf32>
        %le3A_889 = vector.broadcast %squeeze3A_51 : f32 to vector<16xf32>
        %le3A_890 = arith.cmpf ole, %abs3A_888, %le3A_889 : vector<16xf32>
        %and3A_891 = arith.andi %le3A_887, %le3A_890 : vector<16xi1>
        %abs3A_892 = math.absf %sub3A_884 : vector<16xf32>
        %le3A_893 = vector.broadcast %squeeze3A_53 : f32 to vector<16xf32>
        %le3A_894 = arith.cmpf ole, %abs3A_892, %le3A_893 : vector<16xf32>
        %and3A_895 = arith.andi %and3A_891, %le3A_894 : vector<16xi1>
        %all_reduce_population_count3A_896 = tpu.all_reduce %and3A_895 {dim = 0 : i64, kind = #tpu.reduction_kind<sum>} : vector<16xi1> -> vector<16xi32>
        %slice3A_897 = vector.extract_strided_slice %all_reduce_population_count3A_896 {offsets = [0], sizes = [1], strides = [1]} : vector<16xi32> to vector<1xi32>
        %squeeze3A_898 = vector.extract %slice3A_897[0] : i32 from vector<1xi32>
        %min3A_899 = arith.constant 512 : i32
        %min3A_900 = arith.minsi %add3A_854, %min3A_899 : i32
        %add3A_901 = vector.broadcast %mul3A_858 : i32 to vector<16xi32>
        %add3A_902 = arith.addi %iota3A, %add3A_901 : vector<16xi32>
        %swap3A_903 = arith.index_cast %min3A_900 : i32 to index
        %swap3A_904 = tpu.vector_load %arg10[%swap3A_903] masked %and3A_895 {strides = array<i32>} : memref<528xi32, #tpu.memory_space<vmem>>, vector<16xi32>, vector<16xi1>
        tpu.vector_store %arg10[%swap3A_903], %add3A_902 masked %and3A_895 {strides = array<i32>} : memref<528xi32, #tpu.memory_space<vmem>>, vector<16xi32>, vector<16xi1>
        %add3A_905 = arith.addi %add3A_854, %squeeze3A_898 : i32
        scf.yield %add3A_905 : i32
      }
      %scan3A_67 = arith.constant 1024 : i32
      %max3A = arith.constant 1 : i32
      %max3A_68 = arith.maxsi %scan3A_66, %max3A : i32
      %gt3A = arith.constant 0 : i32
      %gt3A_69 = arith.cmpi sgt, %scan3A_66, %gt3A : i32
      %convert_element_type3A = arith.extui %gt3A_69 : i1 to i32
      %gt3A_70 = arith.constant 0 : i32
      %gt3A_71 = arith.cmpi sgt, %scan3A_66, %gt3A_70 : i32
      %convert_element_type3A_72 = arith.extui %gt3A_71 : i1 to i32
      %convert_element_type3A_73 = arith.sitofp %convert_element_type3A_72 : i32 to f32
      %mul3A_74 = arith.constant 16384 : i32
      %mul3A_75 = arith.muli %select_n3A, %mul3A_74 : i32
      %scan3A_76 = arith.constant 0 : i32
      %scan3A_77 = arith.constant 0 : i32
      %scan3A_78 = arith.constant 32 : i32
      %scan3A_79 = arith.addi %scan3A_77, %scan3A_78 : i32
      %scan3A_80 = arith.constant 1 : i32
      scf.for %scan3A_502 = %scan3A_77 to %scan3A_79 step %scan3A_80  : i32 {
        %mul3A_503 = arith.constant 16 : i32
        %mul3A_504 = arith.muli %scan3A_502, %mul3A_503 : i32
        %add3A_505 = vector.broadcast %mul3A_504 : i32 to vector<16xi32>
        %add3A_506 = arith.addi %iota3A, %add3A_505 : vector<16xi32>
        %eq3A_507 = arith.constant 0 : i32
        %eq3A_508 = arith.cmpi eq, %max3A_68, %eq3A_507 : i32
        %jit3A_509 = arith.constant 1 : i32
        %select_n3A_510 = arith.select %eq3A_508, %jit3A_509, %max3A_68 : i32
        %rem3A_511 = vector.broadcast %select_n3A_510 : i32 to vector<16xi32>
        %rem3A_512 = arith.remsi %add3A_506, %rem3A_511 : vector<16xi32>
        %ne3A_513 = arith.constant 0 : i32
        %ne3A_514 = vector.broadcast %ne3A_513 : i32 to vector<16xi32>
        %ne3A_515 = arith.cmpi ne, %rem3A_512, %ne3A_514 : vector<16xi32>
        %lt3A = arith.constant 0 : i32
        %lt3A_516 = vector.broadcast %lt3A : i32 to vector<16xi32>
        %lt3A_517 = arith.cmpi slt, %rem3A_512, %lt3A_516 : vector<16xi32>
        %lt3A_518 = arith.constant 0 : i32
        %lt3A_519 = arith.cmpi slt, %select_n3A_510, %lt3A_518 : i32
        %ne3A_520 = vector.broadcast %lt3A_519 : i1 to vector<16xi1>
        %ne3A_521 = vector.broadcast %ne3A_520 : vector<16xi1> to vector<16xi1>
        %ne3A_522 = arith.xori %lt3A_517, %ne3A_521 : vector<16xi1>
        %and3A_523 = arith.andi %ne3A_522, %ne3A_515 : vector<16xi1>
        %add3A_524 = vector.broadcast %select_n3A_510 : i32 to vector<16xi32>
        %add3A_525 = arith.addi %rem3A_512, %add3A_524 : vector<16xi32>
        %select_n3A_526 = arith.select %and3A_523, %add3A_525, %rem3A_512 : vector<16xi1>, vector<16xi32>
        %gather3A = tpu.vector_load_idx %arg10[%select_n3A_526] : memref<528xi32, #tpu.memory_space<vmem>>[vector<16xi32>], vector<16xi32>,
        %mul3A_527 = vector.broadcast %convert_element_type3A : i32 to vector<16xi32>
        %mul3A_528 = arith.muli %gather3A, %mul3A_527 : vector<16xi32>
        %add3A_529 = vector.broadcast %mul3A_75 : i32 to vector<16xi32>
        %add3A_530 = arith.addi %mul3A_528, %add3A_529 : vector<16xi32>
        tpu.vector_store_idx %arg11[%add3A_506], %add3A_530 masked %ge3A_31 : memref<512xi32, #tpu.memory_space<vmem>>[vector<16xi32>], vector<16xi32>, vector<16xi1>
      }
      %scan3A_81 = arith.constant 32 : i32
      %dma_start3A = arith.constant 0 : i32
      %dma_start3A_82 = tpu.memref_slice %arg11[%dma_start3A] : memref<512xi32, #tpu.memory_space<vmem>> -> memref<64xi32, #tpu.memory_space<vmem>>
      %dma_start3A_83 = arith.constant 0 : i32
      %dma_start3A_84 = arith.constant 0 : i32
      %dma_start3A_85 = tpu.memref_slice %arg5[%dma_start3A_83, %dma_start3A_84] : memref<32768x128xf32, #tpu.memory_space<hbm>> -> memref<32768x128xf32, #tpu.memory_space<hbm>>
      tpu.enqueue_indirect_dma source(%dma_start3A_85 : memref<32768x128xf32, #tpu.memory_space<hbm>>) target(%arg12 : memref<64x128xf32, #tpu.memory_space<vmem>>) offsets(%dma_start3A_82 : memref<64xi32, #tpu.memory_space<vmem>>) semaphore(%arg15 : memref<!tpu.dma_semaphore, #tpu.memory_space<semaphore_mem>>)
      %dma_start3A_86 = arith.constant 64 : i32
      %dma_start3A_87 = tpu.memref_slice %arg11[%dma_start3A_86] : memref<512xi32, #tpu.memory_space<vmem>> -> memref<64xi32, #tpu.memory_space<vmem>>
      %dma_start3A_88 = arith.constant 0 : i32
      %dma_start3A_89 = arith.constant 0 : i32
      %dma_start3A_90 = tpu.memref_slice %arg5[%dma_start3A_88, %dma_start3A_89] : memref<32768x128xf32, #tpu.memory_space<hbm>> -> memref<32768x128xf32, #tpu.memory_space<hbm>>
      tpu.enqueue_indirect_dma source(%dma_start3A_90 : memref<32768x128xf32, #tpu.memory_space<hbm>>) target(%arg13 : memref<64x128xf32, #tpu.memory_space<vmem>>) offsets(%dma_start3A_87 : memref<64xi32, #tpu.memory_space<vmem>>) semaphore(%arg16 : memref<!tpu.dma_semaphore, #tpu.memory_space<semaphore_mem>>)
      %dma_wait3A = arith.constant 0 : i32
      %dma_wait3A_91 = tpu.memref_slice %arg11[%dma_wait3A] : memref<512xi32, #tpu.memory_space<vmem>> -> memref<64xi32, #tpu.memory_space<vmem>>
      %dma_wait3A_92 = arith.constant 0 : i32
      %dma_wait3A_93 = arith.constant 0 : i32
      %dma_wait3A_94 = tpu.memref_slice %arg5[%dma_wait3A_92, %dma_wait3A_93] : memref<32768x128xf32, #tpu.memory_space<hbm>> -> memref<32768x128xf32, #tpu.memory_space<hbm>>
      tpu.wait_indirect_dma semaphore(%arg15 : memref<!tpu.dma_semaphore, #tpu.memory_space<semaphore_mem>>) src(%dma_wait3A_94 : memref<32768x128xf32, #tpu.memory_space<hbm>>) dst(%arg12 : memref<64x128xf32, #tpu.memory_space<vmem>>)
      %scan3A_95 = arith.constant 0 : i32
      %scan3A_96 = arith.constant 0 : i32
      %scan3A_97 = arith.constant 4 : i32
      %scan3A_98 = arith.addi %scan3A_96, %scan3A_97 : i32
      %scan3A_99 = arith.constant 1 : i32
      scf.for %scan3A_502 = %scan3A_96 to %scan3A_98 step %scan3A_99  : i32 {
        %mul3A_503 = arith.constant 16 : i32
        %mul3A_504 = arith.muli %scan3A_502, %mul3A_503 : i32
        %add3A_505 = vector.broadcast %mul3A_504 : i32 to vector<16xi32>
        %add3A_506 = arith.addi %iota3A, %add3A_505 : vector<16xi32>
        %add3A_507 = arith.constant 0 : i32
        %add3A_508 = vector.broadcast %add3A_507 : i32 to vector<16xi32>
        %add3A_509 = arith.addi %add3A_506, %add3A_508 : vector<16xi32>
        %eq3A_510 = arith.constant 0 : i32
        %eq3A_511 = arith.cmpi eq, %max3A_68, %eq3A_510 : i32
        %jit3A_512 = arith.constant 1 : i32
        %select_n3A_513 = arith.select %eq3A_511, %jit3A_512, %max3A_68 : i32
        %rem3A_514 = vector.broadcast %select_n3A_513 : i32 to vector<16xi32>
        %rem3A_515 = arith.remsi %add3A_509, %rem3A_514 : vector<16xi32>
        %ne3A_516 = arith.constant 0 : i32
        %ne3A_517 = vector.broadcast %ne3A_516 : i32 to vector<16xi32>
        %ne3A_518 = arith.cmpi ne, %rem3A_515, %ne3A_517 : vector<16xi32>
        %lt3A = arith.constant 0 : i32
        %lt3A_519 = vector.broadcast %lt3A : i32 to vector<16xi32>
        %lt3A_520 = arith.cmpi slt, %rem3A_515, %lt3A_519 : vector<16xi32>
        %lt3A_521 = arith.constant 0 : i32
        %lt3A_522 = arith.cmpi slt, %select_n3A_513, %lt3A_521 : i32
        %ne3A_523 = vector.broadcast %lt3A_522 : i1 to vector<16xi1>
        %ne3A_524 = vector.broadcast %ne3A_523 : vector<16xi1> to vector<16xi1>
        %ne3A_525 = arith.xori %lt3A_520, %ne3A_524 : vector<16xi1>
        %and3A_526 = arith.andi %ne3A_525, %ne3A_518 : vector<16xi1>
        %add3A_527 = vector.broadcast %select_n3A_513 : i32 to vector<16xi32>
        %add3A_528 = arith.addi %rem3A_515, %add3A_527 : vector<16xi32>
        %select_n3A_529 = arith.select %and3A_526, %add3A_528, %rem3A_515 : vector<16xi1>, vector<16xi32>
        %gather3A = tpu.vector_load_idx %arg10[%select_n3A_529] : memref<528xi32, #tpu.memory_space<vmem>>[vector<16xi32>], vector<16xi32>,
        %mul3A_530 = vector.broadcast %convert_element_type3A : i32 to vector<16xi32>
        %mul3A_531 = arith.muli %gather3A, %mul3A_530 : vector<16xi32>
        %gather3A_532 = tpu.vector_load_idx %arg7[%mul3A_531] : memref<49152xf32, #tpu.memory_space<vmem>>[vector<16xi32>], vector<16xf32>,
        %add3A_533 = arith.constant 16384 : i32
        %add3A_534 = vector.broadcast %add3A_533 : i32 to vector<16xi32>
        %add3A_535 = arith.addi %mul3A_531, %add3A_534 : vector<16xi32>
        %gather3A_536 = tpu.vector_load_idx %arg7[%add3A_535] : memref<49152xf32, #tpu.memory_space<vmem>>[vector<16xi32>], vector<16xf32>,
        %add3A_537 = arith.constant 32768 : i32
        %add3A_538 = vector.broadcast %add3A_537 : i32 to vector<16xi32>
        %add3A_539 = arith.addi %mul3A_531, %add3A_538 : vector<16xi32>
        %gather3A_540 = tpu.vector_load_idx %arg7[%add3A_539] : memref<49152xf32, #tpu.memory_space<vmem>>[vector<16xi32>], vector<16xf32>,
        %sub3A_541 = vector.broadcast %squeeze3A : f32 to vector<16xf32>
        %sub3A_542 = arith.subf %gather3A_532, %sub3A_541 : vector<16xf32>
        %sub3A_543 = vector.broadcast %squeeze3A_45 : f32 to vector<16xf32>
        %sub3A_544 = arith.subf %gather3A_536, %sub3A_543 : vector<16xf32>
        %mul3A_545 = vector.broadcast %squeeze3A_57 : f32 to vector<16xf32>
        %mul3A_546 = arith.mulf %sub3A_542, %mul3A_545 : vector<16xf32>
        %mul3A_547 = vector.broadcast %squeeze3A_59 : f32 to vector<16xf32>
        %mul3A_548 = arith.mulf %sub3A_544, %mul3A_547 : vector<16xf32>
        %add3A_549 = arith.addf %mul3A_546, %mul3A_548 : vector<16xf32>
        %mul3A_550 = vector.broadcast %convert_element_type3A_73 : f32 to vector<16xf32>
        %mul3A_551 = arith.mulf %add3A_549, %mul3A_550 : vector<16xf32>
        %mul3A_552 = vector.broadcast %squeeze3A_57 : f32 to vector<16xf32>
        %mul3A_553 = arith.mulf %sub3A_544, %mul3A_552 : vector<16xf32>
        %mul3A_554 = vector.broadcast %squeeze3A_59 : f32 to vector<16xf32>
        %mul3A_555 = arith.mulf %sub3A_542, %mul3A_554 : vector<16xf32>
        %sub3A_556 = arith.subf %mul3A_553, %mul3A_555 : vector<16xf32>
        %mul3A_557 = vector.broadcast %convert_element_type3A_73 : f32 to vector<16xf32>
        %mul3A_558 = arith.mulf %sub3A_556, %mul3A_557 : vector<16xf32>
        %sub3A_559 = vector.broadcast %squeeze3A_47 : f32 to vector<16xf32>
        %sub3A_560 = arith.subf %gather3A_540, %sub3A_559 : vector<16xf32>
        %mul3A_561 = vector.broadcast %convert_element_type3A_73 : f32 to vector<16xf32>
        %mul3A_562 = arith.mulf %sub3A_560, %mul3A_561 : vector<16xf32>
        tpu.vector_store_idx %arg12[%add3A_506, %broadcast_in_dim3A_29], %mul3A_551 masked %ge3A_31 : memref<64x128xf32, #tpu.memory_space<vmem>>[vector<16xi32>, vector<16xi32>], vector<16xf32>, vector<16xi1>
        %add3A_563 = arith.constant 1 : i32
        %add3A_564 = vector.broadcast %add3A_563 : i32 to vector<16xi32>
        %add3A_565 = arith.addi %broadcast_in_dim3A_29, %add3A_564 : vector<16xi32>
        tpu.vector_store_idx %arg12[%add3A_506, %add3A_565], %mul3A_558 masked %ge3A_31 : memref<64x128xf32, #tpu.memory_space<vmem>>[vector<16xi32>, vector<16xi32>], vector<16xf32>, vector<16xi1>
        %add3A_566 = arith.constant 2 : i32
        %add3A_567 = vector.broadcast %add3A_566 : i32 to vector<16xi32>
        %add3A_568 = arith.addi %broadcast_in_dim3A_29, %add3A_567 : vector<16xi32>
        tpu.vector_store_idx %arg12[%add3A_506, %add3A_568], %mul3A_562 masked %ge3A_31 : memref<64x128xf32, #tpu.memory_space<vmem>>[vector<16xi32>, vector<16xi32>], vector<16xf32>, vector<16xi1>
        %add3A_569 = arith.constant 0 : i32
        %add3A_570 = vector.broadcast %add3A_569 : i32 to vector<16xi32>
        %add3A_571 = arith.addi %mul3A_531, %add3A_570 : vector<16xi32>
        %gather3A_572 = tpu.vector_load_idx %arg8[%add3A_571] : memref<49152xf32, #tpu.memory_space<vmem>>[vector<16xi32>], vector<16xf32>,
        %mul3A_573 = vector.broadcast %convert_element_type3A_73 : f32 to vector<16xf32>
        %mul3A_574 = arith.mulf %gather3A_572, %mul3A_573 : vector<16xf32>
        %add3A_575 = arith.constant 0 : i32
        %add3A_576 = vector.broadcast %add3A_575 : i32 to vector<16xi32>
        %add3A_577 = arith.addi %broadcast_in_dim3A_29, %add3A_576 : vector<16xi32>
        tpu.vector_store_idx %arg14[%add3A_506, %add3A_577], %mul3A_574 masked %ge3A_31 : memref<64x3xf32, #tpu.memory_space<vmem>>[vector<16xi32>, vector<16xi32>], vector<16xf32>, vector<16xi1>
        %add3A_578 = arith.constant 16384 : i32
        %add3A_579 = vector.broadcast %add3A_578 : i32 to vector<16xi32>
        %add3A_580 = arith.addi %mul3A_531, %add3A_579 : vector<16xi32>
        %gather3A_581 = tpu.vector_load_idx %arg8[%add3A_580] : memref<49152xf32, #tpu.memory_space<vmem>>[vector<16xi32>], vector<16xf32>,
        %mul3A_582 = vector.broadcast %convert_element_type3A_73 : f32 to vector<16xf32>
        %mul3A_583 = arith.mulf %gather3A_581, %mul3A_582 : vector<16xf32>
        %add3A_584 = arith.constant 1 : i32
        %add3A_585 = vector.broadcast %add3A_584 : i32 to vector<16xi32>
        %add3A_586 = arith.addi %broadcast_in_dim3A_29, %add3A_585 : vector<16xi32>
        tpu.vector_store_idx %arg14[%add3A_506, %add3A_586], %mul3A_583 masked %ge3A_31 : memref<64x3xf32, #tpu.memory_space<vmem>>[vector<16xi32>, vector<16xi32>], vector<16xf32>, vector<16xi1>
        %add3A_587 = arith.constant 32768 : i32
        %add3A_588 = vector.broadcast %add3A_587 : i32 to vector<16xi32>
        %add3A_589 = arith.addi %mul3A_531, %add3A_588 : vector<16xi32>
        %gather3A_590 = tpu.vector_load_idx %arg8[%add3A_589] : memref<49152xf32, #tpu.memory_space<vmem>>[vector<16xi32>], vector<16xf32>,
        %mul3A_591 = vector.broadcast %convert_element_type3A_73 : f32 to vector<16xf32>
        %mul3A_592 = arith.mulf %gather3A_590, %mul3A_591 : vector<16xf32>
        %add3A_593 = arith.constant 2 : i32
        %add3A_594 = vector.broadcast %add3A_593 : i32 to vector<16xi32>
        %add3A_595 = arith.addi %broadcast_in_dim3A_29, %add3A_594 : vector<16xi32>
        tpu.vector_store_idx %arg14[%add3A_506, %add3A_595], %mul3A_592 masked %ge3A_31 : memref<64x3xf32, #tpu.memory_space<vmem>>[vector<16xi32>, vector<16xi32>], vector<16xf32>, vector<16xi1>
      }
      %scan3A_100 = arith.constant 4 : i32
      %eq3A = arith.constant 0 : i32
      %eq3A_101 = arith.cmpi eq, %scan3A_66, %eq3A : i32
      %convert_element_type3A_102 = arith.extui %eq3A_101 : i1 to i32
      %cond3A = arith.constant 0 : i32
      %cond3A_103 = arith.cmpi ne, %convert_element_type3A_102, %cond3A : i32
      scf.if %cond3A_103 {
        %broadcast_in_dim3A_502 = arith.constant 0.000000e+00 : f32
        %broadcast_in_dim3A_503 = vector.broadcast %broadcast_in_dim3A_502 : f32 to vector<16xf32>
        %scan3A_504 = arith.constant 0 : i32
        %scan3A_505 = arith.constant 0 : i32
        %scan3A_506 = arith.constant 64 : i32
        %scan3A_507 = arith.addi %scan3A_505, %scan3A_506 : i32
        %scan3A_508 = arith.constant 1 : i32
        scf.for %scan3A_510 = %scan3A_505 to %scan3A_507 step %scan3A_508  : i32 {
          %swap3A_511 = arith.index_cast %scan3A_510 : i32 to index
          %swap3A_512 = arith.constant 0 : index
          %swap3A_513 = tpu.vector_load %arg12[%swap3A_511, %swap3A_512] {strides = array<i32>} : memref<64x128xf32, #tpu.memory_space<vmem>>, vector<16xf32>,
          tpu.vector_store %arg12[%swap3A_511, %swap3A_512], %broadcast_in_dim3A_503 {strides = array<i32>} : memref<64x128xf32, #tpu.memory_space<vmem>>, vector<16xf32>,
          %swap3A_514 = arith.index_cast %scan3A_510 : i32 to index
          %swap3A_515 = arith.constant 16 : index
          %swap3A_516 = tpu.vector_load %arg12[%swap3A_514, %swap3A_515] {strides = array<i32>} : memref<64x128xf32, #tpu.memory_space<vmem>>, vector<16xf32>,
          tpu.vector_store %arg12[%swap3A_514, %swap3A_515], %broadcast_in_dim3A_503 {strides = array<i32>} : memref<64x128xf32, #tpu.memory_space<vmem>>, vector<16xf32>,
          %swap3A_517 = arith.index_cast %scan3A_510 : i32 to index
          %swap3A_518 = arith.constant 32 : index
          %swap3A_519 = tpu.vector_load %arg12[%swap3A_517, %swap3A_518] {strides = array<i32>} : memref<64x128xf32, #tpu.memory_space<vmem>>, vector<16xf32>,
          tpu.vector_store %arg12[%swap3A_517, %swap3A_518], %broadcast_in_dim3A_503 {strides = array<i32>} : memref<64x128xf32, #tpu.memory_space<vmem>>, vector<16xf32>,
          %swap3A_520 = arith.index_cast %scan3A_510 : i32 to index
          %swap3A_521 = arith.constant 48 : index
          %swap3A_522 = tpu.vector_load %arg12[%swap3A_520, %swap3A_521] {strides = array<i32>} : memref<64x128xf32, #tpu.memory_space<vmem>>, vector<16xf32>,
          tpu.vector_store %arg12[%swap3A_520, %swap3A_521], %broadcast_in_dim3A_503 {strides = array<i32>} : memref<64x128xf32, #tpu.memory_space<vmem>>, vector<16xf32>,
          %swap3A_523 = arith.index_cast %scan3A_510 : i32 to index
          %swap3A_524 = arith.constant 64 : index
          %swap3A_525 = tpu.vector_load %arg12[%swap3A_523, %swap3A_524] {strides = array<i32>} : memref<64x128xf32, #tpu.memory_space<vmem>>, vector<16xf32>,
          tpu.vector_store %arg12[%swap3A_523, %swap3A_524], %broadcast_in_dim3A_503 {strides = array<i32>} : memref<64x128xf32, #tpu.memory_space<vmem>>, vector<16xf32>,
          %swap3A_526 = arith.index_cast %scan3A_510 : i32 to index
          %swap3A_527 = arith.constant 80 : index
          %swap3A_528 = tpu.vector_load %arg12[%swap3A_526, %swap3A_527] {strides = array<i32>} : memref<64x128xf32, #tpu.memory_space<vmem>>, vector<16xf32>,
          tpu.vector_store %arg12[%swap3A_526, %swap3A_527], %broadcast_in_dim3A_503 {strides = array<i32>} : memref<64x128xf32, #tpu.memory_space<vmem>>, vector<16xf32>,
          %swap3A_529 = arith.index_cast %scan3A_510 : i32 to index
          %swap3A_530 = arith.constant 96 : index
          %swap3A_531 = tpu.vector_load %arg12[%swap3A_529, %swap3A_530] {strides = array<i32>} : memref<64x128xf32, #tpu.memory_space<vmem>>, vector<16xf32>,
          tpu.vector_store %arg12[%swap3A_529, %swap3A_530], %broadcast_in_dim3A_503 {strides = array<i32>} : memref<64x128xf32, #tpu.memory_space<vmem>>, vector<16xf32>,
          %swap3A_532 = arith.index_cast %scan3A_510 : i32 to index
          %swap3A_533 = arith.constant 112 : index
          %swap3A_534 = tpu.vector_load %arg12[%swap3A_532, %swap3A_533] {strides = array<i32>} : memref<64x128xf32, #tpu.memory_space<vmem>>, vector<16xf32>,
          tpu.vector_store %arg12[%swap3A_532, %swap3A_533], %broadcast_in_dim3A_503 {strides = array<i32>} : memref<64x128xf32, #tpu.memory_space<vmem>>, vector<16xf32>,
        }
        %scan3A_509 = arith.constant 64 : i32
      } else {
      }
      %dma_start3A_104 = arith.constant 0 : i32
      %dma_start3A_105 = arith.constant 0 : i32
      %dma_start3A_106 = tpu.memref_slice %arg6[%add3A_40, %dma_start3A_104, %dma_start3A_105] : memref<256x512x131xf32, #tpu.memory_space<hbm>> -> memref<1x64x128xf32, #tpu.memory_space<hbm>>
      %dma_start3A_107 = tpu.memref_squeeze %dma_start3A_106 : memref<1x64x128xf32, #tpu.memory_space<hbm>> -> memref<64x128xf32, #tpu.memory_space<hbm>>
      %dma_start3A_108 = arith.constant 0 : i32
      %dma_start3A_109 = arith.constant 0 : i32
      %dma_start3A_110 = tpu.memref_slice %arg6[%add3A_40, %dma_start3A_108, %dma_start3A_109] : memref<256x512x131xf32, #tpu.memory_space<hbm>> -> memref<1x64x128xf32, #tpu.memory_space<hbm>>
      %dma_start3A_111 = tpu.memref_squeeze %dma_start3A_110 : memref<1x64x128xf32, #tpu.memory_space<hbm>> -> memref<64x128xf32, #tpu.memory_space<hbm>>
      tpu.enqueue_dma source(%arg12 : memref<64x128xf32, #tpu.memory_space<vmem>>) target(%dma_start3A_111 : memref<64x128xf32, #tpu.memory_space<hbm>>) target_semaphore(%arg17 : memref<!tpu.dma_semaphore, #tpu.memory_space<semaphore_mem>>)
      %dma_start3A_112 = arith.constant 0 : i32
      %dma_start3A_113 = arith.constant 128 : i32
      %dma_start3A_114 = tpu.memref_slice %arg6[%add3A_40, %dma_start3A_112, %dma_start3A_113] : memref<256x512x131xf32, #tpu.memory_space<hbm>> -> memref<1x64x3xf32, #tpu.memory_space<hbm>>
      %dma_start3A_115 = tpu.memref_squeeze %dma_start3A_114 : memref<1x64x3xf32, #tpu.memory_space<hbm>> -> memref<64x3xf32, #tpu.memory_space<hbm>>
      %dma_start3A_116 = arith.constant 0 : i32
      %dma_start3A_117 = arith.constant 128 : i32
      %dma_start3A_118 = tpu.memref_slice %arg6[%add3A_40, %dma_start3A_116, %dma_start3A_117] : memref<256x512x131xf32, #tpu.memory_space<hbm>> -> memref<1x64x3xf32, #tpu.memory_space<hbm>>
      %dma_start3A_119 = tpu.memref_squeeze %dma_start3A_118 : memref<1x64x3xf32, #tpu.memory_space<hbm>> -> memref<64x3xf32, #tpu.memory_space<hbm>>
      tpu.enqueue_dma source(%arg14 : memref<64x3xf32, #tpu.memory_space<vmem>>) target(%dma_start3A_119 : memref<64x3xf32, #tpu.memory_space<hbm>>) target_semaphore(%arg17 : memref<!tpu.dma_semaphore, #tpu.memory_space<semaphore_mem>>)
      %dma_wait3A_120 = arith.constant 0 : i32
      %dma_wait3A_121 = arith.constant 0 : i32
      %dma_wait3A_122 = tpu.memref_slice %arg6[%add3A_40, %dma_wait3A_120, %dma_wait3A_121] : memref<256x512x131xf32, #tpu.memory_space<hbm>> -> memref<1x64x128xf32, #tpu.memory_space<hbm>>
      %dma_wait3A_123 = tpu.memref_squeeze %dma_wait3A_122 : memref<1x64x128xf32, #tpu.memory_space<hbm>> -> memref<64x128xf32, #tpu.memory_space<hbm>>
      %dma_wait3A_124 = arith.constant 0 : i32
      %dma_wait3A_125 = arith.constant 0 : i32
      %dma_wait3A_126 = tpu.memref_slice %arg6[%add3A_40, %dma_wait3A_124, %dma_wait3A_125] : memref<256x512x131xf32, #tpu.memory_space<hbm>> -> memref<1x64x128xf32, #tpu.memory_space<hbm>>
      %dma_wait3A_127 = tpu.memref_squeeze %dma_wait3A_126 : memref<1x64x128xf32, #tpu.memory_space<hbm>> -> memref<64x128xf32, #tpu.memory_space<hbm>>
      tpu.wait_dma2 semaphore(%arg17 : memref<!tpu.dma_semaphore, #tpu.memory_space<semaphore_mem>>) src(%arg12 : memref<64x128xf32, #tpu.memory_space<vmem>>) dst(%dma_wait3A_127 : memref<64x128xf32, #tpu.memory_space<hbm>>)
      %dma_wait3A_128 = arith.constant 0 : i32
      %dma_wait3A_129 = arith.constant 128 : i32
      %dma_wait3A_130 = tpu.memref_slice %arg6[%add3A_40, %dma_wait3A_128, %dma_wait3A_129] : memref<256x512x131xf32, #tpu.memory_space<hbm>> -> memref<1x64x3xf32, #tpu.memory_space<hbm>>
      %dma_wait3A_131 = tpu.memref_squeeze %dma_wait3A_130 : memref<1x64x3xf32, #tpu.memory_space<hbm>> -> memref<64x3xf32, #tpu.memory_space<hbm>>
      %dma_wait3A_132 = arith.constant 0 : i32
      %dma_wait3A_133 = arith.constant 128 : i32
      %dma_wait3A_134 = tpu.memref_slice %arg6[%add3A_40, %dma_wait3A_132, %dma_wait3A_133] : memref<256x512x131xf32, #tpu.memory_space<hbm>> -> memref<1x64x3xf32, #tpu.memory_space<hbm>>
      %dma_wait3A_135 = tpu.memref_squeeze %dma_wait3A_134 : memref<1x64x3xf32, #tpu.memory_space<hbm>> -> memref<64x3xf32, #tpu.memory_space<hbm>>
      tpu.wait_dma2 semaphore(%arg17 : memref<!tpu.dma_semaphore, #tpu.memory_space<semaphore_mem>>) src(%arg14 : memref<64x3xf32, #tpu.memory_space<vmem>>) dst(%dma_wait3A_135 : memref<64x3xf32, #tpu.memory_space<hbm>>)
      %dma_start3A_136 = arith.constant 128 : i32
      %dma_start3A_137 = tpu.memref_slice %arg11[%dma_start3A_136] : memref<512xi32, #tpu.memory_space<vmem>> -> memref<64xi32, #tpu.memory_space<vmem>>
      %dma_start3A_138 = arith.constant 0 : i32
      %dma_start3A_139 = arith.constant 0 : i32
      %dma_start3A_140 = tpu.memref_slice %arg5[%dma_start3A_138, %dma_start3A_139] : memref<32768x128xf32, #tpu.memory_space<hbm>> -> memref<32768x128xf32, #tpu.memory_space<hbm>>
      tpu.enqueue_indirect_dma source(%dma_start3A_140 : memref<32768x128xf32, #tpu.memory_space<hbm>>) target(%arg12 : memref<64x128xf32, #tpu.memory_space<vmem>>) offsets(%dma_start3A_137 : memref<64xi32, #tpu.memory_space<vmem>>) semaphore(%arg15 : memref<!tpu.dma_semaphore, #tpu.memory_space<semaphore_mem>>)
      %dma_wait3A_141 = arith.constant 64 : i32
      %dma_wait3A_142 = tpu.memref_slice %arg11[%dma_wait3A_141] : memref<512xi32, #tpu.memory_space<vmem>> -> memref<64xi32, #tpu.memory_space<vmem>>
      %dma_wait3A_143 = arith.constant 0 : i32
      %dma_wait3A_144 = arith.constant 0 : i32
      %dma_wait3A_145 = tpu.memref_slice %arg5[%dma_wait3A_143, %dma_wait3A_144] : memref<32768x128xf32, #tpu.memory_space<hbm>> -> memref<32768x128xf32, #tpu.memory_space<hbm>>
      tpu.wait_indirect_dma semaphore(%arg16 : memref<!tpu.dma_semaphore, #tpu.memory_space<semaphore_mem>>) src(%dma_wait3A_145 : memref<32768x128xf32, #tpu.memory_space<hbm>>) dst(%arg13 : memref<64x128xf32, #tpu.memory_space<vmem>>)
      %scan3A_146 = arith.constant 0 : i32
      %scan3A_147 = arith.constant 0 : i32
      %scan3A_148 = arith.constant 4 : i32
      %scan3A_149 = arith.addi %scan3A_147, %scan3A_148 : i32
      %scan3A_150 = arith.constant 1 : i32
      scf.for %scan3A_502 = %scan3A_147 to %scan3A_149 step %scan3A_150  : i32 {
        %mul3A_503 = arith.constant 16 : i32
        %mul3A_504 = arith.muli %scan3A_502, %mul3A_503 : i32
        %add3A_505 = vector.broadcast %mul3A_504 : i32 to vector<16xi32>
        %add3A_506 = arith.addi %iota3A, %add3A_505 : vector<16xi32>
        %add3A_507 = arith.constant 64 : i32
        %add3A_508 = vector.broadcast %add3A_507 : i32 to vector<16xi32>
        %add3A_509 = arith.addi %add3A_506, %add3A_508 : vector<16xi32>
        %eq3A_510 = arith.constant 0 : i32
        %eq3A_511 = arith.cmpi eq, %max3A_68, %eq3A_510 : i32
        %jit3A_512 = arith.constant 1 : i32
        %select_n3A_513 = arith.select %eq3A_511, %jit3A_512, %max3A_68 : i32
        %rem3A_514 = vector.broadcast %select_n3A_513 : i32 to vector<16xi32>
        %rem3A_515 = arith.remsi %add3A_509, %rem3A_514 : vector<16xi32>
        %ne3A_516 = arith.constant 0 : i32
        %ne3A_517 = vector.broadcast %ne3A_516 : i32 to vector<16xi32>
        %ne3A_518 = arith.cmpi ne, %rem3A_515, %ne3A_517 : vector<16xi32>
        %lt3A = arith.constant 0 : i32
        %lt3A_519 = vector.broadcast %lt3A : i32 to vector<16xi32>
        %lt3A_520 = arith.cmpi slt, %rem3A_515, %lt3A_519 : vector<16xi32>
        %lt3A_521 = arith.constant 0 : i32
        %lt3A_522 = arith.cmpi slt, %select_n3A_513, %lt3A_521 : i32
        %ne3A_523 = vector.broadcast %lt3A_522 : i1 to vector<16xi1>
        %ne3A_524 = vector.broadcast %ne3A_523 : vector<16xi1> to vector<16xi1>
        %ne3A_525 = arith.xori %lt3A_520, %ne3A_524 : vector<16xi1>
        %and3A_526 = arith.andi %ne3A_525, %ne3A_518 : vector<16xi1>
        %add3A_527 = vector.broadcast %select_n3A_513 : i32 to vector<16xi32>
        %add3A_528 = arith.addi %rem3A_515, %add3A_527 : vector<16xi32>
        %select_n3A_529 = arith.select %and3A_526, %add3A_528, %rem3A_515 : vector<16xi1>, vector<16xi32>
        %gather3A = tpu.vector_load_idx %arg10[%select_n3A_529] : memref<528xi32, #tpu.memory_space<vmem>>[vector<16xi32>], vector<16xi32>,
        %mul3A_530 = vector.broadcast %convert_element_type3A : i32 to vector<16xi32>
        %mul3A_531 = arith.muli %gather3A, %mul3A_530 : vector<16xi32>
        %gather3A_532 = tpu.vector_load_idx %arg7[%mul3A_531] : memref<49152xf32, #tpu.memory_space<vmem>>[vector<16xi32>], vector<16xf32>,
        %add3A_533 = arith.constant 16384 : i32
        %add3A_534 = vector.broadcast %add3A_533 : i32 to vector<16xi32>
        %add3A_535 = arith.addi %mul3A_531, %add3A_534 : vector<16xi32>
        %gather3A_536 = tpu.vector_load_idx %arg7[%add3A_535] : memref<49152xf32, #tpu.memory_space<vmem>>[vector<16xi32>], vector<16xf32>,
        %add3A_537 = arith.constant 32768 : i32
        %add3A_538 = vector.broadcast %add3A_537 : i32 to vector<16xi32>
        %add3A_539 = arith.addi %mul3A_531, %add3A_538 : vector<16xi32>
        %gather3A_540 = tpu.vector_load_idx %arg7[%add3A_539] : memref<49152xf32, #tpu.memory_space<vmem>>[vector<16xi32>], vector<16xf32>,
        %sub3A_541 = vector.broadcast %squeeze3A : f32 to vector<16xf32>
        %sub3A_542 = arith.subf %gather3A_532, %sub3A_541 : vector<16xf32>
        %sub3A_543 = vector.broadcast %squeeze3A_45 : f32 to vector<16xf32>
        %sub3A_544 = arith.subf %gather3A_536, %sub3A_543 : vector<16xf32>
        %mul3A_545 = vector.broadcast %squeeze3A_57 : f32 to vector<16xf32>
        %mul3A_546 = arith.mulf %sub3A_542, %mul3A_545 : vector<16xf32>
        %mul3A_547 = vector.broadcast %squeeze3A_59 : f32 to vector<16xf32>
        %mul3A_548 = arith.mulf %sub3A_544, %mul3A_547 : vector<16xf32>
        %add3A_549 = arith.addf %mul3A_546, %mul3A_548 : vector<16xf32>
        %mul3A_550 = vector.broadcast %convert_element_type3A_73 : f32 to vector<16xf32>
        %mul3A_551 = arith.mulf %add3A_549, %mul3A_550 : vector<16xf32>
        %mul3A_552 = vector.broadcast %squeeze3A_57 : f32 to vector<16xf32>
        %mul3A_553 = arith.mulf %sub3A_544, %mul3A_552 : vector<16xf32>
        %mul3A_554 = vector.broadcast %squeeze3A_59 : f32 to vector<16xf32>
        %mul3A_555 = arith.mulf %sub3A_542, %mul3A_554 : vector<16xf32>
        %sub3A_556 = arith.subf %mul3A_553, %mul3A_555 : vector<16xf32>
        %mul3A_557 = vector.broadcast %convert_element_type3A_73 : f32 to vector<16xf32>
        %mul3A_558 = arith.mulf %sub3A_556, %mul3A_557 : vector<16xf32>
        %sub3A_559 = vector.broadcast %squeeze3A_47 : f32 to vector<16xf32>
        %sub3A_560 = arith.subf %gather3A_540, %sub3A_559 : vector<16xf32>
        %mul3A_561 = vector.broadcast %convert_element_type3A_73 : f32 to vector<16xf32>
        %mul3A_562 = arith.mulf %sub3A_560, %mul3A_561 : vector<16xf32>
        tpu.vector_store_idx %arg13[%add3A_506, %broadcast_in_dim3A_29], %mul3A_551 masked %ge3A_31 : memref<64x128xf32, #tpu.memory_space<vmem>>[vector<16xi32>, vector<16xi32>], vector<16xf32>, vector<16xi1>
        %add3A_563 = arith.constant 1 : i32
        %add3A_564 = vector.broadcast %add3A_563 : i32 to vector<16xi32>
        %add3A_565 = arith.addi %broadcast_in_dim3A_29, %add3A_564 : vector<16xi32>
        tpu.vector_store_idx %arg13[%add3A_506, %add3A_565], %mul3A_558 masked %ge3A_31 : memref<64x128xf32, #tpu.memory_space<vmem>>[vector<16xi32>, vector<16xi32>], vector<16xf32>, vector<16xi1>
        %add3A_566 = arith.constant 2 : i32
        %add3A_567 = vector.broadcast %add3A_566 : i32 to vector<16xi32>
        %add3A_568 = arith.addi %broadcast_in_dim3A_29, %add3A_567 : vector<16xi32>
        tpu.vector_store_idx %arg13[%add3A_506, %add3A_568], %mul3A_562 masked %ge3A_31 : memref<64x128xf32, #tpu.memory_space<vmem>>[vector<16xi32>, vector<16xi32>], vector<16xf32>, vector<16xi1>
        %add3A_569 = arith.constant 0 : i32
        %add3A_570 = vector.broadcast %add3A_569 : i32 to vector<16xi32>
        %add3A_571 = arith.addi %mul3A_531, %add3A_570 : vector<16xi32>
        %gather3A_572 = tpu.vector_load_idx %arg8[%add3A_571] : memref<49152xf32, #tpu.memory_space<vmem>>[vector<16xi32>], vector<16xf32>,
        %mul3A_573 = vector.broadcast %convert_element_type3A_73 : f32 to vector<16xf32>
        %mul3A_574 = arith.mulf %gather3A_572, %mul3A_573 : vector<16xf32>
        %add3A_575 = arith.constant 0 : i32
        %add3A_576 = vector.broadcast %add3A_575 : i32 to vector<16xi32>
        %add3A_577 = arith.addi %broadcast_in_dim3A_29, %add3A_576 : vector<16xi32>
        tpu.vector_store_idx %arg14[%add3A_506, %add3A_577], %mul3A_574 masked %ge3A_31 : memref<64x3xf32, #tpu.memory_space<vmem>>[vector<16xi32>, vector<16xi32>], vector<16xf32>, vector<16xi1>
        %add3A_578 = arith.constant 16384 : i32
        %add3A_579 = vector.broadcast %add3A_578 : i32 to vector<16xi32>
        %add3A_580 = arith.addi %mul3A_531, %add3A_579 : vector<16xi32>
        %gather3A_581 = tpu.vector_load_idx %arg8[%add3A_580] : memref<49152xf32, #tpu.memory_space<vmem>>[vector<16xi32>], vector<16xf32>,
        %mul3A_582 = vector.broadcast %convert_element_type3A_73 : f32 to vector<16xf32>
        %mul3A_583 = arith.mulf %gather3A_581, %mul3A_582 : vector<16xf32>
        %add3A_584 = arith.constant 1 : i32
        %add3A_585 = vector.broadcast %add3A_584 : i32 to vector<16xi32>
        %add3A_586 = arith.addi %broadcast_in_dim3A_29, %add3A_585 : vector<16xi32>
        tpu.vector_store_idx %arg14[%add3A_506, %add3A_586], %mul3A_583 masked %ge3A_31 : memref<64x3xf32, #tpu.memory_space<vmem>>[vector<16xi32>, vector<16xi32>], vector<16xf32>, vector<16xi1>
        %add3A_587 = arith.constant 32768 : i32
        %add3A_588 = vector.broadcast %add3A_587 : i32 to vector<16xi32>
        %add3A_589 = arith.addi %mul3A_531, %add3A_588 : vector<16xi32>
        %gather3A_590 = tpu.vector_load_idx %arg8[%add3A_589] : memref<49152xf32, #tpu.memory_space<vmem>>[vector<16xi32>], vector<16xf32>,
        %mul3A_591 = vector.broadcast %convert_element_type3A_73 : f32 to vector<16xf32>
        %mul3A_592 = arith.mulf %gather3A_590, %mul3A_591 : vector<16xf32>
        %add3A_593 = arith.constant 2 : i32
        %add3A_594 = vector.broadcast %add3A_593 : i32 to vector<16xi32>
        %add3A_595 = arith.addi %broadcast_in_dim3A_29, %add3A_594 : vector<16xi32>
        tpu.vector_store_idx %arg14[%add3A_506, %add3A_595], %mul3A_592 masked %ge3A_31 : memref<64x3xf32, #tpu.memory_space<vmem>>[vector<16xi32>, vector<16xi32>], vector<16xf32>, vector<16xi1>
      }
      %scan3A_151 = arith.constant 4 : i32
      %eq3A_152 = arith.constant 0 : i32
      %eq3A_153 = arith.cmpi eq, %scan3A_66, %eq3A_152 : i32
      %convert_element_type3A_154 = arith.extui %eq3A_153 : i1 to i32
      %cond3A_155 = arith.constant 0 : i32
      %cond3A_156 = arith.cmpi ne, %convert_element_type3A_154, %cond3A_155 : i32
      scf.if %cond3A_156 {
        %broadcast_in_dim3A_502 = arith.constant 0.000000e+00 : f32
        %broadcast_in_dim3A_503 = vector.broadcast %broadcast_in_dim3A_502 : f32 to vector<16xf32>
        %scan3A_504 = arith.constant 0 : i32
        %scan3A_505 = arith.constant 0 : i32
        %scan3A_506 = arith.constant 64 : i32
        %scan3A_507 = arith.addi %scan3A_505, %scan3A_506 : i32
        %scan3A_508 = arith.constant 1 : i32
        scf.for %scan3A_510 = %scan3A_505 to %scan3A_507 step %scan3A_508  : i32 {
          %swap3A_511 = arith.index_cast %scan3A_510 : i32 to index
          %swap3A_512 = arith.constant 0 : index
          %swap3A_513 = tpu.vector_load %arg13[%swap3A_511, %swap3A_512] {strides = array<i32>} : memref<64x128xf32, #tpu.memory_space<vmem>>, vector<16xf32>,
          tpu.vector_store %arg13[%swap3A_511, %swap3A_512], %broadcast_in_dim3A_503 {strides = array<i32>} : memref<64x128xf32, #tpu.memory_space<vmem>>, vector<16xf32>,
          %swap3A_514 = arith.index_cast %scan3A_510 : i32 to index
          %swap3A_515 = arith.constant 16 : index
          %swap3A_516 = tpu.vector_load %arg13[%swap3A_514, %swap3A_515] {strides = array<i32>} : memref<64x128xf32, #tpu.memory_space<vmem>>, vector<16xf32>,
          tpu.vector_store %arg13[%swap3A_514, %swap3A_515], %broadcast_in_dim3A_503 {strides = array<i32>} : memref<64x128xf32, #tpu.memory_space<vmem>>, vector<16xf32>,
          %swap3A_517 = arith.index_cast %scan3A_510 : i32 to index
          %swap3A_518 = arith.constant 32 : index
          %swap3A_519 = tpu.vector_load %arg13[%swap3A_517, %swap3A_518] {strides = array<i32>} : memref<64x128xf32, #tpu.memory_space<vmem>>, vector<16xf32>,
          tpu.vector_store %arg13[%swap3A_517, %swap3A_518], %broadcast_in_dim3A_503 {strides = array<i32>} : memref<64x128xf32, #tpu.memory_space<vmem>>, vector<16xf32>,
          %swap3A_520 = arith.index_cast %scan3A_510 : i32 to index
          %swap3A_521 = arith.constant 48 : index
          %swap3A_522 = tpu.vector_load %arg13[%swap3A_520, %swap3A_521] {strides = array<i32>} : memref<64x128xf32, #tpu.memory_space<vmem>>, vector<16xf32>,
          tpu.vector_store %arg13[%swap3A_520, %swap3A_521], %broadcast_in_dim3A_503 {strides = array<i32>} : memref<64x128xf32, #tpu.memory_space<vmem>>, vector<16xf32>,
          %swap3A_523 = arith.index_cast %scan3A_510 : i32 to index
          %swap3A_524 = arith.constant 64 : index
          %swap3A_525 = tpu.vector_load %arg13[%swap3A_523, %swap3A_524] {strides = array<i32>} : memref<64x128xf32, #tpu.memory_space<vmem>>, vector<16xf32>,
          tpu.vector_store %arg13[%swap3A_523, %swap3A_524], %broadcast_in_dim3A_503 {strides = array<i32>} : memref<64x128xf32, #tpu.memory_space<vmem>>, vector<16xf32>,
          %swap3A_526 = arith.index_cast %scan3A_510 : i32 to index
          %swap3A_527 = arith.constant 80 : index
          %swap3A_528 = tpu.vector_load %arg13[%swap3A_526, %swap3A_527] {strides = array<i32>} : memref<64x128xf32, #tpu.memory_space<vmem>>, vector<16xf32>,
          tpu.vector_store %arg13[%swap3A_526, %swap3A_527], %broadcast_in_dim3A_503 {strides = array<i32>} : memref<64x128xf32, #tpu.memory_space<vmem>>, vector<16xf32>,
          %swap3A_529 = arith.index_cast %scan3A_510 : i32 to index
          %swap3A_530 = arith.constant 96 : index
          %swap3A_531 = tpu.vector_load %arg13[%swap3A_529, %swap3A_530] {strides = array<i32>} : memref<64x128xf32, #tpu.memory_space<vmem>>, vector<16xf32>,
          tpu.vector_store %arg13[%swap3A_529, %swap3A_530], %broadcast_in_dim3A_503 {strides = array<i32>} : memref<64x128xf32, #tpu.memory_space<vmem>>, vector<16xf32>,
          %swap3A_532 = arith.index_cast %scan3A_510 : i32 to index
          %swap3A_533 = arith.constant 112 : index
          %swap3A_534 = tpu.vector_load %arg13[%swap3A_532, %swap3A_533] {strides = array<i32>} : memref<64x128xf32, #tpu.memory_space<vmem>>, vector<16xf32>,
          tpu.vector_store %arg13[%swap3A_532, %swap3A_533], %broadcast_in_dim3A_503 {strides = array<i32>} : memref<64x128xf32, #tpu.memory_space<vmem>>, vector<16xf32>,
        }
        %scan3A_509 = arith.constant 64 : i32
      } else {
      }
      %dma_start3A_157 = arith.constant 64 : i32
      %dma_start3A_158 = arith.constant 0 : i32
      %dma_start3A_159 = tpu.memref_slice %arg6[%add3A_40, %dma_start3A_157, %dma_start3A_158] : memref<256x512x131xf32, #tpu.memory_space<hbm>> -> memref<1x64x128xf32, #tpu.memory_space<hbm>>
      %dma_start3A_160 = tpu.memref_squeeze %dma_start3A_159 : memref<1x64x128xf32, #tpu.memory_space<hbm>> -> memref<64x128xf32, #tpu.memory_space<hbm>>
      %dma_start3A_161 = arith.constant 64 : i32
      %dma_start3A_162 = arith.constant 0 : i32
      %dma_start3A_163 = tpu.memref_slice %arg6[%add3A_40, %dma_start3A_161, %dma_start3A_162] : memref<256x512x131xf32, #tpu.memory_space<hbm>> -> memref<1x64x128xf32, #tpu.memory_space<hbm>>
      %dma_start3A_164 = tpu.memref_squeeze %dma_start3A_163 : memref<1x64x128xf32, #tpu.memory_space<hbm>> -> memref<64x128xf32, #tpu.memory_space<hbm>>
      tpu.enqueue_dma source(%arg13 : memref<64x128xf32, #tpu.memory_space<vmem>>) target(%dma_start3A_164 : memref<64x128xf32, #tpu.memory_space<hbm>>) target_semaphore(%arg17 : memref<!tpu.dma_semaphore, #tpu.memory_space<semaphore_mem>>)
      %dma_start3A_165 = arith.constant 64 : i32
      %dma_start3A_166 = arith.constant 128 : i32
      %dma_start3A_167 = tpu.memref_slice %arg6[%add3A_40, %dma_start3A_165, %dma_start3A_166] : memref<256x512x131xf32, #tpu.memory_space<hbm>> -> memref<1x64x3xf32, #tpu.memory_space<hbm>>
      %dma_start3A_168 = tpu.memref_squeeze %dma_start3A_167 : memref<1x64x3xf32, #tpu.memory_space<hbm>> -> memref<64x3xf32, #tpu.memory_space<hbm>>
      %dma_start3A_169 = arith.constant 64 : i32
      %dma_start3A_170 = arith.constant 128 : i32
      %dma_start3A_171 = tpu.memref_slice %arg6[%add3A_40, %dma_start3A_169, %dma_start3A_170] : memref<256x512x131xf32, #tpu.memory_space<hbm>> -> memref<1x64x3xf32, #tpu.memory_space<hbm>>
      %dma_start3A_172 = tpu.memref_squeeze %dma_start3A_171 : memref<1x64x3xf32, #tpu.memory_space<hbm>> -> memref<64x3xf32, #tpu.memory_space<hbm>>
      tpu.enqueue_dma source(%arg14 : memref<64x3xf32, #tpu.memory_space<vmem>>) target(%dma_start3A_172 : memref<64x3xf32, #tpu.memory_space<hbm>>) target_semaphore(%arg17 : memref<!tpu.dma_semaphore, #tpu.memory_space<semaphore_mem>>)
      %dma_wait3A_173 = arith.constant 64 : i32
      %dma_wait3A_174 = arith.constant 0 : i32
      %dma_wait3A_175 = tpu.memref_slice %arg6[%add3A_40, %dma_wait3A_173, %dma_wait3A_174] : memref<256x512x131xf32, #tpu.memory_space<hbm>> -> memref<1x64x128xf32, #tpu.memory_space<hbm>>
      %dma_wait3A_176 = tpu.memref_squeeze %dma_wait3A_175 : memref<1x64x128xf32, #tpu.memory_space<hbm>> -> memref<64x128xf32, #tpu.memory_space<hbm>>
      %dma_wait3A_177 = arith.constant 64 : i32
      %dma_wait3A_178 = arith.constant 0 : i32
      %dma_wait3A_179 = tpu.memref_slice %arg6[%add3A_40, %dma_wait3A_177, %dma_wait3A_178] : memref<256x512x131xf32, #tpu.memory_space<hbm>> -> memref<1x64x128xf32, #tpu.memory_space<hbm>>
      %dma_wait3A_180 = tpu.memref_squeeze %dma_wait3A_179 : memref<1x64x128xf32, #tpu.memory_space<hbm>> -> memref<64x128xf32, #tpu.memory_space<hbm>>
      tpu.wait_dma2 semaphore(%arg17 : memref<!tpu.dma_semaphore, #tpu.memory_space<semaphore_mem>>) src(%arg13 : memref<64x128xf32, #tpu.memory_space<vmem>>) dst(%dma_wait3A_180 : memref<64x128xf32, #tpu.memory_space<hbm>>)
      %dma_wait3A_181 = arith.constant 64 : i32
      %dma_wait3A_182 = arith.constant 128 : i32
      %dma_wait3A_183 = tpu.memref_slice %arg6[%add3A_40, %dma_wait3A_181, %dma_wait3A_182] : memref<256x512x131xf32, #tpu.memory_space<hbm>> -> memref<1x64x3xf32, #tpu.memory_space<hbm>>
      %dma_wait3A_184 = tpu.memref_squeeze %dma_wait3A_183 : memref<1x64x3xf32, #tpu.memory_space<hbm>> -> memref<64x3xf32, #tpu.memory_space<hbm>>
      %dma_wait3A_185 = arith.constant 64 : i32
      %dma_wait3A_186 = arith.constant 128 : i32
      %dma_wait3A_187 = tpu.memref_slice %arg6[%add3A_40, %dma_wait3A_185, %dma_wait3A_186] : memref<256x512x131xf32, #tpu.memory_space<hbm>> -> memref<1x64x3xf32, #tpu.memory_space<hbm>>
      %dma_wait3A_188 = tpu.memref_squeeze %dma_wait3A_187 : memref<1x64x3xf32, #tpu.memory_space<hbm>> -> memref<64x3xf32, #tpu.memory_space<hbm>>
      tpu.wait_dma2 semaphore(%arg17 : memref<!tpu.dma_semaphore, #tpu.memory_space<semaphore_mem>>) src(%arg14 : memref<64x3xf32, #tpu.memory_space<vmem>>) dst(%dma_wait3A_188 : memref<64x3xf32, #tpu.memory_space<hbm>>)
      %dma_start3A_189 = arith.constant 192 : i32
      %dma_start3A_190 = tpu.memref_slice %arg11[%dma_start3A_189] : memref<512xi32, #tpu.memory_space<vmem>> -> memref<64xi32, #tpu.memory_space<vmem>>
      %dma_start3A_191 = arith.constant 0 : i32
      %dma_start3A_192 = arith.constant 0 : i32
      %dma_start3A_193 = tpu.memref_slice %arg5[%dma_start3A_191, %dma_start3A_192] : memref<32768x128xf32, #tpu.memory_space<hbm>> -> memref<32768x128xf32, #tpu.memory_space<hbm>>
      tpu.enqueue_indirect_dma source(%dma_start3A_193 : memref<32768x128xf32, #tpu.memory_space<hbm>>) target(%arg13 : memref<64x128xf32, #tpu.memory_space<vmem>>) offsets(%dma_start3A_190 : memref<64xi32, #tpu.memory_space<vmem>>) semaphore(%arg16 : memref<!tpu.dma_semaphore, #tpu.memory_space<semaphore_mem>>)
      %dma_wait3A_194 = arith.constant 128 : i32
      %dma_wait3A_195 = tpu.memref_slice %arg11[%dma_wait3A_194] : memref<512xi32, #tpu.memory_space<vmem>> -> memref<64xi32, #tpu.memory_space<vmem>>
      %dma_wait3A_196 = arith.constant 0 : i32
      %dma_wait3A_197 = arith.constant 0 : i32
      %dma_wait3A_198 = tpu.memref_slice %arg5[%dma_wait3A_196, %dma_wait3A_197] : memref<32768x128xf32, #tpu.memory_space<hbm>> -> memref<32768x128xf32, #tpu.memory_space<hbm>>
      tpu.wait_indirect_dma semaphore(%arg15 : memref<!tpu.dma_semaphore, #tpu.memory_space<semaphore_mem>>) src(%dma_wait3A_198 : memref<32768x128xf32, #tpu.memory_space<hbm>>) dst(%arg12 : memref<64x128xf32, #tpu.memory_space<vmem>>)
      %scan3A_199 = arith.constant 0 : i32
      %scan3A_200 = arith.constant 0 : i32
      %scan3A_201 = arith.constant 4 : i32
      %scan3A_202 = arith.addi %scan3A_200, %scan3A_201 : i32
      %scan3A_203 = arith.constant 1 : i32
      scf.for %scan3A_502 = %scan3A_200 to %scan3A_202 step %scan3A_203  : i32 {
        %mul3A_503 = arith.constant 16 : i32
        %mul3A_504 = arith.muli %scan3A_502, %mul3A_503 : i32
        %add3A_505 = vector.broadcast %mul3A_504 : i32 to vector<16xi32>
        %add3A_506 = arith.addi %iota3A, %add3A_505 : vector<16xi32>
        %add3A_507 = arith.constant 128 : i32
        %add3A_508 = vector.broadcast %add3A_507 : i32 to vector<16xi32>
        %add3A_509 = arith.addi %add3A_506, %add3A_508 : vector<16xi32>
        %eq3A_510 = arith.constant 0 : i32
        %eq3A_511 = arith.cmpi eq, %max3A_68, %eq3A_510 : i32
        %jit3A_512 = arith.constant 1 : i32
        %select_n3A_513 = arith.select %eq3A_511, %jit3A_512, %max3A_68 : i32
        %rem3A_514 = vector.broadcast %select_n3A_513 : i32 to vector<16xi32>
        %rem3A_515 = arith.remsi %add3A_509, %rem3A_514 : vector<16xi32>
        %ne3A_516 = arith.constant 0 : i32
        %ne3A_517 = vector.broadcast %ne3A_516 : i32 to vector<16xi32>
        %ne3A_518 = arith.cmpi ne, %rem3A_515, %ne3A_517 : vector<16xi32>
        %lt3A = arith.constant 0 : i32
        %lt3A_519 = vector.broadcast %lt3A : i32 to vector<16xi32>
        %lt3A_520 = arith.cmpi slt, %rem3A_515, %lt3A_519 : vector<16xi32>
        %lt3A_521 = arith.constant 0 : i32
        %lt3A_522 = arith.cmpi slt, %select_n3A_513, %lt3A_521 : i32
        %ne3A_523 = vector.broadcast %lt3A_522 : i1 to vector<16xi1>
        %ne3A_524 = vector.broadcast %ne3A_523 : vector<16xi1> to vector<16xi1>
        %ne3A_525 = arith.xori %lt3A_520, %ne3A_524 : vector<16xi1>
        %and3A_526 = arith.andi %ne3A_525, %ne3A_518 : vector<16xi1>
        %add3A_527 = vector.broadcast %select_n3A_513 : i32 to vector<16xi32>
        %add3A_528 = arith.addi %rem3A_515, %add3A_527 : vector<16xi32>
        %select_n3A_529 = arith.select %and3A_526, %add3A_528, %rem3A_515 : vector<16xi1>, vector<16xi32>
        %gather3A = tpu.vector_load_idx %arg10[%select_n3A_529] : memref<528xi32, #tpu.memory_space<vmem>>[vector<16xi32>], vector<16xi32>,
        %mul3A_530 = vector.broadcast %convert_element_type3A : i32 to vector<16xi32>
        %mul3A_531 = arith.muli %gather3A, %mul3A_530 : vector<16xi32>
        %gather3A_532 = tpu.vector_load_idx %arg7[%mul3A_531] : memref<49152xf32, #tpu.memory_space<vmem>>[vector<16xi32>], vector<16xf32>,
        %add3A_533 = arith.constant 16384 : i32
        %add3A_534 = vector.broadcast %add3A_533 : i32 to vector<16xi32>
        %add3A_535 = arith.addi %mul3A_531, %add3A_534 : vector<16xi32>
        %gather3A_536 = tpu.vector_load_idx %arg7[%add3A_535] : memref<49152xf32, #tpu.memory_space<vmem>>[vector<16xi32>], vector<16xf32>,
        %add3A_537 = arith.constant 32768 : i32
        %add3A_538 = vector.broadcast %add3A_537 : i32 to vector<16xi32>
        %add3A_539 = arith.addi %mul3A_531, %add3A_538 : vector<16xi32>
        %gather3A_540 = tpu.vector_load_idx %arg7[%add3A_539] : memref<49152xf32, #tpu.memory_space<vmem>>[vector<16xi32>], vector<16xf32>,
        %sub3A_541 = vector.broadcast %squeeze3A : f32 to vector<16xf32>
        %sub3A_542 = arith.subf %gather3A_532, %sub3A_541 : vector<16xf32>
        %sub3A_543 = vector.broadcast %squeeze3A_45 : f32 to vector<16xf32>
        %sub3A_544 = arith.subf %gather3A_536, %sub3A_543 : vector<16xf32>
        %mul3A_545 = vector.broadcast %squeeze3A_57 : f32 to vector<16xf32>
        %mul3A_546 = arith.mulf %sub3A_542, %mul3A_545 : vector<16xf32>
        %mul3A_547 = vector.broadcast %squeeze3A_59 : f32 to vector<16xf32>
        %mul3A_548 = arith.mulf %sub3A_544, %mul3A_547 : vector<16xf32>
        %add3A_549 = arith.addf %mul3A_546, %mul3A_548 : vector<16xf32>
        %mul3A_550 = vector.broadcast %convert_element_type3A_73 : f32 to vector<16xf32>
        %mul3A_551 = arith.mulf %add3A_549, %mul3A_550 : vector<16xf32>
        %mul3A_552 = vector.broadcast %squeeze3A_57 : f32 to vector<16xf32>
        %mul3A_553 = arith.mulf %sub3A_544, %mul3A_552 : vector<16xf32>
        %mul3A_554 = vector.broadcast %squeeze3A_59 : f32 to vector<16xf32>
        %mul3A_555 = arith.mulf %sub3A_542, %mul3A_554 : vector<16xf32>
        %sub3A_556 = arith.subf %mul3A_553, %mul3A_555 : vector<16xf32>
        %mul3A_557 = vector.broadcast %convert_element_type3A_73 : f32 to vector<16xf32>
        %mul3A_558 = arith.mulf %sub3A_556, %mul3A_557 : vector<16xf32>
        %sub3A_559 = vector.broadcast %squeeze3A_47 : f32 to vector<16xf32>
        %sub3A_560 = arith.subf %gather3A_540, %sub3A_559 : vector<16xf32>
        %mul3A_561 = vector.broadcast %convert_element_type3A_73 : f32 to vector<16xf32>
        %mul3A_562 = arith.mulf %sub3A_560, %mul3A_561 : vector<16xf32>
        tpu.vector_store_idx %arg12[%add3A_506, %broadcast_in_dim3A_29], %mul3A_551 masked %ge3A_31 : memref<64x128xf32, #tpu.memory_space<vmem>>[vector<16xi32>, vector<16xi32>], vector<16xf32>, vector<16xi1>
        %add3A_563 = arith.constant 1 : i32
        %add3A_564 = vector.broadcast %add3A_563 : i32 to vector<16xi32>
        %add3A_565 = arith.addi %broadcast_in_dim3A_29, %add3A_564 : vector<16xi32>
        tpu.vector_store_idx %arg12[%add3A_506, %add3A_565], %mul3A_558 masked %ge3A_31 : memref<64x128xf32, #tpu.memory_space<vmem>>[vector<16xi32>, vector<16xi32>], vector<16xf32>, vector<16xi1>
        %add3A_566 = arith.constant 2 : i32
        %add3A_567 = vector.broadcast %add3A_566 : i32 to vector<16xi32>
        %add3A_568 = arith.addi %broadcast_in_dim3A_29, %add3A_567 : vector<16xi32>
        tpu.vector_store_idx %arg12[%add3A_506, %add3A_568], %mul3A_562 masked %ge3A_31 : memref<64x128xf32, #tpu.memory_space<vmem>>[vector<16xi32>, vector<16xi32>], vector<16xf32>, vector<16xi1>
        %add3A_569 = arith.constant 0 : i32
        %add3A_570 = vector.broadcast %add3A_569 : i32 to vector<16xi32>
        %add3A_571 = arith.addi %mul3A_531, %add3A_570 : vector<16xi32>
        %gather3A_572 = tpu.vector_load_idx %arg8[%add3A_571] : memref<49152xf32, #tpu.memory_space<vmem>>[vector<16xi32>], vector<16xf32>,
        %mul3A_573 = vector.broadcast %convert_element_type3A_73 : f32 to vector<16xf32>
        %mul3A_574 = arith.mulf %gather3A_572, %mul3A_573 : vector<16xf32>
        %add3A_575 = arith.constant 0 : i32
        %add3A_576 = vector.broadcast %add3A_575 : i32 to vector<16xi32>
        %add3A_577 = arith.addi %broadcast_in_dim3A_29, %add3A_576 : vector<16xi32>
        tpu.vector_store_idx %arg14[%add3A_506, %add3A_577], %mul3A_574 masked %ge3A_31 : memref<64x3xf32, #tpu.memory_space<vmem>>[vector<16xi32>, vector<16xi32>], vector<16xf32>, vector<16xi1>
        %add3A_578 = arith.constant 16384 : i32
        %add3A_579 = vector.broadcast %add3A_578 : i32 to vector<16xi32>
        %add3A_580 = arith.addi %mul3A_531, %add3A_579 : vector<16xi32>
        %gather3A_581 = tpu.vector_load_idx %arg8[%add3A_580] : memref<49152xf32, #tpu.memory_space<vmem>>[vector<16xi32>], vector<16xf32>,
        %mul3A_582 = vector.broadcast %convert_element_type3A_73 : f32 to vector<16xf32>
        %mul3A_583 = arith.mulf %gather3A_581, %mul3A_582 : vector<16xf32>
        %add3A_584 = arith.constant 1 : i32
        %add3A_585 = vector.broadcast %add3A_584 : i32 to vector<16xi32>
        %add3A_586 = arith.addi %broadcast_in_dim3A_29, %add3A_585 : vector<16xi32>
        tpu.vector_store_idx %arg14[%add3A_506, %add3A_586], %mul3A_583 masked %ge3A_31 : memref<64x3xf32, #tpu.memory_space<vmem>>[vector<16xi32>, vector<16xi32>], vector<16xf32>, vector<16xi1>
        %add3A_587 = arith.constant 32768 : i32
        %add3A_588 = vector.broadcast %add3A_587 : i32 to vector<16xi32>
        %add3A_589 = arith.addi %mul3A_531, %add3A_588 : vector<16xi32>
        %gather3A_590 = tpu.vector_load_idx %arg8[%add3A_589] : memref<49152xf32, #tpu.memory_space<vmem>>[vector<16xi32>], vector<16xf32>,
        %mul3A_591 = vector.broadcast %convert_element_type3A_73 : f32 to vector<16xf32>
        %mul3A_592 = arith.mulf %gather3A_590, %mul3A_591 : vector<16xf32>
        %add3A_593 = arith.constant 2 : i32
        %add3A_594 = vector.broadcast %add3A_593 : i32 to vector<16xi32>
        %add3A_595 = arith.addi %broadcast_in_dim3A_29, %add3A_594 : vector<16xi32>
        tpu.vector_store_idx %arg14[%add3A_506, %add3A_595], %mul3A_592 masked %ge3A_31 : memref<64x3xf32, #tpu.memory_space<vmem>>[vector<16xi32>, vector<16xi32>], vector<16xf32>, vector<16xi1>
      }
      %scan3A_204 = arith.constant 4 : i32
      %eq3A_205 = arith.constant 0 : i32
      %eq3A_206 = arith.cmpi eq, %scan3A_66, %eq3A_205 : i32
      %convert_element_type3A_207 = arith.extui %eq3A_206 : i1 to i32
      %cond3A_208 = arith.constant 0 : i32
      %cond3A_209 = arith.cmpi ne, %convert_element_type3A_207, %cond3A_208 : i32
      scf.if %cond3A_209 {
        %broadcast_in_dim3A_502 = arith.constant 0.000000e+00 : f32
        %broadcast_in_dim3A_503 = vector.broadcast %broadcast_in_dim3A_502 : f32 to vector<16xf32>
        %scan3A_504 = arith.constant 0 : i32
        %scan3A_505 = arith.constant 0 : i32
        %scan3A_506 = arith.constant 64 : i32
        %scan3A_507 = arith.addi %scan3A_505, %scan3A_506 : i32
        %scan3A_508 = arith.constant 1 : i32
        scf.for %scan3A_510 = %scan3A_505 to %scan3A_507 step %scan3A_508  : i32 {
          %swap3A_511 = arith.index_cast %scan3A_510 : i32 to index
          %swap3A_512 = arith.constant 0 : index
          %swap3A_513 = tpu.vector_load %arg12[%swap3A_511, %swap3A_512] {strides = array<i32>} : memref<64x128xf32, #tpu.memory_space<vmem>>, vector<16xf32>,
          tpu.vector_store %arg12[%swap3A_511, %swap3A_512], %broadcast_in_dim3A_503 {strides = array<i32>} : memref<64x128xf32, #tpu.memory_space<vmem>>, vector<16xf32>,
          %swap3A_514 = arith.index_cast %scan3A_510 : i32 to index
          %swap3A_515 = arith.constant 16 : index
          %swap3A_516 = tpu.vector_load %arg12[%swap3A_514, %swap3A_515] {strides = array<i32>} : memref<64x128xf32, #tpu.memory_space<vmem>>, vector<16xf32>,
          tpu.vector_store %arg12[%swap3A_514, %swap3A_515], %broadcast_in_dim3A_503 {strides = array<i32>} : memref<64x128xf32, #tpu.memory_space<vmem>>, vector<16xf32>,
          %swap3A_517 = arith.index_cast %scan3A_510 : i32 to index
          %swap3A_518 = arith.constant 32 : index
          %swap3A_519 = tpu.vector_load %arg12[%swap3A_517, %swap3A_518] {strides = array<i32>} : memref<64x128xf32, #tpu.memory_space<vmem>>, vector<16xf32>,
          tpu.vector_store %arg12[%swap3A_517, %swap3A_518], %broadcast_in_dim3A_503 {strides = array<i32>} : memref<64x128xf32, #tpu.memory_space<vmem>>, vector<16xf32>,
          %swap3A_520 = arith.index_cast %scan3A_510 : i32 to index
          %swap3A_521 = arith.constant 48 : index
          %swap3A_522 = tpu.vector_load %arg12[%swap3A_520, %swap3A_521] {strides = array<i32>} : memref<64x128xf32, #tpu.memory_space<vmem>>, vector<16xf32>,
          tpu.vector_store %arg12[%swap3A_520, %swap3A_521], %broadcast_in_dim3A_503 {strides = array<i32>} : memref<64x128xf32, #tpu.memory_space<vmem>>, vector<16xf32>,
          %swap3A_523 = arith.index_cast %scan3A_510 : i32 to index
          %swap3A_524 = arith.constant 64 : index
          %swap3A_525 = tpu.vector_load %arg12[%swap3A_523, %swap3A_524] {strides = array<i32>} : memref<64x128xf32, #tpu.memory_space<vmem>>, vector<16xf32>,
          tpu.vector_store %arg12[%swap3A_523, %swap3A_524], %broadcast_in_dim3A_503 {strides = array<i32>} : memref<64x128xf32, #tpu.memory_space<vmem>>, vector<16xf32>,
          %swap3A_526 = arith.index_cast %scan3A_510 : i32 to index
          %swap3A_527 = arith.constant 80 : index
          %swap3A_528 = tpu.vector_load %arg12[%swap3A_526, %swap3A_527] {strides = array<i32>} : memref<64x128xf32, #tpu.memory_space<vmem>>, vector<16xf32>,
          tpu.vector_store %arg12[%swap3A_526, %swap3A_527], %broadcast_in_dim3A_503 {strides = array<i32>} : memref<64x128xf32, #tpu.memory_space<vmem>>, vector<16xf32>,
          %swap3A_529 = arith.index_cast %scan3A_510 : i32 to index
          %swap3A_530 = arith.constant 96 : index
          %swap3A_531 = tpu.vector_load %arg12[%swap3A_529, %swap3A_530] {strides = array<i32>} : memref<64x128xf32, #tpu.memory_space<vmem>>, vector<16xf32>,
          tpu.vector_store %arg12[%swap3A_529, %swap3A_530], %broadcast_in_dim3A_503 {strides = array<i32>} : memref<64x128xf32, #tpu.memory_space<vmem>>, vector<16xf32>,
          %swap3A_532 = arith.index_cast %scan3A_510 : i32 to index
          %swap3A_533 = arith.constant 112 : index
          %swap3A_534 = tpu.vector_load %arg12[%swap3A_532, %swap3A_533] {strides = array<i32>} : memref<64x128xf32, #tpu.memory_space<vmem>>, vector<16xf32>,
          tpu.vector_store %arg12[%swap3A_532, %swap3A_533], %broadcast_in_dim3A_503 {strides = array<i32>} : memref<64x128xf32, #tpu.memory_space<vmem>>, vector<16xf32>,
        }
        %scan3A_509 = arith.constant 64 : i32
      } else {
      }
      %dma_start3A_210 = arith.constant 128 : i32
      %dma_start3A_211 = arith.constant 0 : i32
      %dma_start3A_212 = tpu.memref_slice %arg6[%add3A_40, %dma_start3A_210, %dma_start3A_211] : memref<256x512x131xf32, #tpu.memory_space<hbm>> -> memref<1x64x128xf32, #tpu.memory_space<hbm>>
      %dma_start3A_213 = tpu.memref_squeeze %dma_start3A_212 : memref<1x64x128xf32, #tpu.memory_space<hbm>> -> memref<64x128xf32, #tpu.memory_space<hbm>>
      %dma_start3A_214 = arith.constant 128 : i32
      %dma_start3A_215 = arith.constant 0 : i32
      %dma_start3A_216 = tpu.memref_slice %arg6[%add3A_40, %dma_start3A_214, %dma_start3A_215] : memref<256x512x131xf32, #tpu.memory_space<hbm>> -> memref<1x64x128xf32, #tpu.memory_space<hbm>>
      %dma_start3A_217 = tpu.memref_squeeze %dma_start3A_216 : memref<1x64x128xf32, #tpu.memory_space<hbm>> -> memref<64x128xf32, #tpu.memory_space<hbm>>
      tpu.enqueue_dma source(%arg12 : memref<64x128xf32, #tpu.memory_space<vmem>>) target(%dma_start3A_217 : memref<64x128xf32, #tpu.memory_space<hbm>>) target_semaphore(%arg17 : memref<!tpu.dma_semaphore, #tpu.memory_space<semaphore_mem>>)
      %dma_start3A_218 = arith.constant 128 : i32
      %dma_start3A_219 = arith.constant 128 : i32
      %dma_start3A_220 = tpu.memref_slice %arg6[%add3A_40, %dma_start3A_218, %dma_start3A_219] : memref<256x512x131xf32, #tpu.memory_space<hbm>> -> memref<1x64x3xf32, #tpu.memory_space<hbm>>
      %dma_start3A_221 = tpu.memref_squeeze %dma_start3A_220 : memref<1x64x3xf32, #tpu.memory_space<hbm>> -> memref<64x3xf32, #tpu.memory_space<hbm>>
      %dma_start3A_222 = arith.constant 128 : i32
      %dma_start3A_223 = arith.constant 128 : i32
      %dma_start3A_224 = tpu.memref_slice %arg6[%add3A_40, %dma_start3A_222, %dma_start3A_223] : memref<256x512x131xf32, #tpu.memory_space<hbm>> -> memref<1x64x3xf32, #tpu.memory_space<hbm>>
      %dma_start3A_225 = tpu.memref_squeeze %dma_start3A_224 : memref<1x64x3xf32, #tpu.memory_space<hbm>> -> memref<64x3xf32, #tpu.memory_space<hbm>>
      tpu.enqueue_dma source(%arg14 : memref<64x3xf32, #tpu.memory_space<vmem>>) target(%dma_start3A_225 : memref<64x3xf32, #tpu.memory_space<hbm>>) target_semaphore(%arg17 : memref<!tpu.dma_semaphore, #tpu.memory_space<semaphore_mem>>)
      %dma_wait3A_226 = arith.constant 128 : i32
      %dma_wait3A_227 = arith.constant 0 : i32
      %dma_wait3A_228 = tpu.memref_slice %arg6[%add3A_40, %dma_wait3A_226, %dma_wait3A_227] : memref<256x512x131xf32, #tpu.memory_space<hbm>> -> memref<1x64x128xf32, #tpu.memory_space<hbm>>
      %dma_wait3A_229 = tpu.memref_squeeze %dma_wait3A_228 : memref<1x64x128xf32, #tpu.memory_space<hbm>> -> memref<64x128xf32, #tpu.memory_space<hbm>>
      %dma_wait3A_230 = arith.constant 128 : i32
      %dma_wait3A_231 = arith.constant 0 : i32
      %dma_wait3A_232 = tpu.memref_slice %arg6[%add3A_40, %dma_wait3A_230, %dma_wait3A_231] : memref<256x512x131xf32, #tpu.memory_space<hbm>> -> memref<1x64x128xf32, #tpu.memory_space<hbm>>
      %dma_wait3A_233 = tpu.memref_squeeze %dma_wait3A_232 : memref<1x64x128xf32, #tpu.memory_space<hbm>> -> memref<64x128xf32, #tpu.memory_space<hbm>>
      tpu.wait_dma2 semaphore(%arg17 : memref<!tpu.dma_semaphore, #tpu.memory_space<semaphore_mem>>) src(%arg12 : memref<64x128xf32, #tpu.memory_space<vmem>>) dst(%dma_wait3A_233 : memref<64x128xf32, #tpu.memory_space<hbm>>)
      %dma_wait3A_234 = arith.constant 128 : i32
      %dma_wait3A_235 = arith.constant 128 : i32
      %dma_wait3A_236 = tpu.memref_slice %arg6[%add3A_40, %dma_wait3A_234, %dma_wait3A_235] : memref<256x512x131xf32, #tpu.memory_space<hbm>> -> memref<1x64x3xf32, #tpu.memory_space<hbm>>
      %dma_wait3A_237 = tpu.memref_squeeze %dma_wait3A_236 : memref<1x64x3xf32, #tpu.memory_space<hbm>> -> memref<64x3xf32, #tpu.memory_space<hbm>>
      %dma_wait3A_238 = arith.constant 128 : i32
      %dma_wait3A_239 = arith.constant 128 : i32
      %dma_wait3A_240 = tpu.memref_slice %arg6[%add3A_40, %dma_wait3A_238, %dma_wait3A_239] : memref<256x512x131xf32, #tpu.memory_space<hbm>> -> memref<1x64x3xf32, #tpu.memory_space<hbm>>
      %dma_wait3A_241 = tpu.memref_squeeze %dma_wait3A_240 : memref<1x64x3xf32, #tpu.memory_space<hbm>> -> memref<64x3xf32, #tpu.memory_space<hbm>>
      tpu.wait_dma2 semaphore(%arg17 : memref<!tpu.dma_semaphore, #tpu.memory_space<semaphore_mem>>) src(%arg14 : memref<64x3xf32, #tpu.memory_space<vmem>>) dst(%dma_wait3A_241 : memref<64x3xf32, #tpu.memory_space<hbm>>)
      %dma_start3A_242 = arith.constant 256 : i32
      %dma_start3A_243 = tpu.memref_slice %arg11[%dma_start3A_242] : memref<512xi32, #tpu.memory_space<vmem>> -> memref<64xi32, #tpu.memory_space<vmem>>
      %dma_start3A_244 = arith.constant 0 : i32
      %dma_start3A_245 = arith.constant 0 : i32
      %dma_start3A_246 = tpu.memref_slice %arg5[%dma_start3A_244, %dma_start3A_245] : memref<32768x128xf32, #tpu.memory_space<hbm>> -> memref<32768x128xf32, #tpu.memory_space<hbm>>
      tpu.enqueue_indirect_dma source(%dma_start3A_246 : memref<32768x128xf32, #tpu.memory_space<hbm>>) target(%arg12 : memref<64x128xf32, #tpu.memory_space<vmem>>) offsets(%dma_start3A_243 : memref<64xi32, #tpu.memory_space<vmem>>) semaphore(%arg15 : memref<!tpu.dma_semaphore, #tpu.memory_space<semaphore_mem>>)
      %dma_wait3A_247 = arith.constant 192 : i32
      %dma_wait3A_248 = tpu.memref_slice %arg11[%dma_wait3A_247] : memref<512xi32, #tpu.memory_space<vmem>> -> memref<64xi32, #tpu.memory_space<vmem>>
      %dma_wait3A_249 = arith.constant 0 : i32
      %dma_wait3A_250 = arith.constant 0 : i32
      %dma_wait3A_251 = tpu.memref_slice %arg5[%dma_wait3A_249, %dma_wait3A_250] : memref<32768x128xf32, #tpu.memory_space<hbm>> -> memref<32768x128xf32, #tpu.memory_space<hbm>>
      tpu.wait_indirect_dma semaphore(%arg16 : memref<!tpu.dma_semaphore, #tpu.memory_space<semaphore_mem>>) src(%dma_wait3A_251 : memref<32768x128xf32, #tpu.memory_space<hbm>>) dst(%arg13 : memref<64x128xf32, #tpu.memory_space<vmem>>)
      %scan3A_252 = arith.constant 0 : i32
      %scan3A_253 = arith.constant 0 : i32
      %scan3A_254 = arith.constant 4 : i32
      %scan3A_255 = arith.addi %scan3A_253, %scan3A_254 : i32
      %scan3A_256 = arith.constant 1 : i32
      scf.for %scan3A_502 = %scan3A_253 to %scan3A_255 step %scan3A_256  : i32 {
        %mul3A_503 = arith.constant 16 : i32
        %mul3A_504 = arith.muli %scan3A_502, %mul3A_503 : i32
        %add3A_505 = vector.broadcast %mul3A_504 : i32 to vector<16xi32>
        %add3A_506 = arith.addi %iota3A, %add3A_505 : vector<16xi32>
        %add3A_507 = arith.constant 192 : i32
        %add3A_508 = vector.broadcast %add3A_507 : i32 to vector<16xi32>
        %add3A_509 = arith.addi %add3A_506, %add3A_508 : vector<16xi32>
        %eq3A_510 = arith.constant 0 : i32
        %eq3A_511 = arith.cmpi eq, %max3A_68, %eq3A_510 : i32
        %jit3A_512 = arith.constant 1 : i32
        %select_n3A_513 = arith.select %eq3A_511, %jit3A_512, %max3A_68 : i32
        %rem3A_514 = vector.broadcast %select_n3A_513 : i32 to vector<16xi32>
        %rem3A_515 = arith.remsi %add3A_509, %rem3A_514 : vector<16xi32>
        %ne3A_516 = arith.constant 0 : i32
        %ne3A_517 = vector.broadcast %ne3A_516 : i32 to vector<16xi32>
        %ne3A_518 = arith.cmpi ne, %rem3A_515, %ne3A_517 : vector<16xi32>
        %lt3A = arith.constant 0 : i32
        %lt3A_519 = vector.broadcast %lt3A : i32 to vector<16xi32>
        %lt3A_520 = arith.cmpi slt, %rem3A_515, %lt3A_519 : vector<16xi32>
        %lt3A_521 = arith.constant 0 : i32
        %lt3A_522 = arith.cmpi slt, %select_n3A_513, %lt3A_521 : i32
        %ne3A_523 = vector.broadcast %lt3A_522 : i1 to vector<16xi1>
        %ne3A_524 = vector.broadcast %ne3A_523 : vector<16xi1> to vector<16xi1>
        %ne3A_525 = arith.xori %lt3A_520, %ne3A_524 : vector<16xi1>
        %and3A_526 = arith.andi %ne3A_525, %ne3A_518 : vector<16xi1>
        %add3A_527 = vector.broadcast %select_n3A_513 : i32 to vector<16xi32>
        %add3A_528 = arith.addi %rem3A_515, %add3A_527 : vector<16xi32>
        %select_n3A_529 = arith.select %and3A_526, %add3A_528, %rem3A_515 : vector<16xi1>, vector<16xi32>
        %gather3A = tpu.vector_load_idx %arg10[%select_n3A_529] : memref<528xi32, #tpu.memory_space<vmem>>[vector<16xi32>], vector<16xi32>,
        %mul3A_530 = vector.broadcast %convert_element_type3A : i32 to vector<16xi32>
        %mul3A_531 = arith.muli %gather3A, %mul3A_530 : vector<16xi32>
        %gather3A_532 = tpu.vector_load_idx %arg7[%mul3A_531] : memref<49152xf32, #tpu.memory_space<vmem>>[vector<16xi32>], vector<16xf32>,
        %add3A_533 = arith.constant 16384 : i32
        %add3A_534 = vector.broadcast %add3A_533 : i32 to vector<16xi32>
        %add3A_535 = arith.addi %mul3A_531, %add3A_534 : vector<16xi32>
        %gather3A_536 = tpu.vector_load_idx %arg7[%add3A_535] : memref<49152xf32, #tpu.memory_space<vmem>>[vector<16xi32>], vector<16xf32>,
        %add3A_537 = arith.constant 32768 : i32
        %add3A_538 = vector.broadcast %add3A_537 : i32 to vector<16xi32>
        %add3A_539 = arith.addi %mul3A_531, %add3A_538 : vector<16xi32>
        %gather3A_540 = tpu.vector_load_idx %arg7[%add3A_539] : memref<49152xf32, #tpu.memory_space<vmem>>[vector<16xi32>], vector<16xf32>,
        %sub3A_541 = vector.broadcast %squeeze3A : f32 to vector<16xf32>
        %sub3A_542 = arith.subf %gather3A_532, %sub3A_541 : vector<16xf32>
        %sub3A_543 = vector.broadcast %squeeze3A_45 : f32 to vector<16xf32>
        %sub3A_544 = arith.subf %gather3A_536, %sub3A_543 : vector<16xf32>
        %mul3A_545 = vector.broadcast %squeeze3A_57 : f32 to vector<16xf32>
        %mul3A_546 = arith.mulf %sub3A_542, %mul3A_545 : vector<16xf32>
        %mul3A_547 = vector.broadcast %squeeze3A_59 : f32 to vector<16xf32>
        %mul3A_548 = arith.mulf %sub3A_544, %mul3A_547 : vector<16xf32>
        %add3A_549 = arith.addf %mul3A_546, %mul3A_548 : vector<16xf32>
        %mul3A_550 = vector.broadcast %convert_element_type3A_73 : f32 to vector<16xf32>
        %mul3A_551 = arith.mulf %add3A_549, %mul3A_550 : vector<16xf32>
        %mul3A_552 = vector.broadcast %squeeze3A_57 : f32 to vector<16xf32>
        %mul3A_553 = arith.mulf %sub3A_544, %mul3A_552 : vector<16xf32>
        %mul3A_554 = vector.broadcast %squeeze3A_59 : f32 to vector<16xf32>
        %mul3A_555 = arith.mulf %sub3A_542, %mul3A_554 : vector<16xf32>
        %sub3A_556 = arith.subf %mul3A_553, %mul3A_555 : vector<16xf32>
        %mul3A_557 = vector.broadcast %convert_element_type3A_73 : f32 to vector<16xf32>
        %mul3A_558 = arith.mulf %sub3A_556, %mul3A_557 : vector<16xf32>
        %sub3A_559 = vector.broadcast %squeeze3A_47 : f32 to vector<16xf32>
        %sub3A_560 = arith.subf %gather3A_540, %sub3A_559 : vector<16xf32>
        %mul3A_561 = vector.broadcast %convert_element_type3A_73 : f32 to vector<16xf32>
        %mul3A_562 = arith.mulf %sub3A_560, %mul3A_561 : vector<16xf32>
        tpu.vector_store_idx %arg13[%add3A_506, %broadcast_in_dim3A_29], %mul3A_551 masked %ge3A_31 : memref<64x128xf32, #tpu.memory_space<vmem>>[vector<16xi32>, vector<16xi32>], vector<16xf32>, vector<16xi1>
        %add3A_563 = arith.constant 1 : i32
        %add3A_564 = vector.broadcast %add3A_563 : i32 to vector<16xi32>
        %add3A_565 = arith.addi %broadcast_in_dim3A_29, %add3A_564 : vector<16xi32>
        tpu.vector_store_idx %arg13[%add3A_506, %add3A_565], %mul3A_558 masked %ge3A_31 : memref<64x128xf32, #tpu.memory_space<vmem>>[vector<16xi32>, vector<16xi32>], vector<16xf32>, vector<16xi1>
        %add3A_566 = arith.constant 2 : i32
        %add3A_567 = vector.broadcast %add3A_566 : i32 to vector<16xi32>
        %add3A_568 = arith.addi %broadcast_in_dim3A_29, %add3A_567 : vector<16xi32>
        tpu.vector_store_idx %arg13[%add3A_506, %add3A_568], %mul3A_562 masked %ge3A_31 : memref<64x128xf32, #tpu.memory_space<vmem>>[vector<16xi32>, vector<16xi32>], vector<16xf32>, vector<16xi1>
        %add3A_569 = arith.constant 0 : i32
        %add3A_570 = vector.broadcast %add3A_569 : i32 to vector<16xi32>
        %add3A_571 = arith.addi %mul3A_531, %add3A_570 : vector<16xi32>
        %gather3A_572 = tpu.vector_load_idx %arg8[%add3A_571] : memref<49152xf32, #tpu.memory_space<vmem>>[vector<16xi32>], vector<16xf32>,
        %mul3A_573 = vector.broadcast %convert_element_type3A_73 : f32 to vector<16xf32>
        %mul3A_574 = arith.mulf %gather3A_572, %mul3A_573 : vector<16xf32>
        %add3A_575 = arith.constant 0 : i32
        %add3A_576 = vector.broadcast %add3A_575 : i32 to vector<16xi32>
        %add3A_577 = arith.addi %broadcast_in_dim3A_29, %add3A_576 : vector<16xi32>
        tpu.vector_store_idx %arg14[%add3A_506, %add3A_577], %mul3A_574 masked %ge3A_31 : memref<64x3xf32, #tpu.memory_space<vmem>>[vector<16xi32>, vector<16xi32>], vector<16xf32>, vector<16xi1>
        %add3A_578 = arith.constant 16384 : i32
        %add3A_579 = vector.broadcast %add3A_578 : i32 to vector<16xi32>
        %add3A_580 = arith.addi %mul3A_531, %add3A_579 : vector<16xi32>
        %gather3A_581 = tpu.vector_load_idx %arg8[%add3A_580] : memref<49152xf32, #tpu.memory_space<vmem>>[vector<16xi32>], vector<16xf32>,
        %mul3A_582 = vector.broadcast %convert_element_type3A_73 : f32 to vector<16xf32>
        %mul3A_583 = arith.mulf %gather3A_581, %mul3A_582 : vector<16xf32>
        %add3A_584 = arith.constant 1 : i32
        %add3A_585 = vector.broadcast %add3A_584 : i32 to vector<16xi32>
        %add3A_586 = arith.addi %broadcast_in_dim3A_29, %add3A_585 : vector<16xi32>
        tpu.vector_store_idx %arg14[%add3A_506, %add3A_586], %mul3A_583 masked %ge3A_31 : memref<64x3xf32, #tpu.memory_space<vmem>>[vector<16xi32>, vector<16xi32>], vector<16xf32>, vector<16xi1>
        %add3A_587 = arith.constant 32768 : i32
        %add3A_588 = vector.broadcast %add3A_587 : i32 to vector<16xi32>
        %add3A_589 = arith.addi %mul3A_531, %add3A_588 : vector<16xi32>
        %gather3A_590 = tpu.vector_load_idx %arg8[%add3A_589] : memref<49152xf32, #tpu.memory_space<vmem>>[vector<16xi32>], vector<16xf32>,
        %mul3A_591 = vector.broadcast %convert_element_type3A_73 : f32 to vector<16xf32>
        %mul3A_592 = arith.mulf %gather3A_590, %mul3A_591 : vector<16xf32>
        %add3A_593 = arith.constant 2 : i32
        %add3A_594 = vector.broadcast %add3A_593 : i32 to vector<16xi32>
        %add3A_595 = arith.addi %broadcast_in_dim3A_29, %add3A_594 : vector<16xi32>
        tpu.vector_store_idx %arg14[%add3A_506, %add3A_595], %mul3A_592 masked %ge3A_31 : memref<64x3xf32, #tpu.memory_space<vmem>>[vector<16xi32>, vector<16xi32>], vector<16xf32>, vector<16xi1>
      }
      %scan3A_257 = arith.constant 4 : i32
      %eq3A_258 = arith.constant 0 : i32
      %eq3A_259 = arith.cmpi eq, %scan3A_66, %eq3A_258 : i32
      %convert_element_type3A_260 = arith.extui %eq3A_259 : i1 to i32
      %cond3A_261 = arith.constant 0 : i32
      %cond3A_262 = arith.cmpi ne, %convert_element_type3A_260, %cond3A_261 : i32
      scf.if %cond3A_262 {
        %broadcast_in_dim3A_502 = arith.constant 0.000000e+00 : f32
        %broadcast_in_dim3A_503 = vector.broadcast %broadcast_in_dim3A_502 : f32 to vector<16xf32>
        %scan3A_504 = arith.constant 0 : i32
        %scan3A_505 = arith.constant 0 : i32
        %scan3A_506 = arith.constant 64 : i32
        %scan3A_507 = arith.addi %scan3A_505, %scan3A_506 : i32
        %scan3A_508 = arith.constant 1 : i32
        scf.for %scan3A_510 = %scan3A_505 to %scan3A_507 step %scan3A_508  : i32 {
          %swap3A_511 = arith.index_cast %scan3A_510 : i32 to index
          %swap3A_512 = arith.constant 0 : index
          %swap3A_513 = tpu.vector_load %arg13[%swap3A_511, %swap3A_512] {strides = array<i32>} : memref<64x128xf32, #tpu.memory_space<vmem>>, vector<16xf32>,
          tpu.vector_store %arg13[%swap3A_511, %swap3A_512], %broadcast_in_dim3A_503 {strides = array<i32>} : memref<64x128xf32, #tpu.memory_space<vmem>>, vector<16xf32>,
          %swap3A_514 = arith.index_cast %scan3A_510 : i32 to index
          %swap3A_515 = arith.constant 16 : index
          %swap3A_516 = tpu.vector_load %arg13[%swap3A_514, %swap3A_515] {strides = array<i32>} : memref<64x128xf32, #tpu.memory_space<vmem>>, vector<16xf32>,
          tpu.vector_store %arg13[%swap3A_514, %swap3A_515], %broadcast_in_dim3A_503 {strides = array<i32>} : memref<64x128xf32, #tpu.memory_space<vmem>>, vector<16xf32>,
          %swap3A_517 = arith.index_cast %scan3A_510 : i32 to index
          %swap3A_518 = arith.constant 32 : index
          %swap3A_519 = tpu.vector_load %arg13[%swap3A_517, %swap3A_518] {strides = array<i32>} : memref<64x128xf32, #tpu.memory_space<vmem>>, vector<16xf32>,
          tpu.vector_store %arg13[%swap3A_517, %swap3A_518], %broadcast_in_dim3A_503 {strides = array<i32>} : memref<64x128xf32, #tpu.memory_space<vmem>>, vector<16xf32>,
          %swap3A_520 = arith.index_cast %scan3A_510 : i32 to index
          %swap3A_521 = arith.constant 48 : index
          %swap3A_522 = tpu.vector_load %arg13[%swap3A_520, %swap3A_521] {strides = array<i32>} : memref<64x128xf32, #tpu.memory_space<vmem>>, vector<16xf32>,
          tpu.vector_store %arg13[%swap3A_520, %swap3A_521], %broadcast_in_dim3A_503 {strides = array<i32>} : memref<64x128xf32, #tpu.memory_space<vmem>>, vector<16xf32>,
          %swap3A_523 = arith.index_cast %scan3A_510 : i32 to index
          %swap3A_524 = arith.constant 64 : index
          %swap3A_525 = tpu.vector_load %arg13[%swap3A_523, %swap3A_524] {strides = array<i32>} : memref<64x128xf32, #tpu.memory_space<vmem>>, vector<16xf32>,
          tpu.vector_store %arg13[%swap3A_523, %swap3A_524], %broadcast_in_dim3A_503 {strides = array<i32>} : memref<64x128xf32, #tpu.memory_space<vmem>>, vector<16xf32>,
          %swap3A_526 = arith.index_cast %scan3A_510 : i32 to index
          %swap3A_527 = arith.constant 80 : index
          %swap3A_528 = tpu.vector_load %arg13[%swap3A_526, %swap3A_527] {strides = array<i32>} : memref<64x128xf32, #tpu.memory_space<vmem>>, vector<16xf32>,
          tpu.vector_store %arg13[%swap3A_526, %swap3A_527], %broadcast_in_dim3A_503 {strides = array<i32>} : memref<64x128xf32, #tpu.memory_space<vmem>>, vector<16xf32>,
          %swap3A_529 = arith.index_cast %scan3A_510 : i32 to index
          %swap3A_530 = arith.constant 96 : index
          %swap3A_531 = tpu.vector_load %arg13[%swap3A_529, %swap3A_530] {strides = array<i32>} : memref<64x128xf32, #tpu.memory_space<vmem>>, vector<16xf32>,
          tpu.vector_store %arg13[%swap3A_529, %swap3A_530], %broadcast_in_dim3A_503 {strides = array<i32>} : memref<64x128xf32, #tpu.memory_space<vmem>>, vector<16xf32>,
          %swap3A_532 = arith.index_cast %scan3A_510 : i32 to index
          %swap3A_533 = arith.constant 112 : index
          %swap3A_534 = tpu.vector_load %arg13[%swap3A_532, %swap3A_533] {strides = array<i32>} : memref<64x128xf32, #tpu.memory_space<vmem>>, vector<16xf32>,
          tpu.vector_store %arg13[%swap3A_532, %swap3A_533], %broadcast_in_dim3A_503 {strides = array<i32>} : memref<64x128xf32, #tpu.memory_space<vmem>>, vector<16xf32>,
        }
        %scan3A_509 = arith.constant 64 : i32
      } else {
      }
      %dma_start3A_263 = arith.constant 192 : i32
      %dma_start3A_264 = arith.constant 0 : i32
      %dma_start3A_265 = tpu.memref_slice %arg6[%add3A_40, %dma_start3A_263, %dma_start3A_264] : memref<256x512x131xf32, #tpu.memory_space<hbm>> -> memref<1x64x128xf32, #tpu.memory_space<hbm>>
      %dma_start3A_266 = tpu.memref_squeeze %dma_start3A_265 : memref<1x64x128xf32, #tpu.memory_space<hbm>> -> memref<64x128xf32, #tpu.memory_space<hbm>>
      %dma_start3A_267 = arith.constant 192 : i32
      %dma_start3A_268 = arith.constant 0 : i32
      %dma_start3A_269 = tpu.memref_slice %arg6[%add3A_40, %dma_start3A_267, %dma_start3A_268] : memref<256x512x131xf32, #tpu.memory_space<hbm>> -> memref<1x64x128xf32, #tpu.memory_space<hbm>>
      %dma_start3A_270 = tpu.memref_squeeze %dma_start3A_269 : memref<1x64x128xf32, #tpu.memory_space<hbm>> -> memref<64x128xf32, #tpu.memory_space<hbm>>
      tpu.enqueue_dma source(%arg13 : memref<64x128xf32, #tpu.memory_space<vmem>>) target(%dma_start3A_270 : memref<64x128xf32, #tpu.memory_space<hbm>>) target_semaphore(%arg17 : memref<!tpu.dma_semaphore, #tpu.memory_space<semaphore_mem>>)
      %dma_start3A_271 = arith.constant 192 : i32
      %dma_start3A_272 = arith.constant 128 : i32
      %dma_start3A_273 = tpu.memref_slice %arg6[%add3A_40, %dma_start3A_271, %dma_start3A_272] : memref<256x512x131xf32, #tpu.memory_space<hbm>> -> memref<1x64x3xf32, #tpu.memory_space<hbm>>
      %dma_start3A_274 = tpu.memref_squeeze %dma_start3A_273 : memref<1x64x3xf32, #tpu.memory_space<hbm>> -> memref<64x3xf32, #tpu.memory_space<hbm>>
      %dma_start3A_275 = arith.constant 192 : i32
      %dma_start3A_276 = arith.constant 128 : i32
      %dma_start3A_277 = tpu.memref_slice %arg6[%add3A_40, %dma_start3A_275, %dma_start3A_276] : memref<256x512x131xf32, #tpu.memory_space<hbm>> -> memref<1x64x3xf32, #tpu.memory_space<hbm>>
      %dma_start3A_278 = tpu.memref_squeeze %dma_start3A_277 : memref<1x64x3xf32, #tpu.memory_space<hbm>> -> memref<64x3xf32, #tpu.memory_space<hbm>>
      tpu.enqueue_dma source(%arg14 : memref<64x3xf32, #tpu.memory_space<vmem>>) target(%dma_start3A_278 : memref<64x3xf32, #tpu.memory_space<hbm>>) target_semaphore(%arg17 : memref<!tpu.dma_semaphore, #tpu.memory_space<semaphore_mem>>)
      %dma_wait3A_279 = arith.constant 192 : i32
      %dma_wait3A_280 = arith.constant 0 : i32
      %dma_wait3A_281 = tpu.memref_slice %arg6[%add3A_40, %dma_wait3A_279, %dma_wait3A_280] : memref<256x512x131xf32, #tpu.memory_space<hbm>> -> memref<1x64x128xf32, #tpu.memory_space<hbm>>
      %dma_wait3A_282 = tpu.memref_squeeze %dma_wait3A_281 : memref<1x64x128xf32, #tpu.memory_space<hbm>> -> memref<64x128xf32, #tpu.memory_space<hbm>>
      %dma_wait3A_283 = arith.constant 192 : i32
      %dma_wait3A_284 = arith.constant 0 : i32
      %dma_wait3A_285 = tpu.memref_slice %arg6[%add3A_40, %dma_wait3A_283, %dma_wait3A_284] : memref<256x512x131xf32, #tpu.memory_space<hbm>> -> memref<1x64x128xf32, #tpu.memory_space<hbm>>
      %dma_wait3A_286 = tpu.memref_squeeze %dma_wait3A_285 : memref<1x64x128xf32, #tpu.memory_space<hbm>> -> memref<64x128xf32, #tpu.memory_space<hbm>>
      tpu.wait_dma2 semaphore(%arg17 : memref<!tpu.dma_semaphore, #tpu.memory_space<semaphore_mem>>) src(%arg13 : memref<64x128xf32, #tpu.memory_space<vmem>>) dst(%dma_wait3A_286 : memref<64x128xf32, #tpu.memory_space<hbm>>)
      %dma_wait3A_287 = arith.constant 192 : i32
      %dma_wait3A_288 = arith.constant 128 : i32
      %dma_wait3A_289 = tpu.memref_slice %arg6[%add3A_40, %dma_wait3A_287, %dma_wait3A_288] : memref<256x512x131xf32, #tpu.memory_space<hbm>> -> memref<1x64x3xf32, #tpu.memory_space<hbm>>
      %dma_wait3A_290 = tpu.memref_squeeze %dma_wait3A_289 : memref<1x64x3xf32, #tpu.memory_space<hbm>> -> memref<64x3xf32, #tpu.memory_space<hbm>>
      %dma_wait3A_291 = arith.constant 192 : i32
      %dma_wait3A_292 = arith.constant 128 : i32
      %dma_wait3A_293 = tpu.memref_slice %arg6[%add3A_40, %dma_wait3A_291, %dma_wait3A_292] : memref<256x512x131xf32, #tpu.memory_space<hbm>> -> memref<1x64x3xf32, #tpu.memory_space<hbm>>
      %dma_wait3A_294 = tpu.memref_squeeze %dma_wait3A_293 : memref<1x64x3xf32, #tpu.memory_space<hbm>> -> memref<64x3xf32, #tpu.memory_space<hbm>>
      tpu.wait_dma2 semaphore(%arg17 : memref<!tpu.dma_semaphore, #tpu.memory_space<semaphore_mem>>) src(%arg14 : memref<64x3xf32, #tpu.memory_space<vmem>>) dst(%dma_wait3A_294 : memref<64x3xf32, #tpu.memory_space<hbm>>)
      %dma_start3A_295 = arith.constant 320 : i32
      %dma_start3A_296 = tpu.memref_slice %arg11[%dma_start3A_295] : memref<512xi32, #tpu.memory_space<vmem>> -> memref<64xi32, #tpu.memory_space<vmem>>
      %dma_start3A_297 = arith.constant 0 : i32
      %dma_start3A_298 = arith.constant 0 : i32
      %dma_start3A_299 = tpu.memref_slice %arg5[%dma_start3A_297, %dma_start3A_298] : memref<32768x128xf32, #tpu.memory_space<hbm>> -> memref<32768x128xf32, #tpu.memory_space<hbm>>
      tpu.enqueue_indirect_dma source(%dma_start3A_299 : memref<32768x128xf32, #tpu.memory_space<hbm>>) target(%arg13 : memref<64x128xf32, #tpu.memory_space<vmem>>) offsets(%dma_start3A_296 : memref<64xi32, #tpu.memory_space<vmem>>) semaphore(%arg16 : memref<!tpu.dma_semaphore, #tpu.memory_space<semaphore_mem>>)
      %dma_wait3A_300 = arith.constant 256 : i32
      %dma_wait3A_301 = tpu.memref_slice %arg11[%dma_wait3A_300] : memref<512xi32, #tpu.memory_space<vmem>> -> memref<64xi32, #tpu.memory_space<vmem>>
      %dma_wait3A_302 = arith.constant 0 : i32
      %dma_wait3A_303 = arith.constant 0 : i32
      %dma_wait3A_304 = tpu.memref_slice %arg5[%dma_wait3A_302, %dma_wait3A_303] : memref<32768x128xf32, #tpu.memory_space<hbm>> -> memref<32768x128xf32, #tpu.memory_space<hbm>>
      tpu.wait_indirect_dma semaphore(%arg15 : memref<!tpu.dma_semaphore, #tpu.memory_space<semaphore_mem>>) src(%dma_wait3A_304 : memref<32768x128xf32, #tpu.memory_space<hbm>>) dst(%arg12 : memref<64x128xf32, #tpu.memory_space<vmem>>)
      %scan3A_305 = arith.constant 0 : i32
      %scan3A_306 = arith.constant 0 : i32
      %scan3A_307 = arith.constant 4 : i32
      %scan3A_308 = arith.addi %scan3A_306, %scan3A_307 : i32
      %scan3A_309 = arith.constant 1 : i32
      scf.for %scan3A_502 = %scan3A_306 to %scan3A_308 step %scan3A_309  : i32 {
        %mul3A_503 = arith.constant 16 : i32
        %mul3A_504 = arith.muli %scan3A_502, %mul3A_503 : i32
        %add3A_505 = vector.broadcast %mul3A_504 : i32 to vector<16xi32>
        %add3A_506 = arith.addi %iota3A, %add3A_505 : vector<16xi32>
        %add3A_507 = arith.constant 256 : i32
        %add3A_508 = vector.broadcast %add3A_507 : i32 to vector<16xi32>
        %add3A_509 = arith.addi %add3A_506, %add3A_508 : vector<16xi32>
        %eq3A_510 = arith.constant 0 : i32
        %eq3A_511 = arith.cmpi eq, %max3A_68, %eq3A_510 : i32
        %jit3A_512 = arith.constant 1 : i32
        %select_n3A_513 = arith.select %eq3A_511, %jit3A_512, %max3A_68 : i32
        %rem3A_514 = vector.broadcast %select_n3A_513 : i32 to vector<16xi32>
        %rem3A_515 = arith.remsi %add3A_509, %rem3A_514 : vector<16xi32>
        %ne3A_516 = arith.constant 0 : i32
        %ne3A_517 = vector.broadcast %ne3A_516 : i32 to vector<16xi32>
        %ne3A_518 = arith.cmpi ne, %rem3A_515, %ne3A_517 : vector<16xi32>
        %lt3A = arith.constant 0 : i32
        %lt3A_519 = vector.broadcast %lt3A : i32 to vector<16xi32>
        %lt3A_520 = arith.cmpi slt, %rem3A_515, %lt3A_519 : vector<16xi32>
        %lt3A_521 = arith.constant 0 : i32
        %lt3A_522 = arith.cmpi slt, %select_n3A_513, %lt3A_521 : i32
        %ne3A_523 = vector.broadcast %lt3A_522 : i1 to vector<16xi1>
        %ne3A_524 = vector.broadcast %ne3A_523 : vector<16xi1> to vector<16xi1>
        %ne3A_525 = arith.xori %lt3A_520, %ne3A_524 : vector<16xi1>
        %and3A_526 = arith.andi %ne3A_525, %ne3A_518 : vector<16xi1>
        %add3A_527 = vector.broadcast %select_n3A_513 : i32 to vector<16xi32>
        %add3A_528 = arith.addi %rem3A_515, %add3A_527 : vector<16xi32>
        %select_n3A_529 = arith.select %and3A_526, %add3A_528, %rem3A_515 : vector<16xi1>, vector<16xi32>
        %gather3A = tpu.vector_load_idx %arg10[%select_n3A_529] : memref<528xi32, #tpu.memory_space<vmem>>[vector<16xi32>], vector<16xi32>,
        %mul3A_530 = vector.broadcast %convert_element_type3A : i32 to vector<16xi32>
        %mul3A_531 = arith.muli %gather3A, %mul3A_530 : vector<16xi32>
        %gather3A_532 = tpu.vector_load_idx %arg7[%mul3A_531] : memref<49152xf32, #tpu.memory_space<vmem>>[vector<16xi32>], vector<16xf32>,
        %add3A_533 = arith.constant 16384 : i32
        %add3A_534 = vector.broadcast %add3A_533 : i32 to vector<16xi32>
        %add3A_535 = arith.addi %mul3A_531, %add3A_534 : vector<16xi32>
        %gather3A_536 = tpu.vector_load_idx %arg7[%add3A_535] : memref<49152xf32, #tpu.memory_space<vmem>>[vector<16xi32>], vector<16xf32>,
        %add3A_537 = arith.constant 32768 : i32
        %add3A_538 = vector.broadcast %add3A_537 : i32 to vector<16xi32>
        %add3A_539 = arith.addi %mul3A_531, %add3A_538 : vector<16xi32>
        %gather3A_540 = tpu.vector_load_idx %arg7[%add3A_539] : memref<49152xf32, #tpu.memory_space<vmem>>[vector<16xi32>], vector<16xf32>,
        %sub3A_541 = vector.broadcast %squeeze3A : f32 to vector<16xf32>
        %sub3A_542 = arith.subf %gather3A_532, %sub3A_541 : vector<16xf32>
        %sub3A_543 = vector.broadcast %squeeze3A_45 : f32 to vector<16xf32>
        %sub3A_544 = arith.subf %gather3A_536, %sub3A_543 : vector<16xf32>
        %mul3A_545 = vector.broadcast %squeeze3A_57 : f32 to vector<16xf32>
        %mul3A_546 = arith.mulf %sub3A_542, %mul3A_545 : vector<16xf32>
        %mul3A_547 = vector.broadcast %squeeze3A_59 : f32 to vector<16xf32>
        %mul3A_548 = arith.mulf %sub3A_544, %mul3A_547 : vector<16xf32>
        %add3A_549 = arith.addf %mul3A_546, %mul3A_548 : vector<16xf32>
        %mul3A_550 = vector.broadcast %convert_element_type3A_73 : f32 to vector<16xf32>
        %mul3A_551 = arith.mulf %add3A_549, %mul3A_550 : vector<16xf32>
        %mul3A_552 = vector.broadcast %squeeze3A_57 : f32 to vector<16xf32>
        %mul3A_553 = arith.mulf %sub3A_544, %mul3A_552 : vector<16xf32>
        %mul3A_554 = vector.broadcast %squeeze3A_59 : f32 to vector<16xf32>
        %mul3A_555 = arith.mulf %sub3A_542, %mul3A_554 : vector<16xf32>
        %sub3A_556 = arith.subf %mul3A_553, %mul3A_555 : vector<16xf32>
        %mul3A_557 = vector.broadcast %convert_element_type3A_73 : f32 to vector<16xf32>
        %mul3A_558 = arith.mulf %sub3A_556, %mul3A_557 : vector<16xf32>
        %sub3A_559 = vector.broadcast %squeeze3A_47 : f32 to vector<16xf32>
        %sub3A_560 = arith.subf %gather3A_540, %sub3A_559 : vector<16xf32>
        %mul3A_561 = vector.broadcast %convert_element_type3A_73 : f32 to vector<16xf32>
        %mul3A_562 = arith.mulf %sub3A_560, %mul3A_561 : vector<16xf32>
        tpu.vector_store_idx %arg12[%add3A_506, %broadcast_in_dim3A_29], %mul3A_551 masked %ge3A_31 : memref<64x128xf32, #tpu.memory_space<vmem>>[vector<16xi32>, vector<16xi32>], vector<16xf32>, vector<16xi1>
        %add3A_563 = arith.constant 1 : i32
        %add3A_564 = vector.broadcast %add3A_563 : i32 to vector<16xi32>
        %add3A_565 = arith.addi %broadcast_in_dim3A_29, %add3A_564 : vector<16xi32>
        tpu.vector_store_idx %arg12[%add3A_506, %add3A_565], %mul3A_558 masked %ge3A_31 : memref<64x128xf32, #tpu.memory_space<vmem>>[vector<16xi32>, vector<16xi32>], vector<16xf32>, vector<16xi1>
        %add3A_566 = arith.constant 2 : i32
        %add3A_567 = vector.broadcast %add3A_566 : i32 to vector<16xi32>
        %add3A_568 = arith.addi %broadcast_in_dim3A_29, %add3A_567 : vector<16xi32>
        tpu.vector_store_idx %arg12[%add3A_506, %add3A_568], %mul3A_562 masked %ge3A_31 : memref<64x128xf32, #tpu.memory_space<vmem>>[vector<16xi32>, vector<16xi32>], vector<16xf32>, vector<16xi1>
        %add3A_569 = arith.constant 0 : i32
        %add3A_570 = vector.broadcast %add3A_569 : i32 to vector<16xi32>
        %add3A_571 = arith.addi %mul3A_531, %add3A_570 : vector<16xi32>
        %gather3A_572 = tpu.vector_load_idx %arg8[%add3A_571] : memref<49152xf32, #tpu.memory_space<vmem>>[vector<16xi32>], vector<16xf32>,
        %mul3A_573 = vector.broadcast %convert_element_type3A_73 : f32 to vector<16xf32>
        %mul3A_574 = arith.mulf %gather3A_572, %mul3A_573 : vector<16xf32>
        %add3A_575 = arith.constant 0 : i32
        %add3A_576 = vector.broadcast %add3A_575 : i32 to vector<16xi32>
        %add3A_577 = arith.addi %broadcast_in_dim3A_29, %add3A_576 : vector<16xi32>
        tpu.vector_store_idx %arg14[%add3A_506, %add3A_577], %mul3A_574 masked %ge3A_31 : memref<64x3xf32, #tpu.memory_space<vmem>>[vector<16xi32>, vector<16xi32>], vector<16xf32>, vector<16xi1>
        %add3A_578 = arith.constant 16384 : i32
        %add3A_579 = vector.broadcast %add3A_578 : i32 to vector<16xi32>
        %add3A_580 = arith.addi %mul3A_531, %add3A_579 : vector<16xi32>
        %gather3A_581 = tpu.vector_load_idx %arg8[%add3A_580] : memref<49152xf32, #tpu.memory_space<vmem>>[vector<16xi32>], vector<16xf32>,
        %mul3A_582 = vector.broadcast %convert_element_type3A_73 : f32 to vector<16xf32>
        %mul3A_583 = arith.mulf %gather3A_581, %mul3A_582 : vector<16xf32>
        %add3A_584 = arith.constant 1 : i32
        %add3A_585 = vector.broadcast %add3A_584 : i32 to vector<16xi32>
        %add3A_586 = arith.addi %broadcast_in_dim3A_29, %add3A_585 : vector<16xi32>
        tpu.vector_store_idx %arg14[%add3A_506, %add3A_586], %mul3A_583 masked %ge3A_31 : memref<64x3xf32, #tpu.memory_space<vmem>>[vector<16xi32>, vector<16xi32>], vector<16xf32>, vector<16xi1>
        %add3A_587 = arith.constant 32768 : i32
        %add3A_588 = vector.broadcast %add3A_587 : i32 to vector<16xi32>
        %add3A_589 = arith.addi %mul3A_531, %add3A_588 : vector<16xi32>
        %gather3A_590 = tpu.vector_load_idx %arg8[%add3A_589] : memref<49152xf32, #tpu.memory_space<vmem>>[vector<16xi32>], vector<16xf32>,
        %mul3A_591 = vector.broadcast %convert_element_type3A_73 : f32 to vector<16xf32>
        %mul3A_592 = arith.mulf %gather3A_590, %mul3A_591 : vector<16xf32>
        %add3A_593 = arith.constant 2 : i32
        %add3A_594 = vector.broadcast %add3A_593 : i32 to vector<16xi32>
        %add3A_595 = arith.addi %broadcast_in_dim3A_29, %add3A_594 : vector<16xi32>
        tpu.vector_store_idx %arg14[%add3A_506, %add3A_595], %mul3A_592 masked %ge3A_31 : memref<64x3xf32, #tpu.memory_space<vmem>>[vector<16xi32>, vector<16xi32>], vector<16xf32>, vector<16xi1>
      }
      %scan3A_310 = arith.constant 4 : i32
      %eq3A_311 = arith.constant 0 : i32
      %eq3A_312 = arith.cmpi eq, %scan3A_66, %eq3A_311 : i32
      %convert_element_type3A_313 = arith.extui %eq3A_312 : i1 to i32
      %cond3A_314 = arith.constant 0 : i32
      %cond3A_315 = arith.cmpi ne, %convert_element_type3A_313, %cond3A_314 : i32
      scf.if %cond3A_315 {
        %broadcast_in_dim3A_502 = arith.constant 0.000000e+00 : f32
        %broadcast_in_dim3A_503 = vector.broadcast %broadcast_in_dim3A_502 : f32 to vector<16xf32>
        %scan3A_504 = arith.constant 0 : i32
        %scan3A_505 = arith.constant 0 : i32
        %scan3A_506 = arith.constant 64 : i32
        %scan3A_507 = arith.addi %scan3A_505, %scan3A_506 : i32
        %scan3A_508 = arith.constant 1 : i32
        scf.for %scan3A_510 = %scan3A_505 to %scan3A_507 step %scan3A_508  : i32 {
          %swap3A_511 = arith.index_cast %scan3A_510 : i32 to index
          %swap3A_512 = arith.constant 0 : index
          %swap3A_513 = tpu.vector_load %arg12[%swap3A_511, %swap3A_512] {strides = array<i32>} : memref<64x128xf32, #tpu.memory_space<vmem>>, vector<16xf32>,
          tpu.vector_store %arg12[%swap3A_511, %swap3A_512], %broadcast_in_dim3A_503 {strides = array<i32>} : memref<64x128xf32, #tpu.memory_space<vmem>>, vector<16xf32>,
          %swap3A_514 = arith.index_cast %scan3A_510 : i32 to index
          %swap3A_515 = arith.constant 16 : index
          %swap3A_516 = tpu.vector_load %arg12[%swap3A_514, %swap3A_515] {strides = array<i32>} : memref<64x128xf32, #tpu.memory_space<vmem>>, vector<16xf32>,
          tpu.vector_store %arg12[%swap3A_514, %swap3A_515], %broadcast_in_dim3A_503 {strides = array<i32>} : memref<64x128xf32, #tpu.memory_space<vmem>>, vector<16xf32>,
          %swap3A_517 = arith.index_cast %scan3A_510 : i32 to index
          %swap3A_518 = arith.constant 32 : index
          %swap3A_519 = tpu.vector_load %arg12[%swap3A_517, %swap3A_518] {strides = array<i32>} : memref<64x128xf32, #tpu.memory_space<vmem>>, vector<16xf32>,
          tpu.vector_store %arg12[%swap3A_517, %swap3A_518], %broadcast_in_dim3A_503 {strides = array<i32>} : memref<64x128xf32, #tpu.memory_space<vmem>>, vector<16xf32>,
          %swap3A_520 = arith.index_cast %scan3A_510 : i32 to index
          %swap3A_521 = arith.constant 48 : index
          %swap3A_522 = tpu.vector_load %arg12[%swap3A_520, %swap3A_521] {strides = array<i32>} : memref<64x128xf32, #tpu.memory_space<vmem>>, vector<16xf32>,
          tpu.vector_store %arg12[%swap3A_520, %swap3A_521], %broadcast_in_dim3A_503 {strides = array<i32>} : memref<64x128xf32, #tpu.memory_space<vmem>>, vector<16xf32>,
          %swap3A_523 = arith.index_cast %scan3A_510 : i32 to index
          %swap3A_524 = arith.constant 64 : index
          %swap3A_525 = tpu.vector_load %arg12[%swap3A_523, %swap3A_524] {strides = array<i32>} : memref<64x128xf32, #tpu.memory_space<vmem>>, vector<16xf32>,
          tpu.vector_store %arg12[%swap3A_523, %swap3A_524], %broadcast_in_dim3A_503 {strides = array<i32>} : memref<64x128xf32, #tpu.memory_space<vmem>>, vector<16xf32>,
          %swap3A_526 = arith.index_cast %scan3A_510 : i32 to index
          %swap3A_527 = arith.constant 80 : index
          %swap3A_528 = tpu.vector_load %arg12[%swap3A_526, %swap3A_527] {strides = array<i32>} : memref<64x128xf32, #tpu.memory_space<vmem>>, vector<16xf32>,
          tpu.vector_store %arg12[%swap3A_526, %swap3A_527], %broadcast_in_dim3A_503 {strides = array<i32>} : memref<64x128xf32, #tpu.memory_space<vmem>>, vector<16xf32>,
          %swap3A_529 = arith.index_cast %scan3A_510 : i32 to index
          %swap3A_530 = arith.constant 96 : index
          %swap3A_531 = tpu.vector_load %arg12[%swap3A_529, %swap3A_530] {strides = array<i32>} : memref<64x128xf32, #tpu.memory_space<vmem>>, vector<16xf32>,
          tpu.vector_store %arg12[%swap3A_529, %swap3A_530], %broadcast_in_dim3A_503 {strides = array<i32>} : memref<64x128xf32, #tpu.memory_space<vmem>>, vector<16xf32>,
          %swap3A_532 = arith.index_cast %scan3A_510 : i32 to index
          %swap3A_533 = arith.constant 112 : index
          %swap3A_534 = tpu.vector_load %arg12[%swap3A_532, %swap3A_533] {strides = array<i32>} : memref<64x128xf32, #tpu.memory_space<vmem>>, vector<16xf32>,
          tpu.vector_store %arg12[%swap3A_532, %swap3A_533], %broadcast_in_dim3A_503 {strides = array<i32>} : memref<64x128xf32, #tpu.memory_space<vmem>>, vector<16xf32>,
        }
        %scan3A_509 = arith.constant 64 : i32
      } else {
      }
      %dma_start3A_316 = arith.constant 256 : i32
      %dma_start3A_317 = arith.constant 0 : i32
      %dma_start3A_318 = tpu.memref_slice %arg6[%add3A_40, %dma_start3A_316, %dma_start3A_317] : memref<256x512x131xf32, #tpu.memory_space<hbm>> -> memref<1x64x128xf32, #tpu.memory_space<hbm>>
      %dma_start3A_319 = tpu.memref_squeeze %dma_start3A_318 : memref<1x64x128xf32, #tpu.memory_space<hbm>> -> memref<64x128xf32, #tpu.memory_space<hbm>>
      %dma_start3A_320 = arith.constant 256 : i32
      %dma_start3A_321 = arith.constant 0 : i32
      %dma_start3A_322 = tpu.memref_slice %arg6[%add3A_40, %dma_start3A_320, %dma_start3A_321] : memref<256x512x131xf32, #tpu.memory_space<hbm>> -> memref<1x64x128xf32, #tpu.memory_space<hbm>>
      %dma_start3A_323 = tpu.memref_squeeze %dma_start3A_322 : memref<1x64x128xf32, #tpu.memory_space<hbm>> -> memref<64x128xf32, #tpu.memory_space<hbm>>
      tpu.enqueue_dma source(%arg12 : memref<64x128xf32, #tpu.memory_space<vmem>>) target(%dma_start3A_323 : memref<64x128xf32, #tpu.memory_space<hbm>>) target_semaphore(%arg17 : memref<!tpu.dma_semaphore, #tpu.memory_space<semaphore_mem>>)
      %dma_start3A_324 = arith.constant 256 : i32
      %dma_start3A_325 = arith.constant 128 : i32
      %dma_start3A_326 = tpu.memref_slice %arg6[%add3A_40, %dma_start3A_324, %dma_start3A_325] : memref<256x512x131xf32, #tpu.memory_space<hbm>> -> memref<1x64x3xf32, #tpu.memory_space<hbm>>
      %dma_start3A_327 = tpu.memref_squeeze %dma_start3A_326 : memref<1x64x3xf32, #tpu.memory_space<hbm>> -> memref<64x3xf32, #tpu.memory_space<hbm>>
      %dma_start3A_328 = arith.constant 256 : i32
      %dma_start3A_329 = arith.constant 128 : i32
      %dma_start3A_330 = tpu.memref_slice %arg6[%add3A_40, %dma_start3A_328, %dma_start3A_329] : memref<256x512x131xf32, #tpu.memory_space<hbm>> -> memref<1x64x3xf32, #tpu.memory_space<hbm>>
      %dma_start3A_331 = tpu.memref_squeeze %dma_start3A_330 : memref<1x64x3xf32, #tpu.memory_space<hbm>> -> memref<64x3xf32, #tpu.memory_space<hbm>>
      tpu.enqueue_dma source(%arg14 : memref<64x3xf32, #tpu.memory_space<vmem>>) target(%dma_start3A_331 : memref<64x3xf32, #tpu.memory_space<hbm>>) target_semaphore(%arg17 : memref<!tpu.dma_semaphore, #tpu.memory_space<semaphore_mem>>)
      %dma_wait3A_332 = arith.constant 256 : i32
      %dma_wait3A_333 = arith.constant 0 : i32
      %dma_wait3A_334 = tpu.memref_slice %arg6[%add3A_40, %dma_wait3A_332, %dma_wait3A_333] : memref<256x512x131xf32, #tpu.memory_space<hbm>> -> memref<1x64x128xf32, #tpu.memory_space<hbm>>
      %dma_wait3A_335 = tpu.memref_squeeze %dma_wait3A_334 : memref<1x64x128xf32, #tpu.memory_space<hbm>> -> memref<64x128xf32, #tpu.memory_space<hbm>>
      %dma_wait3A_336 = arith.constant 256 : i32
      %dma_wait3A_337 = arith.constant 0 : i32
      %dma_wait3A_338 = tpu.memref_slice %arg6[%add3A_40, %dma_wait3A_336, %dma_wait3A_337] : memref<256x512x131xf32, #tpu.memory_space<hbm>> -> memref<1x64x128xf32, #tpu.memory_space<hbm>>
      %dma_wait3A_339 = tpu.memref_squeeze %dma_wait3A_338 : memref<1x64x128xf32, #tpu.memory_space<hbm>> -> memref<64x128xf32, #tpu.memory_space<hbm>>
      tpu.wait_dma2 semaphore(%arg17 : memref<!tpu.dma_semaphore, #tpu.memory_space<semaphore_mem>>) src(%arg12 : memref<64x128xf32, #tpu.memory_space<vmem>>) dst(%dma_wait3A_339 : memref<64x128xf32, #tpu.memory_space<hbm>>)
      %dma_wait3A_340 = arith.constant 256 : i32
      %dma_wait3A_341 = arith.constant 128 : i32
      %dma_wait3A_342 = tpu.memref_slice %arg6[%add3A_40, %dma_wait3A_340, %dma_wait3A_341] : memref<256x512x131xf32, #tpu.memory_space<hbm>> -> memref<1x64x3xf32, #tpu.memory_space<hbm>>
      %dma_wait3A_343 = tpu.memref_squeeze %dma_wait3A_342 : memref<1x64x3xf32, #tpu.memory_space<hbm>> -> memref<64x3xf32, #tpu.memory_space<hbm>>
      %dma_wait3A_344 = arith.constant 256 : i32
      %dma_wait3A_345 = arith.constant 128 : i32
      %dma_wait3A_346 = tpu.memref_slice %arg6[%add3A_40, %dma_wait3A_344, %dma_wait3A_345] : memref<256x512x131xf32, #tpu.memory_space<hbm>> -> memref<1x64x3xf32, #tpu.memory_space<hbm>>
      %dma_wait3A_347 = tpu.memref_squeeze %dma_wait3A_346 : memref<1x64x3xf32, #tpu.memory_space<hbm>> -> memref<64x3xf32, #tpu.memory_space<hbm>>
      tpu.wait_dma2 semaphore(%arg17 : memref<!tpu.dma_semaphore, #tpu.memory_space<semaphore_mem>>) src(%arg14 : memref<64x3xf32, #tpu.memory_space<vmem>>) dst(%dma_wait3A_347 : memref<64x3xf32, #tpu.memory_space<hbm>>)
      %dma_start3A_348 = arith.constant 384 : i32
      %dma_start3A_349 = tpu.memref_slice %arg11[%dma_start3A_348] : memref<512xi32, #tpu.memory_space<vmem>> -> memref<64xi32, #tpu.memory_space<vmem>>
      %dma_start3A_350 = arith.constant 0 : i32
      %dma_start3A_351 = arith.constant 0 : i32
      %dma_start3A_352 = tpu.memref_slice %arg5[%dma_start3A_350, %dma_start3A_351] : memref<32768x128xf32, #tpu.memory_space<hbm>> -> memref<32768x128xf32, #tpu.memory_space<hbm>>
      tpu.enqueue_indirect_dma source(%dma_start3A_352 : memref<32768x128xf32, #tpu.memory_space<hbm>>) target(%arg12 : memref<64x128xf32, #tpu.memory_space<vmem>>) offsets(%dma_start3A_349 : memref<64xi32, #tpu.memory_space<vmem>>) semaphore(%arg15 : memref<!tpu.dma_semaphore, #tpu.memory_space<semaphore_mem>>)
      %dma_wait3A_353 = arith.constant 320 : i32
      %dma_wait3A_354 = tpu.memref_slice %arg11[%dma_wait3A_353] : memref<512xi32, #tpu.memory_space<vmem>> -> memref<64xi32, #tpu.memory_space<vmem>>
      %dma_wait3A_355 = arith.constant 0 : i32
      %dma_wait3A_356 = arith.constant 0 : i32
      %dma_wait3A_357 = tpu.memref_slice %arg5[%dma_wait3A_355, %dma_wait3A_356] : memref<32768x128xf32, #tpu.memory_space<hbm>> -> memref<32768x128xf32, #tpu.memory_space<hbm>>
      tpu.wait_indirect_dma semaphore(%arg16 : memref<!tpu.dma_semaphore, #tpu.memory_space<semaphore_mem>>) src(%dma_wait3A_357 : memref<32768x128xf32, #tpu.memory_space<hbm>>) dst(%arg13 : memref<64x128xf32, #tpu.memory_space<vmem>>)
      %scan3A_358 = arith.constant 0 : i32
      %scan3A_359 = arith.constant 0 : i32
      %scan3A_360 = arith.constant 4 : i32
      %scan3A_361 = arith.addi %scan3A_359, %scan3A_360 : i32
      %scan3A_362 = arith.constant 1 : i32
      scf.for %scan3A_502 = %scan3A_359 to %scan3A_361 step %scan3A_362  : i32 {
        %mul3A_503 = arith.constant 16 : i32
        %mul3A_504 = arith.muli %scan3A_502, %mul3A_503 : i32
        %add3A_505 = vector.broadcast %mul3A_504 : i32 to vector<16xi32>
        %add3A_506 = arith.addi %iota3A, %add3A_505 : vector<16xi32>
        %add3A_507 = arith.constant 320 : i32
        %add3A_508 = vector.broadcast %add3A_507 : i32 to vector<16xi32>
        %add3A_509 = arith.addi %add3A_506, %add3A_508 : vector<16xi32>
        %eq3A_510 = arith.constant 0 : i32
        %eq3A_511 = arith.cmpi eq, %max3A_68, %eq3A_510 : i32
        %jit3A_512 = arith.constant 1 : i32
        %select_n3A_513 = arith.select %eq3A_511, %jit3A_512, %max3A_68 : i32
        %rem3A_514 = vector.broadcast %select_n3A_513 : i32 to vector<16xi32>
        %rem3A_515 = arith.remsi %add3A_509, %rem3A_514 : vector<16xi32>
        %ne3A_516 = arith.constant 0 : i32
        %ne3A_517 = vector.broadcast %ne3A_516 : i32 to vector<16xi32>
        %ne3A_518 = arith.cmpi ne, %rem3A_515, %ne3A_517 : vector<16xi32>
        %lt3A = arith.constant 0 : i32
        %lt3A_519 = vector.broadcast %lt3A : i32 to vector<16xi32>
        %lt3A_520 = arith.cmpi slt, %rem3A_515, %lt3A_519 : vector<16xi32>
        %lt3A_521 = arith.constant 0 : i32
        %lt3A_522 = arith.cmpi slt, %select_n3A_513, %lt3A_521 : i32
        %ne3A_523 = vector.broadcast %lt3A_522 : i1 to vector<16xi1>
        %ne3A_524 = vector.broadcast %ne3A_523 : vector<16xi1> to vector<16xi1>
        %ne3A_525 = arith.xori %lt3A_520, %ne3A_524 : vector<16xi1>
        %and3A_526 = arith.andi %ne3A_525, %ne3A_518 : vector<16xi1>
        %add3A_527 = vector.broadcast %select_n3A_513 : i32 to vector<16xi32>
        %add3A_528 = arith.addi %rem3A_515, %add3A_527 : vector<16xi32>
        %select_n3A_529 = arith.select %and3A_526, %add3A_528, %rem3A_515 : vector<16xi1>, vector<16xi32>
        %gather3A = tpu.vector_load_idx %arg10[%select_n3A_529] : memref<528xi32, #tpu.memory_space<vmem>>[vector<16xi32>], vector<16xi32>,
        %mul3A_530 = vector.broadcast %convert_element_type3A : i32 to vector<16xi32>
        %mul3A_531 = arith.muli %gather3A, %mul3A_530 : vector<16xi32>
        %gather3A_532 = tpu.vector_load_idx %arg7[%mul3A_531] : memref<49152xf32, #tpu.memory_space<vmem>>[vector<16xi32>], vector<16xf32>,
        %add3A_533 = arith.constant 16384 : i32
        %add3A_534 = vector.broadcast %add3A_533 : i32 to vector<16xi32>
        %add3A_535 = arith.addi %mul3A_531, %add3A_534 : vector<16xi32>
        %gather3A_536 = tpu.vector_load_idx %arg7[%add3A_535] : memref<49152xf32, #tpu.memory_space<vmem>>[vector<16xi32>], vector<16xf32>,
        %add3A_537 = arith.constant 32768 : i32
        %add3A_538 = vector.broadcast %add3A_537 : i32 to vector<16xi32>
        %add3A_539 = arith.addi %mul3A_531, %add3A_538 : vector<16xi32>
        %gather3A_540 = tpu.vector_load_idx %arg7[%add3A_539] : memref<49152xf32, #tpu.memory_space<vmem>>[vector<16xi32>], vector<16xf32>,
        %sub3A_541 = vector.broadcast %squeeze3A : f32 to vector<16xf32>
        %sub3A_542 = arith.subf %gather3A_532, %sub3A_541 : vector<16xf32>
        %sub3A_543 = vector.broadcast %squeeze3A_45 : f32 to vector<16xf32>
        %sub3A_544 = arith.subf %gather3A_536, %sub3A_543 : vector<16xf32>
        %mul3A_545 = vector.broadcast %squeeze3A_57 : f32 to vector<16xf32>
        %mul3A_546 = arith.mulf %sub3A_542, %mul3A_545 : vector<16xf32>
        %mul3A_547 = vector.broadcast %squeeze3A_59 : f32 to vector<16xf32>
        %mul3A_548 = arith.mulf %sub3A_544, %mul3A_547 : vector<16xf32>
        %add3A_549 = arith.addf %mul3A_546, %mul3A_548 : vector<16xf32>
        %mul3A_550 = vector.broadcast %convert_element_type3A_73 : f32 to vector<16xf32>
        %mul3A_551 = arith.mulf %add3A_549, %mul3A_550 : vector<16xf32>
        %mul3A_552 = vector.broadcast %squeeze3A_57 : f32 to vector<16xf32>
        %mul3A_553 = arith.mulf %sub3A_544, %mul3A_552 : vector<16xf32>
        %mul3A_554 = vector.broadcast %squeeze3A_59 : f32 to vector<16xf32>
        %mul3A_555 = arith.mulf %sub3A_542, %mul3A_554 : vector<16xf32>
        %sub3A_556 = arith.subf %mul3A_553, %mul3A_555 : vector<16xf32>
        %mul3A_557 = vector.broadcast %convert_element_type3A_73 : f32 to vector<16xf32>
        %mul3A_558 = arith.mulf %sub3A_556, %mul3A_557 : vector<16xf32>
        %sub3A_559 = vector.broadcast %squeeze3A_47 : f32 to vector<16xf32>
        %sub3A_560 = arith.subf %gather3A_540, %sub3A_559 : vector<16xf32>
        %mul3A_561 = vector.broadcast %convert_element_type3A_73 : f32 to vector<16xf32>
        %mul3A_562 = arith.mulf %sub3A_560, %mul3A_561 : vector<16xf32>
        tpu.vector_store_idx %arg13[%add3A_506, %broadcast_in_dim3A_29], %mul3A_551 masked %ge3A_31 : memref<64x128xf32, #tpu.memory_space<vmem>>[vector<16xi32>, vector<16xi32>], vector<16xf32>, vector<16xi1>
        %add3A_563 = arith.constant 1 : i32
        %add3A_564 = vector.broadcast %add3A_563 : i32 to vector<16xi32>
        %add3A_565 = arith.addi %broadcast_in_dim3A_29, %add3A_564 : vector<16xi32>
        tpu.vector_store_idx %arg13[%add3A_506, %add3A_565], %mul3A_558 masked %ge3A_31 : memref<64x128xf32, #tpu.memory_space<vmem>>[vector<16xi32>, vector<16xi32>], vector<16xf32>, vector<16xi1>
        %add3A_566 = arith.constant 2 : i32
        %add3A_567 = vector.broadcast %add3A_566 : i32 to vector<16xi32>
        %add3A_568 = arith.addi %broadcast_in_dim3A_29, %add3A_567 : vector<16xi32>
        tpu.vector_store_idx %arg13[%add3A_506, %add3A_568], %mul3A_562 masked %ge3A_31 : memref<64x128xf32, #tpu.memory_space<vmem>>[vector<16xi32>, vector<16xi32>], vector<16xf32>, vector<16xi1>
        %add3A_569 = arith.constant 0 : i32
        %add3A_570 = vector.broadcast %add3A_569 : i32 to vector<16xi32>
        %add3A_571 = arith.addi %mul3A_531, %add3A_570 : vector<16xi32>
        %gather3A_572 = tpu.vector_load_idx %arg8[%add3A_571] : memref<49152xf32, #tpu.memory_space<vmem>>[vector<16xi32>], vector<16xf32>,
        %mul3A_573 = vector.broadcast %convert_element_type3A_73 : f32 to vector<16xf32>
        %mul3A_574 = arith.mulf %gather3A_572, %mul3A_573 : vector<16xf32>
        %add3A_575 = arith.constant 0 : i32
        %add3A_576 = vector.broadcast %add3A_575 : i32 to vector<16xi32>
        %add3A_577 = arith.addi %broadcast_in_dim3A_29, %add3A_576 : vector<16xi32>
        tpu.vector_store_idx %arg14[%add3A_506, %add3A_577], %mul3A_574 masked %ge3A_31 : memref<64x3xf32, #tpu.memory_space<vmem>>[vector<16xi32>, vector<16xi32>], vector<16xf32>, vector<16xi1>
        %add3A_578 = arith.constant 16384 : i32
        %add3A_579 = vector.broadcast %add3A_578 : i32 to vector<16xi32>
        %add3A_580 = arith.addi %mul3A_531, %add3A_579 : vector<16xi32>
        %gather3A_581 = tpu.vector_load_idx %arg8[%add3A_580] : memref<49152xf32, #tpu.memory_space<vmem>>[vector<16xi32>], vector<16xf32>,
        %mul3A_582 = vector.broadcast %convert_element_type3A_73 : f32 to vector<16xf32>
        %mul3A_583 = arith.mulf %gather3A_581, %mul3A_582 : vector<16xf32>
        %add3A_584 = arith.constant 1 : i32
        %add3A_585 = vector.broadcast %add3A_584 : i32 to vector<16xi32>
        %add3A_586 = arith.addi %broadcast_in_dim3A_29, %add3A_585 : vector<16xi32>
        tpu.vector_store_idx %arg14[%add3A_506, %add3A_586], %mul3A_583 masked %ge3A_31 : memref<64x3xf32, #tpu.memory_space<vmem>>[vector<16xi32>, vector<16xi32>], vector<16xf32>, vector<16xi1>
        %add3A_587 = arith.constant 32768 : i32
        %add3A_588 = vector.broadcast %add3A_587 : i32 to vector<16xi32>
        %add3A_589 = arith.addi %mul3A_531, %add3A_588 : vector<16xi32>
        %gather3A_590 = tpu.vector_load_idx %arg8[%add3A_589] : memref<49152xf32, #tpu.memory_space<vmem>>[vector<16xi32>], vector<16xf32>,
        %mul3A_591 = vector.broadcast %convert_element_type3A_73 : f32 to vector<16xf32>
        %mul3A_592 = arith.mulf %gather3A_590, %mul3A_591 : vector<16xf32>
        %add3A_593 = arith.constant 2 : i32
        %add3A_594 = vector.broadcast %add3A_593 : i32 to vector<16xi32>
        %add3A_595 = arith.addi %broadcast_in_dim3A_29, %add3A_594 : vector<16xi32>
        tpu.vector_store_idx %arg14[%add3A_506, %add3A_595], %mul3A_592 masked %ge3A_31 : memref<64x3xf32, #tpu.memory_space<vmem>>[vector<16xi32>, vector<16xi32>], vector<16xf32>, vector<16xi1>
      }
      %scan3A_363 = arith.constant 4 : i32
      %eq3A_364 = arith.constant 0 : i32
      %eq3A_365 = arith.cmpi eq, %scan3A_66, %eq3A_364 : i32
      %convert_element_type3A_366 = arith.extui %eq3A_365 : i1 to i32
      %cond3A_367 = arith.constant 0 : i32
      %cond3A_368 = arith.cmpi ne, %convert_element_type3A_366, %cond3A_367 : i32
      scf.if %cond3A_368 {
        %broadcast_in_dim3A_502 = arith.constant 0.000000e+00 : f32
        %broadcast_in_dim3A_503 = vector.broadcast %broadcast_in_dim3A_502 : f32 to vector<16xf32>
        %scan3A_504 = arith.constant 0 : i32
        %scan3A_505 = arith.constant 0 : i32
        %scan3A_506 = arith.constant 64 : i32
        %scan3A_507 = arith.addi %scan3A_505, %scan3A_506 : i32
        %scan3A_508 = arith.constant 1 : i32
        scf.for %scan3A_510 = %scan3A_505 to %scan3A_507 step %scan3A_508  : i32 {
          %swap3A_511 = arith.index_cast %scan3A_510 : i32 to index
          %swap3A_512 = arith.constant 0 : index
          %swap3A_513 = tpu.vector_load %arg13[%swap3A_511, %swap3A_512] {strides = array<i32>} : memref<64x128xf32, #tpu.memory_space<vmem>>, vector<16xf32>,
          tpu.vector_store %arg13[%swap3A_511, %swap3A_512], %broadcast_in_dim3A_503 {strides = array<i32>} : memref<64x128xf32, #tpu.memory_space<vmem>>, vector<16xf32>,
          %swap3A_514 = arith.index_cast %scan3A_510 : i32 to index
          %swap3A_515 = arith.constant 16 : index
          %swap3A_516 = tpu.vector_load %arg13[%swap3A_514, %swap3A_515] {strides = array<i32>} : memref<64x128xf32, #tpu.memory_space<vmem>>, vector<16xf32>,
          tpu.vector_store %arg13[%swap3A_514, %swap3A_515], %broadcast_in_dim3A_503 {strides = array<i32>} : memref<64x128xf32, #tpu.memory_space<vmem>>, vector<16xf32>,
          %swap3A_517 = arith.index_cast %scan3A_510 : i32 to index
          %swap3A_518 = arith.constant 32 : index
          %swap3A_519 = tpu.vector_load %arg13[%swap3A_517, %swap3A_518] {strides = array<i32>} : memref<64x128xf32, #tpu.memory_space<vmem>>, vector<16xf32>,
          tpu.vector_store %arg13[%swap3A_517, %swap3A_518], %broadcast_in_dim3A_503 {strides = array<i32>} : memref<64x128xf32, #tpu.memory_space<vmem>>, vector<16xf32>,
          %swap3A_520 = arith.index_cast %scan3A_510 : i32 to index
          %swap3A_521 = arith.constant 48 : index
          %swap3A_522 = tpu.vector_load %arg13[%swap3A_520, %swap3A_521] {strides = array<i32>} : memref<64x128xf32, #tpu.memory_space<vmem>>, vector<16xf32>,
          tpu.vector_store %arg13[%swap3A_520, %swap3A_521], %broadcast_in_dim3A_503 {strides = array<i32>} : memref<64x128xf32, #tpu.memory_space<vmem>>, vector<16xf32>,
          %swap3A_523 = arith.index_cast %scan3A_510 : i32 to index
          %swap3A_524 = arith.constant 64 : index
          %swap3A_525 = tpu.vector_load %arg13[%swap3A_523, %swap3A_524] {strides = array<i32>} : memref<64x128xf32, #tpu.memory_space<vmem>>, vector<16xf32>,
          tpu.vector_store %arg13[%swap3A_523, %swap3A_524], %broadcast_in_dim3A_503 {strides = array<i32>} : memref<64x128xf32, #tpu.memory_space<vmem>>, vector<16xf32>,
          %swap3A_526 = arith.index_cast %scan3A_510 : i32 to index
          %swap3A_527 = arith.constant 80 : index
          %swap3A_528 = tpu.vector_load %arg13[%swap3A_526, %swap3A_527] {strides = array<i32>} : memref<64x128xf32, #tpu.memory_space<vmem>>, vector<16xf32>,
          tpu.vector_store %arg13[%swap3A_526, %swap3A_527], %broadcast_in_dim3A_503 {strides = array<i32>} : memref<64x128xf32, #tpu.memory_space<vmem>>, vector<16xf32>,
          %swap3A_529 = arith.index_cast %scan3A_510 : i32 to index
          %swap3A_530 = arith.constant 96 : index
          %swap3A_531 = tpu.vector_load %arg13[%swap3A_529, %swap3A_530] {strides = array<i32>} : memref<64x128xf32, #tpu.memory_space<vmem>>, vector<16xf32>,
          tpu.vector_store %arg13[%swap3A_529, %swap3A_530], %broadcast_in_dim3A_503 {strides = array<i32>} : memref<64x128xf32, #tpu.memory_space<vmem>>, vector<16xf32>,
          %swap3A_532 = arith.index_cast %scan3A_510 : i32 to index
          %swap3A_533 = arith.constant 112 : index
          %swap3A_534 = tpu.vector_load %arg13[%swap3A_532, %swap3A_533] {strides = array<i32>} : memref<64x128xf32, #tpu.memory_space<vmem>>, vector<16xf32>,
          tpu.vector_store %arg13[%swap3A_532, %swap3A_533], %broadcast_in_dim3A_503 {strides = array<i32>} : memref<64x128xf32, #tpu.memory_space<vmem>>, vector<16xf32>,
        }
        %scan3A_509 = arith.constant 64 : i32
      } else {
      }
      %dma_start3A_369 = arith.constant 320 : i32
      %dma_start3A_370 = arith.constant 0 : i32
      %dma_start3A_371 = tpu.memref_slice %arg6[%add3A_40, %dma_start3A_369, %dma_start3A_370] : memref<256x512x131xf32, #tpu.memory_space<hbm>> -> memref<1x64x128xf32, #tpu.memory_space<hbm>>
      %dma_start3A_372 = tpu.memref_squeeze %dma_start3A_371 : memref<1x64x128xf32, #tpu.memory_space<hbm>> -> memref<64x128xf32, #tpu.memory_space<hbm>>
      %dma_start3A_373 = arith.constant 320 : i32
      %dma_start3A_374 = arith.constant 0 : i32
      %dma_start3A_375 = tpu.memref_slice %arg6[%add3A_40, %dma_start3A_373, %dma_start3A_374] : memref<256x512x131xf32, #tpu.memory_space<hbm>> -> memref<1x64x128xf32, #tpu.memory_space<hbm>>
      %dma_start3A_376 = tpu.memref_squeeze %dma_start3A_375 : memref<1x64x128xf32, #tpu.memory_space<hbm>> -> memref<64x128xf32, #tpu.memory_space<hbm>>
      tpu.enqueue_dma source(%arg13 : memref<64x128xf32, #tpu.memory_space<vmem>>) target(%dma_start3A_376 : memref<64x128xf32, #tpu.memory_space<hbm>>) target_semaphore(%arg17 : memref<!tpu.dma_semaphore, #tpu.memory_space<semaphore_mem>>)
      %dma_start3A_377 = arith.constant 320 : i32
      %dma_start3A_378 = arith.constant 128 : i32
      %dma_start3A_379 = tpu.memref_slice %arg6[%add3A_40, %dma_start3A_377, %dma_start3A_378] : memref<256x512x131xf32, #tpu.memory_space<hbm>> -> memref<1x64x3xf32, #tpu.memory_space<hbm>>
      %dma_start3A_380 = tpu.memref_squeeze %dma_start3A_379 : memref<1x64x3xf32, #tpu.memory_space<hbm>> -> memref<64x3xf32, #tpu.memory_space<hbm>>
      %dma_start3A_381 = arith.constant 320 : i32
      %dma_start3A_382 = arith.constant 128 : i32
      %dma_start3A_383 = tpu.memref_slice %arg6[%add3A_40, %dma_start3A_381, %dma_start3A_382] : memref<256x512x131xf32, #tpu.memory_space<hbm>> -> memref<1x64x3xf32, #tpu.memory_space<hbm>>
      %dma_start3A_384 = tpu.memref_squeeze %dma_start3A_383 : memref<1x64x3xf32, #tpu.memory_space<hbm>> -> memref<64x3xf32, #tpu.memory_space<hbm>>
      tpu.enqueue_dma source(%arg14 : memref<64x3xf32, #tpu.memory_space<vmem>>) target(%dma_start3A_384 : memref<64x3xf32, #tpu.memory_space<hbm>>) target_semaphore(%arg17 : memref<!tpu.dma_semaphore, #tpu.memory_space<semaphore_mem>>)
      %dma_wait3A_385 = arith.constant 320 : i32
      %dma_wait3A_386 = arith.constant 0 : i32
      %dma_wait3A_387 = tpu.memref_slice %arg6[%add3A_40, %dma_wait3A_385, %dma_wait3A_386] : memref<256x512x131xf32, #tpu.memory_space<hbm>> -> memref<1x64x128xf32, #tpu.memory_space<hbm>>
      %dma_wait3A_388 = tpu.memref_squeeze %dma_wait3A_387 : memref<1x64x128xf32, #tpu.memory_space<hbm>> -> memref<64x128xf32, #tpu.memory_space<hbm>>
      %dma_wait3A_389 = arith.constant 320 : i32
      %dma_wait3A_390 = arith.constant 0 : i32
      %dma_wait3A_391 = tpu.memref_slice %arg6[%add3A_40, %dma_wait3A_389, %dma_wait3A_390] : memref<256x512x131xf32, #tpu.memory_space<hbm>> -> memref<1x64x128xf32, #tpu.memory_space<hbm>>
      %dma_wait3A_392 = tpu.memref_squeeze %dma_wait3A_391 : memref<1x64x128xf32, #tpu.memory_space<hbm>> -> memref<64x128xf32, #tpu.memory_space<hbm>>
      tpu.wait_dma2 semaphore(%arg17 : memref<!tpu.dma_semaphore, #tpu.memory_space<semaphore_mem>>) src(%arg13 : memref<64x128xf32, #tpu.memory_space<vmem>>) dst(%dma_wait3A_392 : memref<64x128xf32, #tpu.memory_space<hbm>>)
      %dma_wait3A_393 = arith.constant 320 : i32
      %dma_wait3A_394 = arith.constant 128 : i32
      %dma_wait3A_395 = tpu.memref_slice %arg6[%add3A_40, %dma_wait3A_393, %dma_wait3A_394] : memref<256x512x131xf32, #tpu.memory_space<hbm>> -> memref<1x64x3xf32, #tpu.memory_space<hbm>>
      %dma_wait3A_396 = tpu.memref_squeeze %dma_wait3A_395 : memref<1x64x3xf32, #tpu.memory_space<hbm>> -> memref<64x3xf32, #tpu.memory_space<hbm>>
      %dma_wait3A_397 = arith.constant 320 : i32
      %dma_wait3A_398 = arith.constant 128 : i32
      %dma_wait3A_399 = tpu.memref_slice %arg6[%add3A_40, %dma_wait3A_397, %dma_wait3A_398] : memref<256x512x131xf32, #tpu.memory_space<hbm>> -> memref<1x64x3xf32, #tpu.memory_space<hbm>>
      %dma_wait3A_400 = tpu.memref_squeeze %dma_wait3A_399 : memref<1x64x3xf32, #tpu.memory_space<hbm>> -> memref<64x3xf32, #tpu.memory_space<hbm>>
      tpu.wait_dma2 semaphore(%arg17 : memref<!tpu.dma_semaphore, #tpu.memory_space<semaphore_mem>>) src(%arg14 : memref<64x3xf32, #tpu.memory_space<vmem>>) dst(%dma_wait3A_400 : memref<64x3xf32, #tpu.memory_space<hbm>>)
      %dma_start3A_401 = arith.constant 448 : i32
      %dma_start3A_402 = tpu.memref_slice %arg11[%dma_start3A_401] : memref<512xi32, #tpu.memory_space<vmem>> -> memref<64xi32, #tpu.memory_space<vmem>>
      %dma_start3A_403 = arith.constant 0 : i32
      %dma_start3A_404 = arith.constant 0 : i32
      %dma_start3A_405 = tpu.memref_slice %arg5[%dma_start3A_403, %dma_start3A_404] : memref<32768x128xf32, #tpu.memory_space<hbm>> -> memref<32768x128xf32, #tpu.memory_space<hbm>>
      tpu.enqueue_indirect_dma source(%dma_start3A_405 : memref<32768x128xf32, #tpu.memory_space<hbm>>) target(%arg13 : memref<64x128xf32, #tpu.memory_space<vmem>>) offsets(%dma_start3A_402 : memref<64xi32, #tpu.memory_space<vmem>>) semaphore(%arg16 : memref<!tpu.dma_semaphore, #tpu.memory_space<semaphore_mem>>)
      %dma_wait3A_406 = arith.constant 384 : i32
      %dma_wait3A_407 = tpu.memref_slice %arg11[%dma_wait3A_406] : memref<512xi32, #tpu.memory_space<vmem>> -> memref<64xi32, #tpu.memory_space<vmem>>
      %dma_wait3A_408 = arith.constant 0 : i32
      %dma_wait3A_409 = arith.constant 0 : i32
      %dma_wait3A_410 = tpu.memref_slice %arg5[%dma_wait3A_408, %dma_wait3A_409] : memref<32768x128xf32, #tpu.memory_space<hbm>> -> memref<32768x128xf32, #tpu.memory_space<hbm>>
      tpu.wait_indirect_dma semaphore(%arg15 : memref<!tpu.dma_semaphore, #tpu.memory_space<semaphore_mem>>) src(%dma_wait3A_410 : memref<32768x128xf32, #tpu.memory_space<hbm>>) dst(%arg12 : memref<64x128xf32, #tpu.memory_space<vmem>>)
      %scan3A_411 = arith.constant 0 : i32
      %scan3A_412 = arith.constant 0 : i32
      %scan3A_413 = arith.constant 4 : i32
      %scan3A_414 = arith.addi %scan3A_412, %scan3A_413 : i32
      %scan3A_415 = arith.constant 1 : i32
      scf.for %scan3A_502 = %scan3A_412 to %scan3A_414 step %scan3A_415  : i32 {
        %mul3A_503 = arith.constant 16 : i32
        %mul3A_504 = arith.muli %scan3A_502, %mul3A_503 : i32
        %add3A_505 = vector.broadcast %mul3A_504 : i32 to vector<16xi32>
        %add3A_506 = arith.addi %iota3A, %add3A_505 : vector<16xi32>
        %add3A_507 = arith.constant 384 : i32
        %add3A_508 = vector.broadcast %add3A_507 : i32 to vector<16xi32>
        %add3A_509 = arith.addi %add3A_506, %add3A_508 : vector<16xi32>
        %eq3A_510 = arith.constant 0 : i32
        %eq3A_511 = arith.cmpi eq, %max3A_68, %eq3A_510 : i32
        %jit3A_512 = arith.constant 1 : i32
        %select_n3A_513 = arith.select %eq3A_511, %jit3A_512, %max3A_68 : i32
        %rem3A_514 = vector.broadcast %select_n3A_513 : i32 to vector<16xi32>
        %rem3A_515 = arith.remsi %add3A_509, %rem3A_514 : vector<16xi32>
        %ne3A_516 = arith.constant 0 : i32
        %ne3A_517 = vector.broadcast %ne3A_516 : i32 to vector<16xi32>
        %ne3A_518 = arith.cmpi ne, %rem3A_515, %ne3A_517 : vector<16xi32>
        %lt3A = arith.constant 0 : i32
        %lt3A_519 = vector.broadcast %lt3A : i32 to vector<16xi32>
        %lt3A_520 = arith.cmpi slt, %rem3A_515, %lt3A_519 : vector<16xi32>
        %lt3A_521 = arith.constant 0 : i32
        %lt3A_522 = arith.cmpi slt, %select_n3A_513, %lt3A_521 : i32
        %ne3A_523 = vector.broadcast %lt3A_522 : i1 to vector<16xi1>
        %ne3A_524 = vector.broadcast %ne3A_523 : vector<16xi1> to vector<16xi1>
        %ne3A_525 = arith.xori %lt3A_520, %ne3A_524 : vector<16xi1>
        %and3A_526 = arith.andi %ne3A_525, %ne3A_518 : vector<16xi1>
        %add3A_527 = vector.broadcast %select_n3A_513 : i32 to vector<16xi32>
        %add3A_528 = arith.addi %rem3A_515, %add3A_527 : vector<16xi32>
        %select_n3A_529 = arith.select %and3A_526, %add3A_528, %rem3A_515 : vector<16xi1>, vector<16xi32>
        %gather3A = tpu.vector_load_idx %arg10[%select_n3A_529] : memref<528xi32, #tpu.memory_space<vmem>>[vector<16xi32>], vector<16xi32>,
        %mul3A_530 = vector.broadcast %convert_element_type3A : i32 to vector<16xi32>
        %mul3A_531 = arith.muli %gather3A, %mul3A_530 : vector<16xi32>
        %gather3A_532 = tpu.vector_load_idx %arg7[%mul3A_531] : memref<49152xf32, #tpu.memory_space<vmem>>[vector<16xi32>], vector<16xf32>,
        %add3A_533 = arith.constant 16384 : i32
        %add3A_534 = vector.broadcast %add3A_533 : i32 to vector<16xi32>
        %add3A_535 = arith.addi %mul3A_531, %add3A_534 : vector<16xi32>
        %gather3A_536 = tpu.vector_load_idx %arg7[%add3A_535] : memref<49152xf32, #tpu.memory_space<vmem>>[vector<16xi32>], vector<16xf32>,
        %add3A_537 = arith.constant 32768 : i32
        %add3A_538 = vector.broadcast %add3A_537 : i32 to vector<16xi32>
        %add3A_539 = arith.addi %mul3A_531, %add3A_538 : vector<16xi32>
        %gather3A_540 = tpu.vector_load_idx %arg7[%add3A_539] : memref<49152xf32, #tpu.memory_space<vmem>>[vector<16xi32>], vector<16xf32>,
        %sub3A_541 = vector.broadcast %squeeze3A : f32 to vector<16xf32>
        %sub3A_542 = arith.subf %gather3A_532, %sub3A_541 : vector<16xf32>
        %sub3A_543 = vector.broadcast %squeeze3A_45 : f32 to vector<16xf32>
        %sub3A_544 = arith.subf %gather3A_536, %sub3A_543 : vector<16xf32>
        %mul3A_545 = vector.broadcast %squeeze3A_57 : f32 to vector<16xf32>
        %mul3A_546 = arith.mulf %sub3A_542, %mul3A_545 : vector<16xf32>
        %mul3A_547 = vector.broadcast %squeeze3A_59 : f32 to vector<16xf32>
        %mul3A_548 = arith.mulf %sub3A_544, %mul3A_547 : vector<16xf32>
        %add3A_549 = arith.addf %mul3A_546, %mul3A_548 : vector<16xf32>
        %mul3A_550 = vector.broadcast %convert_element_type3A_73 : f32 to vector<16xf32>
        %mul3A_551 = arith.mulf %add3A_549, %mul3A_550 : vector<16xf32>
        %mul3A_552 = vector.broadcast %squeeze3A_57 : f32 to vector<16xf32>
        %mul3A_553 = arith.mulf %sub3A_544, %mul3A_552 : vector<16xf32>
        %mul3A_554 = vector.broadcast %squeeze3A_59 : f32 to vector<16xf32>
        %mul3A_555 = arith.mulf %sub3A_542, %mul3A_554 : vector<16xf32>
        %sub3A_556 = arith.subf %mul3A_553, %mul3A_555 : vector<16xf32>
        %mul3A_557 = vector.broadcast %convert_element_type3A_73 : f32 to vector<16xf32>
        %mul3A_558 = arith.mulf %sub3A_556, %mul3A_557 : vector<16xf32>
        %sub3A_559 = vector.broadcast %squeeze3A_47 : f32 to vector<16xf32>
        %sub3A_560 = arith.subf %gather3A_540, %sub3A_559 : vector<16xf32>
        %mul3A_561 = vector.broadcast %convert_element_type3A_73 : f32 to vector<16xf32>
        %mul3A_562 = arith.mulf %sub3A_560, %mul3A_561 : vector<16xf32>
        tpu.vector_store_idx %arg12[%add3A_506, %broadcast_in_dim3A_29], %mul3A_551 masked %ge3A_31 : memref<64x128xf32, #tpu.memory_space<vmem>>[vector<16xi32>, vector<16xi32>], vector<16xf32>, vector<16xi1>
        %add3A_563 = arith.constant 1 : i32
        %add3A_564 = vector.broadcast %add3A_563 : i32 to vector<16xi32>
        %add3A_565 = arith.addi %broadcast_in_dim3A_29, %add3A_564 : vector<16xi32>
        tpu.vector_store_idx %arg12[%add3A_506, %add3A_565], %mul3A_558 masked %ge3A_31 : memref<64x128xf32, #tpu.memory_space<vmem>>[vector<16xi32>, vector<16xi32>], vector<16xf32>, vector<16xi1>
        %add3A_566 = arith.constant 2 : i32
        %add3A_567 = vector.broadcast %add3A_566 : i32 to vector<16xi32>
        %add3A_568 = arith.addi %broadcast_in_dim3A_29, %add3A_567 : vector<16xi32>
        tpu.vector_store_idx %arg12[%add3A_506, %add3A_568], %mul3A_562 masked %ge3A_31 : memref<64x128xf32, #tpu.memory_space<vmem>>[vector<16xi32>, vector<16xi32>], vector<16xf32>, vector<16xi1>
        %add3A_569 = arith.constant 0 : i32
        %add3A_570 = vector.broadcast %add3A_569 : i32 to vector<16xi32>
        %add3A_571 = arith.addi %mul3A_531, %add3A_570 : vector<16xi32>
        %gather3A_572 = tpu.vector_load_idx %arg8[%add3A_571] : memref<49152xf32, #tpu.memory_space<vmem>>[vector<16xi32>], vector<16xf32>,
        %mul3A_573 = vector.broadcast %convert_element_type3A_73 : f32 to vector<16xf32>
        %mul3A_574 = arith.mulf %gather3A_572, %mul3A_573 : vector<16xf32>
        %add3A_575 = arith.constant 0 : i32
        %add3A_576 = vector.broadcast %add3A_575 : i32 to vector<16xi32>
        %add3A_577 = arith.addi %broadcast_in_dim3A_29, %add3A_576 : vector<16xi32>
        tpu.vector_store_idx %arg14[%add3A_506, %add3A_577], %mul3A_574 masked %ge3A_31 : memref<64x3xf32, #tpu.memory_space<vmem>>[vector<16xi32>, vector<16xi32>], vector<16xf32>, vector<16xi1>
        %add3A_578 = arith.constant 16384 : i32
        %add3A_579 = vector.broadcast %add3A_578 : i32 to vector<16xi32>
        %add3A_580 = arith.addi %mul3A_531, %add3A_579 : vector<16xi32>
        %gather3A_581 = tpu.vector_load_idx %arg8[%add3A_580] : memref<49152xf32, #tpu.memory_space<vmem>>[vector<16xi32>], vector<16xf32>,
        %mul3A_582 = vector.broadcast %convert_element_type3A_73 : f32 to vector<16xf32>
        %mul3A_583 = arith.mulf %gather3A_581, %mul3A_582 : vector<16xf32>
        %add3A_584 = arith.constant 1 : i32
        %add3A_585 = vector.broadcast %add3A_584 : i32 to vector<16xi32>
        %add3A_586 = arith.addi %broadcast_in_dim3A_29, %add3A_585 : vector<16xi32>
        tpu.vector_store_idx %arg14[%add3A_506, %add3A_586], %mul3A_583 masked %ge3A_31 : memref<64x3xf32, #tpu.memory_space<vmem>>[vector<16xi32>, vector<16xi32>], vector<16xf32>, vector<16xi1>
        %add3A_587 = arith.constant 32768 : i32
        %add3A_588 = vector.broadcast %add3A_587 : i32 to vector<16xi32>
        %add3A_589 = arith.addi %mul3A_531, %add3A_588 : vector<16xi32>
        %gather3A_590 = tpu.vector_load_idx %arg8[%add3A_589] : memref<49152xf32, #tpu.memory_space<vmem>>[vector<16xi32>], vector<16xf32>,
        %mul3A_591 = vector.broadcast %convert_element_type3A_73 : f32 to vector<16xf32>
        %mul3A_592 = arith.mulf %gather3A_590, %mul3A_591 : vector<16xf32>
        %add3A_593 = arith.constant 2 : i32
        %add3A_594 = vector.broadcast %add3A_593 : i32 to vector<16xi32>
        %add3A_595 = arith.addi %broadcast_in_dim3A_29, %add3A_594 : vector<16xi32>
        tpu.vector_store_idx %arg14[%add3A_506, %add3A_595], %mul3A_592 masked %ge3A_31 : memref<64x3xf32, #tpu.memory_space<vmem>>[vector<16xi32>, vector<16xi32>], vector<16xf32>, vector<16xi1>
      }
      %scan3A_416 = arith.constant 4 : i32
      %eq3A_417 = arith.constant 0 : i32
      %eq3A_418 = arith.cmpi eq, %scan3A_66, %eq3A_417 : i32
      %convert_element_type3A_419 = arith.extui %eq3A_418 : i1 to i32
      %cond3A_420 = arith.constant 0 : i32
      %cond3A_421 = arith.cmpi ne, %convert_element_type3A_419, %cond3A_420 : i32
      scf.if %cond3A_421 {
        %broadcast_in_dim3A_502 = arith.constant 0.000000e+00 : f32
        %broadcast_in_dim3A_503 = vector.broadcast %broadcast_in_dim3A_502 : f32 to vector<16xf32>
        %scan3A_504 = arith.constant 0 : i32
        %scan3A_505 = arith.constant 0 : i32
        %scan3A_506 = arith.constant 64 : i32
        %scan3A_507 = arith.addi %scan3A_505, %scan3A_506 : i32
        %scan3A_508 = arith.constant 1 : i32
        scf.for %scan3A_510 = %scan3A_505 to %scan3A_507 step %scan3A_508  : i32 {
          %swap3A_511 = arith.index_cast %scan3A_510 : i32 to index
          %swap3A_512 = arith.constant 0 : index
          %swap3A_513 = tpu.vector_load %arg12[%swap3A_511, %swap3A_512] {strides = array<i32>} : memref<64x128xf32, #tpu.memory_space<vmem>>, vector<16xf32>,
          tpu.vector_store %arg12[%swap3A_511, %swap3A_512], %broadcast_in_dim3A_503 {strides = array<i32>} : memref<64x128xf32, #tpu.memory_space<vmem>>, vector<16xf32>,
          %swap3A_514 = arith.index_cast %scan3A_510 : i32 to index
          %swap3A_515 = arith.constant 16 : index
          %swap3A_516 = tpu.vector_load %arg12[%swap3A_514, %swap3A_515] {strides = array<i32>} : memref<64x128xf32, #tpu.memory_space<vmem>>, vector<16xf32>,
          tpu.vector_store %arg12[%swap3A_514, %swap3A_515], %broadcast_in_dim3A_503 {strides = array<i32>} : memref<64x128xf32, #tpu.memory_space<vmem>>, vector<16xf32>,
          %swap3A_517 = arith.index_cast %scan3A_510 : i32 to index
          %swap3A_518 = arith.constant 32 : index
          %swap3A_519 = tpu.vector_load %arg12[%swap3A_517, %swap3A_518] {strides = array<i32>} : memref<64x128xf32, #tpu.memory_space<vmem>>, vector<16xf32>,
          tpu.vector_store %arg12[%swap3A_517, %swap3A_518], %broadcast_in_dim3A_503 {strides = array<i32>} : memref<64x128xf32, #tpu.memory_space<vmem>>, vector<16xf32>,
          %swap3A_520 = arith.index_cast %scan3A_510 : i32 to index
          %swap3A_521 = arith.constant 48 : index
          %swap3A_522 = tpu.vector_load %arg12[%swap3A_520, %swap3A_521] {strides = array<i32>} : memref<64x128xf32, #tpu.memory_space<vmem>>, vector<16xf32>,
          tpu.vector_store %arg12[%swap3A_520, %swap3A_521], %broadcast_in_dim3A_503 {strides = array<i32>} : memref<64x128xf32, #tpu.memory_space<vmem>>, vector<16xf32>,
          %swap3A_523 = arith.index_cast %scan3A_510 : i32 to index
          %swap3A_524 = arith.constant 64 : index
          %swap3A_525 = tpu.vector_load %arg12[%swap3A_523, %swap3A_524] {strides = array<i32>} : memref<64x128xf32, #tpu.memory_space<vmem>>, vector<16xf32>,
          tpu.vector_store %arg12[%swap3A_523, %swap3A_524], %broadcast_in_dim3A_503 {strides = array<i32>} : memref<64x128xf32, #tpu.memory_space<vmem>>, vector<16xf32>,
          %swap3A_526 = arith.index_cast %scan3A_510 : i32 to index
          %swap3A_527 = arith.constant 80 : index
          %swap3A_528 = tpu.vector_load %arg12[%swap3A_526, %swap3A_527] {strides = array<i32>} : memref<64x128xf32, #tpu.memory_space<vmem>>, vector<16xf32>,
          tpu.vector_store %arg12[%swap3A_526, %swap3A_527], %broadcast_in_dim3A_503 {strides = array<i32>} : memref<64x128xf32, #tpu.memory_space<vmem>>, vector<16xf32>,
          %swap3A_529 = arith.index_cast %scan3A_510 : i32 to index
          %swap3A_530 = arith.constant 96 : index
          %swap3A_531 = tpu.vector_load %arg12[%swap3A_529, %swap3A_530] {strides = array<i32>} : memref<64x128xf32, #tpu.memory_space<vmem>>, vector<16xf32>,
          tpu.vector_store %arg12[%swap3A_529, %swap3A_530], %broadcast_in_dim3A_503 {strides = array<i32>} : memref<64x128xf32, #tpu.memory_space<vmem>>, vector<16xf32>,
          %swap3A_532 = arith.index_cast %scan3A_510 : i32 to index
          %swap3A_533 = arith.constant 112 : index
          %swap3A_534 = tpu.vector_load %arg12[%swap3A_532, %swap3A_533] {strides = array<i32>} : memref<64x128xf32, #tpu.memory_space<vmem>>, vector<16xf32>,
          tpu.vector_store %arg12[%swap3A_532, %swap3A_533], %broadcast_in_dim3A_503 {strides = array<i32>} : memref<64x128xf32, #tpu.memory_space<vmem>>, vector<16xf32>,
        }
        %scan3A_509 = arith.constant 64 : i32
      } else {
      }
      %dma_start3A_422 = arith.constant 384 : i32
      %dma_start3A_423 = arith.constant 0 : i32
      %dma_start3A_424 = tpu.memref_slice %arg6[%add3A_40, %dma_start3A_422, %dma_start3A_423] : memref<256x512x131xf32, #tpu.memory_space<hbm>> -> memref<1x64x128xf32, #tpu.memory_space<hbm>>
      %dma_start3A_425 = tpu.memref_squeeze %dma_start3A_424 : memref<1x64x128xf32, #tpu.memory_space<hbm>> -> memref<64x128xf32, #tpu.memory_space<hbm>>
      %dma_start3A_426 = arith.constant 384 : i32
      %dma_start3A_427 = arith.constant 0 : i32
      %dma_start3A_428 = tpu.memref_slice %arg6[%add3A_40, %dma_start3A_426, %dma_start3A_427] : memref<256x512x131xf32, #tpu.memory_space<hbm>> -> memref<1x64x128xf32, #tpu.memory_space<hbm>>
      %dma_start3A_429 = tpu.memref_squeeze %dma_start3A_428 : memref<1x64x128xf32, #tpu.memory_space<hbm>> -> memref<64x128xf32, #tpu.memory_space<hbm>>
      tpu.enqueue_dma source(%arg12 : memref<64x128xf32, #tpu.memory_space<vmem>>) target(%dma_start3A_429 : memref<64x128xf32, #tpu.memory_space<hbm>>) target_semaphore(%arg17 : memref<!tpu.dma_semaphore, #tpu.memory_space<semaphore_mem>>)
      %dma_start3A_430 = arith.constant 384 : i32
      %dma_start3A_431 = arith.constant 128 : i32
      %dma_start3A_432 = tpu.memref_slice %arg6[%add3A_40, %dma_start3A_430, %dma_start3A_431] : memref<256x512x131xf32, #tpu.memory_space<hbm>> -> memref<1x64x3xf32, #tpu.memory_space<hbm>>
      %dma_start3A_433 = tpu.memref_squeeze %dma_start3A_432 : memref<1x64x3xf32, #tpu.memory_space<hbm>> -> memref<64x3xf32, #tpu.memory_space<hbm>>
      %dma_start3A_434 = arith.constant 384 : i32
      %dma_start3A_435 = arith.constant 128 : i32
      %dma_start3A_436 = tpu.memref_slice %arg6[%add3A_40, %dma_start3A_434, %dma_start3A_435] : memref<256x512x131xf32, #tpu.memory_space<hbm>> -> memref<1x64x3xf32, #tpu.memory_space<hbm>>
      %dma_start3A_437 = tpu.memref_squeeze %dma_start3A_436 : memref<1x64x3xf32, #tpu.memory_space<hbm>> -> memref<64x3xf32, #tpu.memory_space<hbm>>
      tpu.enqueue_dma source(%arg14 : memref<64x3xf32, #tpu.memory_space<vmem>>) target(%dma_start3A_437 : memref<64x3xf32, #tpu.memory_space<hbm>>) target_semaphore(%arg17 : memref<!tpu.dma_semaphore, #tpu.memory_space<semaphore_mem>>)
      %dma_wait3A_438 = arith.constant 384 : i32
      %dma_wait3A_439 = arith.constant 0 : i32
      %dma_wait3A_440 = tpu.memref_slice %arg6[%add3A_40, %dma_wait3A_438, %dma_wait3A_439] : memref<256x512x131xf32, #tpu.memory_space<hbm>> -> memref<1x64x128xf32, #tpu.memory_space<hbm>>
      %dma_wait3A_441 = tpu.memref_squeeze %dma_wait3A_440 : memref<1x64x128xf32, #tpu.memory_space<hbm>> -> memref<64x128xf32, #tpu.memory_space<hbm>>
      %dma_wait3A_442 = arith.constant 384 : i32
      %dma_wait3A_443 = arith.constant 0 : i32
      %dma_wait3A_444 = tpu.memref_slice %arg6[%add3A_40, %dma_wait3A_442, %dma_wait3A_443] : memref<256x512x131xf32, #tpu.memory_space<hbm>> -> memref<1x64x128xf32, #tpu.memory_space<hbm>>
      %dma_wait3A_445 = tpu.memref_squeeze %dma_wait3A_444 : memref<1x64x128xf32, #tpu.memory_space<hbm>> -> memref<64x128xf32, #tpu.memory_space<hbm>>
      tpu.wait_dma2 semaphore(%arg17 : memref<!tpu.dma_semaphore, #tpu.memory_space<semaphore_mem>>) src(%arg12 : memref<64x128xf32, #tpu.memory_space<vmem>>) dst(%dma_wait3A_445 : memref<64x128xf32, #tpu.memory_space<hbm>>)
      %dma_wait3A_446 = arith.constant 384 : i32
      %dma_wait3A_447 = arith.constant 128 : i32
      %dma_wait3A_448 = tpu.memref_slice %arg6[%add3A_40, %dma_wait3A_446, %dma_wait3A_447] : memref<256x512x131xf32, #tpu.memory_space<hbm>> -> memref<1x64x3xf32, #tpu.memory_space<hbm>>
      %dma_wait3A_449 = tpu.memref_squeeze %dma_wait3A_448 : memref<1x64x3xf32, #tpu.memory_space<hbm>> -> memref<64x3xf32, #tpu.memory_space<hbm>>
      %dma_wait3A_450 = arith.constant 384 : i32
      %dma_wait3A_451 = arith.constant 128 : i32
      %dma_wait3A_452 = tpu.memref_slice %arg6[%add3A_40, %dma_wait3A_450, %dma_wait3A_451] : memref<256x512x131xf32, #tpu.memory_space<hbm>> -> memref<1x64x3xf32, #tpu.memory_space<hbm>>
      %dma_wait3A_453 = tpu.memref_squeeze %dma_wait3A_452 : memref<1x64x3xf32, #tpu.memory_space<hbm>> -> memref<64x3xf32, #tpu.memory_space<hbm>>
      tpu.wait_dma2 semaphore(%arg17 : memref<!tpu.dma_semaphore, #tpu.memory_space<semaphore_mem>>) src(%arg14 : memref<64x3xf32, #tpu.memory_space<vmem>>) dst(%dma_wait3A_453 : memref<64x3xf32, #tpu.memory_space<hbm>>)
      %dma_wait3A_454 = arith.constant 448 : i32
      %dma_wait3A_455 = tpu.memref_slice %arg11[%dma_wait3A_454] : memref<512xi32, #tpu.memory_space<vmem>> -> memref<64xi32, #tpu.memory_space<vmem>>
      %dma_wait3A_456 = arith.constant 0 : i32
      %dma_wait3A_457 = arith.constant 0 : i32
      %dma_wait3A_458 = tpu.memref_slice %arg5[%dma_wait3A_456, %dma_wait3A_457] : memref<32768x128xf32, #tpu.memory_space<hbm>> -> memref<32768x128xf32, #tpu.memory_space<hbm>>
      tpu.wait_indirect_dma semaphore(%arg16 : memref<!tpu.dma_semaphore, #tpu.memory_space<semaphore_mem>>) src(%dma_wait3A_458 : memref<32768x128xf32, #tpu.memory_space<hbm>>) dst(%arg13 : memref<64x128xf32, #tpu.memory_space<vmem>>)
      %scan3A_459 = arith.constant 0 : i32
      %scan3A_460 = arith.constant 0 : i32
      %scan3A_461 = arith.constant 4 : i32
      %scan3A_462 = arith.addi %scan3A_460, %scan3A_461 : i32
      %scan3A_463 = arith.constant 1 : i32
      scf.for %scan3A_502 = %scan3A_460 to %scan3A_462 step %scan3A_463  : i32 {
        %mul3A_503 = arith.constant 16 : i32
        %mul3A_504 = arith.muli %scan3A_502, %mul3A_503 : i32
        %add3A_505 = vector.broadcast %mul3A_504 : i32 to vector<16xi32>
        %add3A_506 = arith.addi %iota3A, %add3A_505 : vector<16xi32>
        %add3A_507 = arith.constant 448 : i32
        %add3A_508 = vector.broadcast %add3A_507 : i32 to vector<16xi32>
        %add3A_509 = arith.addi %add3A_506, %add3A_508 : vector<16xi32>
        %eq3A_510 = arith.constant 0 : i32
        %eq3A_511 = arith.cmpi eq, %max3A_68, %eq3A_510 : i32
        %jit3A_512 = arith.constant 1 : i32
        %select_n3A_513 = arith.select %eq3A_511, %jit3A_512, %max3A_68 : i32
        %rem3A_514 = vector.broadcast %select_n3A_513 : i32 to vector<16xi32>
        %rem3A_515 = arith.remsi %add3A_509, %rem3A_514 : vector<16xi32>
        %ne3A_516 = arith.constant 0 : i32
        %ne3A_517 = vector.broadcast %ne3A_516 : i32 to vector<16xi32>
        %ne3A_518 = arith.cmpi ne, %rem3A_515, %ne3A_517 : vector<16xi32>
        %lt3A = arith.constant 0 : i32
        %lt3A_519 = vector.broadcast %lt3A : i32 to vector<16xi32>
        %lt3A_520 = arith.cmpi slt, %rem3A_515, %lt3A_519 : vector<16xi32>
        %lt3A_521 = arith.constant 0 : i32
        %lt3A_522 = arith.cmpi slt, %select_n3A_513, %lt3A_521 : i32
        %ne3A_523 = vector.broadcast %lt3A_522 : i1 to vector<16xi1>
        %ne3A_524 = vector.broadcast %ne3A_523 : vector<16xi1> to vector<16xi1>
        %ne3A_525 = arith.xori %lt3A_520, %ne3A_524 : vector<16xi1>
        %and3A_526 = arith.andi %ne3A_525, %ne3A_518 : vector<16xi1>
        %add3A_527 = vector.broadcast %select_n3A_513 : i32 to vector<16xi32>
        %add3A_528 = arith.addi %rem3A_515, %add3A_527 : vector<16xi32>
        %select_n3A_529 = arith.select %and3A_526, %add3A_528, %rem3A_515 : vector<16xi1>, vector<16xi32>
        %gather3A = tpu.vector_load_idx %arg10[%select_n3A_529] : memref<528xi32, #tpu.memory_space<vmem>>[vector<16xi32>], vector<16xi32>,
        %mul3A_530 = vector.broadcast %convert_element_type3A : i32 to vector<16xi32>
        %mul3A_531 = arith.muli %gather3A, %mul3A_530 : vector<16xi32>
        %gather3A_532 = tpu.vector_load_idx %arg7[%mul3A_531] : memref<49152xf32, #tpu.memory_space<vmem>>[vector<16xi32>], vector<16xf32>,
        %add3A_533 = arith.constant 16384 : i32
        %add3A_534 = vector.broadcast %add3A_533 : i32 to vector<16xi32>
        %add3A_535 = arith.addi %mul3A_531, %add3A_534 : vector<16xi32>
        %gather3A_536 = tpu.vector_load_idx %arg7[%add3A_535] : memref<49152xf32, #tpu.memory_space<vmem>>[vector<16xi32>], vector<16xf32>,
        %add3A_537 = arith.constant 32768 : i32
        %add3A_538 = vector.broadcast %add3A_537 : i32 to vector<16xi32>
        %add3A_539 = arith.addi %mul3A_531, %add3A_538 : vector<16xi32>
        %gather3A_540 = tpu.vector_load_idx %arg7[%add3A_539] : memref<49152xf32, #tpu.memory_space<vmem>>[vector<16xi32>], vector<16xf32>,
        %sub3A_541 = vector.broadcast %squeeze3A : f32 to vector<16xf32>
        %sub3A_542 = arith.subf %gather3A_532, %sub3A_541 : vector<16xf32>
        %sub3A_543 = vector.broadcast %squeeze3A_45 : f32 to vector<16xf32>
        %sub3A_544 = arith.subf %gather3A_536, %sub3A_543 : vector<16xf32>
        %mul3A_545 = vector.broadcast %squeeze3A_57 : f32 to vector<16xf32>
        %mul3A_546 = arith.mulf %sub3A_542, %mul3A_545 : vector<16xf32>
        %mul3A_547 = vector.broadcast %squeeze3A_59 : f32 to vector<16xf32>
        %mul3A_548 = arith.mulf %sub3A_544, %mul3A_547 : vector<16xf32>
        %add3A_549 = arith.addf %mul3A_546, %mul3A_548 : vector<16xf32>
        %mul3A_550 = vector.broadcast %convert_element_type3A_73 : f32 to vector<16xf32>
        %mul3A_551 = arith.mulf %add3A_549, %mul3A_550 : vector<16xf32>
        %mul3A_552 = vector.broadcast %squeeze3A_57 : f32 to vector<16xf32>
        %mul3A_553 = arith.mulf %sub3A_544, %mul3A_552 : vector<16xf32>
        %mul3A_554 = vector.broadcast %squeeze3A_59 : f32 to vector<16xf32>
        %mul3A_555 = arith.mulf %sub3A_542, %mul3A_554 : vector<16xf32>
        %sub3A_556 = arith.subf %mul3A_553, %mul3A_555 : vector<16xf32>
        %mul3A_557 = vector.broadcast %convert_element_type3A_73 : f32 to vector<16xf32>
        %mul3A_558 = arith.mulf %sub3A_556, %mul3A_557 : vector<16xf32>
        %sub3A_559 = vector.broadcast %squeeze3A_47 : f32 to vector<16xf32>
        %sub3A_560 = arith.subf %gather3A_540, %sub3A_559 : vector<16xf32>
        %mul3A_561 = vector.broadcast %convert_element_type3A_73 : f32 to vector<16xf32>
        %mul3A_562 = arith.mulf %sub3A_560, %mul3A_561 : vector<16xf32>
        tpu.vector_store_idx %arg13[%add3A_506, %broadcast_in_dim3A_29], %mul3A_551 masked %ge3A_31 : memref<64x128xf32, #tpu.memory_space<vmem>>[vector<16xi32>, vector<16xi32>], vector<16xf32>, vector<16xi1>
        %add3A_563 = arith.constant 1 : i32
        %add3A_564 = vector.broadcast %add3A_563 : i32 to vector<16xi32>
        %add3A_565 = arith.addi %broadcast_in_dim3A_29, %add3A_564 : vector<16xi32>
        tpu.vector_store_idx %arg13[%add3A_506, %add3A_565], %mul3A_558 masked %ge3A_31 : memref<64x128xf32, #tpu.memory_space<vmem>>[vector<16xi32>, vector<16xi32>], vector<16xf32>, vector<16xi1>
        %add3A_566 = arith.constant 2 : i32
        %add3A_567 = vector.broadcast %add3A_566 : i32 to vector<16xi32>
        %add3A_568 = arith.addi %broadcast_in_dim3A_29, %add3A_567 : vector<16xi32>
        tpu.vector_store_idx %arg13[%add3A_506, %add3A_568], %mul3A_562 masked %ge3A_31 : memref<64x128xf32, #tpu.memory_space<vmem>>[vector<16xi32>, vector<16xi32>], vector<16xf32>, vector<16xi1>
        %add3A_569 = arith.constant 0 : i32
        %add3A_570 = vector.broadcast %add3A_569 : i32 to vector<16xi32>
        %add3A_571 = arith.addi %mul3A_531, %add3A_570 : vector<16xi32>
        %gather3A_572 = tpu.vector_load_idx %arg8[%add3A_571] : memref<49152xf32, #tpu.memory_space<vmem>>[vector<16xi32>], vector<16xf32>,
        %mul3A_573 = vector.broadcast %convert_element_type3A_73 : f32 to vector<16xf32>
        %mul3A_574 = arith.mulf %gather3A_572, %mul3A_573 : vector<16xf32>
        %add3A_575 = arith.constant 0 : i32
        %add3A_576 = vector.broadcast %add3A_575 : i32 to vector<16xi32>
        %add3A_577 = arith.addi %broadcast_in_dim3A_29, %add3A_576 : vector<16xi32>
        tpu.vector_store_idx %arg14[%add3A_506, %add3A_577], %mul3A_574 masked %ge3A_31 : memref<64x3xf32, #tpu.memory_space<vmem>>[vector<16xi32>, vector<16xi32>], vector<16xf32>, vector<16xi1>
        %add3A_578 = arith.constant 16384 : i32
        %add3A_579 = vector.broadcast %add3A_578 : i32 to vector<16xi32>
        %add3A_580 = arith.addi %mul3A_531, %add3A_579 : vector<16xi32>
        %gather3A_581 = tpu.vector_load_idx %arg8[%add3A_580] : memref<49152xf32, #tpu.memory_space<vmem>>[vector<16xi32>], vector<16xf32>,
        %mul3A_582 = vector.broadcast %convert_element_type3A_73 : f32 to vector<16xf32>
        %mul3A_583 = arith.mulf %gather3A_581, %mul3A_582 : vector<16xf32>
        %add3A_584 = arith.constant 1 : i32
        %add3A_585 = vector.broadcast %add3A_584 : i32 to vector<16xi32>
        %add3A_586 = arith.addi %broadcast_in_dim3A_29, %add3A_585 : vector<16xi32>
        tpu.vector_store_idx %arg14[%add3A_506, %add3A_586], %mul3A_583 masked %ge3A_31 : memref<64x3xf32, #tpu.memory_space<vmem>>[vector<16xi32>, vector<16xi32>], vector<16xf32>, vector<16xi1>
        %add3A_587 = arith.constant 32768 : i32
        %add3A_588 = vector.broadcast %add3A_587 : i32 to vector<16xi32>
        %add3A_589 = arith.addi %mul3A_531, %add3A_588 : vector<16xi32>
        %gather3A_590 = tpu.vector_load_idx %arg8[%add3A_589] : memref<49152xf32, #tpu.memory_space<vmem>>[vector<16xi32>], vector<16xf32>,
        %mul3A_591 = vector.broadcast %convert_element_type3A_73 : f32 to vector<16xf32>
        %mul3A_592 = arith.mulf %gather3A_590, %mul3A_591 : vector<16xf32>
        %add3A_593 = arith.constant 2 : i32
        %add3A_594 = vector.broadcast %add3A_593 : i32 to vector<16xi32>
        %add3A_595 = arith.addi %broadcast_in_dim3A_29, %add3A_594 : vector<16xi32>
        tpu.vector_store_idx %arg14[%add3A_506, %add3A_595], %mul3A_592 masked %ge3A_31 : memref<64x3xf32, #tpu.memory_space<vmem>>[vector<16xi32>, vector<16xi32>], vector<16xf32>, vector<16xi1>
      }
      %scan3A_464 = arith.constant 4 : i32
      %eq3A_465 = arith.constant 0 : i32
      %eq3A_466 = arith.cmpi eq, %scan3A_66, %eq3A_465 : i32
      %convert_element_type3A_467 = arith.extui %eq3A_466 : i1 to i32
      %cond3A_468 = arith.constant 0 : i32
      %cond3A_469 = arith.cmpi ne, %convert_element_type3A_467, %cond3A_468 : i32
      scf.if %cond3A_469 {
        %broadcast_in_dim3A_502 = arith.constant 0.000000e+00 : f32
        %broadcast_in_dim3A_503 = vector.broadcast %broadcast_in_dim3A_502 : f32 to vector<16xf32>
        %scan3A_504 = arith.constant 0 : i32
        %scan3A_505 = arith.constant 0 : i32
        %scan3A_506 = arith.constant 64 : i32
        %scan3A_507 = arith.addi %scan3A_505, %scan3A_506 : i32
        %scan3A_508 = arith.constant 1 : i32
        scf.for %scan3A_510 = %scan3A_505 to %scan3A_507 step %scan3A_508  : i32 {
          %swap3A_511 = arith.index_cast %scan3A_510 : i32 to index
          %swap3A_512 = arith.constant 0 : index
          %swap3A_513 = tpu.vector_load %arg13[%swap3A_511, %swap3A_512] {strides = array<i32>} : memref<64x128xf32, #tpu.memory_space<vmem>>, vector<16xf32>,
          tpu.vector_store %arg13[%swap3A_511, %swap3A_512], %broadcast_in_dim3A_503 {strides = array<i32>} : memref<64x128xf32, #tpu.memory_space<vmem>>, vector<16xf32>,
          %swap3A_514 = arith.index_cast %scan3A_510 : i32 to index
          %swap3A_515 = arith.constant 16 : index
          %swap3A_516 = tpu.vector_load %arg13[%swap3A_514, %swap3A_515] {strides = array<i32>} : memref<64x128xf32, #tpu.memory_space<vmem>>, vector<16xf32>,
          tpu.vector_store %arg13[%swap3A_514, %swap3A_515], %broadcast_in_dim3A_503 {strides = array<i32>} : memref<64x128xf32, #tpu.memory_space<vmem>>, vector<16xf32>,
          %swap3A_517 = arith.index_cast %scan3A_510 : i32 to index
          %swap3A_518 = arith.constant 32 : index
          %swap3A_519 = tpu.vector_load %arg13[%swap3A_517, %swap3A_518] {strides = array<i32>} : memref<64x128xf32, #tpu.memory_space<vmem>>, vector<16xf32>,
          tpu.vector_store %arg13[%swap3A_517, %swap3A_518], %broadcast_in_dim3A_503 {strides = array<i32>} : memref<64x128xf32, #tpu.memory_space<vmem>>, vector<16xf32>,
          %swap3A_520 = arith.index_cast %scan3A_510 : i32 to index
          %swap3A_521 = arith.constant 48 : index
          %swap3A_522 = tpu.vector_load %arg13[%swap3A_520, %swap3A_521] {strides = array<i32>} : memref<64x128xf32, #tpu.memory_space<vmem>>, vector<16xf32>,
          tpu.vector_store %arg13[%swap3A_520, %swap3A_521], %broadcast_in_dim3A_503 {strides = array<i32>} : memref<64x128xf32, #tpu.memory_space<vmem>>, vector<16xf32>,
          %swap3A_523 = arith.index_cast %scan3A_510 : i32 to index
          %swap3A_524 = arith.constant 64 : index
          %swap3A_525 = tpu.vector_load %arg13[%swap3A_523, %swap3A_524] {strides = array<i32>} : memref<64x128xf32, #tpu.memory_space<vmem>>, vector<16xf32>,
          tpu.vector_store %arg13[%swap3A_523, %swap3A_524], %broadcast_in_dim3A_503 {strides = array<i32>} : memref<64x128xf32, #tpu.memory_space<vmem>>, vector<16xf32>,
          %swap3A_526 = arith.index_cast %scan3A_510 : i32 to index
          %swap3A_527 = arith.constant 80 : index
          %swap3A_528 = tpu.vector_load %arg13[%swap3A_526, %swap3A_527] {strides = array<i32>} : memref<64x128xf32, #tpu.memory_space<vmem>>, vector<16xf32>,
          tpu.vector_store %arg13[%swap3A_526, %swap3A_527], %broadcast_in_dim3A_503 {strides = array<i32>} : memref<64x128xf32, #tpu.memory_space<vmem>>, vector<16xf32>,
          %swap3A_529 = arith.index_cast %scan3A_510 : i32 to index
          %swap3A_530 = arith.constant 96 : index
          %swap3A_531 = tpu.vector_load %arg13[%swap3A_529, %swap3A_530] {strides = array<i32>} : memref<64x128xf32, #tpu.memory_space<vmem>>, vector<16xf32>,
          tpu.vector_store %arg13[%swap3A_529, %swap3A_530], %broadcast_in_dim3A_503 {strides = array<i32>} : memref<64x128xf32, #tpu.memory_space<vmem>>, vector<16xf32>,
          %swap3A_532 = arith.index_cast %scan3A_510 : i32 to index
          %swap3A_533 = arith.constant 112 : index
          %swap3A_534 = tpu.vector_load %arg13[%swap3A_532, %swap3A_533] {strides = array<i32>} : memref<64x128xf32, #tpu.memory_space<vmem>>, vector<16xf32>,
          tpu.vector_store %arg13[%swap3A_532, %swap3A_533], %broadcast_in_dim3A_503 {strides = array<i32>} : memref<64x128xf32, #tpu.memory_space<vmem>>, vector<16xf32>,
        }
        %scan3A_509 = arith.constant 64 : i32
      } else {
      }
      %dma_start3A_470 = arith.constant 448 : i32
      %dma_start3A_471 = arith.constant 0 : i32
      %dma_start3A_472 = tpu.memref_slice %arg6[%add3A_40, %dma_start3A_470, %dma_start3A_471] : memref<256x512x131xf32, #tpu.memory_space<hbm>> -> memref<1x64x128xf32, #tpu.memory_space<hbm>>
      %dma_start3A_473 = tpu.memref_squeeze %dma_start3A_472 : memref<1x64x128xf32, #tpu.memory_space<hbm>> -> memref<64x128xf32, #tpu.memory_space<hbm>>
      %dma_start3A_474 = arith.constant 448 : i32
      %dma_start3A_475 = arith.constant 0 : i32
      %dma_start3A_476 = tpu.memref_slice %arg6[%add3A_40, %dma_start3A_474, %dma_start3A_475] : memref<256x512x131xf32, #tpu.memory_space<hbm>> -> memref<1x64x128xf32, #tpu.memory_space<hbm>>
      %dma_start3A_477 = tpu.memref_squeeze %dma_start3A_476 : memref<1x64x128xf32, #tpu.memory_space<hbm>> -> memref<64x128xf32, #tpu.memory_space<hbm>>
      tpu.enqueue_dma source(%arg13 : memref<64x128xf32, #tpu.memory_space<vmem>>) target(%dma_start3A_477 : memref<64x128xf32, #tpu.memory_space<hbm>>) target_semaphore(%arg17 : memref<!tpu.dma_semaphore, #tpu.memory_space<semaphore_mem>>)
      %dma_start3A_478 = arith.constant 448 : i32
      %dma_start3A_479 = arith.constant 128 : i32
      %dma_start3A_480 = tpu.memref_slice %arg6[%add3A_40, %dma_start3A_478, %dma_start3A_479] : memref<256x512x131xf32, #tpu.memory_space<hbm>> -> memref<1x64x3xf32, #tpu.memory_space<hbm>>
      %dma_start3A_481 = tpu.memref_squeeze %dma_start3A_480 : memref<1x64x3xf32, #tpu.memory_space<hbm>> -> memref<64x3xf32, #tpu.memory_space<hbm>>
      %dma_start3A_482 = arith.constant 448 : i32
      %dma_start3A_483 = arith.constant 128 : i32
      %dma_start3A_484 = tpu.memref_slice %arg6[%add3A_40, %dma_start3A_482, %dma_start3A_483] : memref<256x512x131xf32, #tpu.memory_space<hbm>> -> memref<1x64x3xf32, #tpu.memory_space<hbm>>
      %dma_start3A_485 = tpu.memref_squeeze %dma_start3A_484 : memref<1x64x3xf32, #tpu.memory_space<hbm>> -> memref<64x3xf32, #tpu.memory_space<hbm>>
      tpu.enqueue_dma source(%arg14 : memref<64x3xf32, #tpu.memory_space<vmem>>) target(%dma_start3A_485 : memref<64x3xf32, #tpu.memory_space<hbm>>) target_semaphore(%arg17 : memref<!tpu.dma_semaphore, #tpu.memory_space<semaphore_mem>>)
      %dma_wait3A_486 = arith.constant 448 : i32
      %dma_wait3A_487 = arith.constant 0 : i32
      %dma_wait3A_488 = tpu.memref_slice %arg6[%add3A_40, %dma_wait3A_486, %dma_wait3A_487] : memref<256x512x131xf32, #tpu.memory_space<hbm>> -> memref<1x64x128xf32, #tpu.memory_space<hbm>>
      %dma_wait3A_489 = tpu.memref_squeeze %dma_wait3A_488 : memref<1x64x128xf32, #tpu.memory_space<hbm>> -> memref<64x128xf32, #tpu.memory_space<hbm>>
      %dma_wait3A_490 = arith.constant 448 : i32
      %dma_wait3A_491 = arith.constant 0 : i32
      %dma_wait3A_492 = tpu.memref_slice %arg6[%add3A_40, %dma_wait3A_490, %dma_wait3A_491] : memref<256x512x131xf32, #tpu.memory_space<hbm>> -> memref<1x64x128xf32, #tpu.memory_space<hbm>>
      %dma_wait3A_493 = tpu.memref_squeeze %dma_wait3A_492 : memref<1x64x128xf32, #tpu.memory_space<hbm>> -> memref<64x128xf32, #tpu.memory_space<hbm>>
      tpu.wait_dma2 semaphore(%arg17 : memref<!tpu.dma_semaphore, #tpu.memory_space<semaphore_mem>>) src(%arg13 : memref<64x128xf32, #tpu.memory_space<vmem>>) dst(%dma_wait3A_493 : memref<64x128xf32, #tpu.memory_space<hbm>>)
      %dma_wait3A_494 = arith.constant 448 : i32
      %dma_wait3A_495 = arith.constant 128 : i32
      %dma_wait3A_496 = tpu.memref_slice %arg6[%add3A_40, %dma_wait3A_494, %dma_wait3A_495] : memref<256x512x131xf32, #tpu.memory_space<hbm>> -> memref<1x64x3xf32, #tpu.memory_space<hbm>>
      %dma_wait3A_497 = tpu.memref_squeeze %dma_wait3A_496 : memref<1x64x3xf32, #tpu.memory_space<hbm>> -> memref<64x3xf32, #tpu.memory_space<hbm>>
      %dma_wait3A_498 = arith.constant 448 : i32
      %dma_wait3A_499 = arith.constant 128 : i32
      %dma_wait3A_500 = tpu.memref_slice %arg6[%add3A_40, %dma_wait3A_498, %dma_wait3A_499] : memref<256x512x131xf32, #tpu.memory_space<hbm>> -> memref<1x64x3xf32, #tpu.memory_space<hbm>>
      %dma_wait3A_501 = tpu.memref_squeeze %dma_wait3A_500 : memref<1x64x3xf32, #tpu.memory_space<hbm>> -> memref<64x3xf32, #tpu.memory_space<hbm>>
      tpu.wait_dma2 semaphore(%arg17 : memref<!tpu.dma_semaphore, #tpu.memory_space<semaphore_mem>>) src(%arg14 : memref<64x3xf32, #tpu.memory_space<vmem>>) dst(%dma_wait3A_501 : memref<64x3xf32, #tpu.memory_space<hbm>>)
    }
    %scan3A_36 = arith.constant 8 : i32
    return
  }
}

</mosaic_0001>

<sc_bundles>
// kernel: _run_sc.3.cloned.1.call-start
scs
__scs_entry_jumppad:
0x0: {  	(pc) =	sbr.rel $0x88, $3  }
0x1: {  	(tag) =	ssettag $0x0;
	lr =	simm.s32 $0x1  }
0x2: {  	[smem:$0x3F9D] =	sst lr;
	_ =	strace $0xD0000000  }
0x3: {  	_ = 	snop  }
0x4: {  	_ = 	snop  }
0x5: {  	_ = 	snop  }
0x6: {  	_ = 	snop  }
0x7: {  	_ = 	snop  }
__scs_overlays_trampoline_lowered:
0x8: {  	[smem:$0x3FAC] =	sst s0  }
0x9: {  	[smem:$0x3FAD] =	sst s1  }
0xa: {  	[smem:$0x3FAE] =	sst s2  }
0xb: {  	[smem:$0x3FAF] =	sst s3  }
0xc: {  	[smem:$0x3FB0] =	sst s4  }
0xd: {  	[smem:$0x3FB1] =	sst s5  }
0xe: {  	[smem:$0x3FB2] =	sst s6  }
0xf: {  	[smem:$0x3FB3] =	sst s7  }
0x10: {  	[smem:$0x3FB4] =	sst s8  }
0x11: {  	[smem:$0x3FB5] =	sst s9;
	s0 =	simm.s32 @!p0 $0x0  }
0x12: {  	s1 =	sld [smem:$0x3F9B];
	s0 =	simm.s32 @p0 $0x1  }
0x13: {  	[smem:$0x3FB6] =	sst s0;
	s0 =	simm.s32 @!p1 $0x0  }
0x14: {  	s2 =	sld [smem:$0x3F9A];
	s0 =	simm.s32 @p1 $0x1  }
0x15: {  	[smem:$0x3FB7] =	sst s0;
	s0 =	simm.s32 @!p2 $0x0  }
0x16: {  	s3 =	sld [smem:$0x3FDB];
	s0 =	simm.s32 @p2 $0x1  }
0x17: {  	s4 =	simm.s32 $0x1BF5;
	[smem:$0x3FB9] =	sst s0  }
0x18: {  	s0 =	sld [smem:$0x3F9C];
	_ =	swait.ge [sflag:s4], $0x0  }
0x19: {  	s7 =	sld [smem:$0x3F9D]  }
0x1a: {  	s8 =	sadd.s32 $0xFFFFE003, lr  }
0x1b: {  	s9 =	sadd.s32 $0xFFFFFEF7, lr;
	s5 =	simm.s32 $0xFFFFFFFF;
	p2 =	slt.u32 s8, $0xFFFFF086  }
0x1c: {  	p1 =	slt.u32 s9, $0xF7A;
	s5 =	simm.s32 @!p2 $0x0  }
0x1d: {  	s5 =	simm.s32 @p1 $0x1;
	p0 =	seq.s32 s7, s2  }
0x1e: {  	s7 =	smul.u32 @!p0 $0xF7A, s2;
	p2 =	seq.s32 @!p0 s5, $0x0  }
0x1f: {  	s9 =	smul.u32 $0xF7A, s1;
	s8 =	simm.s32 @!p0 $0x1BF5;
	p2 =	por !p2, p0  }
0x20: {  	[sflag:s8] =	ssyncset.s32 @!p0 $0xFFFFF086;
	s6 =	sadd.s32 @!p0 s3, s7;
	s7 =	simm.s32 @!p0 $0x108  }
0x21: {  	s3 =	sadd.s32 s3, s9;
	s6 =	sadd.s32 @!p0 $0x88, s6;
	s7 =	simm.s32 @p2 $0x1082  }
0x22: {  	[simem:s7], [sflag:s8] =	dma.local @!p0 [hbm:s6], $0xF7A  }
0x23: {  	s9 =	sor.u32 $0xD0000000, s2;
	s6 =	simm.s32 $0x108;
	_ =	swait.ge @!p0 [sflag:s8], $0x0  }
0x24: {  	s3 =	sadd.s32 $0x88, s3;
	s6 =	simm.s32 @!p1 $0x1082;
	[sflag:s4] =	ssyncset.s32 $0xFFFFF086  }
0x25: {  	[simem:s6], [sflag:s4] =	dma.local [hbm:s3], $0xF7A  }
0x26: {  	[smem:$0x3F9D] =	sst s1;
	(tag) =	ssettag s2;
	_ =	strace s9  }
0x27: {  	s1 =	sld [smem:$0x3FAD]  }
0x28: {  	s2 =	sld [smem:$0x3FAE]  }
0x29: {  	s4 =	sld [smem:$0x3FB0]  }
0x2a: {  	p0 =	seq.s32 s5, $0x0;
	s5 =	sld [smem:$0x3FB1]  }
0x2b: {  	s6 =	sld [smem:$0x3FB2]  }
0x2c: {  	s7 =	sld [smem:$0x3FB3]  }
0x2d: {  	s3 =	simm.s32 $0x108;
	s8 =	sld [smem:$0x3FB4]  }
0x2e: {  	s3 =	simm.s32 @!p0 $0x1082;
	s9 =	sld [smem:$0x3FB5]  }
0x2f: {  	lr =	sadd.s32 s0, s3;
	s0 =	sld [smem:$0x3FAC]  }
0x30: {  	s3 =	sld [smem:$0x3FAF]  }
0x31: {  	[smem:$0x3FB8] =	sst s10  }
0x32: {  	s10 =	sld [smem:$0x3FB6];
	_ =	sdelay $0x3  }
0x33: {  	p0 =	seq.s32 s10, $0x1;
	s10 =	sld [smem:$0x3FB8];
	_ =	sdelay $0x3  }
0x34: {  	[smem:$0x3FB8] =	sst s10  }
0x35: {  	s10 =	sld [smem:$0x3FB7];
	_ =	sdelay $0x3  }
0x36: {  	p1 =	seq.s32 s10, $0x1;
	s10 =	sld [smem:$0x3FB8];
	_ =	sdelay $0x3  }
0x37: {  	[smem:$0x3FB8] =	sst s10  }
0x38: {  	s10 =	sld [smem:$0x3FB9]  }
0x39: {  	_ = 	snop;
	(pc) =	sbr.ind lr, $3  }
0x3a: {  	_ = 	snop  }
0x3b: {  	_ = 	snop  }
0x3c: {  	p2 =	seq.s32 s10, $0x1;
	s10 =	sld [smem:$0x3FB8]  }
0x3d: {  	_ =	shalt  }
0x3e: {  	_ =	shalt  }
0x3f: {  	_ =	shalt  }
0x40: {  	_ =	shalt  }
0x41: {  	_ =	shalt  }
0x42: {  	_ =	shalt  }
0x43: {  	_ =	shalt  }
0x44: {  	_ =	shalt  }
0x45: {  	_ =	shalt  }
0x46: {  	_ =	shalt  }
0x47: {  	_ =	shalt  }
0x48: {  	_ =	shalt  }
0x49: {  	_ =	shalt  }
0x4a: {  	_ =	shalt  }
0x4b: {  	_ =	shalt  }
0x4c: {  	_ =	shalt  }
0x4d: {  	_ =	shalt  }
0x4e: {  	_ =	shalt  }
0x4f: {  	_ =	shalt  }
0x50: {  	_ =	shalt  }
0x51: {  	_ =	shalt  }
0x52: {  	_ =	shalt  }
0x53: {  	_ =	shalt  }
0x54: {  	_ =	shalt  }
0x55: {  	_ =	shalt  }
0x56: {  	_ =	shalt  }
0x57: {  	_ =	shalt  }
0x58: {  	_ =	shalt  }
0x59: {  	_ =	shalt  }
0x5a: {  	_ =	shalt  }
0x5b: {  	_ =	shalt  }
0x5c: {  	_ =	shalt  }
0x5d: {  	_ =	shalt  }
0x5e: {  	_ =	shalt  }
0x5f: {  	_ =	shalt  }
0x60: {  	_ =	shalt  }
0x61: {  	_ =	shalt  }
0x62: {  	_ =	shalt  }
0x63: {  	_ =	shalt  }
0x64: {  	_ =	shalt  }
0x65: {  	_ =	shalt  }
0x66: {  	_ =	shalt  }
0x67: {  	_ =	shalt  }
0x68: {  	_ =	shalt  }
0x69: {  	_ =	shalt  }
0x6a: {  	_ =	shalt  }
0x6b: {  	_ =	shalt  }
0x6c: {  	_ =	shalt  }
0x6d: {  	_ =	shalt  }
0x6e: {  	_ =	shalt  }
0x6f: {  	_ =	shalt  }
0x70: {  	_ =	shalt  }
0x71: {  	_ =	shalt  }
0x72: {  	_ =	shalt  }
0x73: {  	_ =	shalt  }
0x74: {  	_ =	shalt  }
0x75: {  	_ =	shalt  }
0x76: {  	_ =	shalt  }
0x77: {  	_ =	shalt  }
0x78: {  	_ =	shalt  }
0x79: {  	_ =	shalt  }
0x7a: {  	_ =	shalt  }
0x7b: {  	_ =	shalt  }
0x7c: {  	_ =	shalt  }
0x7d: {  	_ =	shalt  }
0x7e: {  	_ =	shalt  }
0x7f: {  	_ =	shalt  }
0x80: {  	_ =	shalt  }
0x81: {  	_ =	shalt  }
0x82: {  	_ =	shalt  }
0x83: {  	_ =	shalt  }
0x84: {  	_ =	shalt  }
0x85: {  	_ =	shalt  }
0x86: {  	_ =	shalt  }
0x87: {  	_ =	shalt  }
.Lfunc_end0:
.L_simem_size_0:
called_computation_lowered:
.L_overlay_start_0:
0x88: {  	s2 =	sld [smem:$0x3FD9]  }
0x89: {  	s3 =	sld [smem:$0x3FFE];
	_ =	sdelay $0x1  }
0x8a: {  	s1 =	srdreg.scid  }
0x8b: {  	s0 =	sand.u32 $0x1, s1  }
0x8c: {  	s17 =	sshll.u32 s0, $0xA;
	s2 =	sadd.s32 s3, s2  }
0x8d: {  	s2 =	sadd.s32 s2, s17  }
0x8e: {  	[smem:$0x3FC4] =	sst s2  }
0x8f: {  	_ = 	snop  }
0x90: {  	s2 =	sld [smem:$0x3FC9]  }
0x91: {  	s18 =	sld [smem:$0x3FC8]  }
0x92: {  	s4 =	sld [smem:$0x3FC7]  }
0x93: {  	s5 =	sld [smem:$0x3FC6];
	(tm) =	ssettm $0x1  }
0x94: {  	s6 =	sld [smem:$0x3FFB];
	_ =	sdelay $0x3  }
0x95: {  	_ =	strace s6  }
0x96: {  	s6 =	sld [smem:$0x3FFC];
	_ =	sdelay $0x3  }
0x97: {  	_ =	strace s6  }
0x98: {  	s6 =	sld [smem:$0x3FFD];
	_ =	sdelay $0x3  }
0x99: {  	_ =	strace s6  }
0x9a: {  	_ =	strace $0x8FFFFFFF  }
0x9b: {  	s19 =	sld [smem:$0x3FDB];
	_ =	sdelay $0x1  }
0x9c: {  	s7 =	simm.s32 $_scs_section_size  }
0x9d: {  	s8 =	simm.s32 $_size__tile_overlayer_lowered;
	s9 =	simm.s32 $_tile_overlayer_lowered  }
0x9e: {  	s22 =	simm.s32 $0x1BFF;
	s21 =	sshll.u32 s9, $0x1;
	s6 =	sadd.s32 s7, s19  }
0x9f: {  	s10 =	simm.s32 $0x0;
	s20 =	sshll.u32 s8, $0x1;
	s8 =	sadd.s32 s21, s6  }
0xa0: {  	[timem:s10], [sflag:s22] =	dma.local [hbm:s8], s20  }
0xa1: {  	_ =	swait.ge [sflag:s22], s20  }
0xa2: {  	s7 =	ssub.s32 $0x0, s20;
	[sflag:s22] =	ssyncset.done $0x0  }
0xa3: {  	[sflag:s22] =	ssyncadd.s32 s7;
	_ =	sdelay $0x1  }
0xa4: {  	s23 =	simm.s32 $0x1B8B  }
0xa5: {  	_ =	swait.ge [sflag:s23], $0x1  }
0xa6: {  	[sflag:s23] =	ssyncset.done $0x0  }
0xa7: {  	s25 =	simm.s32 $0x1B8E;
	s24 =	sld [smem:$0x3FFE];
	[sflag:s23] =	ssyncadd.s32 $0xFFFFFFFF  }
0xa8: {  	s26 =	simm.s32 $execute0_lowered;
	[smem:$0x3FD2] =	sst s25  }
0xa9: {  	s8 =	sshll.u32 s26, $0x1;
	_ =	strace $0x80000046;
	[dreg:$0x1] =	wrdreg $0xFFFFFFFF  }
0xaa: {  	s28 =	simm.s32 $_size_execute0_lowered;
	s6 =	sadd.s32 s6, s8;
	[dreg:$0x0] =	wrdreg $0x0  }
0xab: {  	s8 =	sshll.u32 s28, $0x1;
	[dreg:$0x2] =	wrdreg s6  }
0xac: {  	[dreg:$0x3] =	wrdreg s8  }
0xad: {  	[dreg:$0x4] =	wrdreg $0xC0  }
0xae: {  	_ =	task [dreg:s10], $0x5FFFF  }
0xaf: {  	[dreg:$0x1] =	wrdreg $0xFFFFFFFF  }
0xb0: {  	[dreg:$0x0] =	wrdreg $0x60  }
0xb1: {  	[dreg:$0x2] =	wrdreg s2  }
0xb2: {  	[dreg:$0x3] =	wrdreg s18  }
0xb3: {  	[dreg:$0x4] =	wrdreg s4  }
0xb4: {  	[dreg:$0x5] =	wrdreg s5  }
0xb5: {  	[dreg:$0x6] =	wrdreg s24  }
0xb6: {  	[dreg:$0x7] =	wrdreg $0x9  }
0xb7: {  	_ =	task.clear_ibuf [dreg:s10], $0x8FFFF;
	_ =	strace $0x90000046  }
0xb8: {  	s29 =	simm.s32 $0x9;
	_ =	strace $0x80000048  }
0xb9: {  	_ =	swait.ge [sflag:s29], $0x1  }
0xba: {  	[sflag:s29] =	ssyncadd.s32 $0xFFFFFFFF  }
0xbb: {  	_ =	strace $0x90000048  }
0xbc: {  	_ =	sfence  }
0xbd: {  	s30 =	sld [smem:$0x0];
	_ =	sdelay $0x2  }
0xbe: {  	s31 =	sshll.u32 s1, $0xD;
	s1 =	sshrl.u32 s1, $0x2  }
0xbf: {  	s3 =	sand.u32 $0x4000, s31;
	s1 =	sadd.s32 s1, s30  }
0xc0: {  	s0 =	sor.u32 s3, s0;
	s1 =	sshll.u32 s1, $0x11  }
0xc1: {  	s0 =	sor.u32 s1, s0  }
0xc2: {  	s0 =	sadd.s32 $0x8F2B, s0  }
0xc3: {  	[sflag:s0] =	ssyncadd.remote.s32 $0x1  }
0xc4: {  	_ =	sfence.sel $0xFFFF  }
0xc5: {  	[dreg:$0x0] =	wrdreg $0xFFFFFFFF;
	(pc) =	sbr.abs _section_cstart, $3  }
0xc6: {  	[dreg:$0x1] =	wrdreg $0xFFFFFFFF  }
0xc7: {  	_ =	task.clear_ibuf [dreg:s10], $0x2FFFF;
	_ =	strace $0x9FFFFFFF  }
0xc8: {  	(tm) =	ssettm $0x7FFFFFFF  }
0xc9: {  	_ =	shalt  }
tec
execute0_lowered:
.L_overlay_start_1:
0x0: {  	(tag) =	ssettag $0x1  }
0x1: {  	s0 =	rddreg [dreg:$0x0]  }
0x2: {  	s1 =	rddreg [dreg:$0x1]  }
0x3: {  	s2 =	rddreg [dreg:$0x2]  }
0x4: {  	s4 =	rddreg [dreg:$0x4];
	s3 =	simm.s32 $0x0  }
0x5: {  	[smem:$0x7FF] =	sst s3;
	s10 =	sadd.s32 $0x400, s4  }
0x6: {  	s13 =	sadd.s32 $0x480, s4;
	_ =	strace $0x80000047;
	[dreg:$0x6] =	wrdreg s10  }
0x7: {  	s14 =	sadd.s32 $0xC00, s4;
	[dreg:$0xb] =	wrdreg s13  }
0x8: {  	s15 =	sadd.s32 $0xC80, s4;
	[dreg:$0xc] =	wrdreg s14  }
0x9: {  	s16 =	sadd.s32 $0x1400, s4;
	[dreg:$0xd] =	wrdreg s15  }
0xa: {  	s17 =	sadd.s32 $0x1480, s4;
	[dreg:$0xe] =	wrdreg s16  }
0xb: {  	s5 =	srdreg.scid;
	s18 =	sadd.s32 $0x1C00, s4;
	[dreg:$0xf] =	wrdreg s17  }
0xc: {  	s8 =	stileid.u32;
	s19 =	sadd.s32 $0x1C80, s4;
	[dreg:$0x10] =	wrdreg s18  }
0xd: {  	s30 =	simm.s32 $0x18080;
	s20 =	sadd.s32 $0x2400, s4;
	[dreg:$0x11] =	wrdreg s19  }
0xe: {  	s31 =	simm.s32 $0x18300;
	s21 =	sadd.s32 $0x2480, s4;
	[dreg:$0x12] =	wrdreg s20  }
0xf: {  	s5 =	sand.u32 $0x1, s5;
	s22 =	sadd.s32 $0x2C00, s4;
	[dreg:$0x13] =	wrdreg s21  }
0x10: {  	s6 =	sshrl.u32 s8, $0x3;
	s23 =	sadd.s32 $0x2C80, s4;
	[dreg:$0x14] =	wrdreg s22  }
0x11: {  	s8 =	sshll.u32 s8, $0x1;
	s24 =	sadd.s32 $0x3400, s4;
	[dreg:$0x15] =	wrdreg s23  }
0x12: {  	s25 =	sadd.s32 $0x3480, s4;
	s26 =	sadd.s32 $0x3C00, s4;
	[dreg:$0x16] =	wrdreg s24  }
0x13: {  	s28 =	sadd.s32 $0x3C80, s4;
	s7 =	ssub.s32 $0x2, s5;
	[dreg:$0x17] =	wrdreg s25  }
0x14: {  	s9 =	smul.u32 $0x1800, s6;
	s5 =	sor.u32 s5, s8;
	[dreg:$0x18] =	wrdreg s26  }
0x15: {  	v1 =	vimm.s32 $0x0;
	v2 =	vlaneseq.u32;
	vm2 =	vcmask $0xB08;
	s11 =	sshll.u32 s6, $0xE;
	[dreg:$0x19] =	wrdreg s28;
	s26 =	simm.s32 $0xC000  }
0x16: {  	vm3 =	vcmask $0xF0C;
	vm4 =	vcmask $0x1310;
	vm5 =	vcmask $0x1714;
	s6 =	simm.s32 $0x1C500;
	s29 =	sshrl.u32 s7, $0x1;
	s12 =	sshll.u32 s5, $0x11  }
.Ltmp0:
0x17: {  	vm6 =	vcmask $0x1B18;
	vm7 =	vcmask $0x1F1C;
	vm8 =	vcmask $0x2320;
	s0 =	sadd.s32 s0, s9;
	[dreg:$0xa] =	wrdreg s12;
	(pc) =	sbr.rel .LBB2_1-.Ltmp0, $4  }
0x18: {  	vm9 =	vcmask $0x2724;
	vm10 =	vcmask $0x2B28;
	vm11 =	vcmask $0x2F2C;
	s10 =	sshll.u32 s5, $0x4;
	s1 =	sadd.s32 s1, s9;
	[dreg:$0x7] =	wrdreg s0  }
0x19: {  	vm12 =	vcmask $0x3330;
	vm13 =	vcmask $0x3734;
	vm14 =	vcmask $0x3B38;
	s7 =	ssub.s32 s7, s29;
	[dreg:$0x8] =	wrdreg s1;
	s0 =	sadd.s32 s2, s10  }
0x1a: {  	v3 =	vimm.f32 $0.0e+00;
	v4 =	vor.u32 $0x40, v2;
	v5 =	vmul.u32 $0x80, v2;
	s5 =	simm.s32 $0x1A500;
	s29 =	smax.u32 s7, $0x1;
	[dreg:$0x9] =	wrdreg s0  }
0x1b: {  	v6 =	vor.u32 $0x80, v2;
	v7 =	vor.u32 $0xC0, v2;
	v0 =	vmov s11;
	s2 =	simm.s32 $0x18500;
	s1 =	simm.s32 $0x0;
	[dreg:$0x1a] =	wrdreg s29  }
.LBB2_55:
0x1c: {  	s1 =	rddreg [dreg:$0x1b]  }
0x1d: {  	s0 =	rddreg [dreg:$0x1a];
	s1 =	sadd.s32 $0x1, s1  }
0x1e: {  	p0 =	sne.s32 s1, s0  }
.Ltmp1:
0x1f: {  	_ = 	snop;
	(pc) =	sbr.rel @!p0 .LBB2_56-.Ltmp1, $1  }
0x20: {  	_ =	sdelay $0x3  }
.LBB2_1:
0x21: {  	[dreg:$0x1b] =	wrdreg s1  }
0x22: {  	s0 =	rddreg [dreg:$0x7];
	s25 =	simm.s32 $0x4  }
0x23: {  	[tilespmem:s3], [sflag:$0x4] =	stream.linear.gather [hbm4b:s0+s3], $0xC000, $0x38;
	[tilespmem:$0x1E500] =	vst v63  }
0x24: {  	_ =	swait.ge [sflag:s25], $0xC000  }
0x25: {  	[sflag:s25] =	ssyncset.done $0x0  }
0x26: {  	s28 =	rddreg [dreg:$0x8];
	[sflag:s25] =	ssyncadd.s32 $0xFFFF4000  }
0x27: {  	[tilespmem:s26], [sflag:$0x4] =	stream.linear.gather [hbm4b:s28+s3], $0xC000, $0x38;
	[tilespmem:$0x1E500] =	vst v63  }
0x28: {  	_ =	swait.ge [sflag:s25], $0xC000  }
0x29: {  	s4 =	simm.s32 $0x18000;
	[sflag:s25] =	ssyncset.done $0x0  }
.Ltmp2:
0x2a: {  	s29 =	rddreg [dreg:$0x9];
	[sflag:s25] =	ssyncadd.s32 $0xFFFF4000;
	(pc) =	sbr.rel .LBB2_2-.Ltmp2, $4  }
0x2b: {  	[tilespmem:s4], [sflag:$0x4] =	stream.linear.gather [hbm4b:s29+s3], $0x80, $0x38;
	[tilespmem:$0x1E500] =	vst v63  }
0x2c: {  	_ =	swait.ge [sflag:s25], $0x80  }
0x2d: {  	[sflag:s25] =	ssyncset.done $0x0  }
0x2e: {  	s1 =	simm.s32 $0x0;
	[sflag:s25] =	ssyncadd.s32 $0xFFFFFF80  }
.LBB2_54:
0x2f: {  	s0 =	rddreg [dreg:$0x18]  }
0x30: {  	s7 =	rddreg [dreg:$0x1d];
	s1 =	simm.s32 $0x400  }
0x31: {  	s4 =	simm.s32 $0x800;
	s25 =	rddreg [dreg:$0x19];
	s0 =	sadd.s32 s7, s0  }
0x32: {  	[hbm4b:s0+s1] =	stream.strided.scatter [tilespmem:s5], [sflag:$0x3], $0x2000, s4, s1, $0x38;
	[tilespmem:$0x1E500] =	vst v63  }
0x33: {  	s28 =	simm.s32 $0x3;
	s0 =	sadd.s32 s7, s25  }
0x34: {  	[hbm4b:s0+s1] =	stream.strided.scatter [tilespmem:s6], [sflag:$0x3], $0x2000, s4, s1, $0x38;
	[tilespmem:$0x1E500] =	vst v63  }
0x35: {  	_ =	swait.ge [sflag:s28], $0x2000  }
0x36: {  	[sflag:s28] =	ssyncset.done $0x0  }
0x37: {  	[sflag:s28] =	ssyncadd.s32 $0xFFFFE000  }
0x38: {  	_ =	swait.ge [sflag:s28], $0x2000  }
0x39: {  	s29 =	rddreg [dreg:$0x1c]  }
0x3a: {  	s1 =	sadd.s32 $0x1, s29  }
0x3b: {  	p0 =	sne.s32 s1, $0x8  }
.Ltmp3:
0x3c: {  	_ = 	snop;
	(pc) =	sbr.rel @!p0 .LBB2_55-.Ltmp3, $3  }
0x3d: {  	_ =	sdelay $0x1  }
0x3e: {  	[sflag:s28] =	ssyncset.done $0x0  }
0x3f: {  	[sflag:s28] =	ssyncadd.s32 $0xFFFFE000  }
.LBB2_2:
0x40: {  	s0 =	sshll.u32 s1, $0x4  }
0x41: {  	s0 =	sand.u32 $0x3FFFFFF0, s0  }
0x42: {  	s9 =	simm.s32 $0x8070;
	v15 =	vld [tilespmem:s0+$0x18000];
	[tilespmem:$0x18080] =	vst v1  }
0x43: {  	v12 =	vld [tilespmem:s9+$0xFFFF7F90]  }
0x44: {  	v13 =	vld [tilespmem:s9+$0xFFFFBF90];
	_ =	sdelay $0x2  }
0x45: {  	v10 =	vbroadcast v15, $0x0;
	v11 =	vbroadcast v15, $0x1  }
0x46: {  	v14 =	vld [tilespmem:s9+$0xFFFFFF90];
	v8 =	vbroadcast v15, $0x7  }
0x47: {  	v9 =	vbroadcast v15, $0x8;
	v16 =	vsub.f32 v12, v10;
	v13 =	vsub.f32 v13, v11  }
0x48: {  	v12 =	vbroadcast v15, $0x3  }
0x49: {  	v17 =	vmul.f32 v16, v8;
	v18 =	vmul.f32 v13, v9  }
0x4a: {  	v19 =	vmul.f32 v16, v9;
	v13 =	vmul.f32 v13, v8  }
0x4b: {  	v20 =	vsub.f32 v14, v12;
	v17 =	vadd.f32 v18, v17  }
0x4c: {  	v14 =	vbroadcast v15, $0x6;
	v16 =	vbroadcast v15, $0x4;
	v18 =	vsub.f32 v13, v19  }
0x4d: {  	v13 =	vbroadcast v15, $0x5;
	v19 =	vand.u32 $0x7FFFFFFF, v20;
	v17 =	vand.u32 $0x7FFFFFFF, v17  }
0x4e: {  	vm0 =	vle.f32 v19, v14;
	vm15 =	vle.f32 v17, v16;
	v17 =	vand.u32 $0x7FFFFFFF, v18  }
0x4f: {  	vm0 =	vmand vm0, vm15;
	vm15 =	vle.f32 v17, v13  }
0x50: {  	vm15 =	vmand vm15, vm0  }
0x51: {  	v17 =	vmpcnt.ones.xlane vm15  }
0x52: {  	s17 =	simm.s32 $0x0;
	p0 =	por $0x1, $0x1;
	s0 =	simm.s32 $0x0  }
0x53: {  	s0 =	simm.s32 @!p0 $0x200;
	(v2sf) =	vpush v17, $0x0;
	v17 =	vor.u32 s17, v2  }
0x54: {  	[tilespmem:s0+$0x18080] =	vst.msk vm15, v17  }
0x55: {  	v17 =	vld [tilespmem:s9+$0xFFFF7FA0]  }
0x56: {  	v18 =	vld [tilespmem:s9+$0xFFFFBFA0];
	_ =	sdelay $0x3  }
0x57: {  	v19 =	vld [tilespmem:s9+$0xFFFFFFA0]  }
0x58: {  	v17 =	vsub.f32 v17, v10;
	v18 =	vsub.f32 v18, v11;
	_ =	sdelay $0x1  }
0x59: {  	v20 =	vmul.f32 v17, v8;
	v21 =	vmul.f32 v18, v9  }
0x5a: {  	v18 =	vmul.f32 v18, v8;
	v17 =	vmul.f32 v17, v9  }
0x5b: {  	v19 =	vsub.f32 v19, v12;
	v20 =	vadd.f32 v21, v20  }
0x5c: {  	v17 =	vsub.f32 v18, v17  }
0x5d: {  	v18 =	vand.u32 $0x7FFFFFFF, v19;
	v19 =	vand.u32 $0x7FFFFFFF, v20  }
0x5e: {  	vm0 =	vle.f32 v18, v14;
	v17 =	vand.u32 $0x7FFFFFFF, v17;
	vm15 =	vle.f32 v19, v16;
	s18 =	spop (v2sf)  }
0x5f: {  	vm0 =	vmand vm0, vm15;
	vm15 =	vle.f32 v17, v13;
	s0 =	sadd.s32 $0x0, s18  }
0x60: {  	s19 =	simm.s32 $0x10;
	vm15 =	vmand vm15, vm0;
	p0 =	slt.s32 s0, $0x200;
	s8 =	smov.u32 s0  }
0x61: {  	v17 =	vor.u32 s19, v2;
	v18 =	vmpcnt.ones.xlane vm15;
	s8 =	simm.s32 @!p0 $0x200  }
0x62: {  	[tilespmem:s8+$0x18080] =	vst.msk vm15, v17  }
0x63: {  	(v2sf) =	vpush v18, $0x0;
	v17 =	vld [tilespmem:s9+$0xFFFFBFB0]  }
0x64: {  	v18 =	vld [tilespmem:s9+$0xFFFF7FB0];
	_ =	sdelay $0x3  }
0x65: {  	v19 =	vld [tilespmem:s9+$0xFFFFFFB0]  }
0x66: {  	v17 =	vsub.f32 v17, v11;
	v18 =	vsub.f32 v18, v10;
	_ =	sdelay $0x1  }
0x67: {  	v20 =	vmul.f32 v18, v8;
	v60 =	vmul.f32 v17, v9  }
0x68: {  	v17 =	vmul.f32 v17, v8;
	v18 =	vmul.f32 v18, v9  }
0x69: {  	v19 =	vsub.f32 v19, v12;
	v20 =	vadd.f32 v60, v20  }
0x6a: {  	v17 =	vsub.f32 v17, v18  }
0x6b: {  	v18 =	vand.u32 $0x7FFFFFFF, v19;
	v19 =	vand.u32 $0x7FFFFFFF, v20  }
0x6c: {  	vm0 =	vle.f32 v18, v14;
	v17 =	vand.u32 $0x7FFFFFFF, v17;
	vm15 =	vle.f32 v19, v16  }
0x6d: {  	vm0 =	vmand vm0, vm15;
	vm15 =	vle.f32 v17, v13  }
0x6e: {  	vm15 =	vmand vm15, vm0;
	s20 =	spop (v2sf)  }
0x6f: {  	v17 =	vmpcnt.ones.xlane vm15;
	s0 =	sadd.s32 s0, s20  }
0x70: {  	s21 =	simm.s32 $0x20;
	p0 =	slt.s32 s0, $0x200;
	s8 =	smov.u32 s0  }
0x71: {  	(v2sf) =	vpush v17, $0x0;
	s8 =	simm.s32 @!p0 $0x200;
	v17 =	vor.u32 s21, v2  }
0x72: {  	[tilespmem:s8+$0x18080] =	vst.msk vm15, v17  }
0x73: {  	v17 =	vld [tilespmem:s9+$0xFFFF7FC0]  }
0x74: {  	v18 =	vld [tilespmem:s9+$0xFFFFBFC0];
	_ =	sdelay $0x3  }
0x75: {  	v19 =	vld [tilespmem:s9+$0xFFFFFFC0]  }
0x76: {  	v17 =	vsub.f32 v17, v10;
	v18 =	vsub.f32 v18, v11;
	_ =	sdelay $0x1  }
0x77: {  	v20 =	vmul.f32 v17, v8;
	v61 =	vmul.f32 v18, v9  }
0x78: {  	v18 =	vmul.f32 v18, v8;
	v17 =	vmul.f32 v17, v9  }
0x79: {  	v19 =	vsub.f32 v19, v12;
	v20 =	vadd.f32 v61, v20  }
0x7a: {  	v17 =	vsub.f32 v18, v17  }
0x7b: {  	v18 =	vand.u32 $0x7FFFFFFF, v19;
	v19 =	vand.u32 $0x7FFFFFFF, v20  }
0x7c: {  	vm0 =	vle.f32 v18, v14;
	v17 =	vand.u32 $0x7FFFFFFF, v17;
	vm15 =	vle.f32 v19, v16;
	s22 =	spop (v2sf)  }
0x7d: {  	vm0 =	vmand vm0, vm15;
	vm15 =	vle.f32 v17, v13;
	s0 =	sadd.s32 s0, s22  }
0x7e: {  	s23 =	simm.s32 $0x30;
	vm15 =	vmand vm15, vm0;
	p0 =	slt.s32 s0, $0x200;
	s8 =	smov.u32 s0  }
0x7f: {  	v17 =	vor.u32 s23, v2;
	v18 =	vmpcnt.ones.xlane vm15;
	s8 =	simm.s32 @!p0 $0x200  }
0x80: {  	[tilespmem:s8+$0x18080] =	vst.msk vm15, v17  }
0x81: {  	(v2sf) =	vpush v18, $0x0;
	v17 =	vld [tilespmem:s9+$0xFFFF7FD0]  }
0x82: {  	v18 =	vld [tilespmem:s9+$0xFFFFBFD0];
	_ =	sdelay $0x3  }
0x83: {  	v19 =	vld [tilespmem:s9+$0xFFFFFFD0]  }
0x84: {  	v17 =	vsub.f32 v17, v10;
	v18 =	vsub.f32 v18, v11;
	_ =	sdelay $0x1  }
0x85: {  	v20 =	vmul.f32 v17, v8;
	v62 =	vmul.f32 v18, v9  }
0x86: {  	v17 =	vmul.f32 v17, v9;
	v18 =	vmul.f32 v18, v8  }
0x87: {  	v19 =	vsub.f32 v19, v12;
	v20 =	vadd.f32 v62, v20  }
0x88: {  	v17 =	vsub.f32 v18, v17  }
0x89: {  	v19 =	vand.u32 $0x7FFFFFFF, v19;
	v18 =	vand.u32 $0x7FFFFFFF, v20  }
0x8a: {  	vm15 =	vle.f32 v19, v14;
	v17 =	vand.u32 $0x7FFFFFFF, v17;
	vm0 =	vle.f32 v18, v16  }
0x8b: {  	vm1 =	vle.f32 v17, v13;
	vm15 =	vmand vm15, vm0  }
0x8c: {  	vm15 =	vmand vm1, vm15;
	s24 =	spop (v2sf)  }
0x8d: {  	v17 =	vmpcnt.ones.xlane vm15;
	s0 =	sadd.s32 s0, s24  }
0x8e: {  	s25 =	simm.s32 $0x40;
	p0 =	slt.s32 s0, $0x200;
	s8 =	smov.u32 s0  }
0x8f: {  	(v2sf) =	vpush v17, $0x0;
	s8 =	simm.s32 @!p0 $0x200;
	v17 =	vor.u32 s25, v2  }
0x90: {  	[tilespmem:s8+$0x18080] =	vst.msk vm15, v17  }
0x91: {  	v17 =	vld [tilespmem:s9+$0xFFFF7FE0]  }
0x92: {  	v18 =	vld [tilespmem:s9+$0xFFFFBFE0];
	_ =	sdelay $0x3  }
0x93: {  	v19 =	vld [tilespmem:s9+$0xFFFFFFE0]  }
0x94: {  	v17 =	vsub.f32 v17, v10;
	v18 =	vsub.f32 v18, v11;
	_ =	sdelay $0x1  }
0x95: {  	v20 =	vmul.f32 v17, v8;
	v63 =	vmul.f32 v18, v9  }
0x96: {  	v18 =	vmul.f32 v18, v8;
	v17 =	vmul.f32 v17, v9  }
0x97: {  	v19 =	vsub.f32 v19, v12;
	v20 =	vadd.f32 v63, v20  }
0x98: {  	v17 =	vsub.f32 v18, v17  }
0x99: {  	v18 =	vand.u32 $0x7FFFFFFF, v19;
	v19 =	vand.u32 $0x7FFFFFFF, v20  }
0x9a: {  	vm0 =	vle.f32 v18, v14;
	v17 =	vand.u32 $0x7FFFFFFF, v17;
	vm15 =	vle.f32 v19, v16  }
0x9b: {  	vm0 =	vmand vm0, vm15;
	vm15 =	vle.f32 v17, v13  }
0x9c: {  	vm15 =	vmand vm15, vm0  }
0x9d: {  	s28 =	spop (v2sf);
	v18 =	vmpcnt.ones.xlane vm15  }
0x9e: {  	[dreg:$0x1c] =	wrdreg s1;
	s14 =	sadd.s32 s0, s28  }
0x9f: {  	s29 =	simm.s32 $0x50;
	p0 =	slt.s32 s14, $0x200;
	s1 =	smov.u32 s14;
	(v2sf) =	vpush v18, $0x0  }
0xa0: {  	v17 =	vor.u32 s29, v2;
	s1 =	simm.s32 @!p0 $0x200  }
0xa1: {  	[tilespmem:s1+$0x18080] =	vst.msk vm15, v17  }
0xa2: {  	s10 =	simm.s32 $0x70;
	s13 =	simm.s32 $0x8;
	v17 =	vld [tilespmem:s9+$0xFFFF7FF0]  }
0xa3: {  	s12 =	simm.s32 $0x60;
	s11 =	simm.s32 $0x70;
	s8 =	simm.s32 $0x80F0;
	v18 =	vld [tilespmem:s9+$0xFFFFBFF0]  }
.LBB2_3:
0xa4: {  	s13 =	sadd.s32 $0x8, s13;
	v19 =	vld [tilespmem:s9+$0xFFFFFFF0];
	s10 =	sadd.s32 $0x80, s10  }
0xa5: {  	p0 =	slt.u32 s13, $0x3F8;
	s0 =	sadd.s32 $0xFFFFFFF0, s10;
	_ =	sdelay $0x1  }
0xa6: {  	v17 =	vsub.f32 v17, v10  }
0xa7: {  	v18 =	vsub.f32 v18, v11  }
0xa8: {  	v19 =	vsub.f32 v19, v12;
	v20 =	vmul.f32 v17, v8;
	v17 =	vmul.f32 v17, v9  }
0xa9: {  	v21 =	vmul.f32 v18, v9;
	v18 =	vmul.f32 v18, v8  }
0xaa: {  	v19 =	vand.u32 $0x7FFFFFFF, v19  }
0xab: {  	v20 =	vadd.f32 v21, v20;
	v17 =	vsub.f32 v18, v17;
	_ =	sdelay $0x1  }
0xac: {  	v18 =	vand.u32 $0x7FFFFFFF, v20;
	v17 =	vand.u32 $0x7FFFFFFF, v17;
	s1 =	spop (v2sf)  }
0xad: {  	vm15 =	vle.f32 v19, v14;
	s1 =	sadd.s32 s14, s1;
	vm0 =	vle.f32 v18, v16  }
0xae: {  	vm0 =	vmand vm15, vm0;
	vm15 =	vle.f32 v17, v13;
	p1 =	slt.s32 s1, $0x200;
	s14 =	smov.u32 s1  }
0xaf: {  	v17 =	vor.u32 s12, v2;
	s12 =	smov.u32 s0;
	vm0 =	vmand vm15, vm0;
	s14 =	simm.s32 @!p1 $0x200  }
0xb0: {  	v18 =	vmpcnt.ones.xlane vm0;
	[tilespmem:s14+$0x18080] =	vst.msk vm0, v17  }
0xb1: {  	v17 =	vld [tilespmem:s9+$0xFFFF8000]  }
0xb2: {  	v19 =	vld [tilespmem:s9+$0xFFFFC000];
	(v2sf) =	vpush v18, $0x0  }
0xb3: {  	v18 =	vld [tilespmem:s9+$0x0];
	s9 =	smov.u32 s8;
	_ =	sdelay $0x2  }
0xb4: {  	v17 =	vsub.f32 v17, v10  }
0xb5: {  	v19 =	vsub.f32 v19, v11  }
0xb6: {  	v18 =	vsub.f32 v18, v12  }
0xb7: {  	v20 =	vmul.f32 v17, v8;
	v21 =	vmul.f32 v19, v9  }
0xb8: {  	v17 =	vmul.f32 v17, v9;
	v19 =	vmul.f32 v19, v8;
	v18 =	vand.u32 $0x7FFFFFFF, v18  }
0xb9: {  	v20 =	vadd.f32 v21, v20  }
0xba: {  	v17 =	vsub.f32 v19, v17  }
0xbb: {  	v19 =	vand.u32 $0x7FFFFFFF, v20  }
0xbc: {  	vm0 =	vle.f32 v18, v14;
	v17 =	vand.u32 $0x7FFFFFFF, v17;
	vm15 =	vle.f32 v19, v16  }
0xbd: {  	vm0 =	vmand vm0, vm15;
	vm15 =	vle.f32 v17, v13  }
0xbe: {  	vm0 =	vmand vm15, vm0  }
0xbf: {  	v17 =	vmpcnt.ones.xlane vm0;
	s0 =	spop (v2sf)  }
0xc0: {  	s0 =	sadd.s32 s1, s0  }
0xc1: {  	p1 =	slt.s32 s0, $0x200;
	(v2sf) =	vpush v17, $0x0;
	s1 =	smov.u32 s0  }
0xc2: {  	v17 =	vor.u32 s11, v2;
	s11 =	smov.u32 s10;
	s1 =	simm.s32 @!p1 $0x200  }
0xc3: {  	[tilespmem:s1+$0x18080] =	vst.msk vm0, v17  }
0xc4: {  	v17 =	vld [tilespmem:s8+$0xFFFF7F90]  }
0xc5: {  	v18 =	vld [tilespmem:s8+$0xFFFFBF90];
	_ =	sdelay $0x3  }
0xc6: {  	v19 =	vld [tilespmem:s8+$0xFFFFFF90];
	v17 =	vsub.f32 v17, v10  }
0xc7: {  	v18 =	vsub.f32 v18, v11  }
0xc8: {  	v20 =	vmul.f32 v17, v9  }
0xc9: {  	v17 =	vmul.f32 v17, v8;
	v21 =	vmul.f32 v18, v9  }
0xca: {  	v18 =	vmul.f32 v18, v8  }
0xcb: {  	v19 =	vsub.f32 v19, v12;
	v17 =	vadd.f32 v21, v17  }
0xcc: {  	v18 =	vsub.f32 v18, v20  }
0xcd: {  	v19 =	vand.u32 $0x7FFFFFFF, v19;
	v17 =	vand.u32 $0x7FFFFFFF, v17;
	s1 =	spop (v2sf)  }
0xce: {  	vm0 =	vle.f32 v19, v14;
	vm15 =	vle.f32 v17, v16;
	v17 =	vand.u32 $0x7FFFFFFF, v18;
	s0 =	sadd.s32 s0, s1  }
0xcf: {  	s1 =	sadd.s32 $0xFFFFFF90, s10;
	vm0 =	vmand vm0, vm15;
	vm15 =	vle.f32 v17, v13;
	p1 =	slt.s32 s0, $0x200;
	s14 =	smov.u32 s0  }
0xd0: {  	v17 =	vor.u32 s1, v2;
	vm0 =	vmand vm15, vm0;
	s14 =	simm.s32 @!p1 $0x200  }
0xd1: {  	v18 =	vmpcnt.ones.xlane vm0;
	[tilespmem:s14+$0x18080] =	vst.msk vm0, v17  }
0xd2: {  	v17 =	vld [tilespmem:s8+$0xFFFF7FA0]  }
0xd3: {  	v19 =	vld [tilespmem:s8+$0xFFFFBFA0];
	(v2sf) =	vpush v18, $0x0;
	_ =	sdelay $0x3  }
0xd4: {  	v18 =	vld [tilespmem:s8+$0xFFFFFFA0]  }
0xd5: {  	v17 =	vsub.f32 v17, v10;
	v19 =	vsub.f32 v19, v11;
	_ =	sdelay $0x1  }
0xd6: {  	v20 =	vmul.f32 v17, v8;
	v21 =	vmul.f32 v19, v9  }
0xd7: {  	v17 =	vmul.f32 v17, v9;
	v19 =	vmul.f32 v19, v8  }
0xd8: {  	v18 =	vsub.f32 v18, v12;
	v20 =	vadd.f32 v21, v20  }
0xd9: {  	v17 =	vsub.f32 v19, v17  }
0xda: {  	v18 =	vand.u32 $0x7FFFFFFF, v18;
	v19 =	vand.u32 $0x7FFFFFFF, v20  }
0xdb: {  	v17 =	vand.u32 $0x7FFFFFFF, v17;
	vm0 =	vle.f32 v18, v14;
	vm15 =	vle.f32 v19, v16  }
0xdc: {  	vm0 =	vmand vm0, vm15;
	vm15 =	vle.f32 v17, v13  }
0xdd: {  	vm0 =	vmand vm15, vm0  }
0xde: {  	v17 =	vmpcnt.ones.xlane vm0;
	s1 =	spop (v2sf)  }
0xdf: {  	s0 =	sadd.s32 s0, s1  }
0xe0: {  	s1 =	sadd.s32 $0xFFFFFFA0, s10;
	p1 =	slt.s32 s0, $0x200;
	(v2sf) =	vpush v17, $0x0;
	s14 =	smov.u32 s0  }
0xe1: {  	v17 =	vor.u32 s1, v2;
	s14 =	simm.s32 @!p1 $0x200  }
0xe2: {  	[tilespmem:s14+$0x18080] =	vst.msk vm0, v17  }
0xe3: {  	v17 =	vld [tilespmem:s8+$0xFFFFBFB0]  }
0xe4: {  	v18 =	vld [tilespmem:s8+$0xFFFF7FB0];
	_ =	sdelay $0x3  }
0xe5: {  	v19 =	vld [tilespmem:s8+$0xFFFFFFB0];
	v17 =	vsub.f32 v17, v11  }
0xe6: {  	v18 =	vsub.f32 v18, v10;
	_ =	sdelay $0x1  }
0xe7: {  	v21 =	vmul.f32 v17, v9;
	v20 =	vmul.f32 v18, v8  }
0xe8: {  	v17 =	vmul.f32 v17, v8;
	v18 =	vmul.f32 v18, v9  }
0xe9: {  	v19 =	vsub.f32 v19, v12;
	v20 =	vadd.f32 v21, v20  }
0xea: {  	v17 =	vsub.f32 v17, v18  }
0xeb: {  	v18 =	vand.u32 $0x7FFFFFFF, v19;
	v19 =	vand.u32 $0x7FFFFFFF, v20;
	s1 =	spop (v2sf)  }
0xec: {  	v17 =	vand.u32 $0x7FFFFFFF, v17;
	s0 =	sadd.s32 s0, s1;
	vm0 =	vle.f32 v18, v14;
	vm15 =	vle.f32 v19, v16  }
0xed: {  	s1 =	sadd.s32 $0xFFFFFFB0, s10;
	vm0 =	vmand vm0, vm15;
	vm15 =	vle.f32 v17, v13;
	p1 =	slt.s32 s0, $0x200;
	s14 =	smov.u32 s0  }
0xee: {  	v17 =	vor.u32 s1, v2;
	vm0 =	vmand vm15, vm0;
	s14 =	simm.s32 @!p1 $0x200  }
0xef: {  	v18 =	vmpcnt.ones.xlane vm0;
	[tilespmem:s14+$0x18080] =	vst.msk vm0, v17  }
0xf0: {  	v17 =	vld [tilespmem:s8+$0xFFFF7FC0]  }
0xf1: {  	v19 =	vld [tilespmem:s8+$0xFFFFBFC0];
	(v2sf) =	vpush v18, $0x0;
	_ =	sdelay $0x3  }
0xf2: {  	v18 =	vld [tilespmem:s8+$0xFFFFFFC0];
	v17 =	vsub.f32 v17, v10  }
0xf3: {  	v19 =	vsub.f32 v19, v11;
	_ =	sdelay $0x1  }
0xf4: {  	v20 =	vmul.f32 v17, v8;
	v21 =	vmul.f32 v19, v9  }
0xf5: {  	v17 =	vmul.f32 v17, v9;
	v19 =	vmul.f32 v19, v8  }
0xf6: {  	v18 =	vsub.f32 v18, v12;
	v20 =	vadd.f32 v21, v20  }
0xf7: {  	v17 =	vsub.f32 v19, v17  }
0xf8: {  	v18 =	vand.u32 $0x7FFFFFFF, v18;
	v19 =	vand.u32 $0x7FFFFFFF, v20  }
0xf9: {  	v17 =	vand.u32 $0x7FFFFFFF, v17;
	vm0 =	vle.f32 v18, v14;
	vm15 =	vle.f32 v19, v16  }
0xfa: {  	vm0 =	vmand vm0, vm15;
	vm15 =	vle.f32 v17, v13  }
0xfb: {  	vm0 =	vmand vm15, vm0  }
0xfc: {  	v17 =	vmpcnt.ones.xlane vm0;
	s1 =	spop (v2sf)  }
0xfd: {  	s0 =	sadd.s32 s0, s1  }
0xfe: {  	s1 =	sadd.s32 $0xFFFFFFC0, s10;
	p1 =	slt.s32 s0, $0x200;
	(v2sf) =	vpush v17, $0x0;
	s14 =	smov.u32 s0  }
0xff: {  	v17 =	vor.u32 s1, v2;
	s14 =	simm.s32 @!p1 $0x200  }
0x100: {  	[tilespmem:s14+$0x18080] =	vst.msk vm0, v17  }
0x101: {  	v17 =	vld [tilespmem:s8+$0xFFFF7FD0]  }
0x102: {  	v18 =	vld [tilespmem:s8+$0xFFFFBFD0];
	_ =	sdelay $0x3  }
0x103: {  	v19 =	vld [tilespmem:s8+$0xFFFFFFD0];
	v17 =	vsub.f32 v17, v10  }
0x104: {  	v18 =	vsub.f32 v18, v11  }
0x105: {  	v20 =	vmul.f32 v17, v8;
	v17 =	vmul.f32 v17, v9  }
0x106: {  	v21 =	vmul.f32 v18, v9;
	v18 =	vmul.f32 v18, v8;
	_ =	sdelay $0x1  }
0x107: {  	v20 =	vadd.f32 v21, v20;
	v17 =	vsub.f32 v18, v17  }
0x108: {  	v18 =	vsub.f32 v19, v12  }
0x109: {  	v19 =	vand.u32 $0x7FFFFFFF, v20;
	v17 =	vand.u32 $0x7FFFFFFF, v17;
	s1 =	spop (v2sf)  }
0x10a: {  	v18 =	vand.u32 $0x7FFFFFFF, v18;
	s0 =	sadd.s32 s0, s1;
	vm0 =	vle.f32 v19, v16  }
0x10b: {  	vm15 =	vle.f32 v18, v14;
	vm1 =	vle.f32 v17, v13;
	p1 =	slt.s32 s0, $0x200;
	s14 =	smov.u32 s0  }
0x10c: {  	s1 =	sadd.s32 $0xFFFFFFD0, s10;
	vm0 =	vmand vm15, vm0;
	s14 =	simm.s32 @!p1 $0x200  }
0x10d: {  	v17 =	vor.u32 s1, v2;
	vm0 =	vmand vm1, vm0  }
0x10e: {  	v18 =	vmpcnt.ones.xlane vm0;
	[tilespmem:s14+$0x18080] =	vst.msk vm0, v17  }
0x10f: {  	v17 =	vld [tilespmem:s8+$0xFFFF7FE0]  }
0x110: {  	v19 =	vld [tilespmem:s8+$0xFFFFBFE0];
	(v2sf) =	vpush v18, $0x0  }
0x111: {  	v18 =	vld [tilespmem:s8+$0xFFFFFFE0];
	_ =	sdelay $0x2  }
0x112: {  	v17 =	vsub.f32 v17, v10  }
0x113: {  	v19 =	vsub.f32 v19, v11  }
0x114: {  	v18 =	vsub.f32 v18, v12  }
0x115: {  	v20 =	vmul.f32 v17, v8;
	v21 =	vmul.f32 v19, v9  }
0x116: {  	v17 =	vmul.f32 v17, v9;
	v19 =	vmul.f32 v19, v8;
	v18 =	vand.u32 $0x7FFFFFFF, v18  }
0x117: {  	v20 =	vadd.f32 v21, v20  }
0x118: {  	v17 =	vsub.f32 v19, v17  }
0x119: {  	v19 =	vand.u32 $0x7FFFFFFF, v20  }
0x11a: {  	vm0 =	vle.f32 v18, v14;
	v17 =	vand.u32 $0x7FFFFFFF, v17;
	vm1 =	vle.f32 v19, v16  }
0x11b: {  	s8 =	sadd.s32 $0x80, s8;
	vm0 =	vmand vm0, vm1;
	vm1 =	vle.f32 v17, v13  }
0x11c: {  	vm0 =	vmand vm1, vm0  }
0x11d: {  	v17 =	vmpcnt.ones.xlane vm0;
	s1 =	spop (v2sf)  }
0x11e: {  	s14 =	sadd.s32 s0, s1;
	s0 =	sadd.s32 $0xFFFFFFE0, s10  }
.Ltmp4:
0x11f: {  	p1 =	slt.s32 s14, $0x200;
	(v2sf) =	vpush v17, $0x0;
	s1 =	smov.u32 s14;
	(pc) =	sbr.rel @p0 .LBB2_3-.Ltmp4, $4  }
0x120: {  	v17 =	vor.u32 s0, v2;
	s1 =	simm.s32 @!p1 $0x200  }
0x121: {  	[tilespmem:s1+$0x18080] =	vst.msk vm0, v17  }
0x122: {  	v17 =	vld [tilespmem:s9+$0xFFFF7FF0]  }
0x123: {  	v18 =	vld [tilespmem:s9+$0xFFFFBFF0]  }
0x124: {  	_ =	sdelay $0x2  }
0x125: {  	v19 =	vld [tilespmem:s9+$0xFFFFFFF0]  }
0x126: {  	v17 =	vsub.f32 v17, v10;
	v18 =	vsub.f32 v18, v11;
	_ =	sdelay $0x1  }
0x127: {  	v20 =	vmul.f32 v17, v8;
	v21 =	vmul.f32 v18, v9  }
0x128: {  	v17 =	vmul.f32 v17, v9;
	v18 =	vmul.f32 v18, v8  }
0x129: {  	v19 =	vsub.f32 v19, v12;
	v20 =	vadd.f32 v21, v20  }
0x12a: {  	v17 =	vsub.f32 v18, v17  }
0x12b: {  	v18 =	vand.u32 $0x7FFFFFFF, v19;
	v19 =	vand.u32 $0x7FFFFFFF, v20;
	s0 =	spop (v2sf)  }
0x12c: {  	vm0 =	vle.f32 v18, v14;
	v17 =	vand.u32 $0x7FFFFFFF, v17;
	s0 =	sadd.s32 s14, s0;
	vm1 =	vle.f32 v19, v16  }
0x12d: {  	vm0 =	vmand vm0, vm1;
	vm1 =	vle.f32 v17, v13;
	p0 =	slt.s32 s0, $0x200;
	s1 =	smov.u32 s0  }
0x12e: {  	v17 =	vor.u32 s12, v2;
	vm0 =	vmand vm1, vm0;
	s1 =	simm.s32 @!p0 $0x200  }
0x12f: {  	v18 =	vmpcnt.ones.xlane vm0;
	[tilespmem:s1+$0x18080] =	vst.msk vm0, v17  }
0x130: {  	v17 =	vld [tilespmem:s9+$0xFFFF8000]  }
0x131: {  	v19 =	vld [tilespmem:s9+$0xFFFFC000];
	(v2sf) =	vpush v18, $0x0;
	_ =	sdelay $0x3  }
0x132: {  	v18 =	vld [tilespmem:s9+$0x0]  }
0x133: {  	v17 =	vsub.f32 v17, v10;
	v19 =	vsub.f32 v19, v11;
	_ =	sdelay $0x1  }
0x134: {  	v46 =	vmul.f32 v17, v8;
	v47 =	vmul.f32 v19, v9  }
0x135: {  	v19 =	vmul.f32 v19, v8;
	v17 =	vmul.f32 v17, v9  }
0x136: {  	v18 =	vsub.f32 v18, v12;
	v20 =	vadd.f32 v47, v46  }
0x137: {  	v17 =	vsub.f32 v19, v17  }
0x138: {  	v18 =	vand.u32 $0x7FFFFFFF, v18;
	v19 =	vand.u32 $0x7FFFFFFF, v20  }
0x139: {  	vm0 =	vle.f32 v18, v14;
	v17 =	vand.u32 $0x7FFFFFFF, v17;
	vm1 =	vle.f32 v19, v16  }
0x13a: {  	vm0 =	vmand vm0, vm1;
	vm1 =	vle.f32 v17, v13  }
0x13b: {  	vm0 =	vmand vm1, vm0  }
0x13c: {  	v17 =	vmpcnt.ones.xlane vm0;
	s4 =	spop (v2sf)  }
0x13d: {  	s0 =	sadd.s32 s0, s4  }
0x13e: {  	(v2sf) =	vpush v17, $0x0;
	p0 =	slt.s32 s0, $0x200;
	s1 =	smov.u32 s0  }
0x13f: {  	v17 =	vor.u32 s11, v2;
	s1 =	simm.s32 @!p0 $0x200  }
0x140: {  	[tilespmem:s1+$0x18080] =	vst.msk vm0, v17  }
0x141: {  	v17 =	vld [tilespmem:s8+$0xFFFF7F90]  }
0x142: {  	v18 =	vld [tilespmem:s8+$0xFFFFBF90];
	_ =	sdelay $0x3  }
0x143: {  	v19 =	vld [tilespmem:s8+$0xFFFFFF90]  }
0x144: {  	v17 =	vsub.f32 v17, v10;
	v18 =	vsub.f32 v18, v11;
	_ =	sdelay $0x1  }
0x145: {  	v48 =	vmul.f32 v17, v8;
	v49 =	vmul.f32 v18, v9  }
0x146: {  	v17 =	vmul.f32 v17, v9;
	v18 =	vmul.f32 v18, v8  }
0x147: {  	v19 =	vsub.f32 v19, v12;
	v20 =	vadd.f32 v49, v48  }
0x148: {  	v17 =	vsub.f32 v18, v17  }
0x149: {  	v18 =	vand.u32 $0x7FFFFFFF, v19;
	v19 =	vand.u32 $0x7FFFFFFF, v20;
	s7 =	spop (v2sf)  }
0x14a: {  	s4 =	sadd.s32 $0x80, s10;
	vm0 =	vle.f32 v18, v14;
	v17 =	vand.u32 $0x7FFFFFFF, v17;
	vm1 =	vle.f32 v19, v16;
	s0 =	sadd.s32 s0, s7  }
0x14b: {  	s9 =	sadd.s32 $0xFFFFFF90, s4;
	vm0 =	vmand vm0, vm1;
	vm1 =	vle.f32 v17, v13;
	p0 =	slt.s32 s0, $0x200;
	s10 =	smov.u32 s0  }
0x14c: {  	v17 =	vor.u32 s9, v2;
	vm0 =	vmand vm1, vm0;
	s10 =	simm.s32 @!p0 $0x200  }
0x14d: {  	v18 =	vmpcnt.ones.xlane vm0;
	[tilespmem:s10+$0x18080] =	vst.msk vm0, v17  }
0x14e: {  	v17 =	vld [tilespmem:s8+$0xFFFF7FA0]  }
0x14f: {  	v19 =	vld [tilespmem:s8+$0xFFFFBFA0];
	(v2sf) =	vpush v18, $0x0;
	_ =	sdelay $0x3  }
0x150: {  	v18 =	vld [tilespmem:s8+$0xFFFFFFA0]  }
0x151: {  	v17 =	vsub.f32 v17, v10;
	v19 =	vsub.f32 v19, v11;
	_ =	sdelay $0x1  }
0x152: {  	v50 =	vmul.f32 v17, v8;
	v51 =	vmul.f32 v19, v9  }
0x153: {  	v19 =	vmul.f32 v19, v8;
	v17 =	vmul.f32 v17, v9  }
0x154: {  	v18 =	vsub.f32 v18, v12;
	v20 =	vadd.f32 v51, v50  }
0x155: {  	v17 =	vsub.f32 v19, v17  }
0x156: {  	v18 =	vand.u32 $0x7FFFFFFF, v18;
	v19 =	vand.u32 $0x7FFFFFFF, v20  }
0x157: {  	vm0 =	vle.f32 v18, v14;
	v17 =	vand.u32 $0x7FFFFFFF, v17;
	vm1 =	vle.f32 v19, v16  }
0x158: {  	vm0 =	vmand vm0, vm1;
	vm1 =	vle.f32 v17, v13  }
0x159: {  	vm0 =	vmand vm1, vm0  }
0x15a: {  	v17 =	vmpcnt.ones.xlane vm0;
	s11 =	spop (v2sf)  }
0x15b: {  	s0 =	sadd.s32 s0, s11  }
0x15c: {  	s12 =	sadd.s32 $0xFFFFFFA0, s4;
	(v2sf) =	vpush v17, $0x0;
	p0 =	slt.s32 s0, $0x200;
	s10 =	smov.u32 s0  }
0x15d: {  	v17 =	vor.u32 s12, v2;
	s10 =	simm.s32 @!p0 $0x200  }
0x15e: {  	[tilespmem:s10+$0x18080] =	vst.msk vm0, v17  }
0x15f: {  	v17 =	vld [tilespmem:s8+$0xFFFFBFB0]  }
0x160: {  	v18 =	vld [tilespmem:s8+$0xFFFF7FB0];
	_ =	sdelay $0x3  }
0x161: {  	v19 =	vld [tilespmem:s8+$0xFFFFFFB0]  }
0x162: {  	v17 =	vsub.f32 v17, v11;
	v18 =	vsub.f32 v18, v10;
	_ =	sdelay $0x1  }
0x163: {  	v52 =	vmul.f32 v18, v8;
	v53 =	vmul.f32 v17, v9  }
0x164: {  	v17 =	vmul.f32 v17, v8;
	v18 =	vmul.f32 v18, v9  }
0x165: {  	v19 =	vsub.f32 v19, v12;
	v20 =	vadd.f32 v53, v52  }
0x166: {  	v17 =	vsub.f32 v17, v18  }
0x167: {  	v18 =	vand.u32 $0x7FFFFFFF, v19;
	v19 =	vand.u32 $0x7FFFFFFF, v20;
	s13 =	spop (v2sf)  }
0x168: {  	vm0 =	vle.f32 v18, v14;
	v17 =	vand.u32 $0x7FFFFFFF, v17;
	s0 =	sadd.s32 s0, s13;
	vm1 =	vle.f32 v19, v16  }
0x169: {  	s14 =	sadd.s32 $0xFFFFFFB0, s4;
	vm0 =	vmand vm0, vm1;
	vm1 =	vle.f32 v17, v13;
	p0 =	slt.s32 s0, $0x200;
	s10 =	smov.u32 s0  }
0x16a: {  	v17 =	vor.u32 s14, v2;
	vm0 =	vmand vm1, vm0;
	s10 =	simm.s32 @!p0 $0x200  }
0x16b: {  	v18 =	vmpcnt.ones.xlane vm0;
	[tilespmem:s10+$0x18080] =	vst.msk vm0, v17  }
0x16c: {  	v17 =	vld [tilespmem:s8+$0xFFFF7FC0]  }
0x16d: {  	v19 =	vld [tilespmem:s8+$0xFFFFBFC0];
	(v2sf) =	vpush v18, $0x0;
	_ =	sdelay $0x3  }
0x16e: {  	v18 =	vld [tilespmem:s8+$0xFFFFFFC0]  }
0x16f: {  	v17 =	vsub.f32 v17, v10;
	v19 =	vsub.f32 v19, v11;
	_ =	sdelay $0x1  }
0x170: {  	v54 =	vmul.f32 v17, v8;
	v55 =	vmul.f32 v19, v9  }
0x171: {  	v19 =	vmul.f32 v19, v8;
	v17 =	vmul.f32 v17, v9  }
0x172: {  	v18 =	vsub.f32 v18, v12;
	v20 =	vadd.f32 v55, v54  }
0x173: {  	v17 =	vsub.f32 v19, v17  }
0x174: {  	v18 =	vand.u32 $0x7FFFFFFF, v18;
	v19 =	vand.u32 $0x7FFFFFFF, v20  }
0x175: {  	vm0 =	vle.f32 v18, v14;
	v17 =	vand.u32 $0x7FFFFFFF, v17;
	vm1 =	vle.f32 v19, v16  }
0x176: {  	vm0 =	vmand vm0, vm1;
	vm1 =	vle.f32 v17, v13  }
0x177: {  	vm0 =	vmand vm1, vm0  }
0x178: {  	v17 =	vmpcnt.ones.xlane vm0;
	s15 =	spop (v2sf)  }
0x179: {  	s0 =	sadd.s32 s0, s15  }
0x17a: {  	s16 =	sadd.s32 $0xFFFFFFC0, s4;
	(v2sf) =	vpush v17, $0x0;
	p0 =	slt.s32 s0, $0x200;
	s10 =	smov.u32 s0  }
0x17b: {  	v17 =	vor.u32 s16, v2;
	s10 =	simm.s32 @!p0 $0x200  }
0x17c: {  	[tilespmem:s10+$0x18080] =	vst.msk vm0, v17  }
0x17d: {  	v17 =	vld [tilespmem:s8+$0xFFFF7FD0]  }
0x17e: {  	v18 =	vld [tilespmem:s8+$0xFFFFBFD0];
	_ =	sdelay $0x3  }
0x17f: {  	v19 =	vld [tilespmem:s8+$0xFFFFFFD0]  }
0x180: {  	v17 =	vsub.f32 v17, v10;
	v18 =	vsub.f32 v18, v11;
	_ =	sdelay $0x1  }
0x181: {  	v56 =	vmul.f32 v17, v8;
	v57 =	vmul.f32 v18, v9  }
0x182: {  	v17 =	vmul.f32 v17, v9;
	v18 =	vmul.f32 v18, v8  }
0x183: {  	v19 =	vsub.f32 v19, v12;
	v20 =	vadd.f32 v57, v56  }
0x184: {  	v17 =	vsub.f32 v18, v17  }
0x185: {  	v19 =	vand.u32 $0x7FFFFFFF, v19;
	v18 =	vand.u32 $0x7FFFFFFF, v20;
	s17 =	spop (v2sf)  }
0x186: {  	vm1 =	vle.f32 v19, v14;
	v17 =	vand.u32 $0x7FFFFFFF, v17;
	s0 =	sadd.s32 s0, s17;
	vm0 =	vle.f32 v18, v16  }
0x187: {  	s18 =	sadd.s32 $0xFFFFFFD0, s4;
	vm15 =	vle.f32 v17, v13;
	p0 =	slt.s32 s0, $0x200;
	vm0 =	vmand vm1, vm0;
	s10 =	smov.u32 s0  }
0x188: {  	v17 =	vor.u32 s18, v2;
	s10 =	simm.s32 @!p0 $0x200;
	vm0 =	vmand vm15, vm0  }
0x189: {  	v18 =	vmpcnt.ones.xlane vm0;
	[tilespmem:s10+$0x18080] =	vst.msk vm0, v17  }
0x18a: {  	v17 =	vld [tilespmem:s8+$0xFFFF7FE0]  }
0x18b: {  	v19 =	vld [tilespmem:s8+$0xFFFFBFE0];
	(v2sf) =	vpush v18, $0x0;
	_ =	sdelay $0x3  }
0x18c: {  	v18 =	vld [tilespmem:s8+$0xFFFFFFE0]  }
0x18d: {  	v17 =	vsub.f32 v17, v10;
	v19 =	vsub.f32 v19, v11;
	_ =	sdelay $0x1  }
0x18e: {  	v58 =	vmul.f32 v17, v8;
	v59 =	vmul.f32 v19, v9  }
0x18f: {  	v19 =	vmul.f32 v19, v8;
	v17 =	vmul.f32 v17, v9  }
0x190: {  	v18 =	vsub.f32 v18, v12;
	v20 =	vadd.f32 v59, v58  }
0x191: {  	v17 =	vsub.f32 v19, v17  }
0x192: {  	v18 =	vand.u32 $0x7FFFFFFF, v18;
	v19 =	vand.u32 $0x7FFFFFFF, v20  }
0x193: {  	vm0 =	vle.f32 v18, v14;
	v17 =	vand.u32 $0x7FFFFFFF, v17;
	vm1 =	vle.f32 v19, v16  }
0x194: {  	vm0 =	vmand vm0, vm1;
	vm1 =	vle.f32 v17, v13  }
0x195: {  	vm0 =	vmand vm1, vm0  }
0x196: {  	v17 =	vmpcnt.ones.xlane vm0;
	s19 =	spop (v2sf)  }
0x197: {  	s0 =	sadd.s32 s0, s19  }
0x198: {  	s20 =	sadd.s32 $0xFFFFFFE0, s4;
	(v2sf) =	vpush v17, $0x0;
	p0 =	slt.s32 s0, $0x200;
	s10 =	smov.u32 s0  }
0x199: {  	v17 =	vor.u32 s20, v2;
	s10 =	simm.s32 @!p0 $0x200  }
0x19a: {  	[tilespmem:s10+$0x18080] =	vst.msk vm0, v17  }
0x19b: {  	v17 =	vld [tilespmem:s8+$0xFFFF7FF0]  }
0x19c: {  	v18 =	vld [tilespmem:s8+$0xFFFFBFF0];
	_ =	sdelay $0x3  }
0x19d: {  	v19 =	vld [tilespmem:s8+$0xFFFFFFF0]  }
0x19e: {  	v17 =	vsub.f32 v17, v10;
	v18 =	vsub.f32 v18, v11;
	_ =	sdelay $0x1  }
0x19f: {  	v60 =	vmul.f32 v17, v8;
	v61 =	vmul.f32 v18, v9  }
0x1a0: {  	v17 =	vmul.f32 v17, v9;
	v18 =	vmul.f32 v18, v8  }
0x1a1: {  	v19 =	vsub.f32 v19, v12;
	v20 =	vadd.f32 v61, v60  }
0x1a2: {  	v17 =	vsub.f32 v18, v17  }
0x1a3: {  	v18 =	vand.u32 $0x7FFFFFFF, v19;
	v19 =	vand.u32 $0x7FFFFFFF, v20;
	s21 =	spop (v2sf)  }
0x1a4: {  	vm0 =	vle.f32 v18, v14;
	v17 =	vand.u32 $0x7FFFFFFF, v17;
	s0 =	sadd.s32 s0, s21;
	vm1 =	vle.f32 v19, v16  }
0x1a5: {  	s22 =	sadd.s32 $0xFFFFFFF0, s4;
	vm0 =	vmand vm0, vm1;
	vm1 =	vle.f32 v17, v13;
	p0 =	slt.s32 s0, $0x200;
	s10 =	smov.u32 s0  }
0x1a6: {  	v17 =	vor.u32 s22, v2;
	vm0 =	vmand vm1, vm0;
	s10 =	simm.s32 @!p0 $0x200  }
0x1a7: {  	[tilespmem:s10+$0x18080] =	vst.msk vm0, v17  }
0x1a8: {  	v17 =	vld [tilespmem:s8+$0xFFFF8000]  }
0x1a9: {  	v18 =	vld [tilespmem:s8+$0xFFFFC000];
	_ =	sdelay $0x3  }
0x1aa: {  	v19 =	vld [tilespmem:s8+$0x0]  }
0x1ab: {  	v17 =	vsub.f32 v17, v10;
	v18 =	vsub.f32 v18, v11;
	_ =	sdelay $0x1  }
0x1ac: {  	v62 =	vmul.f32 v17, v8;
	v63 =	vmul.f32 v18, v9  }
0x1ad: {  	v18 =	vmul.f32 v18, v8;
	v17 =	vmul.f32 v17, v9  }
0x1ae: {  	v12 =	vsub.f32 v19, v12;
	v19 =	vadd.f32 v63, v62  }
0x1af: {  	v17 =	vsub.f32 v18, v17  }
0x1b0: {  	v12 =	vand.u32 $0x7FFFFFFF, v12;
	v18 =	vand.u32 $0x7FFFFFFF, v19  }
0x1b1: {  	vm1 =	vle.f32 v12, v14;
	v12 =	vand.u32 $0x7FFFFFFF, v17;
	vm15 =	vle.f32 v18, v16  }
0x1b2: {  	vm1 =	vmand vm1, vm15;
	vm15 =	vle.f32 v12, v13  }
0x1b3: {  	v12 =	vmpcnt.ones.xlane vm0;
	vm15 =	vmand vm15, vm1  }
0x1b4: {  	v13 =	vmpcnt.ones.xlane vm15  }
0x1b5: {  	(v2sf) =	vpush v12, $0x0  }
0x1b6: {  	(v2sf) =	vpush v13, $0x0;
	_ =	sdelay $0xd  }
0x1b7: {  	s23 =	spop (v2sf)  }
0x1b8: {  	s12 =	sadd.s32 s0, s23;
	s24 =	spop (v2sf)  }
0x1b9: {  	s7 =	sadd.s32 s12, s24  }
0x1ba: {  	p0 =	sgt.s32 s7, $0x1;
	s0 =	smov.u32 s7  }
0x1bb: {  	s0 =	simm.s32 @!p0 $0x1  }
0x1bc: {  	v12 =	vmov s0  }
0x1bd: {  	(v2sf) =	vpush v12, $0xE  }
0x1be: {  	(v2sf) =	vpush v12, $0xD  }
0x1bf: {  	(v2sf) =	vpush v12, $0xC  }
0x1c0: {  	(v2sf) =	vpush v12, $0xB  }
0x1c1: {  	(v2sf) =	vpush v12, $0xA  }
0x1c2: {  	(v2sf) =	vpush v12, $0x9  }
0x1c3: {  	(v2sf) =	vpush v12, $0x8  }
0x1c4: {  	(v2sf) =	vpush v12, $0x7  }
0x1c5: {  	(v2sf) =	vpush v12, $0x6  }
0x1c6: {  	(v2sf) =	vpush v12, $0x5  }
0x1c7: {  	(v2sf) =	vpush v12, $0x4  }
0x1c8: {  	(v2sf) =	vpush v12, $0x3  }
0x1c9: {  	(v2sf) =	vpush v12, $0x2  }
0x1ca: {  	(v2sf) =	vpush v12, $0x1  }
0x1cb: {  	s25 =	simm.s32 $0x0;
	(v2sf) =	vpush v12, $0x0  }
0x1cc: {  	v14 =	vor.u32 s25, v2;
	(v2sf) =	vpush v12, $0xF;
	s28 =	spop (v2sf)  }
0x1cd: {  	s11 =	spop (v2sf);
	(v2sf) =	vpush v14, $0xE  }
0x1ce: {  	s13 =	spop (v2sf);
	(v2sf) =	vpush v14, $0xD  }
0x1cf: {  	s0 =	spop (v2sf);
	(v2sf) =	vpush v14, $0xC  }
0x1d0: {  	s1 =	spop (v2sf);
	(v2sf) =	vpush v14, $0xB  }
0x1d1: {  	s14 =	spop (v2sf);
	(v2sf) =	vpush v14, $0xA  }
0x1d2: {  	s15 =	spop (v2sf);
	(v2sf) =	vpush v14, $0x9  }
0x1d3: {  	(v2sf) =	vpush v14, $0xF;
	s16 =	spop (v2sf)  }
0x1d4: {  	(v2sf) =	vpush v14, $0x0;
	s17 =	spop (v2sf)  }
0x1d5: {  	(v2sf) =	vpush v14, $0x1;
	s18 =	spop (v2sf)  }
0x1d6: {  	(v2sf) =	vpush v14, $0x2;
	s19 =	spop (v2sf)  }
0x1d7: {  	(v2sf) =	vpush v14, $0x3;
	s20 =	spop (v2sf)  }
0x1d8: {  	s21 =	spop (v2sf);
	(v2sf) =	vpush v14, $0x4  }
0x1d9: {  	s22 =	spop (v2sf);
	(v2sf) =	vpush v14, $0x5  }
0x1da: {  	s23 =	spop (v2sf);
	(v2sf) =	vpush v14, $0x6  }
0x1db: {  	s29 =	spop (v2sf);
	(v2sf) =	vpush v14, $0x7  }
0x1dc: {  	[smem:$0x7FD] =	sst s28;
	s28 =	spop (v2sf)  }
0x1dd: {  	(v2sf) =	vpush v14, $0x8;
	s9 =	spop (v2sf)  }
0x1de: {  	s24 =	spop (v2sf)  }
0x1df: {  	[dreg:$0x1f] =	wrdreg s4;
	s4 =	spop (v2sf)  }
0x1e0: {  	s25 =	spop (v2sf)  }
0x1e1: {  	s8 =	spop (v2sf)  }
0x1e2: {  	s10 =	spop (v2sf)  }
0x1e3: {  	(drf) =	srem.u32 s10, s29;
	s29 =	spop (v2sf)  }
0x1e4: {  	(drf) =	srem.u32 s29, s23;
	s23 =	spop (v2sf)  }
0x1e5: {  	(drf) =	srem.u32 s23, s22;
	s29 =	spop (v2sf)  }
0x1e6: {  	(drf) =	srem.u32 s29, s21;
	s22 =	spop (v2sf)  }
0x1e7: {  	(v2sf) =	vpush v12, $0xE;
	(drf) =	srem.u32 s22, s20;
	s23 =	spop (v2sf)  }
0x1e8: {  	(drf) =	srem.u32 s23, s19;
	s29 =	spop (v2sf)  }
0x1e9: {  	(drf) =	srem.u32 s29, s18;
	s19 =	spop (v2sf)  }
0x1ea: {  	(drf) =	srem.u32 s19, s17;
	s20 =	spop (v2sf)  }
0x1eb: {  	(drf) =	srem.u32 s20, s16  }
0x1ec: {  	s21 =	spop (v2sf);
	s16 =	sld [smem:$0x7FD]  }
0x1ed: {  	(drf) =	srem.u32 s21, s15;
	s22 =	spop (drf)  }
0x1ee: {  	(drf) =	srem.u32 s8, s14;
	s23 =	spop (drf)  }
0x1ef: {  	vm0 =	vcmask $0x300;
	(v2sf) =	vpush v12, $0xD;
	v13 =	vmov s22;
	(drf) =	srem.u32 s25, s1;
	s29 =	spop (drf)  }
0x1f0: {  	vm1 =	vcmask $0x704;
	(v2sf) =	vpush v12, $0xC;
	v13 =	vsel vm0, s23, v13;
	(drf) =	srem.u32 s4, s0;
	s10 =	spop (drf)  }
0x1f1: {  	(v2sf) =	vpush v12, $0xB;
	v13 =	vsel vm1, s29, v13;
	(drf) =	srem.u32 s24, s13;
	s13 =	spop (drf)  }
0x1f2: {  	(v2sf) =	vpush v12, $0xA;
	v13 =	vsel vm2, s10, v13;
	s14 =	spop (drf)  }
0x1f3: {  	(v2sf) =	vpush v12, $0x9;
	(drf) =	srem.u32 s9, s11;
	v13 =	vsel vm3, s13, v13;
	s15 =	spop (drf)  }
0x1f4: {  	(v2sf) =	vpush v12, $0x8;
	(drf) =	srem.u32 s28, s16;
	v13 =	vsel vm4, s14, v13;
	s17 =	spop (drf)  }
0x1f5: {  	(v2sf) =	vpush v12, $0x7;
	v13 =	vsel vm5, s15, v13;
	s18 =	spop (drf)  }
0x1f6: {  	(v2sf) =	vpush v12, $0x6;
	v13 =	vsel vm6, s17, v13;
	s10 =	spop (v2sf)  }
0x1f7: {  	(v2sf) =	vpush v12, $0x5;
	s19 =	spop (drf);
	v13 =	vsel vm7, s18, v13  }
0x1f8: {  	(v2sf) =	vpush v12, $0x4;
	s20 =	spop (drf);
	v13 =	vsel vm8, s19, v13  }
0x1f9: {  	(v2sf) =	vpush v12, $0x3;
	s21 =	spop (drf);
	v13 =	vsel vm9, s20, v13  }
0x1fa: {  	(v2sf) =	vpush v12, $0x2;
	s22 =	spop (drf);
	v13 =	vsel vm10, s21, v13  }
0x1fb: {  	(v2sf) =	vpush v12, $0x1;
	s23 =	spop (drf);
	v13 =	vsel vm11, s22, v13  }
0x1fc: {  	s25 =	simm.s32 $0x10;
	(v2sf) =	vpush v12, $0x0;
	s24 =	spop (drf);
	v13 =	vsel vm12, s23, v13  }
0x1fd: {  	v16 =	vor.u32 s25, v2;
	(v2sf) =	vpush v12, $0xF;
	s28 =	spop (drf);
	v13 =	vsel vm13, s24, v13  }
0x1fe: {  	s11 =	spop (v2sf);
	(v2sf) =	vpush v16, $0xE;
	v17 =	vsel vm14, s28, v13  }
0x1ff: {  	p0 =	slt.s32 s12, $0x200;
	s0 =	smov.u32 s12;
	s12 =	spop (v2sf);
	(v2sf) =	vpush v16, $0xD  }
0x200: {  	s1 =	simm.s32 $0x1;
	s29 =	rddreg [dreg:$0x1f];
	s13 =	spop (v2sf);
	(v2sf) =	vpush v16, $0xC  }
0x201: {  	s0 =	simm.s32 @!p0 $0x200;
	p0 =	sgt.s32 s7, $0x0;
	s14 =	spop (v2sf);
	(v2sf) =	vpush v16, $0xB;
	v13 =	vor.u32 s29, v2  }
0x202: {  	s1 =	simm.s32 @!p0 $0x0;
	s15 =	spop (v2sf);
	(v2sf) =	vpush v16, $0xA;
	[tilespmem:s0+$0x18080] =	vst.msk vm15, v13  }
0x203: {  	[dreg:$0x1e] =	wrdreg s7;
	s9 =	simm.s32 $0x20;
	s16 =	spop (v2sf);
	(v2sf) =	vpush v16, $0x9;
	v13 =	vmov s1;
	v17 =	vld.idx.msk [tilespmem:v17+s30+$0x0], $0xffff  }
.LBB2_5:
0x204: {  	p1 =	sne.s32 s9, $0x1F0;
	(v2sf) =	vpush v16, $0xF;
	s18 =	spop (v2sf)  }
0x205: {  	(v2sf) =	vpush v16, $0x0;
	s1 =	spop (v2sf)  }
0x206: {  	(v2sf) =	vpush v16, $0x1;
	s0 =	spop (v2sf)  }
0x207: {  	(v2sf) =	vpush v16, $0x2;
	s4 =	spop (v2sf)  }
0x208: {  	v17 =	vmul.u32 v13, v17;
	(v2sf) =	vpush v16, $0x3;
	s7 =	spop (v2sf)  }
0x209: {  	s8 =	spop (v2sf);
	(v2sf) =	vpush v16, $0x4  }
0x20a: {  	v17 =	vadd.s32 v0, v17;
	s20 =	spop (v2sf);
	(v2sf) =	vpush v16, $0x5  }
0x20b: {  	s21 =	spop (v2sf);
	(v2sf) =	vpush v16, $0x6;
	[tilespmem:v14+s31+$0x0] =	vst.idx.msk $0xffff, v17;
	v14 =	vmov v16  }
0x20c: {  	s22 =	spop (v2sf);
	(v2sf) =	vpush v14, $0x7  }
0x20d: {  	(v2sf) =	vpush v14, $0x8;
	s17 =	spop (v2sf)  }
0x20e: {  	s19 =	spop (v2sf)  }
0x20f: {  	s23 =	spop (v2sf)  }
0x210: {  	s24 =	spop (v2sf)  }
0x211: {  	s25 =	spop (v2sf)  }
0x212: {  	s28 =	spop (v2sf)  }
0x213: {  	s29 =	spop (v2sf)  }
0x214: {  	s31 =	spop (v2sf);
	(drf) =	srem.u32 s29, s22  }
0x215: {  	(drf) =	srem.u32 s31, s21;
	s31 =	simm.s32 $0x18300;
	s21 =	spop (v2sf)  }
0x216: {  	(drf) =	srem.u32 s21, s20;
	s20 =	spop (v2sf)  }
0x217: {  	(drf) =	srem.u32 s20, s8;
	s8 =	spop (v2sf)  }
0x218: {  	(drf) =	srem.u32 s8, s7;
	s7 =	spop (v2sf)  }
0x219: {  	(drf) =	srem.u32 s7, s4;
	s4 =	spop (v2sf)  }
0x21a: {  	(drf) =	srem.u32 s4, s0;
	s0 =	spop (v2sf)  }
0x21b: {  	(drf) =	srem.u32 s0, s1;
	s0 =	spop (v2sf)  }
0x21c: {  	(drf) =	srem.u32 s0, s18;
	s0 =	spop (v2sf)  }
0x21d: {  	s1 =	spop (drf);
	(drf) =	srem.u32 s0, s16  }
0x21e: {  	(v2sf) =	vpush v12, $0xE;
	v16 =	vmov s1;
	s0 =	spop (drf);
	(drf) =	srem.u32 s28, s15  }
0x21f: {  	(v2sf) =	vpush v12, $0xD;
	v16 =	vsel vm0, s0, v16;
	s0 =	spop (drf);
	(drf) =	srem.u32 s25, s14  }
0x220: {  	(v2sf) =	vpush v12, $0xC;
	v16 =	vsel vm1, s0, v16;
	s0 =	spop (drf);
	(drf) =	srem.u32 s24, s13  }
0x221: {  	(v2sf) =	vpush v12, $0xB;
	v16 =	vsel vm2, s0, v16;
	s0 =	spop (drf);
	(drf) =	srem.u32 s23, s12  }
0x222: {  	(v2sf) =	vpush v12, $0xA;
	v16 =	vsel vm3, s0, v16;
	s0 =	spop (drf);
	(drf) =	srem.u32 s19, s11  }
0x223: {  	(v2sf) =	vpush v12, $0x9;
	v16 =	vsel vm4, s0, v16;
	s0 =	spop (drf);
	(drf) =	srem.u32 s17, s10  }
0x224: {  	(v2sf) =	vpush v12, $0x8;
	v16 =	vsel vm5, s0, v16;
	s0 =	spop (drf)  }
0x225: {  	(v2sf) =	vpush v12, $0x7;
	v16 =	vsel vm6, s0, v16;
	s0 =	spop (drf)  }
0x226: {  	(v2sf) =	vpush v12, $0x6;
	v16 =	vsel vm7, s0, v16;
	s0 =	spop (drf)  }
0x227: {  	(v2sf) =	vpush v12, $0x5;
	v16 =	vsel vm8, s0, v16;
	s0 =	spop (drf)  }
0x228: {  	(v2sf) =	vpush v12, $0x4;
	v16 =	vsel vm9, s0, v16;
	s0 =	spop (drf)  }
0x229: {  	(v2sf) =	vpush v12, $0x3;
	v16 =	vsel vm10, s0, v16;
	s0 =	spop (drf)  }
0x22a: {  	(v2sf) =	vpush v12, $0x2;
	v16 =	vsel vm11, s0, v16;
	s0 =	spop (drf)  }
0x22b: {  	(v2sf) =	vpush v12, $0x1;
	v16 =	vsel vm12, s0, v16;
	s0 =	spop (drf)  }
0x22c: {  	(v2sf) =	vpush v12, $0x0;
	v17 =	vsel vm13, s0, v16;
	s0 =	spop (drf)  }
0x22d: {  	v16 =	vor.u32 s9, v2;
	(v2sf) =	vpush v12, $0xF;
	s10 =	spop (v2sf);
	v17 =	vsel vm14, s0, v17  }
0x22e: {  	s11 =	spop (v2sf);
	(v2sf) =	vpush v16, $0xE  }
.Ltmp5:
0x22f: {  	s12 =	spop (v2sf);
	(v2sf) =	vpush v16, $0xD;
	(pc) =	sbr.rel @p1 .LBB2_5-.Ltmp5, $4  }
0x230: {  	s13 =	spop (v2sf);
	(v2sf) =	vpush v16, $0xC  }
0x231: {  	s14 =	spop (v2sf);
	(v2sf) =	vpush v16, $0xB  }
0x232: {  	s15 =	spop (v2sf);
	(v2sf) =	vpush v16, $0xA;
	v17 =	vld.idx.msk [tilespmem:v17+s30+$0x0], $0xffff  }
0x233: {  	s9 =	sadd.s32 $0x10, s9;
	s16 =	spop (v2sf);
	(v2sf) =	vpush v16, $0x9  }
0x234: {  	(v2sf) =	vpush v16, $0xF;
	s0 =	spop (v2sf)  }
0x235: {  	(v2sf) =	vpush v16, $0x0;
	s1 =	spop (v2sf)  }
0x236: {  	(v2sf) =	vpush v16, $0x1;
	s4 =	spop (v2sf)  }
0x237: {  	(v2sf) =	vpush v16, $0x2;
	s7 =	spop (v2sf)  }
0x238: {  	(v2sf) =	vpush v16, $0x3;
	s8 =	spop (v2sf)  }
0x239: {  	s9 =	spop (v2sf);
	(v2sf) =	vpush v16, $0x4  }
0x23a: {  	s17 =	spop (v2sf);
	(v2sf) =	vpush v16, $0x5  }
0x23b: {  	s18 =	spop (v2sf);
	(v2sf) =	vpush v16, $0x6  }
0x23c: {  	s19 =	spop (v2sf);
	(v2sf) =	vpush v16, $0x7  }
0x23d: {  	(v2sf) =	vpush v16, $0x8;
	s20 =	spop (v2sf)  }
0x23e: {  	s21 =	spop (v2sf)  }
0x23f: {  	s22 =	spop (v2sf)  }
0x240: {  	s23 =	spop (v2sf)  }
0x241: {  	s24 =	spop (v2sf)  }
0x242: {  	s25 =	spop (v2sf)  }
0x243: {  	s28 =	spop (v2sf)  }
0x244: {  	(drf) =	srem.u32 s28, s19;
	s28 =	spop (v2sf)  }
0x245: {  	(drf) =	srem.u32 s28, s18;
	s29 =	spop (v2sf)  }
0x246: {  	(drf) =	srem.u32 s29, s17;
	s19 =	spop (v2sf)  }
0x247: {  	(drf) =	srem.u32 s19, s9;
	s28 =	spop (v2sf)  }
0x248: {  	(drf) =	srem.u32 s28, s8;
	s29 =	spop (v2sf)  }
0x249: {  	(drf) =	srem.u32 s29, s7;
	s9 =	spop (v2sf)  }
0x24a: {  	(drf) =	srem.u32 s9, s4;
	s17 =	spop (v2sf)  }
0x24b: {  	(drf) =	srem.u32 s17, s1;
	s18 =	spop (v2sf)  }
0x24c: {  	(drf) =	srem.u32 s18, s0;
	s19 =	spop (v2sf)  }
0x24d: {  	s28 =	spop (drf);
	(drf) =	srem.u32 s19, s16  }
0x24e: {  	v18 =	vmov s28;
	s29 =	spop (drf);
	(drf) =	srem.u32 s25, s15  }
0x24f: {  	v18 =	vsel vm0, s29, v18;
	s1 =	spop (drf);
	(drf) =	srem.u32 s24, s14  }
0x250: {  	v18 =	vsel vm1, s1, v18;
	s4 =	spop (drf);
	(drf) =	srem.u32 s23, s13  }
0x251: {  	v18 =	vsel vm2, s4, v18;
	s7 =	spop (drf);
	(drf) =	srem.u32 s22, s12  }
0x252: {  	v18 =	vsel vm3, s7, v18;
	s8 =	spop (drf);
	(drf) =	srem.u32 s21, s11  }
0x253: {  	v18 =	vsel vm4, s8, v18;
	s9 =	spop (drf);
	(drf) =	srem.u32 s20, s10  }
0x254: {  	v18 =	vsel vm5, s9, v18;
	s11 =	spop (drf)  }
0x255: {  	v18 =	vsel vm6, s11, v18;
	s12 =	spop (drf)  }
0x256: {  	v18 =	vsel vm7, s12, v18;
	s13 =	spop (drf)  }
0x257: {  	v18 =	vsel vm8, s13, v18;
	s14 =	spop (drf)  }
0x258: {  	v18 =	vsel vm9, s14, v18;
	s15 =	spop (drf)  }
0x259: {  	v18 =	vsel vm10, s15, v18;
	s16 =	spop (drf)  }
0x25a: {  	v18 =	vsel vm11, s16, v18;
	s17 =	spop (drf)  }
0x25b: {  	v18 =	vsel vm12, s17, v18;
	s18 =	spop (drf)  }
0x25c: {  	v18 =	vsel vm13, s18, v18;
	s19 =	spop (drf)  }
0x25d: {  	v18 =	vsel vm14, s19, v18  }
0x25e: {  	v17 =	vmul.u32 v13, v17;
	_ =	sdelay $0x1  }
0x25f: {  	v17 =	vadd.s32 v0, v17  }
0x260: {  	[tilespmem:v14+s31+$0x0] =	vst.idx.msk $0xffff, v17  }
0x261: {  	v14 =	vld.idx.msk [tilespmem:v18+s30+$0x0], $0xffff;
	_ =	sdelay $0x4  }
0x262: {  	v14 =	vmul.u32 v13, v14;
	_ =	sdelay $0x1  }
0x263: {  	v14 =	vadd.s32 v0, v14  }
0x264: {  	s21 =	simm.s32 $0x40;
	s20 =	rddreg [dreg:$0x3];
	[tilespmem:v16+s31+$0x0] =	vst.idx.msk $0xffff, v14  }
0x265: {  	[tilespmem:s2], [sflag:$0x1] =	stream.indirect.gather [hbm4b:s20+s21], $0x80, s31, s21, $0xb8;
	[tilespmem:$0x1E500] =	vst v63  }
0x266: {  	s28 =	simm.s32 $0x1;
	s22 =	simm.s32 $0x18340  }
0x267: {  	[tilespmem:s5], [sflag:$0x2] =	stream.indirect.gather [hbm4b:s20+s21], $0x80, s22, s21, $0xb8;
	[tilespmem:$0x1E500] =	vst v63  }
0x268: {  	_ =	swait.ge [sflag:s28], $0x2000  }
0x269: {  	(v2sf) =	vpush v12, $0xE  }
0x26a: {  	(v2sf) =	vpush v12, $0xD  }
0x26b: {  	(v2sf) =	vpush v12, $0xC  }
0x26c: {  	(v2sf) =	vpush v12, $0xB  }
0x26d: {  	(v2sf) =	vpush v12, $0xA  }
0x26e: {  	(v2sf) =	vpush v12, $0x9  }
0x26f: {  	(v2sf) =	vpush v12, $0x7  }
0x270: {  	(v2sf) =	vpush v12, $0x6  }
0x271: {  	(v2sf) =	vpush v12, $0x5  }
0x272: {  	(v2sf) =	vpush v12, $0x4  }
0x273: {  	(v2sf) =	vpush v12, $0x3  }
0x274: {  	(v2sf) =	vpush v12, $0x8  }
0x275: {  	(v2sf) =	vpush v12, $0xF  }
0x276: {  	(v2sf) =	vpush v12, $0x0  }
0x277: {  	s23 =	simm.s32 $0x0;
	(v2sf) =	vpush v12, $0x1  }
0x278: {  	v18 =	vor.u32 s23, v2;
	(v2sf) =	vpush v12, $0x2;
	s9 =	spop (v2sf)  }
0x279: {  	(v2sf) =	vpush v18, $0x8;
	s10 =	spop (v2sf)  }
0x27a: {  	(v2sf) =	vpush v18, $0xC;
	s11 =	spop (v2sf)  }
0x27b: {  	(v2sf) =	vpush v18, $0x7;
	s0 =	spop (v2sf)  }
0x27c: {  	(v2sf) =	vpush v18, $0x6;
	s1 =	spop (v2sf)  }
0x27d: {  	(v2sf) =	vpush v18, $0x2;
	s4 =	spop (v2sf)  }
0x27e: {  	(v2sf) =	vpush v18, $0x1;
	s7 =	spop (v2sf)  }
0x27f: {  	(v2sf) =	vpush v18, $0x0;
	s8 =	spop (v2sf)  }
0x280: {  	(v2sf) =	vpush v18, $0x5;
	s12 =	spop (v2sf)  }
0x281: {  	(v2sf) =	vpush v18, $0xF;
	s13 =	spop (v2sf)  }
0x282: {  	s14 =	spop (v2sf)  }
0x283: {  	(v2sf) =	vpush v18, $0xA;
	s15 =	spop (v2sf)  }
0x284: {  	(v2sf) =	vpush v18, $0x3;
	s16 =	spop (v2sf)  }
0x285: {  	(v2sf) =	vpush v18, $0x4;
	s17 =	spop (v2sf)  }
0x286: {  	(v2sf) =	vpush v18, $0xB;
	s18 =	spop (v2sf)  }
0x287: {  	(v2sf) =	vpush v18, $0x9;
	s24 =	spop (v2sf)  }
0x288: {  	s20 =	spop (v2sf)  }
0x289: {  	s21 =	spop (v2sf)  }
0x28a: {  	s22 =	spop (v2sf)  }
0x28b: {  	s23 =	spop (v2sf)  }
0x28c: {  	(v2sf) =	vpush v18, $0xD;
	s25 =	spop (v2sf)  }
0x28d: {  	(v2sf) =	vpush v18, $0xE;
	s29 =	spop (v2sf)  }
0x28e: {  	(drf) =	srem.u32 s25, s24;
	s31 =	spop (v2sf)  }
0x28f: {  	(drf) =	srem.u32 s29, s18;
	s24 =	spop (v2sf)  }
0x290: {  	(drf) =	srem.u32 s31, s17;
	s25 =	spop (v2sf)  }
0x291: {  	(drf) =	srem.u32 s25, s16  }
0x292: {  	s16 =	spop (v2sf)  }
0x293: {  	s29 =	spop (v2sf)  }
0x294: {  	(drf) =	srem.u32 s20, s15;
	s31 =	spop (v2sf)  }
0x295: {  	(drf) =	srem.u32 s29, s14;
	s15 =	spop (v2sf)  }
0x296: {  	(drf) =	srem.u32 s31, s13;
	s17 =	spop (v2sf)  }
0x297: {  	(drf) =	srem.u32 s24, s12;
	s19 =	spop (drf)  }
0x298: {  	(drf) =	srem.u32 s23, s8;
	s20 =	spop (drf)  }
0x299: {  	(drf) =	srem.u32 s22, s7;
	s24 =	spop (drf)  }
0x29a: {  	s25 =	spop (drf)  }
0x29b: {  	s29 =	spop (v2sf);
	(drf) =	srem.u32 s17, s4;
	v14 =	vmov s25  }
0x29c: {  	(drf) =	srem.u32 s16, s1;
	s16 =	spop (v2sf);
	v14 =	vsel vm0, s24, v14  }
0x29d: {  	(drf) =	srem.u32 s15, s0;
	s31 =	spop (drf);
	v14 =	vsel vm1, s20, v14  }
0x29e: {  	(drf) =	srem.u32 s21, s11;
	s14 =	spop (drf);
	v14 =	vsel vm2, s19, v14  }
0x29f: {  	(drf) =	srem.u32 s29, s10;
	s15 =	spop (drf);
	v14 =	vsel vm3, s14, v14  }
0x2a0: {  	s17 =	spop (drf);
	(drf) =	srem.u32 s16, s9;
	v14 =	vsel vm4, s15, v14  }
0x2a1: {  	s18 =	spop (drf);
	v14 =	vsel vm5, s17, v14  }
0x2a2: {  	s19 =	spop (drf);
	v14 =	vsel vm6, s18, v14  }
0x2a3: {  	v14 =	vsel vm7, s19, v14  }
0x2a4: {  	s20 =	spop (drf);
	v14 =	vsel vm8, s31, v14  }
0x2a5: {  	s21 =	spop (drf);
	v14 =	vsel vm9, s20, v14  }
0x2a6: {  	s22 =	spop (drf);
	v14 =	vsel vm10, s21, v14  }
0x2a7: {  	(v2sf) =	vpush v12, $0xE;
	s23 =	spop (drf);
	v14 =	vsel vm11, s22, v14  }
0x2a8: {  	(v2sf) =	vpush v12, $0xD;
	s24 =	spop (drf);
	v14 =	vsel vm12, s23, v14  }
0x2a9: {  	(v2sf) =	vpush v12, $0xC;
	s25 =	spop (drf);
	v14 =	vsel vm13, s24, v14  }
0x2aa: {  	(v2sf) =	vpush v12, $0xB;
	v14 =	vsel vm14, s25, v14  }
0x2ab: {  	(v2sf) =	vpush v12, $0xA  }
0x2ac: {  	(v2sf) =	vpush v12, $0x9  }
0x2ad: {  	[sflag:s28] =	ssyncset.done $0x0;
	(v2sf) =	vpush v12, $0x7  }
0x2ae: {  	[sflag:s28] =	ssyncadd.s32 $0xFFFFE000;
	(v2sf) =	vpush v12, $0x6  }
0x2af: {  	(v2sf) =	vpush v12, $0x5;
	v14 =	vld.idx.msk [tilespmem:v14+s30+$0x0], $0xffff  }
0x2b0: {  	(v2sf) =	vpush v12, $0x4  }
0x2b1: {  	(v2sf) =	vpush v12, $0x3  }
0x2b2: {  	(v2sf) =	vpush v12, $0x8  }
0x2b3: {  	(v2sf) =	vpush v12, $0xF  }
0x2b4: {  	(v2sf) =	vpush v12, $0x0;
	v19 =	vmul.u32 v13, v14  }
0x2b5: {  	(v2sf) =	vpush v12, $0x1;
	s29 =	simm.s32 $0x10  }
0x2b6: {  	(v2sf) =	vpush v12, $0x2;
	v16 =	vor.u32 s29, v2;
	s9 =	spop (v2sf)  }
0x2b7: {  	(v2sf) =	vpush v16, $0x8;
	s10 =	spop (v2sf)  }
0x2b8: {  	(v2sf) =	vpush v16, $0xC;
	s11 =	spop (v2sf)  }
0x2b9: {  	(v2sf) =	vpush v16, $0x7;
	s12 =	spop (v2sf)  }
0x2ba: {  	(v2sf) =	vpush v16, $0x6;
	s14 =	spop (v2sf);
	v14 =	vld.idx.msk [tilespmem:v19+s3+$0x0], $0xffff  }
0x2bb: {  	(v2sf) =	vpush v16, $0x2;
	s15 =	spop (v2sf)  }
0x2bc: {  	(v2sf) =	vpush v16, $0x1;
	s16 =	spop (v2sf);
	v20 =	vadd.s32 $0x4000, v19  }
0x2bd: {  	s0 =	simm.f32 $1.000000000e+00;
	(v2sf) =	vpush v16, $0x0;
	s17 =	spop (v2sf)  }
0x2be: {  	s0 =	simm.s32 @!p0 $0x0;
	(v2sf) =	vpush v16, $0x5;
	s1 =	spop (v2sf)  }
0x2bf: {  	(v2sf) =	vpush v16, $0xF;
	v22 =	vsub.f32 v14, v10;
	v14 =	vmov s0;
	s0 =	spop (v2sf)  }
0x2c0: {  	(v2sf) =	vpush v16, $0xA;
	s4 =	spop (v2sf)  }
0x2c1: {  	v21 =	vld.idx.msk [tilespmem:v20+s3+$0x0], $0xffff;
	(v2sf) =	vpush v16, $0x3;
	s7 =	spop (v2sf)  }
0x2c2: {  	v17 =	vadd.s32 $0x8000, v19;
	(v2sf) =	vpush v16, $0x4;
	s8 =	spop (v2sf)  }
0x2c3: {  	(v2sf) =	vpush v16, $0xB;
	s18 =	spop (v2sf)  }
0x2c4: {  	(v2sf) =	vpush v16, $0x9;
	s31 =	spop (v2sf)  }
0x2c5: {  	s24 =	spop (v2sf)  }
0x2c6: {  	v21 =	vsub.f32 v21, v11;
	s21 =	spop (v2sf)  }
0x2c7: {  	v23 =	vld.idx.msk [tilespmem:v17+s3+$0x0], $0xffff;
	(v2sf) =	vpush v16, $0xD;
	s13 =	spop (v2sf)  }
0x2c8: {  	v24 =	vshll.u32 v18, $0x7;
	v18 =	vmul.f32 v22, v8;
	v25 =	vmul.f32 v21, v9;
	s22 =	spop (v2sf)  }
0x2c9: {  	v22 =	vmul.f32 v22, v9;
	v21 =	vmul.f32 v21, v8;
	s23 =	spop (v2sf)  }
0x2ca: {  	v15 =	vbroadcast v15, $0x2;
	v26 =	vor.u32 $0x1, v24;
	v25 =	vadd.f32 v25, v18;
	s25 =	spop (v2sf)  }
0x2cb: {  	v21 =	vsub.f32 v21, v22;
	v18 =	vor.u32 $0x2, v24;
	(drf) =	srem.u32 s25, s24;
	s28 =	spop (v2sf)  }
0x2cc: {  	v23 =	vsub.f32 v23, v15;
	v63 =	vmul.f32 v25, v14;
	(drf) =	srem.u32 s28, s31;
	s29 =	spop (v2sf)  }
0x2cd: {  	v21 =	vmul.f32 v21, v14;
	(drf) =	srem.u32 s29, s18;
	s18 =	spop (v2sf)  }
0x2ce: {  	v23 =	vmul.f32 v23, v14;
	[tilespmem:v24+s2+$0x0] =	vst.idx.msk $0xffff, v63;
	s31 =	spop (v2sf)  }
0x2cf: {  	[tilespmem:v26+s2+$0x0] =	vst.idx.msk $0xffff, v21;
	s20 =	spop (v2sf)  }
0x2d0: {  	[tilespmem:v18+s2+$0x0] =	vst.idx.msk $0xffff, v23;
	(drf) =	srem.u32 s31, s8;
	s24 =	spop (v2sf)  }
0x2d1: {  	v19 =	vld.idx.msk [tilespmem:v19+s26+$0x0], $0xffff;
	(drf) =	srem.u32 s21, s7;
	s25 =	spop (v2sf)  }
0x2d2: {  	(drf) =	srem.u32 s24, s4;
	s28 =	spop (v2sf)  }
0x2d3: {  	(drf) =	srem.u32 s25, s0;
	s29 =	spop (v2sf)  }
0x2d4: {  	(drf) =	srem.u32 s18, s1;
	s1 =	spop (drf)  }
0x2d5: {  	(drf) =	srem.u32 s23, s17;
	s19 =	spop (drf)  }
0x2d6: {  	v19 =	vmul.f32 v19, v14;
	(drf) =	srem.u32 s22, s16;
	s16 =	spop (v2sf);
	(v2sf) =	vpush v16, $0xE  }
0x2d7: {  	_ = 	snop  }
0x2d8: {  	[tilespmem:v24+s6+$0x0] =	vst.idx.msk $0xffff, v19  }
0x2d9: {  	v19 =	vld.idx.msk [tilespmem:v20+s26+$0x0], $0xffff;
	_ =	sdelay $0x4  }
0x2da: {  	s18 =	spop (drf);
	(drf) =	srem.u32 s29, s15;
	v20 =	vmul.f32 v19, v14  }
0x2db: {  	(drf) =	srem.u32 s20, s14;
	s31 =	spop (drf)  }
0x2dc: {  	(drf) =	srem.u32 s28, s12;
	s12 =	simm.s32 $0x20;
	v19 =	vmov s31;
	s0 =	spop (drf);
	[tilespmem:v26+s6+$0x0] =	vst.idx.msk $0xffff, v20  }
.LBB2_7:
0x2dd: {  	p0 =	sne.s32 s12, $0x30  }
0x2de: {  	v19 =	vsel vm0, s18, v19;
	s4 =	spop (drf);
	v17 =	vld.idx.msk [tilespmem:v17+s26+$0x0], $0xffff;
	s14 =	smov.u32 s12;
	s12 =	sadd.s32 $0x10, s12  }
0x2df: {  	v19 =	vsel vm1, s19, v19;
	s7 =	spop (drf)  }
0x2e0: {  	v19 =	vsel vm2, s1, v19;
	s1 =	spop (drf);
	(drf) =	srem.u32 s13, s11  }
0x2e1: {  	v19 =	vsel vm3, s4, v19;
	(drf) =	srem.u32 s16, s10;
	s4 =	spop (v2sf)  }
0x2e2: {  	v19 =	vsel vm4, s7, v19;
	s7 =	spop (drf);
	(drf) =	srem.u32 s4, s9  }
0x2e3: {  	v19 =	vsel vm5, s1, v19;
	s1 =	spop (drf)  }
0x2e4: {  	v17 =	vmul.f32 v17, v14;
	v19 =	vsel vm6, s7, v19;
	s4 =	spop (drf)  }
0x2e5: {  	v19 =	vsel vm7, s1, v19;
	s1 =	spop (drf)  }
0x2e6: {  	v19 =	vsel vm8, s0, v19;
	s0 =	spop (drf);
	[tilespmem:v18+s6+$0x0] =	vst.idx.msk $0xffff, v17  }
0x2e7: {  	v17 =	vsel vm9, s4, v19  }
0x2e8: {  	v17 =	vsel vm10, s1, v17  }
0x2e9: {  	v17 =	vsel vm11, s0, v17;
	s0 =	spop (drf)  }
0x2ea: {  	v17 =	vsel vm12, s0, v17;
	s0 =	spop (drf)  }
0x2eb: {  	v17 =	vsel vm13, s0, v17;
	s0 =	spop (drf)  }
0x2ec: {  	v17 =	vsel vm14, s0, v17;
	_ =	sdelay $0x1  }
0x2ed: {  	(v2sf) =	vpush v12, $0xE  }
0x2ee: {  	(v2sf) =	vpush v12, $0xD  }
0x2ef: {  	(v2sf) =	vpush v12, $0xC  }
0x2f0: {  	(v2sf) =	vpush v12, $0xB;
	v17 =	vld.idx.msk [tilespmem:v17+s30+$0x0], $0xffff  }
0x2f1: {  	(v2sf) =	vpush v12, $0xA  }
0x2f2: {  	(v2sf) =	vpush v12, $0x9  }
0x2f3: {  	(v2sf) =	vpush v12, $0x7  }
0x2f4: {  	(v2sf) =	vpush v12, $0x6  }
0x2f5: {  	(v2sf) =	vpush v12, $0x5  }
0x2f6: {  	v19 =	vmul.u32 v13, v17;
	(v2sf) =	vpush v12, $0x4  }
0x2f7: {  	(v2sf) =	vpush v12, $0x3  }
0x2f8: {  	v20 =	vadd.s32 $0x4000, v19;
	(v2sf) =	vpush v12, $0x8  }
0x2f9: {  	(v2sf) =	vpush v12, $0xF  }
0x2fa: {  	(v2sf) =	vpush v12, $0x0  }
0x2fb: {  	(v2sf) =	vpush v12, $0x1  }
0x2fc: {  	v18 =	vor.u32 s14, v2;
	(v2sf) =	vpush v12, $0x2;
	s9 =	spop (v2sf);
	v21 =	vld.idx.msk [tilespmem:v19+s3+$0x0], $0xffff  }
0x2fd: {  	(v2sf) =	vpush v18, $0x8;
	s10 =	spop (v2sf);
	v22 =	vld.idx.msk [tilespmem:v20+s3+$0x0], $0xffff  }
0x2fe: {  	v17 =	vadd.s32 $0x8000, v19;
	(v2sf) =	vpush v18, $0xC;
	s11 =	spop (v2sf)  }
0x2ff: {  	(v2sf) =	vpush v18, $0x7;
	s14 =	spop (v2sf)  }
0x300: {  	(v2sf) =	vpush v18, $0x6;
	s15 =	spop (v2sf)  }
0x301: {  	(v2sf) =	vpush v18, $0x2;
	s16 =	spop (v2sf)  }
0x302: {  	v21 =	vsub.f32 v21, v10;
	(v2sf) =	vpush v18, $0x1;
	s17 =	spop (v2sf)  }
0x303: {  	v22 =	vsub.f32 v22, v11;
	(v2sf) =	vpush v18, $0x0;
	s18 =	spop (v2sf);
	v23 =	vld.idx.msk [tilespmem:v17+s3+$0x0], $0xffff  }
0x304: {  	v24 =	vshll.u32 v16, $0x7;
	v16 =	vmov v18;
	(v2sf) =	vpush v18, $0x5;
	s19 =	spop (v2sf)  }
0x305: {  	v18 =	vmul.f32 v21, v8;
	v25 =	vmul.f32 v22, v9;
	(v2sf) =	vpush v16, $0xF;
	s20 =	spop (v2sf)  }
0x306: {  	v22 =	vmul.f32 v22, v8;
	v21 =	vmul.f32 v21, v9;
	s0 =	spop (v2sf);
	(v2sf) =	vpush v16, $0xA  }
0x307: {  	v26 =	vor.u32 $0x1, v24;
	v25 =	vadd.f32 v25, v18;
	(v2sf) =	vpush v16, $0x3;
	s1 =	spop (v2sf)  }
0x308: {  	v21 =	vsub.f32 v22, v21;
	v18 =	vor.u32 $0x2, v24;
	s4 =	spop (v2sf);
	(v2sf) =	vpush v16, $0x4  }
0x309: {  	v22 =	vmul.f32 v25, v14;
	v23 =	vsub.f32 v23, v15;
	s7 =	spop (v2sf);
	(v2sf) =	vpush v16, $0xB  }
0x30a: {  	v21 =	vmul.f32 v21, v14;
	s8 =	spop (v2sf);
	(v2sf) =	vpush v16, $0x9  }
0x30b: {  	v23 =	vmul.f32 v23, v14;
	s21 =	spop (v2sf);
	[tilespmem:v24+s2+$0x0] =	vst.idx.msk $0xffff, v22  }
0x30c: {  	s22 =	spop (v2sf);
	[tilespmem:v26+s2+$0x0] =	vst.idx.msk $0xffff, v21  }
0x30d: {  	s13 =	spop (v2sf);
	[tilespmem:v18+s2+$0x0] =	vst.idx.msk $0xffff, v23  }
0x30e: {  	s23 =	spop (v2sf);
	(v2sf) =	vpush v16, $0xD;
	v19 =	vld.idx.msk [tilespmem:v19+s26+$0x0], $0xffff  }
0x30f: {  	s24 =	spop (v2sf)  }
0x310: {  	s25 =	spop (v2sf)  }
0x311: {  	s28 =	spop (v2sf);
	(drf) =	srem.u32 s25, s21  }
0x312: {  	s21 =	spop (v2sf);
	(drf) =	srem.u32 s28, s8  }
0x313: {  	(drf) =	srem.u32 s21, s7;
	s7 =	spop (v2sf)  }
0x314: {  	v19 =	vmul.f32 v19, v14;
	s8 =	spop (v2sf);
	(v2sf) =	vpush v16, $0xE  }
0x315: {  	(drf) =	srem.u32 s8, s4;
	s4 =	spop (v2sf)  }
0x316: {  	s8 =	spop (v2sf);
	(drf) =	srem.u32 s22, s1;
	[tilespmem:v24+s6+$0x0] =	vst.idx.msk $0xffff, v19  }
0x317: {  	(drf) =	srem.u32 s8, s0;
	s0 =	spop (v2sf);
	v19 =	vld.idx.msk [tilespmem:v20+s26+$0x0], $0xffff  }
0x318: {  	(drf) =	srem.u32 s0, s20;
	s8 =	spop (v2sf)  }
0x319: {  	(drf) =	srem.u32 s7, s19;
	s0 =	spop (v2sf)  }
0x31a: {  	s1 =	spop (drf)  }
0x31b: {  	s19 =	spop (drf);
	(drf) =	srem.u32 s24, s18  }
.Ltmp6:
0x31c: {  	_ = 	snop;
	(pc) =	sbr.rel @p0 .LBB2_7-.Ltmp6, $4  }
0x31d: {  	s18 =	spop (drf);
	(drf) =	srem.u32 s23, s17  }
0x31e: {  	v20 =	vmul.f32 v19, v14;
	(drf) =	srem.u32 s0, s16;
	s16 =	spop (v2sf)  }
0x31f: {  	s0 =	spop (drf);
	(drf) =	srem.u32 s4, s15  }
0x320: {  	v19 =	vmov s0;
	s0 =	spop (drf);
	(drf) =	srem.u32 s8, s14;
	[tilespmem:v26+s6+$0x0] =	vst.idx.msk $0xffff, v20  }
0x321: {  	v19 =	vsel vm0, s18, v19  }
0x322: {  	s4 =	spop (drf);
	v19 =	vsel vm1, s19, v19  }
0x323: {  	s7 =	spop (drf);
	(drf) =	srem.u32 s13, s11;
	v19 =	vsel vm2, s1, v19  }
0x324: {  	(drf) =	srem.u32 s16, s10;
	s18 =	spop (v2sf);
	v19 =	vsel vm3, s4, v19  }
0x325: {  	s19 =	spop (drf);
	(drf) =	srem.u32 s18, s9;
	v19 =	vsel vm4, s7, v19  }
0x326: {  	s20 =	spop (drf);
	v19 =	vsel vm5, s19, v19  }
0x327: {  	s21 =	spop (drf);
	v19 =	vsel vm6, s20, v19  }
0x328: {  	v19 =	vsel vm7, s21, v19  }
0x329: {  	s22 =	spop (drf);
	v19 =	vsel vm8, s0, v19  }
0x32a: {  	s23 =	spop (drf);
	v19 =	vsel vm9, s22, v19  }
0x32b: {  	s24 =	spop (drf);
	v19 =	vsel vm10, s23, v19  }
0x32c: {  	v17 =	vld.idx.msk [tilespmem:v17+s26+$0x0], $0xffff;
	s25 =	spop (drf);
	v19 =	vsel vm11, s24, v19  }
0x32d: {  	s28 =	spop (drf);
	v19 =	vsel vm12, s25, v19  }
0x32e: {  	s29 =	spop (drf);
	v19 =	vsel vm13, s28, v19  }
0x32f: {  	v19 =	vsel vm14, s29, v19;
	_ =	sdelay $0x1  }
0x330: {  	v17 =	vmul.f32 v17, v14;
	_ =	sdelay $0x1  }
0x331: {  	[tilespmem:v18+s6+$0x0] =	vst.idx.msk $0xffff, v17  }
0x332: {  	v17 =	vld.idx.msk [tilespmem:v19+s30+$0x0], $0xffff;
	_ =	sdelay $0x4  }
0x333: {  	v17 =	vmul.u32 v13, v17;
	_ =	sdelay $0x1  }
0x334: {  	v60 =	vadd.s32 $0x4000, v17;
	_ =	sdelay $0x3  }
0x335: {  	v61 =	vld.idx.msk [tilespmem:v17+s3+$0x0], $0xffff  }
0x336: {  	v20 =	vld.idx.msk [tilespmem:v60+s3+$0x0], $0xffff  }
0x337: {  	v21 =	vadd.s32 $0x8000, v17;
	_ =	sdelay $0x3  }
0x338: {  	v19 =	vsub.f32 v61, v10;
	v20 =	vsub.f32 v20, v11  }
0x339: {  	v22 =	vld.idx.msk [tilespmem:v21+s3+$0x0], $0xffff  }
0x33a: {  	v23 =	vmul.f32 v19, v8;
	v24 =	vmul.f32 v20, v9  }
0x33b: {  	v16 =	vshll.u32 v16, $0x7;
	v19 =	vmul.f32 v19, v9;
	v20 =	vmul.f32 v20, v8  }
0x33c: {  	v62 =	vor.u32 $0x1, v16;
	v23 =	vadd.f32 v24, v23  }
0x33d: {  	v63 =	vor.u32 $0x2, v16;
	v19 =	vsub.f32 v20, v19  }
0x33e: {  	v22 =	vsub.f32 v22, v15;
	v23 =	vmul.f32 v23, v14  }
0x33f: {  	v19 =	vmul.f32 v19, v14  }
0x340: {  	v22 =	vmul.f32 v22, v14;
	[tilespmem:v16+s2+$0x0] =	vst.idx.msk $0xffff, v23  }
0x341: {  	[tilespmem:v62+s2+$0x0] =	vst.idx.msk $0xffff, v19  }
0x342: {  	[tilespmem:v63+s2+$0x0] =	vst.idx.msk $0xffff, v22  }
0x343: {  	v17 =	vld.idx.msk [tilespmem:v17+s26+$0x0], $0xffff;
	_ =	sdelay $0x4  }
0x344: {  	v17 =	vmul.f32 v17, v14;
	_ =	sdelay $0x1  }
0x345: {  	[tilespmem:v16+s6+$0x0] =	vst.idx.msk $0xffff, v17  }
0x346: {  	v16 =	vld.idx.msk [tilespmem:v60+s26+$0x0], $0xffff;
	_ =	sdelay $0x4  }
0x347: {  	v16 =	vmul.f32 v16, v14;
	_ =	sdelay $0x1  }
0x348: {  	[tilespmem:v62+s6+$0x0] =	vst.idx.msk $0xffff, v16  }
0x349: {  	v16 =	vld.idx.msk [tilespmem:v21+s26+$0x0], $0xffff  }
0x34a: {  	s31 =	rddreg [dreg:$0x1e]  }
0x34b: {  	p0 =	sne.s32 s31, $0x0  }
.Ltmp7:
0x34c: {  	_ = 	snop;
	(pc) =	sbr.rel @p0 .LBB2_12-.Ltmp7, $3  }
0x34d: {  	_ = 	snop  }
0x34e: {  	v16 =	vmul.f32 v16, v14;
	_ =	sdelay $0x1  }
0x34f: {  	[tilespmem:v63+s6+$0x0] =	vst.idx.msk $0xffff, v16  }
0x350: {  	s0 =	simm.s32 $0x0;
	s1 =	simm.s32 $0x200  }
.LBB2_10:
0x351: {  	p1 =	sne.s32 s1, $0x7E00;
	[tilespmem:s0+$0x18570] =	vst v3  }
0x352: {  	[tilespmem:s0+$0x18500] =	vst v3  }
0x353: {  	[tilespmem:s0+$0x18510] =	vst v3  }
.Ltmp8:
0x354: {  	[tilespmem:s0+$0x18520] =	vst v3;
	(pc) =	sbr.rel @p1 .LBB2_10-.Ltmp8, $4  }
0x355: {  	[tilespmem:s0+$0x18530] =	vst v3  }
0x356: {  	[tilespmem:s0+$0x18540] =	vst v3  }
0x357: {  	[tilespmem:s0+$0x18550] =	vst v3  }
0x358: {  	[tilespmem:s0+$0x18560] =	vst v3;
	s0 =	sshra.s32 s1, $0x2;
	s1 =	sadd.s32 $0x200, s1  }
0x359: {  	[tilespmem:s0+$0x18570] =	vst v3  }
0x35a: {  	[tilespmem:s0+$0x18500] =	vst v3  }
0x35b: {  	[tilespmem:s0+$0x18510] =	vst v3  }
0x35c: {  	[tilespmem:s0+$0x18520] =	vst v3  }
0x35d: {  	[tilespmem:s0+$0x18530] =	vst v3  }
0x35e: {  	[tilespmem:s0+$0x18540] =	vst v3  }
0x35f: {  	[tilespmem:s0+$0x18550] =	vst v3  }
0x360: {  	[tilespmem:s0+$0x18560] =	vst v3  }
.LBB2_12:
0x361: {  	s0 =	rddreg [dreg:$0x1c]  }
0x362: {  	s1 =	rddreg [dreg:$0xa];
	s0 =	sshll.u32 s0, $0xE  }
0x363: {  	s14 =	rddreg [dreg:$0x6];
	s15 =	simm.s32 $0x400;
	s7 =	sadd.s32 s1, s0  }
0x364: {  	s4 =	simm.s32 $0x800;
	s16 =	rddreg [dreg:$0xb];
	s0 =	sadd.s32 s14, s7  }
0x365: {  	[hbm4b:s0+s15] =	stream.strided.scatter [tilespmem:s2], [sflag:$0x3], $0x2000, s4, s15, $0x38;
	[tilespmem:$0x1E500] =	vst v63  }
0x366: {  	s17 =	simm.s32 $0x3;
	[dreg:$0x1d] =	wrdreg s7;
	s0 =	sadd.s32 s7, s16  }
0x367: {  	[hbm4b:s0+s15] =	stream.strided.scatter [tilespmem:s6], [sflag:$0x3], $0x2000, s4, s15, $0x38;
	[tilespmem:$0x1E500] =	vst v63  }
0x368: {  	_ =	swait.ge [sflag:s17], $0x2000  }
0x369: {  	[sflag:s17] =	ssyncset.done $0x0  }
0x36a: {  	[sflag:s17] =	ssyncadd.s32 $0xFFFFE000  }
0x36b: {  	_ =	swait.ge [sflag:s17], $0x2000  }
0x36c: {  	[sflag:s17] =	ssyncset.done $0x0  }
0x36d: {  	s18 =	simm.s32 $0x40;
	[sflag:s17] =	ssyncadd.s32 $0xFFFFE000  }
0x36e: {  	s19 =	simm.s32 $0x18380;
	s8 =	simm.s32 $0x2;
	s0 =	rddreg [dreg:$0x3]  }
0x36f: {  	[tilespmem:s2], [sflag:$0x1] =	stream.indirect.gather [hbm4b:s0+s18], $0x80, s19, s18, $0xb8;
	[tilespmem:$0x1E500] =	vst v63  }
0x370: {  	_ =	swait.ge [sflag:s8], $0x2000  }
0x371: {  	(v2sf) =	vpush v12, $0xE  }
0x372: {  	(v2sf) =	vpush v12, $0xD  }
0x373: {  	(v2sf) =	vpush v12, $0xC  }
0x374: {  	(v2sf) =	vpush v12, $0xB  }
0x375: {  	(v2sf) =	vpush v12, $0x8  }
0x376: {  	(v2sf) =	vpush v12, $0xA  }
0x377: {  	(v2sf) =	vpush v12, $0x7  }
0x378: {  	(v2sf) =	vpush v12, $0x9  }
0x379: {  	(v2sf) =	vpush v12, $0x6  }
0x37a: {  	(v2sf) =	vpush v12, $0x5  }
0x37b: {  	(v2sf) =	vpush v12, $0x3  }
0x37c: {  	(v2sf) =	vpush v12, $0x4  }
0x37d: {  	(v2sf) =	vpush v12, $0xF  }
0x37e: {  	(v2sf) =	vpush v12, $0x0  }
0x37f: {  	s10 =	simm.s32 $0x0;
	(v2sf) =	vpush v12, $0x1  }
0x380: {  	v16 =	vor.u32 s10, v4;
	(v2sf) =	vpush v12, $0x2;
	s9 =	spop (v2sf)  }
0x381: {  	s11 =	spop (v2sf);
	(v2sf) =	vpush v16, $0xE  }
0x382: {  	(v2sf) =	vpush v16, $0xC;
	s12 =	spop (v2sf)  }
0x383: {  	(v2sf) =	vpush v16, $0xB;
	s0 =	spop (v2sf)  }
0x384: {  	s1 =	spop (v2sf);
	(v2sf) =	vpush v16, $0xA  }
0x385: {  	(v2sf) =	vpush v16, $0x4;
	s4 =	spop (v2sf)  }
0x386: {  	(v2sf) =	vpush v16, $0x3;
	s7 =	spop (v2sf)  }
0x387: {  	(v2sf) =	vpush v16, $0x2;
	s13 =	spop (v2sf)  }
0x388: {  	(v2sf) =	vpush v16, $0x1;
	s14 =	spop (v2sf)  }
0x389: {  	(v2sf) =	vpush v16, $0x0;
	s15 =	spop (v2sf)  }
0x38a: {  	(v2sf) =	vpush v16, $0xF;
	s16 =	spop (v2sf)  }
0x38b: {  	s17 =	spop (v2sf);
	(v2sf) =	vpush v16, $0x9  }
0x38c: {  	s18 =	spop (v2sf);
	(v2sf) =	vpush v16, $0x5  }
0x38d: {  	s19 =	spop (v2sf);
	(v2sf) =	vpush v16, $0x6  }
0x38e: {  	s20 =	spop (v2sf);
	(v2sf) =	vpush v16, $0x7  }
0x38f: {  	s21 =	spop (v2sf);
	(v2sf) =	vpush v16, $0xD  }
0x390: {  	(v2sf) =	vpush v16, $0x8;
	s22 =	spop (v2sf)  }
0x391: {  	s23 =	spop (v2sf)  }
0x392: {  	s24 =	spop (v2sf)  }
0x393: {  	s25 =	spop (v2sf)  }
0x394: {  	s28 =	spop (v2sf)  }
0x395: {  	s29 =	spop (v2sf)  }
0x396: {  	s31 =	spop (v2sf)  }
0x397: {  	(drf) =	srem.u32 s31, s21;
	s21 =	spop (v2sf)  }
0x398: {  	s31 =	spop (v2sf);
	(drf) =	srem.u32 s21, s20  }
0x399: {  	(drf) =	srem.u32 s31, s19;
	s20 =	spop (v2sf)  }
0x39a: {  	(drf) =	srem.u32 s20, s18;
	s18 =	spop (v2sf)  }
0x39b: {  	s21 =	spop (v2sf)  }
0x39c: {  	(drf) =	srem.u32 s28, s17;
	s31 =	spop (v2sf)  }
0x39d: {  	(drf) =	srem.u32 s29, s16;
	s20 =	spop (v2sf)  }
0x39e: {  	(drf) =	srem.u32 s21, s15;
	s21 =	spop (v2sf)  }
0x39f: {  	(drf) =	srem.u32 s31, s14;
	s28 =	spop (v2sf)  }
0x3a0: {  	(drf) =	srem.u32 s18, s13;
	s29 =	spop (drf)  }
0x3a1: {  	(drf) =	srem.u32 s20, s7;
	s31 =	spop (drf)  }
0x3a2: {  	(drf) =	srem.u32 s25, s4;
	s16 =	spop (drf)  }
0x3a3: {  	(drf) =	srem.u32 s28, s1;
	s17 =	spop (drf)  }
0x3a4: {  	v16 =	vmov s17  }
0x3a5: {  	s18 =	spop (drf);
	v16 =	vsel vm0, s16, v16  }
0x3a6: {  	(drf) =	srem.u32 s24, s0;
	s19 =	spop (drf);
	v16 =	vsel vm1, s31, v16  }
0x3a7: {  	(v2sf) =	vpush v12, $0xE;
	(drf) =	srem.u32 s23, s12;
	s20 =	spop (drf);
	v16 =	vsel vm2, s29, v16  }
0x3a8: {  	(v2sf) =	vpush v12, $0xD;
	(drf) =	srem.u32 s21, s11;
	s21 =	spop (drf);
	v16 =	vsel vm3, s19, v16  }
0x3a9: {  	(v2sf) =	vpush v12, $0xC;
	(drf) =	srem.u32 s22, s9;
	s23 =	spop (drf);
	v16 =	vsel vm4, s18, v16  }
0x3aa: {  	(v2sf) =	vpush v12, $0xB;
	s24 =	spop (drf);
	v16 =	vsel vm5, s20, v16  }
0x3ab: {  	(v2sf) =	vpush v12, $0x8;
	s25 =	spop (drf);
	v16 =	vsel vm6, s21, v16  }
0x3ac: {  	(v2sf) =	vpush v12, $0xA;
	s28 =	spop (drf);
	v16 =	vsel vm7, s24, v16  }
0x3ad: {  	(v2sf) =	vpush v12, $0x7;
	v16 =	vsel vm8, s28, v16  }
0x3ae: {  	(v2sf) =	vpush v12, $0x9;
	v16 =	vsel vm9, s23, v16  }
0x3af: {  	(v2sf) =	vpush v12, $0x6;
	s29 =	spop (drf);
	v16 =	vsel vm10, s25, v16  }
0x3b0: {  	(v2sf) =	vpush v12, $0x5;
	s31 =	spop (drf);
	v16 =	vsel vm11, s29, v16  }
0x3b1: {  	(v2sf) =	vpush v12, $0x3;
	s4 =	spop (drf);
	v16 =	vsel vm12, s31, v16  }
0x3b2: {  	(v2sf) =	vpush v12, $0x4;
	s7 =	spop (drf);
	v16 =	vsel vm13, s4, v16  }
0x3b3: {  	(v2sf) =	vpush v12, $0xF;
	v16 =	vsel vm14, s7, v16  }
0x3b4: {  	(v2sf) =	vpush v12, $0x0  }
0x3b5: {  	(v2sf) =	vpush v12, $0x1;
	s9 =	simm.s32 $0x10  }
0x3b6: {  	[sflag:s8] =	ssyncset.done $0x0;
	(v2sf) =	vpush v12, $0x2;
	s11 =	spop (v2sf);
	v17 =	vor.u32 s9, v4  }
0x3b7: {  	[sflag:s8] =	ssyncadd.s32 $0xFFFFE000;
	s12 =	spop (v2sf);
	(v2sf) =	vpush v17, $0xE  }
0x3b8: {  	s13 =	spop (v2sf);
	(v2sf) =	vpush v17, $0xC;
	v16 =	vld.idx.msk [tilespmem:v16+s30+$0x0], $0xffff  }
0x3b9: {  	s14 =	spop (v2sf);
	(v2sf) =	vpush v17, $0xB  }
0x3ba: {  	s15 =	spop (v2sf);
	(v2sf) =	vpush v17, $0xA  }
0x3bb: {  	s16 =	spop (v2sf);
	(v2sf) =	vpush v17, $0x4  }
0x3bc: {  	s18 =	spop (v2sf);
	(v2sf) =	vpush v17, $0x3  }
0x3bd: {  	s19 =	spop (v2sf);
	(v2sf) =	vpush v17, $0x2;
	v19 =	vmul.u32 v13, v16  }
0x3be: {  	s1 =	spop (v2sf);
	(v2sf) =	vpush v17, $0x1  }
0x3bf: {  	(v2sf) =	vpush v17, $0x0;
	s4 =	spop (v2sf);
	v20 =	vadd.s32 $0x4000, v19  }
0x3c0: {  	(v2sf) =	vpush v17, $0xF;
	s7 =	spop (v2sf)  }
0x3c1: {  	(v2sf) =	vpush v17, $0x9;
	s21 =	spop (v2sf)  }
0x3c2: {  	(v2sf) =	vpush v17, $0x5;
	s22 =	spop (v2sf)  }
0x3c3: {  	(v2sf) =	vpush v17, $0x6;
	s23 =	spop (v2sf);
	v18 =	vld.idx.msk [tilespmem:v19+s3+$0x0], $0xffff  }
0x3c4: {  	(v2sf) =	vpush v17, $0x7;
	s24 =	spop (v2sf);
	v21 =	vld.idx.msk [tilespmem:v20+s3+$0x0], $0xffff  }
0x3c5: {  	(v2sf) =	vpush v17, $0xD;
	s25 =	spop (v2sf);
	v16 =	vadd.s32 $0x8000, v19  }
0x3c6: {  	(v2sf) =	vpush v17, $0x8;
	s17 =	spop (v2sf)  }
0x3c7: {  	s20 =	spop (v2sf)  }
0x3c8: {  	s0 =	spop (v2sf)  }
0x3c9: {  	s28 =	spop (v2sf);
	v17 =	vsub.f32 v18, v10;
	v18 =	vsub.f32 v21, v11  }
0x3ca: {  	v22 =	vmov s10;
	s10 =	spop (v2sf);
	v21 =	vld.idx.msk [tilespmem:v16+s3+$0x0], $0xffff  }
0x3cb: {  	v22 =	vshll.u32 v22, $0x7;
	s29 =	spop (v2sf);
	v23 =	vmul.f32 v17, v8;
	v24 =	vmul.f32 v18, v9  }
0x3cc: {  	v22 =	vor.u32 v5, v22;
	s8 =	spop (v2sf);
	v17 =	vmul.f32 v17, v9;
	v25 =	vmul.f32 v18, v8  }
0x3cd: {  	(drf) =	srem.u32 s8, s25;
	s8 =	spop (v2sf);
	v18 =	vor.u32 $0x1, v22;
	v23 =	vadd.f32 v24, v23  }
0x3ce: {  	(drf) =	srem.u32 s8, s24;
	s31 =	spop (v2sf);
	v63 =	vsub.f32 v25, v17;
	v17 =	vor.u32 $0x2, v22  }
0x3cf: {  	(drf) =	srem.u32 s31, s23;
	s8 =	spop (v2sf);
	v21 =	vsub.f32 v21, v15;
	v23 =	vmul.f32 v23, v14  }
0x3d0: {  	(drf) =	srem.u32 s8, s22;
	s24 =	spop (v2sf);
	v24 =	vmul.f32 v63, v14  }
0x3d1: {  	(drf) =	srem.u32 s10, s21;
	s25 =	spop (v2sf);
	v21 =	vmul.f32 v21, v14;
	[tilespmem:v22+s5+$0x0] =	vst.idx.msk $0xffff, v23  }
0x3d2: {  	(drf) =	srem.u32 s29, s7;
	s29 =	spop (v2sf);
	[tilespmem:v18+s5+$0x0] =	vst.idx.msk $0xffff, v24  }
0x3d3: {  	(drf) =	srem.u32 s25, s4;
	s31 =	spop (v2sf);
	[tilespmem:v17+s5+$0x0] =	vst.idx.msk $0xffff, v21  }
0x3d4: {  	(drf) =	srem.u32 s29, s1;
	s8 =	spop (v2sf);
	v19 =	vld.idx.msk [tilespmem:v19+s26+$0x0], $0xffff  }
0x3d5: {  	(drf) =	srem.u32 s24, s19;
	s19 =	spop (v2sf)  }
0x3d6: {  	(drf) =	srem.u32 s31, s18;
	s21 =	spop (drf)  }
0x3d7: {  	(drf) =	srem.u32 s28, s16;
	s22 =	spop (drf)  }
0x3d8: {  	(drf) =	srem.u32 s19, s15;
	s23 =	spop (drf)  }
0x3d9: {  	s24 =	spop (drf);
	v19 =	vmul.f32 v19, v14  }
0x3da: {  	(drf) =	srem.u32 s0, s14;
	s25 =	spop (drf);
	v21 =	vmov s24  }
0x3db: {  	s28 =	spop (drf);
	[tilespmem:v22+s6+$0x0] =	vst.idx.msk $0xffff, v19;
	v19 =	vsel vm0, s23, v21  }
0x3dc: {  	(drf) =	srem.u32 s20, s13;
	s29 =	spop (drf);
	v20 =	vld.idx.msk [tilespmem:v20+s26+$0x0], $0xffff;
	v19 =	vsel vm1, s22, v19  }
0x3dd: {  	(drf) =	srem.u32 s8, s12;
	s31 =	spop (drf);
	v19 =	vsel vm2, s21, v19  }
0x3de: {  	s0 =	spop (drf);
	v19 =	vsel vm3, s28, v19  }
0x3df: {  	(drf) =	srem.u32 s17, s11;
	s13 =	spop (drf);
	v19 =	vsel vm4, s25, v19  }
0x3e0: {  	s1 =	spop (drf);
	v21 =	vsel vm5, s29, v19  }
0x3e1: {  	s10 =	simm.s32 $0x20;
	s11 =	spop (drf);
	v19 =	vmul.f32 v20, v14;
	v20 =	vsel vm6, s31, v21  }
.LBB2_13:
0x3e2: {  	p1 =	sne.s32 s10, $0x30  }
0x3e3: {  	(v2sf) =	vpush v12, $0xE;
	v20 =	vsel vm7, s13, v20;
	s4 =	spop (drf);
	[tilespmem:v18+s6+$0x0] =	vst.idx.msk $0xffff, v19;
	s16 =	smov.u32 s10;
	s10 =	sadd.s32 $0x10, s10  }
0x3e4: {  	(v2sf) =	vpush v12, $0xD;
	v18 =	vsel vm8, s11, v20;
	v16 =	vld.idx.msk [tilespmem:v16+s26+$0x0], $0xffff  }
0x3e5: {  	(v2sf) =	vpush v12, $0xC;
	v18 =	vsel vm9, s0, v18;
	s0 =	spop (drf)  }
0x3e6: {  	(v2sf) =	vpush v12, $0xB;
	v18 =	vsel vm10, s1, v18;
	s1 =	spop (drf)  }
0x3e7: {  	(v2sf) =	vpush v12, $0x8;
	v18 =	vsel vm11, s4, v18  }
0x3e8: {  	(v2sf) =	vpush v12, $0xA;
	v18 =	vsel vm12, s0, v18;
	s0 =	spop (drf)  }
0x3e9: {  	(v2sf) =	vpush v12, $0x7;
	v18 =	vsel vm13, s1, v18  }
0x3ea: {  	v16 =	vmul.f32 v16, v14;
	(v2sf) =	vpush v12, $0x9;
	v18 =	vsel vm14, s0, v18  }
0x3eb: {  	(v2sf) =	vpush v12, $0x6  }
0x3ec: {  	(v2sf) =	vpush v12, $0x5;
	[tilespmem:v17+s6+$0x0] =	vst.idx.msk $0xffff, v16  }
0x3ed: {  	(v2sf) =	vpush v12, $0x3  }
0x3ee: {  	(v2sf) =	vpush v12, $0x4  }
0x3ef: {  	(v2sf) =	vpush v12, $0xF;
	v16 =	vld.idx.msk [tilespmem:v18+s30+$0x0], $0xffff  }
0x3f0: {  	(v2sf) =	vpush v12, $0x0  }
0x3f1: {  	(v2sf) =	vpush v12, $0x1  }
0x3f2: {  	v17 =	vor.u32 s16, v4;
	(v2sf) =	vpush v12, $0x2;
	s11 =	spop (v2sf)  }
0x3f3: {  	s12 =	spop (v2sf);
	(v2sf) =	vpush v17, $0xE  }
0x3f4: {  	(v2sf) =	vpush v17, $0xC;
	s13 =	spop (v2sf)  }
0x3f5: {  	v19 =	vmul.u32 v13, v16;
	(v2sf) =	vpush v17, $0xB;
	s14 =	spop (v2sf)  }
0x3f6: {  	s15 =	spop (v2sf);
	(v2sf) =	vpush v17, $0xA  }
0x3f7: {  	v20 =	vadd.s32 $0x4000, v19;
	(v2sf) =	vpush v17, $0x4;
	s17 =	spop (v2sf)  }
0x3f8: {  	(v2sf) =	vpush v17, $0x3;
	s18 =	spop (v2sf)  }
0x3f9: {  	(v2sf) =	vpush v17, $0x2;
	s20 =	spop (v2sf)  }
0x3fa: {  	(v2sf) =	vpush v17, $0x1;
	s21 =	spop (v2sf)  }
0x3fb: {  	(v2sf) =	vpush v17, $0x0;
	s22 =	spop (v2sf);
	v18 =	vld.idx.msk [tilespmem:v19+s3+$0x0], $0xffff  }
0x3fc: {  	v16 =	vadd.s32 $0x8000, v19;
	(v2sf) =	vpush v17, $0xF;
	s23 =	spop (v2sf);
	v21 =	vld.idx.msk [tilespmem:v20+s3+$0x0], $0xffff  }
0x3fd: {  	s1 =	spop (v2sf);
	(v2sf) =	vpush v17, $0x9  }
0x3fe: {  	s4 =	spop (v2sf);
	(v2sf) =	vpush v17, $0x5  }
0x3ff: {  	s7 =	spop (v2sf);
	(v2sf) =	vpush v17, $0x6  }
0x400: {  	s24 =	spop (v2sf);
	(v2sf) =	vpush v17, $0x7  }
0x401: {  	v18 =	vsub.f32 v18, v10;
	s25 =	spop (v2sf);
	(v2sf) =	vpush v17, $0xD;
	v22 =	vld.idx.msk [tilespmem:v16+s3+$0x0], $0xffff  }
0x402: {  	v21 =	vsub.f32 v21, v11;
	(v2sf) =	vpush v17, $0x8;
	s19 =	spop (v2sf);
	v17 =	vmov s9;
	s9 =	smov.u32 s16  }
0x403: {  	v23 =	vmul.f32 v18, v8;
	v24 =	vmul.f32 v18, v9;
	s16 =	spop (v2sf);
	v17 =	vshll.u32 v17, $0x7  }
0x404: {  	v25 =	vmul.f32 v21, v9;
	v21 =	vmul.f32 v21, v8;
	s0 =	spop (v2sf);
	v26 =	vor.u32 v5, v17  }
0x405: {  	s28 =	spop (v2sf);
	v18 =	vor.u32 $0x1, v26  }
0x406: {  	v23 =	vadd.f32 v25, v23;
	v21 =	vsub.f32 v21, v24;
	v17 =	vor.u32 $0x2, v26;
	s29 =	spop (v2sf)  }
0x407: {  	v22 =	vsub.f32 v22, v15;
	s31 =	spop (v2sf)  }
0x408: {  	v23 =	vmul.f32 v23, v14;
	v21 =	vmul.f32 v21, v14;
	s8 =	spop (v2sf)  }
0x409: {  	v22 =	vmul.f32 v22, v14;
	s30 =	spop (v2sf);
	(drf) =	srem.u32 s8, s25  }
0x40a: {  	s8 =	spop (v2sf);
	(drf) =	srem.u32 s30, s24;
	s30 =	simm.s32 $0x18080;
	[tilespmem:v26+s5+$0x0] =	vst.idx.msk $0xffff, v23  }
0x40b: {  	(drf) =	srem.u32 s8, s7;
	s7 =	spop (v2sf);
	[tilespmem:v18+s5+$0x0] =	vst.idx.msk $0xffff, v21  }
0x40c: {  	(drf) =	srem.u32 s7, s4;
	s4 =	spop (v2sf);
	[tilespmem:v17+s5+$0x0] =	vst.idx.msk $0xffff, v22  }
0x40d: {  	(drf) =	srem.u32 s29, s1;
	s1 =	spop (v2sf);
	v19 =	vld.idx.msk [tilespmem:v19+s26+$0x0], $0xffff  }
0x40e: {  	(drf) =	srem.u32 s31, s23;
	s7 =	spop (v2sf)  }
0x40f: {  	(drf) =	srem.u32 s1, s22;
	s1 =	spop (v2sf)  }
0x410: {  	(drf) =	srem.u32 s7, s21;
	s7 =	spop (v2sf)  }
0x411: {  	s8 =	spop (v2sf);
	(drf) =	srem.u32 s4, s20  }
0x412: {  	s4 =	spop (drf);
	(drf) =	srem.u32 s1, s18  }
0x413: {  	v19 =	vmul.f32 v19, v14;
	s1 =	spop (drf);
	(drf) =	srem.u32 s28, s17  }
0x414: {  	s17 =	spop (drf);
	(drf) =	srem.u32 s8, s15  }
0x415: {  	s8 =	spop (drf);
	(drf) =	srem.u32 s0, s14;
	[tilespmem:v26+s6+$0x0] =	vst.idx.msk $0xffff, v19  }
0x416: {  	v19 =	vmov s8;
	s8 =	spop (drf);
	v20 =	vld.idx.msk [tilespmem:v20+s26+$0x0], $0xffff  }
0x417: {  	v19 =	vsel vm0, s17, v19;
	s0 =	spop (drf);
	(drf) =	srem.u32 s16, s13  }
0x418: {  	v19 =	vsel vm1, s1, v19;
	s1 =	spop (drf);
	(drf) =	srem.u32 s7, s12  }
.Ltmp9:
0x419: {  	v19 =	vsel vm2, s4, v19;
	s4 =	spop (drf);
	(pc) =	sbr.rel @p1 .LBB2_13-.Ltmp9, $4  }
0x41a: {  	v19 =	vsel vm3, s0, v19;
	s0 =	spop (drf);
	(drf) =	srem.u32 s19, s11  }
0x41b: {  	v19 =	vsel vm4, s8, v19;
	s13 =	spop (drf)  }
0x41c: {  	v21 =	vsel vm5, s1, v19;
	s1 =	spop (drf);
	v19 =	vmul.f32 v20, v14  }
0x41d: {  	v20 =	vsel vm6, s4, v21;
	s11 =	spop (drf)  }
0x41e: {  	_ = 	snop  }
0x41f: {  	v20 =	vsel vm7, s13, v20  }
0x420: {  	v20 =	vsel vm8, s11, v20  }
0x421: {  	v20 =	vsel vm9, s0, v20  }
0x422: {  	s24 =	spop (drf);
	[tilespmem:v18+s6+$0x0] =	vst.idx.msk $0xffff, v19;
	v60 =	vsel vm10, s1, v20  }
0x423: {  	v16 =	vld.idx.msk [tilespmem:v16+s26+$0x0], $0xffff;
	s25 =	spop (drf);
	v18 =	vsel vm11, s24, v60  }
0x424: {  	s28 =	spop (drf);
	v18 =	vsel vm12, s25, v18  }
0x425: {  	s29 =	spop (drf);
	v18 =	vsel vm13, s28, v18  }
0x426: {  	v18 =	vsel vm14, s29, v18;
	_ =	sdelay $0x1  }
0x427: {  	v16 =	vmul.f32 v16, v14;
	_ =	sdelay $0x1  }
0x428: {  	[tilespmem:v17+s6+$0x0] =	vst.idx.msk $0xffff, v16  }
0x429: {  	v16 =	vld.idx.msk [tilespmem:v18+s30+$0x0], $0xffff;
	_ =	sdelay $0x4  }
0x42a: {  	v16 =	vmul.u32 v13, v16;
	_ =	sdelay $0x1  }
0x42b: {  	v17 =	vadd.s32 $0x4000, v16;
	_ =	sdelay $0x3  }
0x42c: {  	v61 =	vld.idx.msk [tilespmem:v16+s3+$0x0], $0xffff  }
0x42d: {  	v19 =	vld.idx.msk [tilespmem:v17+s3+$0x0], $0xffff  }
0x42e: {  	v62 =	vadd.s32 $0x8000, v16;
	_ =	sdelay $0x3  }
0x42f: {  	v18 =	vsub.f32 v61, v10;
	v19 =	vsub.f32 v19, v11  }
0x430: {  	v22 =	vmov s9;
	v21 =	vld.idx.msk [tilespmem:v62+s3+$0x0], $0xffff  }
0x431: {  	v22 =	vshll.u32 v22, $0x7;
	v23 =	vmul.f32 v18, v8;
	v24 =	vmul.f32 v19, v9  }
0x432: {  	v22 =	vor.u32 v5, v22;
	v18 =	vmul.f32 v18, v9;
	v19 =	vmul.f32 v19, v8  }
0x433: {  	v25 =	vor.u32 $0x1, v22;
	v23 =	vadd.f32 v24, v23  }
0x434: {  	v63 =	vor.u32 $0x2, v22;
	v18 =	vsub.f32 v19, v18  }
0x435: {  	v21 =	vsub.f32 v21, v15;
	v23 =	vmul.f32 v23, v14  }
0x436: {  	v18 =	vmul.f32 v18, v14  }
0x437: {  	v21 =	vmul.f32 v21, v14;
	[tilespmem:v22+s5+$0x0] =	vst.idx.msk $0xffff, v23  }
0x438: {  	[tilespmem:v25+s5+$0x0] =	vst.idx.msk $0xffff, v18  }
0x439: {  	[tilespmem:v63+s5+$0x0] =	vst.idx.msk $0xffff, v21  }
0x43a: {  	v16 =	vld.idx.msk [tilespmem:v16+s26+$0x0], $0xffff;
	_ =	sdelay $0x4  }
0x43b: {  	v16 =	vmul.f32 v16, v14;
	_ =	sdelay $0x1  }
0x43c: {  	[tilespmem:v22+s6+$0x0] =	vst.idx.msk $0xffff, v16  }
0x43d: {  	v16 =	vld.idx.msk [tilespmem:v17+s26+$0x0], $0xffff;
	_ =	sdelay $0x4  }
0x43e: {  	v16 =	vmul.f32 v16, v14;
	_ =	sdelay $0x1  }
0x43f: {  	[tilespmem:v25+s6+$0x0] =	vst.idx.msk $0xffff, v16  }
0x440: {  	v16 =	vld.idx.msk [tilespmem:v62+s26+$0x0], $0xffff;
	_ =	sdelay $0x2  }
.Ltmp10:
0x441: {  	_ = 	snop;
	(pc) =	sbr.rel @p0 .LBB2_18-.Ltmp10, $3  }
0x442: {  	_ = 	snop  }
0x443: {  	v16 =	vmul.f32 v16, v14;
	_ =	sdelay $0x1  }
0x444: {  	s31 =	simm.s32 $0x18080;
	[tilespmem:v63+s6+$0x0] =	vst.idx.msk $0xffff, v16  }
0x445: {  	s0 =	simm.s32 $0x0;
	s1 =	simm.s32 $0x200  }
.LBB2_16:
0x446: {  	p1 =	sne.s32 s1, $0x7E00;
	[tilespmem:s0+$0x1A570] =	vst v3  }
0x447: {  	[tilespmem:s0+$0x1A500] =	vst v3  }
0x448: {  	[tilespmem:s0+$0x1A510] =	vst v3  }
.Ltmp11:
0x449: {  	[tilespmem:s0+$0x1A520] =	vst v3;
	(pc) =	sbr.rel @p1 .LBB2_16-.Ltmp11, $4  }
0x44a: {  	[tilespmem:s0+$0x1A530] =	vst v3  }
0x44b: {  	[tilespmem:s0+$0x1A540] =	vst v3  }
0x44c: {  	[tilespmem:s0+$0x1A550] =	vst v3  }
0x44d: {  	[tilespmem:s0+$0x1A560] =	vst v3;
	s0 =	sshra.s32 s1, $0x2;
	s1 =	sadd.s32 $0x200, s1  }
0x44e: {  	[tilespmem:s0+$0x1A570] =	vst v3  }
0x44f: {  	[tilespmem:s0+$0x1A500] =	vst v3  }
0x450: {  	[tilespmem:s0+$0x1A510] =	vst v3  }
0x451: {  	[tilespmem:s0+$0x1A520] =	vst v3  }
0x452: {  	[tilespmem:s0+$0x1A530] =	vst v3  }
0x453: {  	[tilespmem:s0+$0x1A540] =	vst v3  }
0x454: {  	[tilespmem:s0+$0x1A550] =	vst v3  }
0x455: {  	[tilespmem:s0+$0x1A560] =	vst v3;
	s31 =	simm.s32 $0x18080  }
.LBB2_18:
0x456: {  	s0 =	rddreg [dreg:$0xc]  }
0x457: {  	s7 =	rddreg [dreg:$0x1d];
	s1 =	simm.s32 $0x400  }
0x458: {  	s4 =	simm.s32 $0x800;
	s15 =	rddreg [dreg:$0xd];
	s0 =	sadd.s32 s7, s0  }
0x459: {  	[hbm4b:s0+s1] =	stream.strided.scatter [tilespmem:s5], [sflag:$0x3], $0x2000, s4, s1, $0x38;
	[tilespmem:$0x1E500] =	vst v63  }
0x45a: {  	s16 =	simm.s32 $0x3;
	s0 =	sadd.s32 s7, s15  }
0x45b: {  	[hbm4b:s0+s1] =	stream.strided.scatter [tilespmem:s6], [sflag:$0x3], $0x2000, s4, s1, $0x38;
	[tilespmem:$0x1E500] =	vst v63  }
0x45c: {  	_ =	swait.ge [sflag:s16], $0x2000  }
0x45d: {  	[sflag:s16] =	ssyncset.done $0x0  }
0x45e: {  	[sflag:s16] =	ssyncadd.s32 $0xFFFFE000  }
0x45f: {  	_ =	swait.ge [sflag:s16], $0x2000  }
0x460: {  	[sflag:s16] =	ssyncset.done $0x0  }
0x461: {  	s17 =	simm.s32 $0x40;
	[sflag:s16] =	ssyncadd.s32 $0xFFFFE000  }
0x462: {  	s18 =	simm.s32 $0x183C0;
	s30 =	simm.s32 $0x1;
	s0 =	rddreg [dreg:$0x3]  }
0x463: {  	[tilespmem:s5], [sflag:$0x2] =	stream.indirect.gather [hbm4b:s0+s17], $0x80, s18, s17, $0xb8;
	[tilespmem:$0x1E500] =	vst v63  }
0x464: {  	_ =	swait.ge [sflag:s30], $0x2000  }
0x465: {  	(v2sf) =	vpush v12, $0xE  }
0x466: {  	(v2sf) =	vpush v12, $0xD  }
0x467: {  	(v2sf) =	vpush v12, $0xC  }
0x468: {  	(v2sf) =	vpush v12, $0xB  }
0x469: {  	(v2sf) =	vpush v12, $0x8  }
0x46a: {  	(v2sf) =	vpush v12, $0xA  }
0x46b: {  	(v2sf) =	vpush v12, $0x7  }
0x46c: {  	(v2sf) =	vpush v12, $0x9  }
0x46d: {  	(v2sf) =	vpush v12, $0x6  }
0x46e: {  	(v2sf) =	vpush v12, $0x5  }
0x46f: {  	(v2sf) =	vpush v12, $0x3  }
0x470: {  	(v2sf) =	vpush v12, $0x4  }
0x471: {  	(v2sf) =	vpush v12, $0xF  }
0x472: {  	(v2sf) =	vpush v12, $0x0  }
0x473: {  	s10 =	simm.s32 $0x0;
	(v2sf) =	vpush v12, $0x1  }
0x474: {  	v16 =	vor.u32 s10, v6;
	(v2sf) =	vpush v12, $0x2;
	s9 =	spop (v2sf)  }
0x475: {  	s11 =	spop (v2sf);
	(v2sf) =	vpush v16, $0xE  }
0x476: {  	(v2sf) =	vpush v16, $0xC;
	s12 =	spop (v2sf)  }
0x477: {  	(v2sf) =	vpush v16, $0xB;
	s0 =	spop (v2sf)  }
0x478: {  	s1 =	spop (v2sf);
	(v2sf) =	vpush v16, $0xA  }
0x479: {  	(v2sf) =	vpush v16, $0x4;
	s4 =	spop (v2sf)  }
0x47a: {  	(v2sf) =	vpush v16, $0x3;
	s7 =	spop (v2sf)  }
0x47b: {  	(v2sf) =	vpush v16, $0x2;
	s8 =	spop (v2sf)  }
0x47c: {  	(v2sf) =	vpush v16, $0x1;
	s13 =	spop (v2sf)  }
0x47d: {  	(v2sf) =	vpush v16, $0x0;
	s14 =	spop (v2sf)  }
0x47e: {  	(v2sf) =	vpush v16, $0xF;
	s15 =	spop (v2sf)  }
0x47f: {  	s16 =	spop (v2sf);
	(v2sf) =	vpush v16, $0x9  }
0x480: {  	s17 =	spop (v2sf);
	(v2sf) =	vpush v16, $0x5  }
0x481: {  	s18 =	spop (v2sf);
	(v2sf) =	vpush v16, $0x6  }
0x482: {  	s19 =	spop (v2sf);
	(v2sf) =	vpush v16, $0x7  }
0x483: {  	s20 =	spop (v2sf);
	(v2sf) =	vpush v16, $0xD  }
0x484: {  	(v2sf) =	vpush v16, $0x8;
	s21 =	spop (v2sf)  }
0x485: {  	s22 =	spop (v2sf)  }
0x486: {  	s23 =	spop (v2sf)  }
0x487: {  	s24 =	spop (v2sf)  }
0x488: {  	s25 =	spop (v2sf)  }
0x489: {  	s28 =	spop (v2sf)  }
0x48a: {  	s29 =	spop (v2sf)  }
0x48b: {  	(drf) =	srem.u32 s29, s20;
	s20 =	spop (v2sf)  }
0x48c: {  	s29 =	spop (v2sf);
	(drf) =	srem.u32 s20, s19  }
0x48d: {  	(drf) =	srem.u32 s29, s18;
	s19 =	spop (v2sf)  }
0x48e: {  	(drf) =	srem.u32 s19, s17;
	s17 =	spop (v2sf)  }
0x48f: {  	s20 =	spop (v2sf)  }
0x490: {  	(drf) =	srem.u32 s25, s16;
	s25 =	spop (v2sf)  }
0x491: {  	(drf) =	srem.u32 s28, s15;
	s29 =	spop (v2sf)  }
0x492: {  	(drf) =	srem.u32 s20, s14;
	s19 =	spop (v2sf)  }
0x493: {  	(drf) =	srem.u32 s25, s13;
	s20 =	spop (v2sf)  }
0x494: {  	(drf) =	srem.u32 s17, s8;
	s25 =	spop (drf)  }
0x495: {  	(drf) =	srem.u32 s29, s7;
	s28 =	spop (drf)  }
0x496: {  	(drf) =	srem.u32 s24, s4;
	s29 =	spop (drf)  }
0x497: {  	(drf) =	srem.u32 s20, s1;
	s15 =	spop (drf)  }
0x498: {  	v16 =	vmov s15  }
0x499: {  	s16 =	spop (drf);
	v16 =	vsel vm0, s29, v16  }
0x49a: {  	(drf) =	srem.u32 s23, s0;
	s17 =	spop (drf);
	v16 =	vsel vm1, s28, v16  }
0x49b: {  	(v2sf) =	vpush v12, $0xE;
	(drf) =	srem.u32 s22, s12;
	s18 =	spop (drf);
	v16 =	vsel vm2, s25, v16  }
0x49c: {  	(v2sf) =	vpush v12, $0xD;
	(drf) =	srem.u32 s19, s11;
	s19 =	spop (drf);
	v16 =	vsel vm3, s17, v16  }
0x49d: {  	(v2sf) =	vpush v12, $0xC;
	(drf) =	srem.u32 s21, s9;
	s20 =	spop (drf);
	v16 =	vsel vm4, s16, v16  }
0x49e: {  	(v2sf) =	vpush v12, $0xB;
	s21 =	spop (drf);
	v16 =	vsel vm5, s18, v16  }
0x49f: {  	(v2sf) =	vpush v12, $0x8;
	s22 =	spop (drf);
	v16 =	vsel vm6, s19, v16  }
0x4a0: {  	(v2sf) =	vpush v12, $0xA;
	s23 =	spop (drf);
	v16 =	vsel vm7, s21, v16  }
0x4a1: {  	(v2sf) =	vpush v12, $0x7;
	v16 =	vsel vm8, s23, v16  }
0x4a2: {  	(v2sf) =	vpush v12, $0x9;
	v16 =	vsel vm9, s20, v16  }
0x4a3: {  	(v2sf) =	vpush v12, $0x6;
	s24 =	spop (drf);
	v16 =	vsel vm10, s22, v16  }
0x4a4: {  	(v2sf) =	vpush v12, $0x5;
	s25 =	spop (drf);
	v16 =	vsel vm11, s24, v16  }
0x4a5: {  	(v2sf) =	vpush v12, $0x3;
	s28 =	spop (drf);
	v16 =	vsel vm12, s25, v16  }
0x4a6: {  	(v2sf) =	vpush v12, $0x4;
	s29 =	spop (drf);
	v16 =	vsel vm13, s28, v16  }
0x4a7: {  	(v2sf) =	vpush v12, $0xF;
	v16 =	vsel vm14, s29, v16  }
0x4a8: {  	(v2sf) =	vpush v12, $0x0  }
0x4a9: {  	(v2sf) =	vpush v12, $0x1;
	s9 =	simm.s32 $0x10  }
0x4aa: {  	[sflag:s30] =	ssyncset.done $0x0;
	(v2sf) =	vpush v12, $0x2;
	s11 =	spop (v2sf);
	v17 =	vor.u32 s9, v6  }
0x4ab: {  	[sflag:s30] =	ssyncadd.s32 $0xFFFFE000;
	s12 =	spop (v2sf);
	(v2sf) =	vpush v17, $0xE  }
0x4ac: {  	s13 =	spop (v2sf);
	(v2sf) =	vpush v17, $0xC;
	v16 =	vld.idx.msk [tilespmem:v16+s31+$0x0], $0xffff  }
0x4ad: {  	s14 =	spop (v2sf);
	(v2sf) =	vpush v17, $0xB  }
0x4ae: {  	s15 =	spop (v2sf);
	(v2sf) =	vpush v17, $0xA  }
0x4af: {  	s16 =	spop (v2sf);
	(v2sf) =	vpush v17, $0x4  }
0x4b0: {  	s18 =	spop (v2sf);
	(v2sf) =	vpush v17, $0x3  }
0x4b1: {  	s19 =	spop (v2sf);
	(v2sf) =	vpush v17, $0x2;
	v19 =	vmul.u32 v13, v16  }
0x4b2: {  	s1 =	spop (v2sf);
	(v2sf) =	vpush v17, $0x1  }
0x4b3: {  	s4 =	spop (v2sf);
	(v2sf) =	vpush v17, $0x0;
	v20 =	vadd.s32 $0x4000, v19  }
0x4b4: {  	s7 =	spop (v2sf);
	(v2sf) =	vpush v17, $0xF  }
0x4b5: {  	s8 =	spop (v2sf);
	(v2sf) =	vpush v17, $0x9  }
0x4b6: {  	s21 =	spop (v2sf);
	(v2sf) =	vpush v17, $0x5  }
0x4b7: {  	s22 =	spop (v2sf);
	(v2sf) =	vpush v17, $0x6;
	v18 =	vld.idx.msk [tilespmem:v19+s3+$0x0], $0xffff  }
0x4b8: {  	s23 =	spop (v2sf);
	(v2sf) =	vpush v17, $0x7;
	v21 =	vld.idx.msk [tilespmem:v20+s3+$0x0], $0xffff  }
0x4b9: {  	s24 =	spop (v2sf);
	(v2sf) =	vpush v17, $0xD;
	v16 =	vadd.s32 $0x8000, v19  }
0x4ba: {  	(v2sf) =	vpush v17, $0x8;
	s17 =	spop (v2sf)  }
0x4bb: {  	s20 =	spop (v2sf)  }
0x4bc: {  	s0 =	spop (v2sf)  }
0x4bd: {  	s25 =	spop (v2sf);
	v17 =	vsub.f32 v18, v10;
	v18 =	vsub.f32 v21, v11  }
0x4be: {  	v22 =	vmov s10;
	s10 =	spop (v2sf);
	v21 =	vld.idx.msk [tilespmem:v16+s3+$0x0], $0xffff  }
0x4bf: {  	v22 =	vshll.u32 v22, $0x7;
	s28 =	spop (v2sf);
	v23 =	vmul.f32 v17, v8;
	v24 =	vmul.f32 v18, v9  }
0x4c0: {  	v22 =	vor.u32 v5, v22;
	s31 =	spop (v2sf);
	v17 =	vmul.f32 v17, v9;
	v25 =	vmul.f32 v18, v8  }
0x4c1: {  	(drf) =	srem.u32 s31, s24;
	s29 =	spop (v2sf);
	v18 =	vor.u32 $0x1, v22;
	v23 =	vadd.f32 v24, v23  }
0x4c2: {  	(drf) =	srem.u32 s29, s23;
	s31 =	spop (v2sf);
	v63 =	vsub.f32 v25, v17;
	v17 =	vor.u32 $0x2, v22  }
0x4c3: {  	(drf) =	srem.u32 s31, s22;
	s23 =	spop (v2sf);
	v21 =	vsub.f32 v21, v15;
	v23 =	vmul.f32 v23, v14  }
0x4c4: {  	(drf) =	srem.u32 s23, s21;
	s24 =	spop (v2sf);
	v24 =	vmul.f32 v63, v14  }
0x4c5: {  	(drf) =	srem.u32 s10, s8;
	s29 =	spop (v2sf);
	v21 =	vmul.f32 v21, v14;
	[tilespmem:v22+s2+$0x0] =	vst.idx.msk $0xffff, v23  }
0x4c6: {  	(drf) =	srem.u32 s28, s7;
	s31 =	spop (v2sf);
	[tilespmem:v18+s2+$0x0] =	vst.idx.msk $0xffff, v24  }
0x4c7: {  	(drf) =	srem.u32 s29, s4;
	s10 =	spop (v2sf);
	[tilespmem:v17+s2+$0x0] =	vst.idx.msk $0xffff, v21  }
0x4c8: {  	(drf) =	srem.u32 s31, s1;
	s1 =	spop (v2sf);
	v19 =	vld.idx.msk [tilespmem:v19+s26+$0x0], $0xffff  }
0x4c9: {  	(drf) =	srem.u32 s24, s19;
	s19 =	spop (v2sf)  }
0x4ca: {  	(drf) =	srem.u32 s10, s18;
	s21 =	spop (drf)  }
0x4cb: {  	(drf) =	srem.u32 s25, s16;
	s22 =	spop (drf)  }
0x4cc: {  	(drf) =	srem.u32 s19, s15;
	s23 =	spop (drf)  }
0x4cd: {  	s24 =	spop (drf);
	v19 =	vmul.f32 v19, v14  }
0x4ce: {  	(drf) =	srem.u32 s0, s14;
	s25 =	spop (drf);
	v21 =	vmov s24  }
0x4cf: {  	s28 =	spop (drf);
	[tilespmem:v22+s6+$0x0] =	vst.idx.msk $0xffff, v19;
	v19 =	vsel vm0, s23, v21  }
0x4d0: {  	(drf) =	srem.u32 s20, s13;
	s29 =	spop (drf);
	v20 =	vld.idx.msk [tilespmem:v20+s26+$0x0], $0xffff;
	v19 =	vsel vm1, s22, v19  }
0x4d1: {  	(drf) =	srem.u32 s1, s12;
	s31 =	spop (drf);
	v19 =	vsel vm2, s21, v19  }
0x4d2: {  	s0 =	spop (drf);
	v19 =	vsel vm3, s28, v19  }
0x4d3: {  	(drf) =	srem.u32 s17, s11;
	s13 =	spop (drf);
	v19 =	vsel vm4, s25, v19  }
0x4d4: {  	s1 =	spop (drf);
	v21 =	vsel vm5, s29, v19  }
0x4d5: {  	s30 =	simm.s32 $0x18080;
	s10 =	simm.s32 $0x20;
	s11 =	spop (drf);
	v19 =	vmul.f32 v20, v14;
	v20 =	vsel vm6, s31, v21  }
.LBB2_19:
0x4d6: {  	p1 =	sne.s32 s10, $0x30  }
0x4d7: {  	(v2sf) =	vpush v12, $0xE;
	v20 =	vsel vm7, s13, v20;
	s4 =	spop (drf);
	[tilespmem:v18+s6+$0x0] =	vst.idx.msk $0xffff, v19;
	s16 =	smov.u32 s10;
	s10 =	sadd.s32 $0x10, s10  }
0x4d8: {  	(v2sf) =	vpush v12, $0xD;
	v18 =	vsel vm8, s11, v20;
	v16 =	vld.idx.msk [tilespmem:v16+s26+$0x0], $0xffff  }
0x4d9: {  	(v2sf) =	vpush v12, $0xC;
	v18 =	vsel vm9, s0, v18;
	s0 =	spop (drf)  }
0x4da: {  	(v2sf) =	vpush v12, $0xB;
	v18 =	vsel vm10, s1, v18;
	s1 =	spop (drf)  }
0x4db: {  	(v2sf) =	vpush v12, $0x8;
	v18 =	vsel vm11, s4, v18  }
0x4dc: {  	(v2sf) =	vpush v12, $0xA;
	v18 =	vsel vm12, s0, v18;
	s0 =	spop (drf)  }
0x4dd: {  	(v2sf) =	vpush v12, $0x7;
	v18 =	vsel vm13, s1, v18  }
0x4de: {  	v16 =	vmul.f32 v16, v14;
	(v2sf) =	vpush v12, $0x9;
	v18 =	vsel vm14, s0, v18  }
0x4df: {  	(v2sf) =	vpush v12, $0x6  }
0x4e0: {  	(v2sf) =	vpush v12, $0x5;
	[tilespmem:v17+s6+$0x0] =	vst.idx.msk $0xffff, v16  }
0x4e1: {  	(v2sf) =	vpush v12, $0x3  }
0x4e2: {  	(v2sf) =	vpush v12, $0x4  }
0x4e3: {  	(v2sf) =	vpush v12, $0xF;
	v16 =	vld.idx.msk [tilespmem:v18+s30+$0x0], $0xffff  }
0x4e4: {  	(v2sf) =	vpush v12, $0x0  }
0x4e5: {  	(v2sf) =	vpush v12, $0x1  }
0x4e6: {  	v17 =	vor.u32 s16, v6;
	(v2sf) =	vpush v12, $0x2;
	s11 =	spop (v2sf)  }
0x4e7: {  	s12 =	spop (v2sf);
	(v2sf) =	vpush v17, $0xE  }
0x4e8: {  	(v2sf) =	vpush v17, $0xC;
	s13 =	spop (v2sf)  }
0x4e9: {  	v19 =	vmul.u32 v13, v16;
	(v2sf) =	vpush v17, $0xB;
	s14 =	spop (v2sf)  }
0x4ea: {  	s15 =	spop (v2sf);
	(v2sf) =	vpush v17, $0xA  }
0x4eb: {  	v20 =	vadd.s32 $0x4000, v19;
	(v2sf) =	vpush v17, $0x4;
	s17 =	spop (v2sf)  }
0x4ec: {  	(v2sf) =	vpush v17, $0x3;
	s18 =	spop (v2sf)  }
0x4ed: {  	(v2sf) =	vpush v17, $0x2;
	s20 =	spop (v2sf)  }
0x4ee: {  	(v2sf) =	vpush v17, $0x1;
	s21 =	spop (v2sf)  }
0x4ef: {  	(v2sf) =	vpush v17, $0x0;
	s22 =	spop (v2sf);
	v18 =	vld.idx.msk [tilespmem:v19+s3+$0x0], $0xffff  }
0x4f0: {  	v16 =	vadd.s32 $0x8000, v19;
	(v2sf) =	vpush v17, $0xF;
	s23 =	spop (v2sf);
	v21 =	vld.idx.msk [tilespmem:v20+s3+$0x0], $0xffff  }
0x4f1: {  	s1 =	spop (v2sf);
	(v2sf) =	vpush v17, $0x9  }
0x4f2: {  	s4 =	spop (v2sf);
	(v2sf) =	vpush v17, $0x5  }
0x4f3: {  	s7 =	spop (v2sf);
	(v2sf) =	vpush v17, $0x6  }
0x4f4: {  	s8 =	spop (v2sf);
	(v2sf) =	vpush v17, $0x7  }
0x4f5: {  	v18 =	vsub.f32 v18, v10;
	s24 =	spop (v2sf);
	(v2sf) =	vpush v17, $0xD;
	v22 =	vld.idx.msk [tilespmem:v16+s3+$0x0], $0xffff  }
0x4f6: {  	v21 =	vsub.f32 v21, v11;
	(v2sf) =	vpush v17, $0x8;
	s19 =	spop (v2sf);
	v17 =	vmov s9;
	s9 =	smov.u32 s16  }
0x4f7: {  	v23 =	vmul.f32 v18, v8;
	v24 =	vmul.f32 v18, v9;
	s16 =	spop (v2sf);
	v17 =	vshll.u32 v17, $0x7  }
0x4f8: {  	v25 =	vmul.f32 v21, v9;
	v21 =	vmul.f32 v21, v8;
	s0 =	spop (v2sf);
	v26 =	vor.u32 v5, v17  }
0x4f9: {  	s25 =	spop (v2sf);
	v18 =	vor.u32 $0x1, v26  }
0x4fa: {  	v23 =	vadd.f32 v25, v23;
	v21 =	vsub.f32 v21, v24;
	v17 =	vor.u32 $0x2, v26;
	s28 =	spop (v2sf)  }
0x4fb: {  	v22 =	vsub.f32 v22, v15;
	s29 =	spop (v2sf)  }
0x4fc: {  	v23 =	vmul.f32 v23, v14;
	v21 =	vmul.f32 v21, v14;
	s30 =	spop (v2sf)  }
0x4fd: {  	v22 =	vmul.f32 v22, v14;
	s31 =	spop (v2sf);
	(drf) =	srem.u32 s30, s24;
	s30 =	simm.s32 $0x18080  }
0x4fe: {  	s24 =	spop (v2sf);
	(drf) =	srem.u32 s31, s8;
	[tilespmem:v26+s2+$0x0] =	vst.idx.msk $0xffff, v23  }
0x4ff: {  	(drf) =	srem.u32 s24, s7;
	s7 =	spop (v2sf);
	[tilespmem:v18+s2+$0x0] =	vst.idx.msk $0xffff, v21  }
0x500: {  	(drf) =	srem.u32 s7, s4;
	s4 =	spop (v2sf);
	[tilespmem:v17+s2+$0x0] =	vst.idx.msk $0xffff, v22  }
0x501: {  	(drf) =	srem.u32 s28, s1;
	s1 =	spop (v2sf);
	v19 =	vld.idx.msk [tilespmem:v19+s26+$0x0], $0xffff  }
0x502: {  	(drf) =	srem.u32 s29, s23;
	s7 =	spop (v2sf)  }
0x503: {  	(drf) =	srem.u32 s1, s22;
	s1 =	spop (v2sf)  }
0x504: {  	(drf) =	srem.u32 s7, s21;
	s7 =	spop (v2sf)  }
0x505: {  	s8 =	spop (v2sf);
	(drf) =	srem.u32 s4, s20  }
0x506: {  	s4 =	spop (drf);
	(drf) =	srem.u32 s1, s18  }
0x507: {  	v19 =	vmul.f32 v19, v14;
	s1 =	spop (drf);
	(drf) =	srem.u32 s25, s17  }
0x508: {  	s17 =	spop (drf);
	(drf) =	srem.u32 s8, s15  }
0x509: {  	s8 =	spop (drf);
	(drf) =	srem.u32 s0, s14;
	[tilespmem:v26+s6+$0x0] =	vst.idx.msk $0xffff, v19  }
0x50a: {  	v19 =	vmov s8;
	s8 =	spop (drf);
	v20 =	vld.idx.msk [tilespmem:v20+s26+$0x0], $0xffff  }
0x50b: {  	v19 =	vsel vm0, s17, v19;
	s0 =	spop (drf);
	(drf) =	srem.u32 s16, s13  }
0x50c: {  	v19 =	vsel vm1, s1, v19;
	s1 =	spop (drf);
	(drf) =	srem.u32 s7, s12  }
.Ltmp12:
0x50d: {  	v19 =	vsel vm2, s4, v19;
	s4 =	spop (drf);
	(pc) =	sbr.rel @p1 .LBB2_19-.Ltmp12, $4  }
0x50e: {  	v19 =	vsel vm3, s0, v19;
	s0 =	spop (drf);
	(drf) =	srem.u32 s19, s11  }
0x50f: {  	v19 =	vsel vm4, s8, v19;
	s13 =	spop (drf)  }
0x510: {  	v21 =	vsel vm5, s1, v19;
	s1 =	spop (drf);
	v19 =	vmul.f32 v20, v14  }
0x511: {  	v20 =	vsel vm6, s4, v21;
	s11 =	spop (drf)  }
0x512: {  	_ = 	snop  }
0x513: {  	v20 =	vsel vm7, s13, v20  }
0x514: {  	v20 =	vsel vm8, s11, v20  }
0x515: {  	v20 =	vsel vm9, s0, v20  }
0x516: {  	s25 =	spop (drf);
	[tilespmem:v18+s6+$0x0] =	vst.idx.msk $0xffff, v19;
	v60 =	vsel vm10, s1, v20  }
0x517: {  	v16 =	vld.idx.msk [tilespmem:v16+s26+$0x0], $0xffff;
	s28 =	spop (drf);
	v18 =	vsel vm11, s25, v60  }
0x518: {  	s29 =	spop (drf);
	v18 =	vsel vm12, s28, v18  }
0x519: {  	s31 =	spop (drf);
	v18 =	vsel vm13, s29, v18  }
0x51a: {  	v18 =	vsel vm14, s31, v18;
	_ =	sdelay $0x1  }
0x51b: {  	v16 =	vmul.f32 v16, v14;
	_ =	sdelay $0x1  }
0x51c: {  	[tilespmem:v17+s6+$0x0] =	vst.idx.msk $0xffff, v16  }
0x51d: {  	v16 =	vld.idx.msk [tilespmem:v18+s30+$0x0], $0xffff;
	_ =	sdelay $0x4  }
0x51e: {  	v16 =	vmul.u32 v13, v16;
	_ =	sdelay $0x1  }
0x51f: {  	v17 =	vadd.s32 $0x4000, v16;
	_ =	sdelay $0x3  }
0x520: {  	v61 =	vld.idx.msk [tilespmem:v16+s3+$0x0], $0xffff  }
0x521: {  	v19 =	vld.idx.msk [tilespmem:v17+s3+$0x0], $0xffff  }
0x522: {  	v62 =	vadd.s32 $0x8000, v16;
	_ =	sdelay $0x3  }
0x523: {  	v18 =	vsub.f32 v61, v10;
	v19 =	vsub.f32 v19, v11  }
0x524: {  	v22 =	vmov s9;
	v21 =	vld.idx.msk [tilespmem:v62+s3+$0x0], $0xffff  }
0x525: {  	v22 =	vshll.u32 v22, $0x7;
	v23 =	vmul.f32 v18, v8;
	v24 =	vmul.f32 v19, v9  }
0x526: {  	v22 =	vor.u32 v5, v22;
	v18 =	vmul.f32 v18, v9;
	v19 =	vmul.f32 v19, v8  }
0x527: {  	v25 =	vor.u32 $0x1, v22;
	v23 =	vadd.f32 v24, v23  }
0x528: {  	v63 =	vor.u32 $0x2, v22;
	v18 =	vsub.f32 v19, v18  }
0x529: {  	v21 =	vsub.f32 v21, v15;
	v23 =	vmul.f32 v23, v14  }
0x52a: {  	v18 =	vmul.f32 v18, v14  }
0x52b: {  	v21 =	vmul.f32 v21, v14;
	[tilespmem:v22+s2+$0x0] =	vst.idx.msk $0xffff, v23  }
0x52c: {  	[tilespmem:v25+s2+$0x0] =	vst.idx.msk $0xffff, v18  }
0x52d: {  	[tilespmem:v63+s2+$0x0] =	vst.idx.msk $0xffff, v21  }
0x52e: {  	v16 =	vld.idx.msk [tilespmem:v16+s26+$0x0], $0xffff;
	_ =	sdelay $0x4  }
0x52f: {  	v16 =	vmul.f32 v16, v14;
	_ =	sdelay $0x1  }
0x530: {  	[tilespmem:v22+s6+$0x0] =	vst.idx.msk $0xffff, v16  }
0x531: {  	v16 =	vld.idx.msk [tilespmem:v17+s26+$0x0], $0xffff;
	_ =	sdelay $0x4  }
0x532: {  	v16 =	vmul.f32 v16, v14;
	_ =	sdelay $0x1  }
0x533: {  	[tilespmem:v25+s6+$0x0] =	vst.idx.msk $0xffff, v16  }
0x534: {  	v16 =	vld.idx.msk [tilespmem:v62+s26+$0x0], $0xffff;
	_ =	sdelay $0x2  }
.Ltmp13:
0x535: {  	_ = 	snop;
	(pc) =	sbr.rel @p0 .LBB2_24-.Ltmp13, $3  }
0x536: {  	_ = 	snop  }
0x537: {  	v16 =	vmul.f32 v16, v14;
	_ =	sdelay $0x1  }
0x538: {  	[tilespmem:v63+s6+$0x0] =	vst.idx.msk $0xffff, v16  }
0x539: {  	s0 =	simm.s32 $0x0;
	s1 =	simm.s32 $0x200  }
.LBB2_22:
0x53a: {  	p1 =	sne.s32 s1, $0x7E00;
	[tilespmem:s0+$0x18570] =	vst v3  }
0x53b: {  	[tilespmem:s0+$0x18500] =	vst v3  }
0x53c: {  	[tilespmem:s0+$0x18510] =	vst v3  }
.Ltmp14:
0x53d: {  	[tilespmem:s0+$0x18520] =	vst v3;
	(pc) =	sbr.rel @p1 .LBB2_22-.Ltmp14, $4  }
0x53e: {  	[tilespmem:s0+$0x18530] =	vst v3  }
0x53f: {  	[tilespmem:s0+$0x18540] =	vst v3  }
0x540: {  	[tilespmem:s0+$0x18550] =	vst v3  }
0x541: {  	[tilespmem:s0+$0x18560] =	vst v3;
	s0 =	sshra.s32 s1, $0x2;
	s1 =	sadd.s32 $0x200, s1  }
0x542: {  	[tilespmem:s0+$0x18570] =	vst v3  }
0x543: {  	[tilespmem:s0+$0x18500] =	vst v3  }
0x544: {  	[tilespmem:s0+$0x18510] =	vst v3  }
0x545: {  	[tilespmem:s0+$0x18520] =	vst v3  }
0x546: {  	[tilespmem:s0+$0x18530] =	vst v3  }
0x547: {  	[tilespmem:s0+$0x18540] =	vst v3  }
0x548: {  	[tilespmem:s0+$0x18550] =	vst v3  }
0x549: {  	[tilespmem:s0+$0x18560] =	vst v3  }
.LBB2_24:
0x54a: {  	s0 =	rddreg [dreg:$0xe]  }
0x54b: {  	s7 =	rddreg [dreg:$0x1d];
	s1 =	simm.s32 $0x400  }
0x54c: {  	s4 =	simm.s32 $0x800;
	s15 =	rddreg [dreg:$0xf];
	s0 =	sadd.s32 s7, s0  }
0x54d: {  	[hbm4b:s0+s1] =	stream.strided.scatter [tilespmem:s2], [sflag:$0x3], $0x2000, s4, s1, $0x38;
	[tilespmem:$0x1E500] =	vst v63  }
0x54e: {  	s16 =	simm.s32 $0x3;
	s0 =	sadd.s32 s7, s15  }
0x54f: {  	[hbm4b:s0+s1] =	stream.strided.scatter [tilespmem:s6], [sflag:$0x3], $0x2000, s4, s1, $0x38;
	[tilespmem:$0x1E500] =	vst v63  }
0x550: {  	_ =	swait.ge [sflag:s16], $0x2000  }
0x551: {  	[sflag:s16] =	ssyncset.done $0x0  }
0x552: {  	[sflag:s16] =	ssyncadd.s32 $0xFFFFE000  }
0x553: {  	_ =	swait.ge [sflag:s16], $0x2000  }
0x554: {  	[sflag:s16] =	ssyncset.done $0x0  }
0x555: {  	s17 =	simm.s32 $0x40;
	[sflag:s16] =	ssyncadd.s32 $0xFFFFE000  }
0x556: {  	s18 =	simm.s32 $0x18400;
	s31 =	simm.s32 $0x2;
	s0 =	rddreg [dreg:$0x3]  }
0x557: {  	[tilespmem:s2], [sflag:$0x1] =	stream.indirect.gather [hbm4b:s0+s17], $0x80, s18, s17, $0xb8;
	[tilespmem:$0x1E500] =	vst v63  }
0x558: {  	_ =	swait.ge [sflag:s31], $0x2000  }
0x559: {  	(v2sf) =	vpush v12, $0xE  }
0x55a: {  	(v2sf) =	vpush v12, $0xD  }
0x55b: {  	(v2sf) =	vpush v12, $0xC  }
0x55c: {  	(v2sf) =	vpush v12, $0xB  }
0x55d: {  	(v2sf) =	vpush v12, $0x8  }
0x55e: {  	(v2sf) =	vpush v12, $0xA  }
0x55f: {  	(v2sf) =	vpush v12, $0x7  }
0x560: {  	(v2sf) =	vpush v12, $0x9  }
0x561: {  	(v2sf) =	vpush v12, $0x6  }
0x562: {  	(v2sf) =	vpush v12, $0x5  }
0x563: {  	(v2sf) =	vpush v12, $0x3  }
0x564: {  	(v2sf) =	vpush v12, $0x4  }
0x565: {  	(v2sf) =	vpush v12, $0xF  }
0x566: {  	(v2sf) =	vpush v12, $0x0  }
0x567: {  	s10 =	simm.s32 $0x0;
	(v2sf) =	vpush v12, $0x1  }
0x568: {  	v16 =	vor.u32 s10, v7;
	(v2sf) =	vpush v12, $0x2;
	s9 =	spop (v2sf)  }
0x569: {  	s11 =	spop (v2sf);
	(v2sf) =	vpush v16, $0xE  }
0x56a: {  	(v2sf) =	vpush v16, $0xC;
	s12 =	spop (v2sf)  }
0x56b: {  	(v2sf) =	vpush v16, $0xB;
	s0 =	spop (v2sf)  }
0x56c: {  	s1 =	spop (v2sf);
	(v2sf) =	vpush v16, $0xA  }
0x56d: {  	(v2sf) =	vpush v16, $0x4;
	s4 =	spop (v2sf)  }
0x56e: {  	(v2sf) =	vpush v16, $0x3;
	s7 =	spop (v2sf)  }
0x56f: {  	(v2sf) =	vpush v16, $0x2;
	s8 =	spop (v2sf)  }
0x570: {  	(v2sf) =	vpush v16, $0x1;
	s13 =	spop (v2sf)  }
0x571: {  	(v2sf) =	vpush v16, $0x0;
	s14 =	spop (v2sf)  }
0x572: {  	(v2sf) =	vpush v16, $0xF;
	s15 =	spop (v2sf)  }
0x573: {  	s16 =	spop (v2sf);
	(v2sf) =	vpush v16, $0x9  }
0x574: {  	s17 =	spop (v2sf);
	(v2sf) =	vpush v16, $0x5  }
0x575: {  	s18 =	spop (v2sf);
	(v2sf) =	vpush v16, $0x6  }
0x576: {  	s19 =	spop (v2sf);
	(v2sf) =	vpush v16, $0x7  }
0x577: {  	s20 =	spop (v2sf);
	(v2sf) =	vpush v16, $0xD  }
0x578: {  	(v2sf) =	vpush v16, $0x8;
	s21 =	spop (v2sf)  }
0x579: {  	s22 =	spop (v2sf)  }
0x57a: {  	s23 =	spop (v2sf)  }
0x57b: {  	s24 =	spop (v2sf)  }
0x57c: {  	s25 =	spop (v2sf)  }
0x57d: {  	s28 =	spop (v2sf)  }
0x57e: {  	s29 =	spop (v2sf)  }
0x57f: {  	(drf) =	srem.u32 s29, s20;
	s20 =	spop (v2sf)  }
0x580: {  	s29 =	spop (v2sf);
	(drf) =	srem.u32 s20, s19  }
0x581: {  	(drf) =	srem.u32 s29, s18;
	s19 =	spop (v2sf)  }
0x582: {  	(drf) =	srem.u32 s19, s17;
	s17 =	spop (v2sf)  }
0x583: {  	s20 =	spop (v2sf)  }
0x584: {  	(drf) =	srem.u32 s25, s16;
	s25 =	spop (v2sf)  }
0x585: {  	(drf) =	srem.u32 s28, s15;
	s29 =	spop (v2sf)  }
0x586: {  	(drf) =	srem.u32 s20, s14;
	s19 =	spop (v2sf)  }
0x587: {  	(drf) =	srem.u32 s25, s13;
	s20 =	spop (v2sf)  }
0x588: {  	(drf) =	srem.u32 s17, s8;
	s25 =	spop (drf)  }
0x589: {  	(drf) =	srem.u32 s29, s7;
	s28 =	spop (drf)  }
0x58a: {  	(drf) =	srem.u32 s24, s4;
	s29 =	spop (drf)  }
0x58b: {  	(drf) =	srem.u32 s20, s1;
	s15 =	spop (drf)  }
0x58c: {  	v16 =	vmov s15  }
0x58d: {  	s16 =	spop (drf);
	v16 =	vsel vm0, s29, v16  }
0x58e: {  	(drf) =	srem.u32 s23, s0;
	s17 =	spop (drf);
	v16 =	vsel vm1, s28, v16  }
0x58f: {  	(v2sf) =	vpush v12, $0xE;
	(drf) =	srem.u32 s22, s12;
	s18 =	spop (drf);
	v16 =	vsel vm2, s25, v16  }
0x590: {  	(v2sf) =	vpush v12, $0xD;
	(drf) =	srem.u32 s19, s11;
	s19 =	spop (drf);
	v16 =	vsel vm3, s17, v16  }
0x591: {  	(v2sf) =	vpush v12, $0xC;
	(drf) =	srem.u32 s21, s9;
	s20 =	spop (drf);
	v16 =	vsel vm4, s16, v16  }
0x592: {  	(v2sf) =	vpush v12, $0xB;
	s21 =	spop (drf);
	v16 =	vsel vm5, s18, v16  }
0x593: {  	(v2sf) =	vpush v12, $0x8;
	s22 =	spop (drf);
	v16 =	vsel vm6, s19, v16  }
0x594: {  	(v2sf) =	vpush v12, $0xA;
	s23 =	spop (drf);
	v16 =	vsel vm7, s21, v16  }
0x595: {  	(v2sf) =	vpush v12, $0x7;
	v16 =	vsel vm8, s23, v16  }
0x596: {  	(v2sf) =	vpush v12, $0x9;
	v16 =	vsel vm9, s20, v16  }
0x597: {  	(v2sf) =	vpush v12, $0x6;
	s24 =	spop (drf);
	v16 =	vsel vm10, s22, v16  }
0x598: {  	(v2sf) =	vpush v12, $0x5;
	s25 =	spop (drf);
	v16 =	vsel vm11, s24, v16  }
0x599: {  	(v2sf) =	vpush v12, $0x3;
	s28 =	spop (drf);
	v16 =	vsel vm12, s25, v16  }
0x59a: {  	(v2sf) =	vpush v12, $0x4;
	s29 =	spop (drf);
	v16 =	vsel vm13, s28, v16  }
0x59b: {  	(v2sf) =	vpush v12, $0xF;
	v16 =	vsel vm14, s29, v16  }
0x59c: {  	(v2sf) =	vpush v12, $0x0  }
0x59d: {  	(v2sf) =	vpush v12, $0x1;
	s9 =	simm.s32 $0x10  }
0x59e: {  	[sflag:s31] =	ssyncset.done $0x0;
	(v2sf) =	vpush v12, $0x2;
	s11 =	spop (v2sf);
	v17 =	vor.u32 s9, v7  }
0x59f: {  	[sflag:s31] =	ssyncadd.s32 $0xFFFFE000;
	s12 =	spop (v2sf);
	(v2sf) =	vpush v17, $0xE  }
0x5a0: {  	s13 =	spop (v2sf);
	(v2sf) =	vpush v17, $0xC;
	v16 =	vld.idx.msk [tilespmem:v16+s30+$0x0], $0xffff  }
0x5a1: {  	s14 =	spop (v2sf);
	(v2sf) =	vpush v17, $0xB  }
0x5a2: {  	s15 =	spop (v2sf);
	(v2sf) =	vpush v17, $0xA  }
0x5a3: {  	s16 =	spop (v2sf);
	(v2sf) =	vpush v17, $0x4  }
0x5a4: {  	s18 =	spop (v2sf);
	(v2sf) =	vpush v17, $0x3  }
0x5a5: {  	s19 =	spop (v2sf);
	(v2sf) =	vpush v17, $0x2;
	v19 =	vmul.u32 v13, v16  }
0x5a6: {  	s1 =	spop (v2sf);
	(v2sf) =	vpush v17, $0x1  }
0x5a7: {  	s4 =	spop (v2sf);
	(v2sf) =	vpush v17, $0x0;
	v20 =	vadd.s32 $0x4000, v19  }
0x5a8: {  	s7 =	spop (v2sf);
	(v2sf) =	vpush v17, $0xF  }
0x5a9: {  	s8 =	spop (v2sf);
	(v2sf) =	vpush v17, $0x9  }
0x5aa: {  	s21 =	spop (v2sf);
	(v2sf) =	vpush v17, $0x5  }
0x5ab: {  	s22 =	spop (v2sf);
	(v2sf) =	vpush v17, $0x6;
	v18 =	vld.idx.msk [tilespmem:v19+s3+$0x0], $0xffff  }
0x5ac: {  	s23 =	spop (v2sf);
	(v2sf) =	vpush v17, $0x7;
	v21 =	vld.idx.msk [tilespmem:v20+s3+$0x0], $0xffff  }
0x5ad: {  	s24 =	spop (v2sf);
	(v2sf) =	vpush v17, $0xD;
	v16 =	vadd.s32 $0x8000, v19  }
0x5ae: {  	(v2sf) =	vpush v17, $0x8;
	s17 =	spop (v2sf)  }
0x5af: {  	s20 =	spop (v2sf)  }
0x5b0: {  	s0 =	spop (v2sf)  }
0x5b1: {  	s25 =	spop (v2sf);
	v17 =	vsub.f32 v18, v10;
	v18 =	vsub.f32 v21, v11  }
0x5b2: {  	v22 =	vmov s10;
	s10 =	spop (v2sf);
	v21 =	vld.idx.msk [tilespmem:v16+s3+$0x0], $0xffff  }
0x5b3: {  	v22 =	vshll.u32 v22, $0x7;
	s28 =	spop (v2sf);
	v23 =	vmul.f32 v17, v8;
	v24 =	vmul.f32 v18, v9  }
0x5b4: {  	v22 =	vor.u32 v5, v22;
	s31 =	spop (v2sf);
	v17 =	vmul.f32 v17, v9;
	v25 =	vmul.f32 v18, v8  }
0x5b5: {  	(drf) =	srem.u32 s31, s24;
	s29 =	spop (v2sf);
	v18 =	vor.u32 $0x1, v22;
	v23 =	vadd.f32 v24, v23  }
0x5b6: {  	(drf) =	srem.u32 s29, s23;
	s31 =	spop (v2sf);
	v63 =	vsub.f32 v25, v17;
	v17 =	vor.u32 $0x2, v22  }
0x5b7: {  	(drf) =	srem.u32 s31, s22;
	s23 =	spop (v2sf);
	v21 =	vsub.f32 v21, v15;
	v23 =	vmul.f32 v23, v14  }
0x5b8: {  	(drf) =	srem.u32 s23, s21;
	s24 =	spop (v2sf);
	v24 =	vmul.f32 v63, v14  }
0x5b9: {  	(drf) =	srem.u32 s10, s8;
	s29 =	spop (v2sf);
	v21 =	vmul.f32 v21, v14;
	[tilespmem:v22+s5+$0x0] =	vst.idx.msk $0xffff, v23  }
0x5ba: {  	(drf) =	srem.u32 s28, s7;
	s31 =	spop (v2sf);
	[tilespmem:v18+s5+$0x0] =	vst.idx.msk $0xffff, v24  }
0x5bb: {  	(drf) =	srem.u32 s29, s4;
	s10 =	spop (v2sf);
	[tilespmem:v17+s5+$0x0] =	vst.idx.msk $0xffff, v21  }
0x5bc: {  	(drf) =	srem.u32 s31, s1;
	s1 =	spop (v2sf);
	v19 =	vld.idx.msk [tilespmem:v19+s26+$0x0], $0xffff  }
0x5bd: {  	(drf) =	srem.u32 s24, s19;
	s19 =	spop (v2sf)  }
0x5be: {  	(drf) =	srem.u32 s10, s18;
	s21 =	spop (drf)  }
0x5bf: {  	(drf) =	srem.u32 s25, s16;
	s22 =	spop (drf)  }
0x5c0: {  	(drf) =	srem.u32 s19, s15;
	s23 =	spop (drf)  }
0x5c1: {  	s24 =	spop (drf);
	v19 =	vmul.f32 v19, v14  }
0x5c2: {  	(drf) =	srem.u32 s0, s14;
	s25 =	spop (drf);
	v21 =	vmov s24  }
0x5c3: {  	s28 =	spop (drf);
	[tilespmem:v22+s6+$0x0] =	vst.idx.msk $0xffff, v19;
	v19 =	vsel vm0, s23, v21  }
0x5c4: {  	(drf) =	srem.u32 s20, s13;
	s29 =	spop (drf);
	v20 =	vld.idx.msk [tilespmem:v20+s26+$0x0], $0xffff;
	v19 =	vsel vm1, s22, v19  }
0x5c5: {  	(drf) =	srem.u32 s1, s12;
	s31 =	spop (drf);
	v19 =	vsel vm2, s21, v19  }
0x5c6: {  	s0 =	spop (drf);
	v19 =	vsel vm3, s28, v19  }
0x5c7: {  	(drf) =	srem.u32 s17, s11;
	s13 =	spop (drf);
	v19 =	vsel vm4, s25, v19  }
0x5c8: {  	s1 =	spop (drf);
	v21 =	vsel vm5, s29, v19  }
0x5c9: {  	s10 =	simm.s32 $0x20;
	s11 =	spop (drf);
	v19 =	vmul.f32 v20, v14;
	v20 =	vsel vm6, s31, v21  }
.LBB2_25:
0x5ca: {  	p1 =	sne.s32 s10, $0x30  }
0x5cb: {  	(v2sf) =	vpush v12, $0xE;
	v20 =	vsel vm7, s13, v20;
	s4 =	spop (drf);
	[tilespmem:v18+s6+$0x0] =	vst.idx.msk $0xffff, v19;
	s16 =	smov.u32 s10;
	s10 =	sadd.s32 $0x10, s10  }
0x5cc: {  	(v2sf) =	vpush v12, $0xD;
	v18 =	vsel vm8, s11, v20;
	v16 =	vld.idx.msk [tilespmem:v16+s26+$0x0], $0xffff  }
0x5cd: {  	(v2sf) =	vpush v12, $0xC;
	v18 =	vsel vm9, s0, v18;
	s0 =	spop (drf)  }
0x5ce: {  	(v2sf) =	vpush v12, $0xB;
	v18 =	vsel vm10, s1, v18;
	s1 =	spop (drf)  }
0x5cf: {  	(v2sf) =	vpush v12, $0x8;
	v18 =	vsel vm11, s4, v18  }
0x5d0: {  	(v2sf) =	vpush v12, $0xA;
	v18 =	vsel vm12, s0, v18;
	s0 =	spop (drf)  }
0x5d1: {  	(v2sf) =	vpush v12, $0x7;
	v18 =	vsel vm13, s1, v18  }
0x5d2: {  	v16 =	vmul.f32 v16, v14;
	(v2sf) =	vpush v12, $0x9;
	v18 =	vsel vm14, s0, v18  }
0x5d3: {  	(v2sf) =	vpush v12, $0x6  }
0x5d4: {  	(v2sf) =	vpush v12, $0x5;
	[tilespmem:v17+s6+$0x0] =	vst.idx.msk $0xffff, v16  }
0x5d5: {  	(v2sf) =	vpush v12, $0x3  }
0x5d6: {  	(v2sf) =	vpush v12, $0x4  }
0x5d7: {  	(v2sf) =	vpush v12, $0xF;
	v16 =	vld.idx.msk [tilespmem:v18+s30+$0x0], $0xffff  }
0x5d8: {  	(v2sf) =	vpush v12, $0x0  }
0x5d9: {  	(v2sf) =	vpush v12, $0x1  }
0x5da: {  	v17 =	vor.u32 s16, v7;
	(v2sf) =	vpush v12, $0x2;
	s11 =	spop (v2sf)  }
0x5db: {  	s12 =	spop (v2sf);
	(v2sf) =	vpush v17, $0xE  }
0x5dc: {  	(v2sf) =	vpush v17, $0xC;
	s13 =	spop (v2sf)  }
0x5dd: {  	v19 =	vmul.u32 v13, v16;
	(v2sf) =	vpush v17, $0xB;
	s14 =	spop (v2sf)  }
0x5de: {  	s15 =	spop (v2sf);
	(v2sf) =	vpush v17, $0xA  }
0x5df: {  	v20 =	vadd.s32 $0x4000, v19;
	(v2sf) =	vpush v17, $0x4;
	s17 =	spop (v2sf)  }
0x5e0: {  	(v2sf) =	vpush v17, $0x3;
	s18 =	spop (v2sf)  }
0x5e1: {  	(v2sf) =	vpush v17, $0x2;
	s20 =	spop (v2sf)  }
0x5e2: {  	(v2sf) =	vpush v17, $0x1;
	s21 =	spop (v2sf)  }
0x5e3: {  	(v2sf) =	vpush v17, $0x0;
	s22 =	spop (v2sf);
	v18 =	vld.idx.msk [tilespmem:v19+s3+$0x0], $0xffff  }
0x5e4: {  	v16 =	vadd.s32 $0x8000, v19;
	(v2sf) =	vpush v17, $0xF;
	s23 =	spop (v2sf);
	v21 =	vld.idx.msk [tilespmem:v20+s3+$0x0], $0xffff  }
0x5e5: {  	s1 =	spop (v2sf);
	(v2sf) =	vpush v17, $0x9  }
0x5e6: {  	s4 =	spop (v2sf);
	(v2sf) =	vpush v17, $0x5  }
0x5e7: {  	s7 =	spop (v2sf);
	(v2sf) =	vpush v17, $0x6  }
0x5e8: {  	s8 =	spop (v2sf);
	(v2sf) =	vpush v17, $0x7  }
0x5e9: {  	v18 =	vsub.f32 v18, v10;
	s24 =	spop (v2sf);
	(v2sf) =	vpush v17, $0xD;
	v22 =	vld.idx.msk [tilespmem:v16+s3+$0x0], $0xffff  }
0x5ea: {  	v21 =	vsub.f32 v21, v11;
	(v2sf) =	vpush v17, $0x8;
	s19 =	spop (v2sf);
	v17 =	vmov s9;
	s9 =	smov.u32 s16  }
0x5eb: {  	v23 =	vmul.f32 v18, v8;
	v24 =	vmul.f32 v18, v9;
	s16 =	spop (v2sf);
	v17 =	vshll.u32 v17, $0x7  }
0x5ec: {  	v25 =	vmul.f32 v21, v9;
	v21 =	vmul.f32 v21, v8;
	s0 =	spop (v2sf);
	v26 =	vor.u32 v5, v17  }
0x5ed: {  	s25 =	spop (v2sf);
	v18 =	vor.u32 $0x1, v26  }
0x5ee: {  	v23 =	vadd.f32 v25, v23;
	v21 =	vsub.f32 v21, v24;
	v17 =	vor.u32 $0x2, v26;
	s28 =	spop (v2sf)  }
0x5ef: {  	v22 =	vsub.f32 v22, v15;
	s29 =	spop (v2sf)  }
0x5f0: {  	v23 =	vmul.f32 v23, v14;
	v21 =	vmul.f32 v21, v14;
	s30 =	spop (v2sf)  }
0x5f1: {  	v22 =	vmul.f32 v22, v14;
	s31 =	spop (v2sf);
	(drf) =	srem.u32 s30, s24;
	s30 =	simm.s32 $0x18080  }
0x5f2: {  	s24 =	spop (v2sf);
	(drf) =	srem.u32 s31, s8;
	[tilespmem:v26+s5+$0x0] =	vst.idx.msk $0xffff, v23  }
0x5f3: {  	(drf) =	srem.u32 s24, s7;
	s7 =	spop (v2sf);
	[tilespmem:v18+s5+$0x0] =	vst.idx.msk $0xffff, v21  }
0x5f4: {  	(drf) =	srem.u32 s7, s4;
	s4 =	spop (v2sf);
	[tilespmem:v17+s5+$0x0] =	vst.idx.msk $0xffff, v22  }
0x5f5: {  	(drf) =	srem.u32 s28, s1;
	s1 =	spop (v2sf);
	v19 =	vld.idx.msk [tilespmem:v19+s26+$0x0], $0xffff  }
0x5f6: {  	(drf) =	srem.u32 s29, s23;
	s7 =	spop (v2sf)  }
0x5f7: {  	(drf) =	srem.u32 s1, s22;
	s1 =	spop (v2sf)  }
0x5f8: {  	(drf) =	srem.u32 s7, s21;
	s7 =	spop (v2sf)  }
0x5f9: {  	s8 =	spop (v2sf);
	(drf) =	srem.u32 s4, s20  }
0x5fa: {  	s4 =	spop (drf);
	(drf) =	srem.u32 s1, s18  }
0x5fb: {  	v19 =	vmul.f32 v19, v14;
	s1 =	spop (drf);
	(drf) =	srem.u32 s25, s17  }
0x5fc: {  	s17 =	spop (drf);
	(drf) =	srem.u32 s8, s15  }
0x5fd: {  	s8 =	spop (drf);
	(drf) =	srem.u32 s0, s14;
	[tilespmem:v26+s6+$0x0] =	vst.idx.msk $0xffff, v19  }
0x5fe: {  	v19 =	vmov s8;
	s8 =	spop (drf);
	v20 =	vld.idx.msk [tilespmem:v20+s26+$0x0], $0xffff  }
0x5ff: {  	v19 =	vsel vm0, s17, v19;
	s0 =	spop (drf);
	(drf) =	srem.u32 s16, s13  }
0x600: {  	v19 =	vsel vm1, s1, v19;
	s1 =	spop (drf);
	(drf) =	srem.u32 s7, s12  }
.Ltmp15:
0x601: {  	v19 =	vsel vm2, s4, v19;
	s4 =	spop (drf);
	(pc) =	sbr.rel @p1 .LBB2_25-.Ltmp15, $4  }
0x602: {  	v19 =	vsel vm3, s0, v19;
	s0 =	spop (drf);
	(drf) =	srem.u32 s19, s11  }
0x603: {  	v19 =	vsel vm4, s8, v19;
	s13 =	spop (drf)  }
0x604: {  	v21 =	vsel vm5, s1, v19;
	s1 =	spop (drf);
	v19 =	vmul.f32 v20, v14  }
0x605: {  	v20 =	vsel vm6, s4, v21;
	s11 =	spop (drf)  }
0x606: {  	_ = 	snop  }
0x607: {  	v20 =	vsel vm7, s13, v20  }
0x608: {  	v20 =	vsel vm8, s11, v20  }
0x609: {  	v20 =	vsel vm9, s0, v20  }
0x60a: {  	s24 =	spop (drf);
	[tilespmem:v18+s6+$0x0] =	vst.idx.msk $0xffff, v19;
	v60 =	vsel vm10, s1, v20  }
0x60b: {  	v16 =	vld.idx.msk [tilespmem:v16+s26+$0x0], $0xffff;
	s25 =	spop (drf);
	v18 =	vsel vm11, s24, v60  }
0x60c: {  	s28 =	spop (drf);
	v18 =	vsel vm12, s25, v18  }
0x60d: {  	s29 =	spop (drf);
	v18 =	vsel vm13, s28, v18  }
0x60e: {  	v18 =	vsel vm14, s29, v18;
	_ =	sdelay $0x1  }
0x60f: {  	v16 =	vmul.f32 v16, v14;
	_ =	sdelay $0x1  }
0x610: {  	[tilespmem:v17+s6+$0x0] =	vst.idx.msk $0xffff, v16  }
0x611: {  	v16 =	vld.idx.msk [tilespmem:v18+s30+$0x0], $0xffff;
	_ =	sdelay $0x4  }
0x612: {  	v16 =	vmul.u32 v13, v16;
	_ =	sdelay $0x1  }
0x613: {  	v17 =	vadd.s32 $0x4000, v16;
	_ =	sdelay $0x3  }
0x614: {  	v61 =	vld.idx.msk [tilespmem:v16+s3+$0x0], $0xffff  }
0x615: {  	v19 =	vld.idx.msk [tilespmem:v17+s3+$0x0], $0xffff  }
0x616: {  	v62 =	vadd.s32 $0x8000, v16;
	_ =	sdelay $0x3  }
0x617: {  	v18 =	vsub.f32 v61, v10;
	v19 =	vsub.f32 v19, v11  }
0x618: {  	v22 =	vmov s9;
	v21 =	vld.idx.msk [tilespmem:v62+s3+$0x0], $0xffff  }
0x619: {  	v22 =	vshll.u32 v22, $0x7;
	v23 =	vmul.f32 v18, v8;
	v24 =	vmul.f32 v19, v9  }
0x61a: {  	v22 =	vor.u32 v5, v22;
	v18 =	vmul.f32 v18, v9;
	v19 =	vmul.f32 v19, v8  }
0x61b: {  	v25 =	vor.u32 $0x1, v22;
	v23 =	vadd.f32 v24, v23  }
0x61c: {  	v63 =	vor.u32 $0x2, v22;
	v18 =	vsub.f32 v19, v18  }
0x61d: {  	v21 =	vsub.f32 v21, v15;
	v23 =	vmul.f32 v23, v14  }
0x61e: {  	v18 =	vmul.f32 v18, v14  }
0x61f: {  	v21 =	vmul.f32 v21, v14;
	[tilespmem:v22+s5+$0x0] =	vst.idx.msk $0xffff, v23  }
0x620: {  	[tilespmem:v25+s5+$0x0] =	vst.idx.msk $0xffff, v18  }
0x621: {  	[tilespmem:v63+s5+$0x0] =	vst.idx.msk $0xffff, v21  }
0x622: {  	v16 =	vld.idx.msk [tilespmem:v16+s26+$0x0], $0xffff;
	_ =	sdelay $0x4  }
0x623: {  	v16 =	vmul.f32 v16, v14;
	_ =	sdelay $0x1  }
0x624: {  	[tilespmem:v22+s6+$0x0] =	vst.idx.msk $0xffff, v16  }
0x625: {  	v16 =	vld.idx.msk [tilespmem:v17+s26+$0x0], $0xffff;
	_ =	sdelay $0x4  }
0x626: {  	v16 =	vmul.f32 v16, v14;
	_ =	sdelay $0x1  }
0x627: {  	[tilespmem:v25+s6+$0x0] =	vst.idx.msk $0xffff, v16  }
0x628: {  	v16 =	vld.idx.msk [tilespmem:v62+s26+$0x0], $0xffff;
	_ =	sdelay $0x2  }
.Ltmp16:
0x629: {  	_ = 	snop;
	(pc) =	sbr.rel @p0 .LBB2_30-.Ltmp16, $3  }
0x62a: {  	_ = 	snop  }
0x62b: {  	v16 =	vmul.f32 v16, v14;
	_ =	sdelay $0x1  }
0x62c: {  	s31 =	simm.s32 $0x18080;
	[tilespmem:v63+s6+$0x0] =	vst.idx.msk $0xffff, v16  }
0x62d: {  	s0 =	simm.s32 $0x0;
	s1 =	simm.s32 $0x200  }
.LBB2_28:
0x62e: {  	p1 =	sne.s32 s1, $0x7E00;
	[tilespmem:s0+$0x1A570] =	vst v3  }
0x62f: {  	[tilespmem:s0+$0x1A500] =	vst v3  }
0x630: {  	[tilespmem:s0+$0x1A510] =	vst v3  }
.Ltmp17:
0x631: {  	[tilespmem:s0+$0x1A520] =	vst v3;
	(pc) =	sbr.rel @p1 .LBB2_28-.Ltmp17, $4  }
0x632: {  	[tilespmem:s0+$0x1A530] =	vst v3  }
0x633: {  	[tilespmem:s0+$0x1A540] =	vst v3  }
0x634: {  	[tilespmem:s0+$0x1A550] =	vst v3  }
0x635: {  	[tilespmem:s0+$0x1A560] =	vst v3;
	s0 =	sshra.s32 s1, $0x2;
	s1 =	sadd.s32 $0x200, s1  }
0x636: {  	[tilespmem:s0+$0x1A570] =	vst v3  }
0x637: {  	[tilespmem:s0+$0x1A500] =	vst v3  }
0x638: {  	[tilespmem:s0+$0x1A510] =	vst v3  }
0x639: {  	[tilespmem:s0+$0x1A520] =	vst v3  }
0x63a: {  	[tilespmem:s0+$0x1A530] =	vst v3  }
0x63b: {  	[tilespmem:s0+$0x1A540] =	vst v3  }
0x63c: {  	[tilespmem:s0+$0x1A550] =	vst v3  }
0x63d: {  	[tilespmem:s0+$0x1A560] =	vst v3;
	s31 =	simm.s32 $0x18080  }
.LBB2_30:
0x63e: {  	s0 =	rddreg [dreg:$0x10]  }
0x63f: {  	s7 =	rddreg [dreg:$0x1d];
	s1 =	simm.s32 $0x400  }
0x640: {  	s4 =	simm.s32 $0x800;
	s15 =	rddreg [dreg:$0x11];
	s0 =	sadd.s32 s7, s0  }
0x641: {  	[hbm4b:s0+s1] =	stream.strided.scatter [tilespmem:s5], [sflag:$0x3], $0x2000, s4, s1, $0x38;
	[tilespmem:$0x1E500] =	vst v63  }
0x642: {  	s16 =	simm.s32 $0x3;
	s0 =	sadd.s32 s7, s15  }
0x643: {  	[hbm4b:s0+s1] =	stream.strided.scatter [tilespmem:s6], [sflag:$0x3], $0x2000, s4, s1, $0x38;
	[tilespmem:$0x1E500] =	vst v63  }
0x644: {  	_ =	swait.ge [sflag:s16], $0x2000  }
0x645: {  	[sflag:s16] =	ssyncset.done $0x0  }
0x646: {  	[sflag:s16] =	ssyncadd.s32 $0xFFFFE000  }
0x647: {  	_ =	swait.ge [sflag:s16], $0x2000  }
0x648: {  	[sflag:s16] =	ssyncset.done $0x0  }
0x649: {  	s17 =	simm.s32 $0x40;
	[sflag:s16] =	ssyncadd.s32 $0xFFFFE000  }
0x64a: {  	s18 =	simm.s32 $0x18440;
	s30 =	simm.s32 $0x1;
	s0 =	rddreg [dreg:$0x3]  }
0x64b: {  	[tilespmem:s5], [sflag:$0x2] =	stream.indirect.gather [hbm4b:s0+s17], $0x80, s18, s17, $0xb8;
	[tilespmem:$0x1E500] =	vst v63  }
0x64c: {  	_ =	swait.ge [sflag:s30], $0x2000  }
0x64d: {  	(v2sf) =	vpush v12, $0xE  }
0x64e: {  	(v2sf) =	vpush v12, $0xD  }
0x64f: {  	(v2sf) =	vpush v12, $0xC  }
0x650: {  	(v2sf) =	vpush v12, $0xB  }
0x651: {  	(v2sf) =	vpush v12, $0x8  }
0x652: {  	(v2sf) =	vpush v12, $0xA  }
0x653: {  	(v2sf) =	vpush v12, $0x7  }
0x654: {  	(v2sf) =	vpush v12, $0x9  }
0x655: {  	(v2sf) =	vpush v12, $0x6  }
0x656: {  	(v2sf) =	vpush v12, $0x5  }
0x657: {  	(v2sf) =	vpush v12, $0x3  }
0x658: {  	(v2sf) =	vpush v12, $0x4  }
0x659: {  	(v2sf) =	vpush v12, $0xF  }
0x65a: {  	(v2sf) =	vpush v12, $0x0  }
0x65b: {  	s10 =	simm.s32 $0x0;
	v16 =	vor.u32 $0x100, v2;
	(v2sf) =	vpush v12, $0x1  }
0x65c: {  	v17 =	vor.u32 s10, v16;
	(v2sf) =	vpush v12, $0x2;
	s9 =	spop (v2sf)  }
0x65d: {  	s11 =	spop (v2sf);
	(v2sf) =	vpush v17, $0xE  }
0x65e: {  	(v2sf) =	vpush v17, $0xC;
	s12 =	spop (v2sf)  }
0x65f: {  	(v2sf) =	vpush v17, $0xB;
	s0 =	spop (v2sf)  }
0x660: {  	s1 =	spop (v2sf);
	(v2sf) =	vpush v17, $0xA  }
0x661: {  	(v2sf) =	vpush v17, $0x4;
	s4 =	spop (v2sf)  }
0x662: {  	(v2sf) =	vpush v17, $0x3;
	s7 =	spop (v2sf)  }
0x663: {  	(v2sf) =	vpush v17, $0x2;
	s8 =	spop (v2sf)  }
0x664: {  	(v2sf) =	vpush v17, $0x1;
	s13 =	spop (v2sf)  }
0x665: {  	(v2sf) =	vpush v17, $0x0;
	s14 =	spop (v2sf)  }
0x666: {  	(v2sf) =	vpush v17, $0xF;
	s15 =	spop (v2sf)  }
0x667: {  	s16 =	spop (v2sf);
	(v2sf) =	vpush v17, $0x9  }
0x668: {  	s17 =	spop (v2sf);
	(v2sf) =	vpush v17, $0x5  }
0x669: {  	s18 =	spop (v2sf);
	(v2sf) =	vpush v17, $0x6  }
0x66a: {  	s19 =	spop (v2sf);
	(v2sf) =	vpush v17, $0x7  }
0x66b: {  	s20 =	spop (v2sf);
	(v2sf) =	vpush v17, $0xD  }
0x66c: {  	(v2sf) =	vpush v17, $0x8;
	s21 =	spop (v2sf)  }
0x66d: {  	s22 =	spop (v2sf)  }
0x66e: {  	s23 =	spop (v2sf)  }
0x66f: {  	s24 =	spop (v2sf)  }
0x670: {  	s25 =	spop (v2sf)  }
0x671: {  	s28 =	spop (v2sf)  }
0x672: {  	s29 =	spop (v2sf)  }
0x673: {  	(drf) =	srem.u32 s29, s20;
	s20 =	spop (v2sf)  }
0x674: {  	s29 =	spop (v2sf);
	(drf) =	srem.u32 s20, s19  }
0x675: {  	(drf) =	srem.u32 s29, s18;
	s19 =	spop (v2sf)  }
0x676: {  	(drf) =	srem.u32 s19, s17;
	s17 =	spop (v2sf)  }
0x677: {  	s20 =	spop (v2sf)  }
0x678: {  	(drf) =	srem.u32 s25, s16;
	s25 =	spop (v2sf)  }
0x679: {  	(drf) =	srem.u32 s28, s15;
	s29 =	spop (v2sf)  }
0x67a: {  	(drf) =	srem.u32 s20, s14;
	s19 =	spop (v2sf)  }
0x67b: {  	(drf) =	srem.u32 s25, s13;
	s20 =	spop (v2sf)  }
0x67c: {  	(drf) =	srem.u32 s17, s8;
	s25 =	spop (drf)  }
0x67d: {  	(drf) =	srem.u32 s29, s7;
	s28 =	spop (drf)  }
0x67e: {  	(drf) =	srem.u32 s24, s4;
	s29 =	spop (drf)  }
0x67f: {  	(drf) =	srem.u32 s20, s1;
	s15 =	spop (drf)  }
0x680: {  	v17 =	vmov s15  }
0x681: {  	s16 =	spop (drf);
	v17 =	vsel vm0, s29, v17  }
0x682: {  	(drf) =	srem.u32 s23, s0;
	s17 =	spop (drf);
	v17 =	vsel vm1, s28, v17  }
0x683: {  	(v2sf) =	vpush v12, $0xE;
	(drf) =	srem.u32 s22, s12;
	s18 =	spop (drf);
	v17 =	vsel vm2, s25, v17  }
0x684: {  	(v2sf) =	vpush v12, $0xD;
	(drf) =	srem.u32 s19, s11;
	s19 =	spop (drf);
	v17 =	vsel vm3, s17, v17  }
0x685: {  	(v2sf) =	vpush v12, $0xC;
	(drf) =	srem.u32 s21, s9;
	s20 =	spop (drf);
	v17 =	vsel vm4, s16, v17  }
0x686: {  	(v2sf) =	vpush v12, $0xB;
	s21 =	spop (drf);
	v17 =	vsel vm5, s18, v17  }
0x687: {  	(v2sf) =	vpush v12, $0x8;
	s22 =	spop (drf);
	v17 =	vsel vm6, s19, v17  }
0x688: {  	(v2sf) =	vpush v12, $0xA;
	s23 =	spop (drf);
	v17 =	vsel vm7, s21, v17  }
0x689: {  	(v2sf) =	vpush v12, $0x7;
	v17 =	vsel vm8, s23, v17  }
0x68a: {  	(v2sf) =	vpush v12, $0x9;
	v17 =	vsel vm9, s20, v17  }
0x68b: {  	(v2sf) =	vpush v12, $0x6;
	s24 =	spop (drf);
	v17 =	vsel vm10, s22, v17  }
0x68c: {  	(v2sf) =	vpush v12, $0x5;
	s25 =	spop (drf);
	v17 =	vsel vm11, s24, v17  }
0x68d: {  	(v2sf) =	vpush v12, $0x3;
	s28 =	spop (drf);
	v17 =	vsel vm12, s25, v17  }
0x68e: {  	(v2sf) =	vpush v12, $0x4;
	s29 =	spop (drf);
	v17 =	vsel vm13, s28, v17  }
0x68f: {  	(v2sf) =	vpush v12, $0xF;
	v17 =	vsel vm14, s29, v17  }
0x690: {  	(v2sf) =	vpush v12, $0x0  }
0x691: {  	(v2sf) =	vpush v12, $0x1;
	s9 =	simm.s32 $0x10  }
0x692: {  	[sflag:s30] =	ssyncset.done $0x0;
	(v2sf) =	vpush v12, $0x2;
	s11 =	spop (v2sf);
	v18 =	vor.u32 s9, v16  }
0x693: {  	[sflag:s30] =	ssyncadd.s32 $0xFFFFE000;
	s12 =	spop (v2sf);
	(v2sf) =	vpush v18, $0xE  }
0x694: {  	s13 =	spop (v2sf);
	(v2sf) =	vpush v18, $0xC;
	v17 =	vld.idx.msk [tilespmem:v17+s31+$0x0], $0xffff  }
0x695: {  	s14 =	spop (v2sf);
	(v2sf) =	vpush v18, $0xB  }
0x696: {  	s15 =	spop (v2sf);
	(v2sf) =	vpush v18, $0xA  }
0x697: {  	s16 =	spop (v2sf);
	(v2sf) =	vpush v18, $0x4  }
0x698: {  	s18 =	spop (v2sf);
	(v2sf) =	vpush v18, $0x3  }
0x699: {  	s19 =	spop (v2sf);
	(v2sf) =	vpush v18, $0x2;
	v20 =	vmul.u32 v13, v17  }
0x69a: {  	s1 =	spop (v2sf);
	(v2sf) =	vpush v18, $0x1  }
0x69b: {  	s4 =	spop (v2sf);
	(v2sf) =	vpush v18, $0x0;
	v21 =	vadd.s32 $0x4000, v20  }
0x69c: {  	s7 =	spop (v2sf);
	(v2sf) =	vpush v18, $0xF  }
0x69d: {  	s8 =	spop (v2sf);
	(v2sf) =	vpush v18, $0x9  }
0x69e: {  	s21 =	spop (v2sf);
	(v2sf) =	vpush v18, $0x5  }
0x69f: {  	s22 =	spop (v2sf);
	(v2sf) =	vpush v18, $0x6;
	v19 =	vld.idx.msk [tilespmem:v20+s3+$0x0], $0xffff  }
0x6a0: {  	s23 =	spop (v2sf);
	(v2sf) =	vpush v18, $0x7;
	v22 =	vld.idx.msk [tilespmem:v21+s3+$0x0], $0xffff  }
0x6a1: {  	s24 =	spop (v2sf);
	(v2sf) =	vpush v18, $0xD;
	v17 =	vadd.s32 $0x8000, v20  }
0x6a2: {  	(v2sf) =	vpush v18, $0x8;
	s17 =	spop (v2sf)  }
0x6a3: {  	s20 =	spop (v2sf)  }
0x6a4: {  	s0 =	spop (v2sf)  }
0x6a5: {  	s25 =	spop (v2sf);
	v18 =	vsub.f32 v19, v10;
	v19 =	vsub.f32 v22, v11  }
0x6a6: {  	v23 =	vmov s10;
	s10 =	spop (v2sf);
	v22 =	vld.idx.msk [tilespmem:v17+s3+$0x0], $0xffff  }
0x6a7: {  	v23 =	vshll.u32 v23, $0x7;
	s28 =	spop (v2sf);
	v24 =	vmul.f32 v18, v8;
	v25 =	vmul.f32 v19, v9  }
0x6a8: {  	v23 =	vor.u32 v5, v23;
	s31 =	spop (v2sf);
	v18 =	vmul.f32 v18, v9;
	v26 =	vmul.f32 v19, v8  }
0x6a9: {  	(drf) =	srem.u32 s31, s24;
	s29 =	spop (v2sf);
	v19 =	vor.u32 $0x1, v23;
	v24 =	vadd.f32 v25, v24  }
0x6aa: {  	(drf) =	srem.u32 s29, s23;
	s31 =	spop (v2sf);
	v63 =	vsub.f32 v26, v18;
	v18 =	vor.u32 $0x2, v23  }
0x6ab: {  	(drf) =	srem.u32 s31, s22;
	s23 =	spop (v2sf);
	v22 =	vsub.f32 v22, v15;
	v24 =	vmul.f32 v24, v14  }
0x6ac: {  	(drf) =	srem.u32 s23, s21;
	s24 =	spop (v2sf);
	v25 =	vmul.f32 v63, v14  }
0x6ad: {  	(drf) =	srem.u32 s10, s8;
	s29 =	spop (v2sf);
	v22 =	vmul.f32 v22, v14;
	[tilespmem:v23+s2+$0x0] =	vst.idx.msk $0xffff, v24  }
0x6ae: {  	(drf) =	srem.u32 s28, s7;
	s31 =	spop (v2sf);
	[tilespmem:v19+s2+$0x0] =	vst.idx.msk $0xffff, v25  }
0x6af: {  	(drf) =	srem.u32 s29, s4;
	s10 =	spop (v2sf);
	[tilespmem:v18+s2+$0x0] =	vst.idx.msk $0xffff, v22  }
0x6b0: {  	(drf) =	srem.u32 s31, s1;
	s1 =	spop (v2sf);
	v20 =	vld.idx.msk [tilespmem:v20+s26+$0x0], $0xffff  }
0x6b1: {  	(drf) =	srem.u32 s24, s19;
	s19 =	spop (v2sf)  }
0x6b2: {  	(drf) =	srem.u32 s10, s18;
	s21 =	spop (drf)  }
0x6b3: {  	(drf) =	srem.u32 s25, s16;
	s22 =	spop (drf)  }
0x6b4: {  	(drf) =	srem.u32 s19, s15;
	s23 =	spop (drf)  }
0x6b5: {  	s24 =	spop (drf);
	v20 =	vmul.f32 v20, v14  }
0x6b6: {  	(drf) =	srem.u32 s0, s14;
	s25 =	spop (drf);
	v22 =	vmov s24  }
0x6b7: {  	s28 =	spop (drf);
	[tilespmem:v23+s6+$0x0] =	vst.idx.msk $0xffff, v20;
	v20 =	vsel vm0, s23, v22  }
0x6b8: {  	(drf) =	srem.u32 s20, s13;
	s29 =	spop (drf);
	v21 =	vld.idx.msk [tilespmem:v21+s26+$0x0], $0xffff;
	v20 =	vsel vm1, s22, v20  }
0x6b9: {  	(drf) =	srem.u32 s1, s12;
	s31 =	spop (drf);
	v20 =	vsel vm2, s21, v20  }
0x6ba: {  	s0 =	spop (drf);
	v20 =	vsel vm3, s28, v20  }
0x6bb: {  	(drf) =	srem.u32 s17, s11;
	s13 =	spop (drf);
	v20 =	vsel vm4, s25, v20  }
0x6bc: {  	s1 =	spop (drf);
	v22 =	vsel vm5, s29, v20  }
0x6bd: {  	s30 =	simm.s32 $0x18080;
	s10 =	simm.s32 $0x20;
	s11 =	spop (drf);
	v20 =	vmul.f32 v21, v14;
	v21 =	vsel vm6, s31, v22  }
.LBB2_31:
0x6be: {  	p1 =	sne.s32 s10, $0x30  }
0x6bf: {  	(v2sf) =	vpush v12, $0xE;
	v21 =	vsel vm7, s13, v21;
	s4 =	spop (drf);
	[tilespmem:v19+s6+$0x0] =	vst.idx.msk $0xffff, v20;
	s16 =	smov.u32 s10;
	s10 =	sadd.s32 $0x10, s10  }
0x6c0: {  	(v2sf) =	vpush v12, $0xD;
	v19 =	vsel vm8, s11, v21;
	v17 =	vld.idx.msk [tilespmem:v17+s26+$0x0], $0xffff  }
0x6c1: {  	(v2sf) =	vpush v12, $0xC;
	v19 =	vsel vm9, s0, v19;
	s0 =	spop (drf)  }
0x6c2: {  	(v2sf) =	vpush v12, $0xB;
	v19 =	vsel vm10, s1, v19;
	s1 =	spop (drf)  }
0x6c3: {  	(v2sf) =	vpush v12, $0x8;
	v19 =	vsel vm11, s4, v19  }
0x6c4: {  	(v2sf) =	vpush v12, $0xA;
	v19 =	vsel vm12, s0, v19;
	s0 =	spop (drf)  }
0x6c5: {  	(v2sf) =	vpush v12, $0x7;
	v19 =	vsel vm13, s1, v19  }
0x6c6: {  	v17 =	vmul.f32 v17, v14;
	(v2sf) =	vpush v12, $0x9;
	v19 =	vsel vm14, s0, v19  }
0x6c7: {  	(v2sf) =	vpush v12, $0x6  }
0x6c8: {  	(v2sf) =	vpush v12, $0x5;
	[tilespmem:v18+s6+$0x0] =	vst.idx.msk $0xffff, v17  }
0x6c9: {  	(v2sf) =	vpush v12, $0x3  }
0x6ca: {  	(v2sf) =	vpush v12, $0x4  }
0x6cb: {  	(v2sf) =	vpush v12, $0xF;
	v17 =	vld.idx.msk [tilespmem:v19+s30+$0x0], $0xffff  }
0x6cc: {  	(v2sf) =	vpush v12, $0x0  }
0x6cd: {  	(v2sf) =	vpush v12, $0x1  }
0x6ce: {  	v18 =	vor.u32 s16, v16;
	(v2sf) =	vpush v12, $0x2;
	s11 =	spop (v2sf)  }
0x6cf: {  	s12 =	spop (v2sf);
	(v2sf) =	vpush v18, $0xE  }
0x6d0: {  	(v2sf) =	vpush v18, $0xC;
	s13 =	spop (v2sf)  }
0x6d1: {  	v20 =	vmul.u32 v13, v17;
	(v2sf) =	vpush v18, $0xB;
	s14 =	spop (v2sf)  }
0x6d2: {  	s15 =	spop (v2sf);
	(v2sf) =	vpush v18, $0xA  }
0x6d3: {  	v21 =	vadd.s32 $0x4000, v20;
	(v2sf) =	vpush v18, $0x4;
	s17 =	spop (v2sf)  }
0x6d4: {  	(v2sf) =	vpush v18, $0x3;
	s18 =	spop (v2sf)  }
0x6d5: {  	(v2sf) =	vpush v18, $0x2;
	s20 =	spop (v2sf)  }
0x6d6: {  	(v2sf) =	vpush v18, $0x1;
	s21 =	spop (v2sf)  }
0x6d7: {  	(v2sf) =	vpush v18, $0x0;
	s22 =	spop (v2sf);
	v19 =	vld.idx.msk [tilespmem:v20+s3+$0x0], $0xffff  }
0x6d8: {  	v17 =	vadd.s32 $0x8000, v20;
	(v2sf) =	vpush v18, $0xF;
	s23 =	spop (v2sf);
	v22 =	vld.idx.msk [tilespmem:v21+s3+$0x0], $0xffff  }
0x6d9: {  	s1 =	spop (v2sf);
	(v2sf) =	vpush v18, $0x9  }
0x6da: {  	s4 =	spop (v2sf);
	(v2sf) =	vpush v18, $0x5  }
0x6db: {  	s7 =	spop (v2sf);
	(v2sf) =	vpush v18, $0x6  }
0x6dc: {  	s8 =	spop (v2sf);
	(v2sf) =	vpush v18, $0x7  }
0x6dd: {  	v19 =	vsub.f32 v19, v10;
	s24 =	spop (v2sf);
	(v2sf) =	vpush v18, $0xD;
	v23 =	vld.idx.msk [tilespmem:v17+s3+$0x0], $0xffff  }
0x6de: {  	v22 =	vsub.f32 v22, v11;
	(v2sf) =	vpush v18, $0x8;
	s19 =	spop (v2sf);
	v18 =	vmov s9;
	s9 =	smov.u32 s16  }
0x6df: {  	v24 =	vmul.f32 v19, v8;
	v25 =	vmul.f32 v19, v9;
	s16 =	spop (v2sf);
	v18 =	vshll.u32 v18, $0x7  }
0x6e0: {  	v26 =	vmul.f32 v22, v9;
	v22 =	vmul.f32 v22, v8;
	s0 =	spop (v2sf);
	v27 =	vor.u32 v5, v18  }
0x6e1: {  	s25 =	spop (v2sf);
	v19 =	vor.u32 $0x1, v27  }
0x6e2: {  	v24 =	vadd.f32 v26, v24;
	v22 =	vsub.f32 v22, v25;
	v18 =	vor.u32 $0x2, v27;
	s28 =	spop (v2sf)  }
0x6e3: {  	v23 =	vsub.f32 v23, v15;
	s29 =	spop (v2sf)  }
0x6e4: {  	v24 =	vmul.f32 v24, v14;
	v22 =	vmul.f32 v22, v14;
	s30 =	spop (v2sf)  }
0x6e5: {  	v23 =	vmul.f32 v23, v14;
	s31 =	spop (v2sf);
	(drf) =	srem.u32 s30, s24;
	s30 =	simm.s32 $0x18080  }
0x6e6: {  	s24 =	spop (v2sf);
	(drf) =	srem.u32 s31, s8;
	[tilespmem:v27+s2+$0x0] =	vst.idx.msk $0xffff, v24  }
0x6e7: {  	(drf) =	srem.u32 s24, s7;
	s7 =	spop (v2sf);
	[tilespmem:v19+s2+$0x0] =	vst.idx.msk $0xffff, v22  }
0x6e8: {  	(drf) =	srem.u32 s7, s4;
	s4 =	spop (v2sf);
	[tilespmem:v18+s2+$0x0] =	vst.idx.msk $0xffff, v23  }
0x6e9: {  	(drf) =	srem.u32 s28, s1;
	s1 =	spop (v2sf);
	v20 =	vld.idx.msk [tilespmem:v20+s26+$0x0], $0xffff  }
0x6ea: {  	(drf) =	srem.u32 s29, s23;
	s7 =	spop (v2sf)  }
0x6eb: {  	(drf) =	srem.u32 s1, s22;
	s1 =	spop (v2sf)  }
0x6ec: {  	(drf) =	srem.u32 s7, s21;
	s7 =	spop (v2sf)  }
0x6ed: {  	s8 =	spop (v2sf);
	(drf) =	srem.u32 s4, s20  }
0x6ee: {  	s4 =	spop (drf);
	(drf) =	srem.u32 s1, s18  }
0x6ef: {  	v20 =	vmul.f32 v20, v14;
	s1 =	spop (drf);
	(drf) =	srem.u32 s25, s17  }
0x6f0: {  	s17 =	spop (drf);
	(drf) =	srem.u32 s8, s15  }
0x6f1: {  	s8 =	spop (drf);
	(drf) =	srem.u32 s0, s14;
	[tilespmem:v27+s6+$0x0] =	vst.idx.msk $0xffff, v20  }
0x6f2: {  	v20 =	vmov s8;
	s8 =	spop (drf);
	v21 =	vld.idx.msk [tilespmem:v21+s26+$0x0], $0xffff  }
0x6f3: {  	v20 =	vsel vm0, s17, v20;
	s0 =	spop (drf);
	(drf) =	srem.u32 s16, s13  }
0x6f4: {  	v20 =	vsel vm1, s1, v20;
	s1 =	spop (drf);
	(drf) =	srem.u32 s7, s12  }
.Ltmp18:
0x6f5: {  	v20 =	vsel vm2, s4, v20;
	s4 =	spop (drf);
	(pc) =	sbr.rel @p1 .LBB2_31-.Ltmp18, $4  }
0x6f6: {  	v20 =	vsel vm3, s0, v20;
	s0 =	spop (drf);
	(drf) =	srem.u32 s19, s11  }
0x6f7: {  	v20 =	vsel vm4, s8, v20;
	s13 =	spop (drf)  }
0x6f8: {  	v22 =	vsel vm5, s1, v20;
	s1 =	spop (drf);
	v20 =	vmul.f32 v21, v14  }
0x6f9: {  	v21 =	vsel vm6, s4, v22;
	s11 =	spop (drf)  }
0x6fa: {  	_ = 	snop  }
0x6fb: {  	v16 =	vsel vm7, s13, v21  }
0x6fc: {  	v16 =	vsel vm8, s11, v16  }
0x6fd: {  	v16 =	vsel vm9, s0, v16  }
0x6fe: {  	s25 =	spop (drf);
	[tilespmem:v19+s6+$0x0] =	vst.idx.msk $0xffff, v20;
	v16 =	vsel vm10, s1, v16  }
0x6ff: {  	v17 =	vld.idx.msk [tilespmem:v17+s26+$0x0], $0xffff;
	s28 =	spop (drf);
	v16 =	vsel vm11, s25, v16  }
0x700: {  	s29 =	spop (drf);
	v16 =	vsel vm12, s28, v16  }
0x701: {  	s31 =	spop (drf);
	v16 =	vsel vm13, s29, v16  }
0x702: {  	v16 =	vsel vm14, s31, v16;
	_ =	sdelay $0x1  }
0x703: {  	v17 =	vmul.f32 v17, v14;
	_ =	sdelay $0x1  }
0x704: {  	[tilespmem:v18+s6+$0x0] =	vst.idx.msk $0xffff, v17  }
0x705: {  	v16 =	vld.idx.msk [tilespmem:v16+s30+$0x0], $0xffff;
	_ =	sdelay $0x4  }
0x706: {  	v16 =	vmul.u32 v13, v16;
	_ =	sdelay $0x1  }
0x707: {  	v17 =	vadd.s32 $0x4000, v16;
	_ =	sdelay $0x3  }
0x708: {  	v18 =	vld.idx.msk [tilespmem:v16+s3+$0x0], $0xffff  }
0x709: {  	v19 =	vld.idx.msk [tilespmem:v17+s3+$0x0], $0xffff  }
0x70a: {  	v61 =	vadd.s32 $0x8000, v16;
	_ =	sdelay $0x3  }
0x70b: {  	v18 =	vsub.f32 v18, v10;
	v19 =	vsub.f32 v19, v11  }
0x70c: {  	v22 =	vmov s9;
	v62 =	vld.idx.msk [tilespmem:v61+s3+$0x0], $0xffff  }
0x70d: {  	v22 =	vshll.u32 v22, $0x7;
	v23 =	vmul.f32 v18, v8;
	v24 =	vmul.f32 v19, v9  }
0x70e: {  	v22 =	vor.u32 v5, v22;
	v18 =	vmul.f32 v18, v9;
	v19 =	vmul.f32 v19, v8  }
0x70f: {  	v25 =	vor.u32 $0x1, v22;
	v23 =	vadd.f32 v24, v23  }
0x710: {  	v63 =	vor.u32 $0x2, v22;
	v18 =	vsub.f32 v19, v18  }
0x711: {  	v21 =	vsub.f32 v62, v15;
	v23 =	vmul.f32 v23, v14  }
0x712: {  	v18 =	vmul.f32 v18, v14  }
0x713: {  	v21 =	vmul.f32 v21, v14;
	[tilespmem:v22+s2+$0x0] =	vst.idx.msk $0xffff, v23  }
0x714: {  	[tilespmem:v25+s2+$0x0] =	vst.idx.msk $0xffff, v18  }
0x715: {  	[tilespmem:v63+s2+$0x0] =	vst.idx.msk $0xffff, v21  }
0x716: {  	v16 =	vld.idx.msk [tilespmem:v16+s26+$0x0], $0xffff;
	_ =	sdelay $0x4  }
0x717: {  	v16 =	vmul.f32 v16, v14;
	_ =	sdelay $0x1  }
0x718: {  	[tilespmem:v22+s6+$0x0] =	vst.idx.msk $0xffff, v16  }
0x719: {  	v16 =	vld.idx.msk [tilespmem:v17+s26+$0x0], $0xffff;
	_ =	sdelay $0x4  }
0x71a: {  	v16 =	vmul.f32 v16, v14;
	_ =	sdelay $0x1  }
0x71b: {  	[tilespmem:v25+s6+$0x0] =	vst.idx.msk $0xffff, v16  }
0x71c: {  	v16 =	vld.idx.msk [tilespmem:v61+s26+$0x0], $0xffff;
	_ =	sdelay $0x2  }
.Ltmp19:
0x71d: {  	_ = 	snop;
	(pc) =	sbr.rel @p0 .LBB2_36-.Ltmp19, $3  }
0x71e: {  	_ = 	snop  }
0x71f: {  	v16 =	vmul.f32 v16, v14;
	_ =	sdelay $0x1  }
0x720: {  	[tilespmem:v63+s6+$0x0] =	vst.idx.msk $0xffff, v16  }
0x721: {  	s0 =	simm.s32 $0x0;
	s1 =	simm.s32 $0x200  }
.LBB2_34:
0x722: {  	p1 =	sne.s32 s1, $0x7E00;
	[tilespmem:s0+$0x18570] =	vst v3  }
0x723: {  	[tilespmem:s0+$0x18500] =	vst v3  }
0x724: {  	[tilespmem:s0+$0x18510] =	vst v3  }
.Ltmp20:
0x725: {  	[tilespmem:s0+$0x18520] =	vst v3;
	(pc) =	sbr.rel @p1 .LBB2_34-.Ltmp20, $4  }
0x726: {  	[tilespmem:s0+$0x18530] =	vst v3  }
0x727: {  	[tilespmem:s0+$0x18540] =	vst v3  }
0x728: {  	[tilespmem:s0+$0x18550] =	vst v3  }
0x729: {  	[tilespmem:s0+$0x18560] =	vst v3;
	s0 =	sshra.s32 s1, $0x2;
	s1 =	sadd.s32 $0x200, s1  }
0x72a: {  	[tilespmem:s0+$0x18570] =	vst v3  }
0x72b: {  	[tilespmem:s0+$0x18500] =	vst v3  }
0x72c: {  	[tilespmem:s0+$0x18510] =	vst v3  }
0x72d: {  	[tilespmem:s0+$0x18520] =	vst v3  }
0x72e: {  	[tilespmem:s0+$0x18530] =	vst v3  }
0x72f: {  	[tilespmem:s0+$0x18540] =	vst v3  }
0x730: {  	[tilespmem:s0+$0x18550] =	vst v3  }
0x731: {  	[tilespmem:s0+$0x18560] =	vst v3  }
.LBB2_36:
0x732: {  	s0 =	rddreg [dreg:$0x12]  }
0x733: {  	s7 =	rddreg [dreg:$0x1d];
	s1 =	simm.s32 $0x400  }
0x734: {  	s4 =	simm.s32 $0x800;
	s15 =	rddreg [dreg:$0x13];
	s0 =	sadd.s32 s7, s0  }
0x735: {  	[hbm4b:s0+s1] =	stream.strided.scatter [tilespmem:s2], [sflag:$0x3], $0x2000, s4, s1, $0x38;
	[tilespmem:$0x1E500] =	vst v63  }
0x736: {  	s16 =	simm.s32 $0x3;
	s0 =	sadd.s32 s7, s15  }
0x737: {  	[hbm4b:s0+s1] =	stream.strided.scatter [tilespmem:s6], [sflag:$0x3], $0x2000, s4, s1, $0x38;
	[tilespmem:$0x1E500] =	vst v63  }
0x738: {  	_ =	swait.ge [sflag:s16], $0x2000  }
0x739: {  	[sflag:s16] =	ssyncset.done $0x0  }
0x73a: {  	[sflag:s16] =	ssyncadd.s32 $0xFFFFE000  }
0x73b: {  	_ =	swait.ge [sflag:s16], $0x2000  }
0x73c: {  	[sflag:s16] =	ssyncset.done $0x0  }
0x73d: {  	s17 =	simm.s32 $0x40;
	[sflag:s16] =	ssyncadd.s32 $0xFFFFE000  }
0x73e: {  	s18 =	simm.s32 $0x18480;
	s31 =	simm.s32 $0x2;
	s0 =	rddreg [dreg:$0x3]  }
0x73f: {  	[tilespmem:s2], [sflag:$0x1] =	stream.indirect.gather [hbm4b:s0+s17], $0x80, s18, s17, $0xb8;
	[tilespmem:$0x1E500] =	vst v63  }
0x740: {  	_ =	swait.ge [sflag:s31], $0x2000  }
0x741: {  	(v2sf) =	vpush v12, $0xE  }
0x742: {  	(v2sf) =	vpush v12, $0xD  }
0x743: {  	(v2sf) =	vpush v12, $0xC  }
0x744: {  	(v2sf) =	vpush v12, $0xB  }
0x745: {  	(v2sf) =	vpush v12, $0x8  }
0x746: {  	(v2sf) =	vpush v12, $0xA  }
0x747: {  	(v2sf) =	vpush v12, $0x7  }
0x748: {  	(v2sf) =	vpush v12, $0x9  }
0x749: {  	(v2sf) =	vpush v12, $0x6  }
0x74a: {  	(v2sf) =	vpush v12, $0x5  }
0x74b: {  	(v2sf) =	vpush v12, $0x3  }
0x74c: {  	(v2sf) =	vpush v12, $0x4  }
0x74d: {  	(v2sf) =	vpush v12, $0xF  }
0x74e: {  	(v2sf) =	vpush v12, $0x0  }
0x74f: {  	s10 =	simm.s32 $0x0;
	v16 =	vor.u32 $0x140, v2;
	(v2sf) =	vpush v12, $0x1  }
0x750: {  	v17 =	vor.u32 s10, v16;
	(v2sf) =	vpush v12, $0x2;
	s9 =	spop (v2sf)  }
0x751: {  	s11 =	spop (v2sf);
	(v2sf) =	vpush v17, $0xE  }
0x752: {  	(v2sf) =	vpush v17, $0xC;
	s12 =	spop (v2sf)  }
0x753: {  	(v2sf) =	vpush v17, $0xB;
	s0 =	spop (v2sf)  }
0x754: {  	s1 =	spop (v2sf);
	(v2sf) =	vpush v17, $0xA  }
0x755: {  	(v2sf) =	vpush v17, $0x4;
	s4 =	spop (v2sf)  }
0x756: {  	(v2sf) =	vpush v17, $0x3;
	s7 =	spop (v2sf)  }
0x757: {  	(v2sf) =	vpush v17, $0x2;
	s8 =	spop (v2sf)  }
0x758: {  	(v2sf) =	vpush v17, $0x1;
	s13 =	spop (v2sf)  }
0x759: {  	(v2sf) =	vpush v17, $0x0;
	s14 =	spop (v2sf)  }
0x75a: {  	(v2sf) =	vpush v17, $0xF;
	s15 =	spop (v2sf)  }
0x75b: {  	s16 =	spop (v2sf);
	(v2sf) =	vpush v17, $0x9  }
0x75c: {  	s17 =	spop (v2sf);
	(v2sf) =	vpush v17, $0x5  }
0x75d: {  	s18 =	spop (v2sf);
	(v2sf) =	vpush v17, $0x6  }
0x75e: {  	s19 =	spop (v2sf);
	(v2sf) =	vpush v17, $0x7  }
0x75f: {  	s20 =	spop (v2sf);
	(v2sf) =	vpush v17, $0xD  }
0x760: {  	(v2sf) =	vpush v17, $0x8;
	s21 =	spop (v2sf)  }
0x761: {  	s22 =	spop (v2sf)  }
0x762: {  	s23 =	spop (v2sf)  }
0x763: {  	s24 =	spop (v2sf)  }
0x764: {  	s25 =	spop (v2sf)  }
0x765: {  	s28 =	spop (v2sf)  }
0x766: {  	s29 =	spop (v2sf)  }
0x767: {  	(drf) =	srem.u32 s29, s20;
	s20 =	spop (v2sf)  }
0x768: {  	s29 =	spop (v2sf);
	(drf) =	srem.u32 s20, s19  }
0x769: {  	(drf) =	srem.u32 s29, s18;
	s19 =	spop (v2sf)  }
0x76a: {  	(drf) =	srem.u32 s19, s17;
	s17 =	spop (v2sf)  }
0x76b: {  	s20 =	spop (v2sf)  }
0x76c: {  	(drf) =	srem.u32 s25, s16;
	s25 =	spop (v2sf)  }
0x76d: {  	(drf) =	srem.u32 s28, s15;
	s29 =	spop (v2sf)  }
0x76e: {  	(drf) =	srem.u32 s20, s14;
	s19 =	spop (v2sf)  }
0x76f: {  	(drf) =	srem.u32 s25, s13;
	s20 =	spop (v2sf)  }
0x770: {  	(drf) =	srem.u32 s17, s8;
	s25 =	spop (drf)  }
0x771: {  	(drf) =	srem.u32 s29, s7;
	s28 =	spop (drf)  }
0x772: {  	(drf) =	srem.u32 s24, s4;
	s29 =	spop (drf)  }
0x773: {  	(drf) =	srem.u32 s20, s1;
	s15 =	spop (drf)  }
0x774: {  	v17 =	vmov s15  }
0x775: {  	s16 =	spop (drf);
	v17 =	vsel vm0, s29, v17  }
0x776: {  	(drf) =	srem.u32 s23, s0;
	s17 =	spop (drf);
	v17 =	vsel vm1, s28, v17  }
0x777: {  	(v2sf) =	vpush v12, $0xE;
	(drf) =	srem.u32 s22, s12;
	s18 =	spop (drf);
	v17 =	vsel vm2, s25, v17  }
0x778: {  	(v2sf) =	vpush v12, $0xD;
	(drf) =	srem.u32 s19, s11;
	s19 =	spop (drf);
	v17 =	vsel vm3, s17, v17  }
0x779: {  	(v2sf) =	vpush v12, $0xC;
	(drf) =	srem.u32 s21, s9;
	s20 =	spop (drf);
	v17 =	vsel vm4, s16, v17  }
0x77a: {  	(v2sf) =	vpush v12, $0xB;
	s21 =	spop (drf);
	v17 =	vsel vm5, s18, v17  }
0x77b: {  	(v2sf) =	vpush v12, $0x8;
	s22 =	spop (drf);
	v17 =	vsel vm6, s19, v17  }
0x77c: {  	(v2sf) =	vpush v12, $0xA;
	s23 =	spop (drf);
	v17 =	vsel vm7, s21, v17  }
0x77d: {  	(v2sf) =	vpush v12, $0x7;
	v17 =	vsel vm8, s23, v17  }
0x77e: {  	(v2sf) =	vpush v12, $0x9;
	v17 =	vsel vm9, s20, v17  }
0x77f: {  	(v2sf) =	vpush v12, $0x6;
	s24 =	spop (drf);
	v17 =	vsel vm10, s22, v17  }
0x780: {  	(v2sf) =	vpush v12, $0x5;
	s25 =	spop (drf);
	v17 =	vsel vm11, s24, v17  }
0x781: {  	(v2sf) =	vpush v12, $0x3;
	s28 =	spop (drf);
	v17 =	vsel vm12, s25, v17  }
0x782: {  	(v2sf) =	vpush v12, $0x4;
	s29 =	spop (drf);
	v17 =	vsel vm13, s28, v17  }
0x783: {  	(v2sf) =	vpush v12, $0xF;
	v17 =	vsel vm14, s29, v17  }
0x784: {  	(v2sf) =	vpush v12, $0x0  }
0x785: {  	(v2sf) =	vpush v12, $0x1;
	s9 =	simm.s32 $0x10  }
0x786: {  	[sflag:s31] =	ssyncset.done $0x0;
	(v2sf) =	vpush v12, $0x2;
	s11 =	spop (v2sf);
	v18 =	vor.u32 s9, v16  }
0x787: {  	[sflag:s31] =	ssyncadd.s32 $0xFFFFE000;
	s12 =	spop (v2sf);
	(v2sf) =	vpush v18, $0xE  }
0x788: {  	s13 =	spop (v2sf);
	(v2sf) =	vpush v18, $0xC;
	v17 =	vld.idx.msk [tilespmem:v17+s30+$0x0], $0xffff  }
0x789: {  	s14 =	spop (v2sf);
	(v2sf) =	vpush v18, $0xB  }
0x78a: {  	s15 =	spop (v2sf);
	(v2sf) =	vpush v18, $0xA  }
0x78b: {  	s16 =	spop (v2sf);
	(v2sf) =	vpush v18, $0x4  }
0x78c: {  	s18 =	spop (v2sf);
	(v2sf) =	vpush v18, $0x3  }
0x78d: {  	s19 =	spop (v2sf);
	(v2sf) =	vpush v18, $0x2;
	v20 =	vmul.u32 v13, v17  }
0x78e: {  	s1 =	spop (v2sf);
	(v2sf) =	vpush v18, $0x1  }
0x78f: {  	s4 =	spop (v2sf);
	(v2sf) =	vpush v18, $0x0;
	v21 =	vadd.s32 $0x4000, v20  }
0x790: {  	s7 =	spop (v2sf);
	(v2sf) =	vpush v18, $0xF  }
0x791: {  	s8 =	spop (v2sf);
	(v2sf) =	vpush v18, $0x9  }
0x792: {  	s21 =	spop (v2sf);
	(v2sf) =	vpush v18, $0x5  }
0x793: {  	s22 =	spop (v2sf);
	(v2sf) =	vpush v18, $0x6;
	v19 =	vld.idx.msk [tilespmem:v20+s3+$0x0], $0xffff  }
0x794: {  	s23 =	spop (v2sf);
	(v2sf) =	vpush v18, $0x7;
	v22 =	vld.idx.msk [tilespmem:v21+s3+$0x0], $0xffff  }
0x795: {  	s24 =	spop (v2sf);
	(v2sf) =	vpush v18, $0xD;
	v17 =	vadd.s32 $0x8000, v20  }
0x796: {  	(v2sf) =	vpush v18, $0x8;
	s17 =	spop (v2sf)  }
0x797: {  	s20 =	spop (v2sf)  }
0x798: {  	s0 =	spop (v2sf)  }
0x799: {  	s25 =	spop (v2sf);
	v18 =	vsub.f32 v19, v10;
	v19 =	vsub.f32 v22, v11  }
0x79a: {  	v23 =	vmov s10;
	s10 =	spop (v2sf);
	v22 =	vld.idx.msk [tilespmem:v17+s3+$0x0], $0xffff  }
0x79b: {  	v23 =	vshll.u32 v23, $0x7;
	s28 =	spop (v2sf);
	v24 =	vmul.f32 v18, v8;
	v25 =	vmul.f32 v19, v9  }
0x79c: {  	v23 =	vor.u32 v5, v23;
	s31 =	spop (v2sf);
	v18 =	vmul.f32 v18, v9;
	v26 =	vmul.f32 v19, v8  }
0x79d: {  	(drf) =	srem.u32 s31, s24;
	s29 =	spop (v2sf);
	v19 =	vor.u32 $0x1, v23;
	v24 =	vadd.f32 v25, v24  }
0x79e: {  	(drf) =	srem.u32 s29, s23;
	s31 =	spop (v2sf);
	v63 =	vsub.f32 v26, v18;
	v18 =	vor.u32 $0x2, v23  }
0x79f: {  	(drf) =	srem.u32 s31, s22;
	s23 =	spop (v2sf);
	v22 =	vsub.f32 v22, v15;
	v24 =	vmul.f32 v24, v14  }
0x7a0: {  	(drf) =	srem.u32 s23, s21;
	s24 =	spop (v2sf);
	v25 =	vmul.f32 v63, v14  }
0x7a1: {  	(drf) =	srem.u32 s10, s8;
	s29 =	spop (v2sf);
	v22 =	vmul.f32 v22, v14;
	[tilespmem:v23+s5+$0x0] =	vst.idx.msk $0xffff, v24  }
0x7a2: {  	(drf) =	srem.u32 s28, s7;
	s31 =	spop (v2sf);
	[tilespmem:v19+s5+$0x0] =	vst.idx.msk $0xffff, v25  }
0x7a3: {  	(drf) =	srem.u32 s29, s4;
	s10 =	spop (v2sf);
	[tilespmem:v18+s5+$0x0] =	vst.idx.msk $0xffff, v22  }
0x7a4: {  	(drf) =	srem.u32 s31, s1;
	s1 =	spop (v2sf);
	v20 =	vld.idx.msk [tilespmem:v20+s26+$0x0], $0xffff  }
0x7a5: {  	(drf) =	srem.u32 s24, s19;
	s19 =	spop (v2sf)  }
0x7a6: {  	(drf) =	srem.u32 s10, s18;
	s21 =	spop (drf)  }
0x7a7: {  	(drf) =	srem.u32 s25, s16;
	s22 =	spop (drf)  }
0x7a8: {  	(drf) =	srem.u32 s19, s15;
	s23 =	spop (drf)  }
0x7a9: {  	s24 =	spop (drf);
	v20 =	vmul.f32 v20, v14  }
0x7aa: {  	(drf) =	srem.u32 s0, s14;
	s25 =	spop (drf);
	v22 =	vmov s24  }
0x7ab: {  	s28 =	spop (drf);
	[tilespmem:v23+s6+$0x0] =	vst.idx.msk $0xffff, v20;
	v20 =	vsel vm0, s23, v22  }
0x7ac: {  	(drf) =	srem.u32 s20, s13;
	s29 =	spop (drf);
	v21 =	vld.idx.msk [tilespmem:v21+s26+$0x0], $0xffff;
	v20 =	vsel vm1, s22, v20  }
0x7ad: {  	(drf) =	srem.u32 s1, s12;
	s31 =	spop (drf);
	v20 =	vsel vm2, s21, v20  }
0x7ae: {  	s0 =	spop (drf);
	v20 =	vsel vm3, s28, v20  }
0x7af: {  	(drf) =	srem.u32 s17, s11;
	s13 =	spop (drf);
	v20 =	vsel vm4, s25, v20  }
0x7b0: {  	s1 =	spop (drf);
	v22 =	vsel vm5, s29, v20  }
0x7b1: {  	s10 =	simm.s32 $0x20;
	s11 =	spop (drf);
	v20 =	vmul.f32 v21, v14;
	v21 =	vsel vm6, s31, v22  }
.LBB2_37:
0x7b2: {  	p1 =	sne.s32 s10, $0x30  }
0x7b3: {  	(v2sf) =	vpush v12, $0xE;
	v21 =	vsel vm7, s13, v21;
	s4 =	spop (drf);
	[tilespmem:v19+s6+$0x0] =	vst.idx.msk $0xffff, v20;
	s16 =	smov.u32 s10;
	s10 =	sadd.s32 $0x10, s10  }
0x7b4: {  	(v2sf) =	vpush v12, $0xD;
	v19 =	vsel vm8, s11, v21;
	v17 =	vld.idx.msk [tilespmem:v17+s26+$0x0], $0xffff  }
0x7b5: {  	(v2sf) =	vpush v12, $0xC;
	v19 =	vsel vm9, s0, v19;
	s0 =	spop (drf)  }
0x7b6: {  	(v2sf) =	vpush v12, $0xB;
	v19 =	vsel vm10, s1, v19;
	s1 =	spop (drf)  }
0x7b7: {  	(v2sf) =	vpush v12, $0x8;
	v19 =	vsel vm11, s4, v19  }
0x7b8: {  	(v2sf) =	vpush v12, $0xA;
	v19 =	vsel vm12, s0, v19;
	s0 =	spop (drf)  }
0x7b9: {  	(v2sf) =	vpush v12, $0x7;
	v19 =	vsel vm13, s1, v19  }
0x7ba: {  	v17 =	vmul.f32 v17, v14;
	(v2sf) =	vpush v12, $0x9;
	v19 =	vsel vm14, s0, v19  }
0x7bb: {  	(v2sf) =	vpush v12, $0x6  }
0x7bc: {  	(v2sf) =	vpush v12, $0x5;
	[tilespmem:v18+s6+$0x0] =	vst.idx.msk $0xffff, v17  }
0x7bd: {  	(v2sf) =	vpush v12, $0x3  }
0x7be: {  	(v2sf) =	vpush v12, $0x4  }
0x7bf: {  	(v2sf) =	vpush v12, $0xF;
	v17 =	vld.idx.msk [tilespmem:v19+s30+$0x0], $0xffff  }
0x7c0: {  	(v2sf) =	vpush v12, $0x0  }
0x7c1: {  	(v2sf) =	vpush v12, $0x1  }
0x7c2: {  	v18 =	vor.u32 s16, v16;
	(v2sf) =	vpush v12, $0x2;
	s11 =	spop (v2sf)  }
0x7c3: {  	s12 =	spop (v2sf);
	(v2sf) =	vpush v18, $0xE  }
0x7c4: {  	(v2sf) =	vpush v18, $0xC;
	s13 =	spop (v2sf)  }
0x7c5: {  	v20 =	vmul.u32 v13, v17;
	(v2sf) =	vpush v18, $0xB;
	s14 =	spop (v2sf)  }
0x7c6: {  	s15 =	spop (v2sf);
	(v2sf) =	vpush v18, $0xA  }
0x7c7: {  	v21 =	vadd.s32 $0x4000, v20;
	(v2sf) =	vpush v18, $0x4;
	s17 =	spop (v2sf)  }
0x7c8: {  	(v2sf) =	vpush v18, $0x3;
	s18 =	spop (v2sf)  }
0x7c9: {  	(v2sf) =	vpush v18, $0x2;
	s20 =	spop (v2sf)  }
0x7ca: {  	(v2sf) =	vpush v18, $0x1;
	s21 =	spop (v2sf)  }
0x7cb: {  	(v2sf) =	vpush v18, $0x0;
	s22 =	spop (v2sf);
	v19 =	vld.idx.msk [tilespmem:v20+s3+$0x0], $0xffff  }
0x7cc: {  	v17 =	vadd.s32 $0x8000, v20;
	(v2sf) =	vpush v18, $0xF;
	s23 =	spop (v2sf);
	v22 =	vld.idx.msk [tilespmem:v21+s3+$0x0], $0xffff  }
0x7cd: {  	s1 =	spop (v2sf);
	(v2sf) =	vpush v18, $0x9  }
0x7ce: {  	s4 =	spop (v2sf);
	(v2sf) =	vpush v18, $0x5  }
0x7cf: {  	s7 =	spop (v2sf);
	(v2sf) =	vpush v18, $0x6  }
0x7d0: {  	s8 =	spop (v2sf);
	(v2sf) =	vpush v18, $0x7  }
0x7d1: {  	v19 =	vsub.f32 v19, v10;
	s24 =	spop (v2sf);
	(v2sf) =	vpush v18, $0xD;
	v23 =	vld.idx.msk [tilespmem:v17+s3+$0x0], $0xffff  }
0x7d2: {  	v22 =	vsub.f32 v22, v11;
	(v2sf) =	vpush v18, $0x8;
	s19 =	spop (v2sf);
	v18 =	vmov s9;
	s9 =	smov.u32 s16  }
0x7d3: {  	v24 =	vmul.f32 v19, v8;
	v25 =	vmul.f32 v19, v9;
	s16 =	spop (v2sf);
	v18 =	vshll.u32 v18, $0x7  }
0x7d4: {  	v26 =	vmul.f32 v22, v9;
	v22 =	vmul.f32 v22, v8;
	s0 =	spop (v2sf);
	v27 =	vor.u32 v5, v18  }
0x7d5: {  	s25 =	spop (v2sf);
	v19 =	vor.u32 $0x1, v27  }
0x7d6: {  	v24 =	vadd.f32 v26, v24;
	v22 =	vsub.f32 v22, v25;
	v18 =	vor.u32 $0x2, v27;
	s28 =	spop (v2sf)  }
0x7d7: {  	v23 =	vsub.f32 v23, v15;
	s29 =	spop (v2sf)  }
0x7d8: {  	v24 =	vmul.f32 v24, v14;
	v22 =	vmul.f32 v22, v14;
	s30 =	spop (v2sf)  }
0x7d9: {  	v23 =	vmul.f32 v23, v14;
	s31 =	spop (v2sf);
	(drf) =	srem.u32 s30, s24;
	s30 =	simm.s32 $0x18080  }
0x7da: {  	s24 =	spop (v2sf);
	(drf) =	srem.u32 s31, s8;
	[tilespmem:v27+s5+$0x0] =	vst.idx.msk $0xffff, v24  }
0x7db: {  	(drf) =	srem.u32 s24, s7;
	s7 =	spop (v2sf);
	[tilespmem:v19+s5+$0x0] =	vst.idx.msk $0xffff, v22  }
0x7dc: {  	(drf) =	srem.u32 s7, s4;
	s4 =	spop (v2sf);
	[tilespmem:v18+s5+$0x0] =	vst.idx.msk $0xffff, v23  }
0x7dd: {  	(drf) =	srem.u32 s28, s1;
	s1 =	spop (v2sf);
	v20 =	vld.idx.msk [tilespmem:v20+s26+$0x0], $0xffff  }
0x7de: {  	(drf) =	srem.u32 s29, s23;
	s7 =	spop (v2sf)  }
0x7df: {  	(drf) =	srem.u32 s1, s22;
	s1 =	spop (v2sf)  }
0x7e0: {  	(drf) =	srem.u32 s7, s21;
	s7 =	spop (v2sf)  }
0x7e1: {  	s8 =	spop (v2sf);
	(drf) =	srem.u32 s4, s20  }
0x7e2: {  	s4 =	spop (drf);
	(drf) =	srem.u32 s1, s18  }
0x7e3: {  	v20 =	vmul.f32 v20, v14;
	s1 =	spop (drf);
	(drf) =	srem.u32 s25, s17  }
0x7e4: {  	s17 =	spop (drf);
	(drf) =	srem.u32 s8, s15  }
0x7e5: {  	s8 =	spop (drf);
	(drf) =	srem.u32 s0, s14;
	[tilespmem:v27+s6+$0x0] =	vst.idx.msk $0xffff, v20  }
0x7e6: {  	v20 =	vmov s8;
	s8 =	spop (drf);
	v21 =	vld.idx.msk [tilespmem:v21+s26+$0x0], $0xffff  }
0x7e7: {  	v20 =	vsel vm0, s17, v20;
	s0 =	spop (drf);
	(drf) =	srem.u32 s16, s13  }
0x7e8: {  	v20 =	vsel vm1, s1, v20;
	s1 =	spop (drf);
	(drf) =	srem.u32 s7, s12  }
.Ltmp21:
0x7e9: {  	v20 =	vsel vm2, s4, v20;
	s4 =	spop (drf);
	(pc) =	sbr.rel @p1 .LBB2_37-.Ltmp21, $4  }
0x7ea: {  	v20 =	vsel vm3, s0, v20;
	s0 =	spop (drf);
	(drf) =	srem.u32 s19, s11  }
0x7eb: {  	v20 =	vsel vm4, s8, v20;
	s13 =	spop (drf)  }
0x7ec: {  	v22 =	vsel vm5, s1, v20;
	s1 =	spop (drf);
	v20 =	vmul.f32 v21, v14  }
0x7ed: {  	v21 =	vsel vm6, s4, v22;
	s11 =	spop (drf)  }
0x7ee: {  	_ = 	snop  }
0x7ef: {  	v16 =	vsel vm7, s13, v21  }
0x7f0: {  	v16 =	vsel vm8, s11, v16  }
0x7f1: {  	v16 =	vsel vm9, s0, v16  }
0x7f2: {  	s24 =	spop (drf);
	[tilespmem:v19+s6+$0x0] =	vst.idx.msk $0xffff, v20;
	v16 =	vsel vm10, s1, v16  }
0x7f3: {  	v17 =	vld.idx.msk [tilespmem:v17+s26+$0x0], $0xffff;
	s25 =	spop (drf);
	v16 =	vsel vm11, s24, v16  }
0x7f4: {  	s28 =	spop (drf);
	v16 =	vsel vm12, s25, v16  }
0x7f5: {  	s29 =	spop (drf);
	v16 =	vsel vm13, s28, v16  }
0x7f6: {  	v16 =	vsel vm14, s29, v16;
	_ =	sdelay $0x1  }
0x7f7: {  	v17 =	vmul.f32 v17, v14;
	_ =	sdelay $0x1  }
0x7f8: {  	[tilespmem:v18+s6+$0x0] =	vst.idx.msk $0xffff, v17  }
0x7f9: {  	v16 =	vld.idx.msk [tilespmem:v16+s30+$0x0], $0xffff;
	_ =	sdelay $0x4  }
0x7fa: {  	v16 =	vmul.u32 v13, v16;
	_ =	sdelay $0x1  }
0x7fb: {  	v17 =	vadd.s32 $0x4000, v16;
	_ =	sdelay $0x3  }
0x7fc: {  	v18 =	vld.idx.msk [tilespmem:v16+s3+$0x0], $0xffff  }
0x7fd: {  	v19 =	vld.idx.msk [tilespmem:v17+s3+$0x0], $0xffff  }
0x7fe: {  	v61 =	vadd.s32 $0x8000, v16;
	_ =	sdelay $0x3  }
0x7ff: {  	v18 =	vsub.f32 v18, v10;
	v19 =	vsub.f32 v19, v11  }
0x800: {  	v22 =	vmov s9;
	v62 =	vld.idx.msk [tilespmem:v61+s3+$0x0], $0xffff  }
0x801: {  	v22 =	vshll.u32 v22, $0x7;
	v23 =	vmul.f32 v18, v8;
	v24 =	vmul.f32 v19, v9  }
0x802: {  	v22 =	vor.u32 v5, v22;
	v18 =	vmul.f32 v18, v9;
	v19 =	vmul.f32 v19, v8  }
0x803: {  	v25 =	vor.u32 $0x1, v22;
	v23 =	vadd.f32 v24, v23  }
0x804: {  	v63 =	vor.u32 $0x2, v22;
	v18 =	vsub.f32 v19, v18  }
0x805: {  	v21 =	vsub.f32 v62, v15;
	v23 =	vmul.f32 v23, v14  }
0x806: {  	v18 =	vmul.f32 v18, v14  }
0x807: {  	v21 =	vmul.f32 v21, v14;
	[tilespmem:v22+s5+$0x0] =	vst.idx.msk $0xffff, v23  }
0x808: {  	[tilespmem:v25+s5+$0x0] =	vst.idx.msk $0xffff, v18  }
0x809: {  	[tilespmem:v63+s5+$0x0] =	vst.idx.msk $0xffff, v21  }
0x80a: {  	v16 =	vld.idx.msk [tilespmem:v16+s26+$0x0], $0xffff;
	_ =	sdelay $0x4  }
0x80b: {  	v16 =	vmul.f32 v16, v14;
	_ =	sdelay $0x1  }
0x80c: {  	[tilespmem:v22+s6+$0x0] =	vst.idx.msk $0xffff, v16  }
0x80d: {  	v16 =	vld.idx.msk [tilespmem:v17+s26+$0x0], $0xffff;
	_ =	sdelay $0x4  }
0x80e: {  	v16 =	vmul.f32 v16, v14;
	_ =	sdelay $0x1  }
0x80f: {  	[tilespmem:v25+s6+$0x0] =	vst.idx.msk $0xffff, v16  }
0x810: {  	v16 =	vld.idx.msk [tilespmem:v61+s26+$0x0], $0xffff;
	_ =	sdelay $0x2  }
.Ltmp22:
0x811: {  	_ = 	snop;
	(pc) =	sbr.rel @p0 .LBB2_42-.Ltmp22, $3  }
0x812: {  	_ = 	snop  }
0x813: {  	v16 =	vmul.f32 v16, v14;
	_ =	sdelay $0x1  }
0x814: {  	s31 =	simm.s32 $0x18080;
	[tilespmem:v63+s6+$0x0] =	vst.idx.msk $0xffff, v16  }
0x815: {  	s0 =	simm.s32 $0x0;
	s1 =	simm.s32 $0x200  }
.LBB2_40:
0x816: {  	p1 =	sne.s32 s1, $0x7E00;
	[tilespmem:s0+$0x1A570] =	vst v3  }
0x817: {  	[tilespmem:s0+$0x1A500] =	vst v3  }
0x818: {  	[tilespmem:s0+$0x1A510] =	vst v3  }
.Ltmp23:
0x819: {  	[tilespmem:s0+$0x1A520] =	vst v3;
	(pc) =	sbr.rel @p1 .LBB2_40-.Ltmp23, $4  }
0x81a: {  	[tilespmem:s0+$0x1A530] =	vst v3  }
0x81b: {  	[tilespmem:s0+$0x1A540] =	vst v3  }
0x81c: {  	[tilespmem:s0+$0x1A550] =	vst v3  }
0x81d: {  	[tilespmem:s0+$0x1A560] =	vst v3;
	s0 =	sshra.s32 s1, $0x2;
	s1 =	sadd.s32 $0x200, s1  }
0x81e: {  	[tilespmem:s0+$0x1A570] =	vst v3  }
0x81f: {  	[tilespmem:s0+$0x1A500] =	vst v3  }
0x820: {  	[tilespmem:s0+$0x1A510] =	vst v3  }
0x821: {  	[tilespmem:s0+$0x1A520] =	vst v3  }
0x822: {  	[tilespmem:s0+$0x1A530] =	vst v3  }
0x823: {  	[tilespmem:s0+$0x1A540] =	vst v3  }
0x824: {  	[tilespmem:s0+$0x1A550] =	vst v3  }
0x825: {  	[tilespmem:s0+$0x1A560] =	vst v3;
	s31 =	simm.s32 $0x18080  }
.LBB2_42:
0x826: {  	s0 =	rddreg [dreg:$0x14]  }
0x827: {  	s7 =	rddreg [dreg:$0x1d];
	s1 =	simm.s32 $0x400  }
0x828: {  	s4 =	simm.s32 $0x800;
	s15 =	rddreg [dreg:$0x15];
	s0 =	sadd.s32 s7, s0  }
0x829: {  	[hbm4b:s0+s1] =	stream.strided.scatter [tilespmem:s5], [sflag:$0x3], $0x2000, s4, s1, $0x38;
	[tilespmem:$0x1E500] =	vst v63  }
0x82a: {  	s16 =	simm.s32 $0x3;
	s0 =	sadd.s32 s7, s15  }
0x82b: {  	[hbm4b:s0+s1] =	stream.strided.scatter [tilespmem:s6], [sflag:$0x3], $0x2000, s4, s1, $0x38;
	[tilespmem:$0x1E500] =	vst v63  }
0x82c: {  	_ =	swait.ge [sflag:s16], $0x2000  }
0x82d: {  	[sflag:s16] =	ssyncset.done $0x0  }
0x82e: {  	[sflag:s16] =	ssyncadd.s32 $0xFFFFE000  }
0x82f: {  	_ =	swait.ge [sflag:s16], $0x2000  }
0x830: {  	[sflag:s16] =	ssyncset.done $0x0  }
0x831: {  	s17 =	simm.s32 $0x40;
	[sflag:s16] =	ssyncadd.s32 $0xFFFFE000  }
0x832: {  	s18 =	simm.s32 $0x184C0;
	s30 =	simm.s32 $0x1;
	s0 =	rddreg [dreg:$0x3]  }
0x833: {  	[tilespmem:s5], [sflag:$0x2] =	stream.indirect.gather [hbm4b:s0+s17], $0x80, s18, s17, $0xb8;
	[tilespmem:$0x1E500] =	vst v63  }
0x834: {  	_ =	swait.ge [sflag:s30], $0x2000  }
0x835: {  	(v2sf) =	vpush v12, $0xE  }
0x836: {  	(v2sf) =	vpush v12, $0xD  }
0x837: {  	(v2sf) =	vpush v12, $0xC  }
0x838: {  	(v2sf) =	vpush v12, $0xB  }
0x839: {  	(v2sf) =	vpush v12, $0x8  }
0x83a: {  	(v2sf) =	vpush v12, $0xA  }
0x83b: {  	(v2sf) =	vpush v12, $0x7  }
0x83c: {  	(v2sf) =	vpush v12, $0x9  }
0x83d: {  	(v2sf) =	vpush v12, $0x6  }
0x83e: {  	(v2sf) =	vpush v12, $0x5  }
0x83f: {  	(v2sf) =	vpush v12, $0x3  }
0x840: {  	(v2sf) =	vpush v12, $0x4  }
0x841: {  	(v2sf) =	vpush v12, $0xF  }
0x842: {  	(v2sf) =	vpush v12, $0x0  }
0x843: {  	s10 =	simm.s32 $0x0;
	v16 =	vor.u32 $0x180, v2;
	(v2sf) =	vpush v12, $0x1  }
0x844: {  	v17 =	vor.u32 s10, v16;
	(v2sf) =	vpush v12, $0x2;
	s9 =	spop (v2sf)  }
0x845: {  	s11 =	spop (v2sf);
	(v2sf) =	vpush v17, $0xE  }
0x846: {  	(v2sf) =	vpush v17, $0xC;
	s12 =	spop (v2sf)  }
0x847: {  	(v2sf) =	vpush v17, $0xB;
	s0 =	spop (v2sf)  }
0x848: {  	s1 =	spop (v2sf);
	(v2sf) =	vpush v17, $0xA  }
0x849: {  	(v2sf) =	vpush v17, $0x4;
	s4 =	spop (v2sf)  }
0x84a: {  	(v2sf) =	vpush v17, $0x3;
	s7 =	spop (v2sf)  }
0x84b: {  	(v2sf) =	vpush v17, $0x2;
	s8 =	spop (v2sf)  }
0x84c: {  	(v2sf) =	vpush v17, $0x1;
	s13 =	spop (v2sf)  }
0x84d: {  	(v2sf) =	vpush v17, $0x0;
	s14 =	spop (v2sf)  }
0x84e: {  	(v2sf) =	vpush v17, $0xF;
	s15 =	spop (v2sf)  }
0x84f: {  	s16 =	spop (v2sf);
	(v2sf) =	vpush v17, $0x9  }
0x850: {  	s17 =	spop (v2sf);
	(v2sf) =	vpush v17, $0x5  }
0x851: {  	s18 =	spop (v2sf);
	(v2sf) =	vpush v17, $0x6  }
0x852: {  	s19 =	spop (v2sf);
	(v2sf) =	vpush v17, $0x7  }
0x853: {  	s20 =	spop (v2sf);
	(v2sf) =	vpush v17, $0xD  }
0x854: {  	(v2sf) =	vpush v17, $0x8;
	s21 =	spop (v2sf)  }
0x855: {  	s22 =	spop (v2sf)  }
0x856: {  	s23 =	spop (v2sf)  }
0x857: {  	s24 =	spop (v2sf)  }
0x858: {  	s25 =	spop (v2sf)  }
0x859: {  	s28 =	spop (v2sf)  }
0x85a: {  	s29 =	spop (v2sf)  }
0x85b: {  	(drf) =	srem.u32 s29, s20;
	s20 =	spop (v2sf)  }
0x85c: {  	s29 =	spop (v2sf);
	(drf) =	srem.u32 s20, s19  }
0x85d: {  	(drf) =	srem.u32 s29, s18;
	s19 =	spop (v2sf)  }
0x85e: {  	(drf) =	srem.u32 s19, s17;
	s17 =	spop (v2sf)  }
0x85f: {  	s20 =	spop (v2sf)  }
0x860: {  	(drf) =	srem.u32 s25, s16;
	s25 =	spop (v2sf)  }
0x861: {  	(drf) =	srem.u32 s28, s15;
	s29 =	spop (v2sf)  }
0x862: {  	(drf) =	srem.u32 s20, s14;
	s19 =	spop (v2sf)  }
0x863: {  	(drf) =	srem.u32 s25, s13;
	s20 =	spop (v2sf)  }
0x864: {  	(drf) =	srem.u32 s17, s8;
	s25 =	spop (drf)  }
0x865: {  	(drf) =	srem.u32 s29, s7;
	s28 =	spop (drf)  }
0x866: {  	(drf) =	srem.u32 s24, s4;
	s29 =	spop (drf)  }
0x867: {  	(drf) =	srem.u32 s20, s1;
	s15 =	spop (drf)  }
0x868: {  	v17 =	vmov s15  }
0x869: {  	s16 =	spop (drf);
	v17 =	vsel vm0, s29, v17  }
0x86a: {  	(drf) =	srem.u32 s23, s0;
	s17 =	spop (drf);
	v17 =	vsel vm1, s28, v17  }
0x86b: {  	(v2sf) =	vpush v12, $0xE;
	(drf) =	srem.u32 s22, s12;
	s18 =	spop (drf);
	v17 =	vsel vm2, s25, v17  }
0x86c: {  	(v2sf) =	vpush v12, $0xD;
	(drf) =	srem.u32 s19, s11;
	s19 =	spop (drf);
	v17 =	vsel vm3, s17, v17  }
0x86d: {  	(v2sf) =	vpush v12, $0xC;
	(drf) =	srem.u32 s21, s9;
	s20 =	spop (drf);
	v17 =	vsel vm4, s16, v17  }
0x86e: {  	(v2sf) =	vpush v12, $0xB;
	s21 =	spop (drf);
	v17 =	vsel vm5, s18, v17  }
0x86f: {  	(v2sf) =	vpush v12, $0x8;
	s22 =	spop (drf);
	v17 =	vsel vm6, s19, v17  }
0x870: {  	(v2sf) =	vpush v12, $0xA;
	s23 =	spop (drf);
	v17 =	vsel vm7, s21, v17  }
0x871: {  	(v2sf) =	vpush v12, $0x7;
	v17 =	vsel vm8, s23, v17  }
0x872: {  	(v2sf) =	vpush v12, $0x9;
	v17 =	vsel vm9, s20, v17  }
0x873: {  	(v2sf) =	vpush v12, $0x6;
	s24 =	spop (drf);
	v17 =	vsel vm10, s22, v17  }
0x874: {  	(v2sf) =	vpush v12, $0x5;
	s25 =	spop (drf);
	v17 =	vsel vm11, s24, v17  }
0x875: {  	(v2sf) =	vpush v12, $0x3;
	s28 =	spop (drf);
	v17 =	vsel vm12, s25, v17  }
0x876: {  	(v2sf) =	vpush v12, $0x4;
	s29 =	spop (drf);
	v17 =	vsel vm13, s28, v17  }
0x877: {  	(v2sf) =	vpush v12, $0xF;
	v17 =	vsel vm14, s29, v17  }
0x878: {  	(v2sf) =	vpush v12, $0x0  }
0x879: {  	(v2sf) =	vpush v12, $0x1;
	s9 =	simm.s32 $0x10  }
0x87a: {  	[sflag:s30] =	ssyncset.done $0x0;
	(v2sf) =	vpush v12, $0x2;
	s11 =	spop (v2sf);
	v18 =	vor.u32 s9, v16  }
0x87b: {  	[sflag:s30] =	ssyncadd.s32 $0xFFFFE000;
	s12 =	spop (v2sf);
	(v2sf) =	vpush v18, $0xE  }
0x87c: {  	s13 =	spop (v2sf);
	(v2sf) =	vpush v18, $0xC;
	v17 =	vld.idx.msk [tilespmem:v17+s31+$0x0], $0xffff  }
0x87d: {  	s14 =	spop (v2sf);
	(v2sf) =	vpush v18, $0xB  }
0x87e: {  	s15 =	spop (v2sf);
	(v2sf) =	vpush v18, $0xA  }
0x87f: {  	s16 =	spop (v2sf);
	(v2sf) =	vpush v18, $0x4  }
0x880: {  	s18 =	spop (v2sf);
	(v2sf) =	vpush v18, $0x3  }
0x881: {  	s19 =	spop (v2sf);
	(v2sf) =	vpush v18, $0x2;
	v20 =	vmul.u32 v13, v17  }
0x882: {  	s1 =	spop (v2sf);
	(v2sf) =	vpush v18, $0x1  }
0x883: {  	s4 =	spop (v2sf);
	(v2sf) =	vpush v18, $0x0;
	v21 =	vadd.s32 $0x4000, v20  }
0x884: {  	s7 =	spop (v2sf);
	(v2sf) =	vpush v18, $0xF  }
0x885: {  	s8 =	spop (v2sf);
	(v2sf) =	vpush v18, $0x9  }
0x886: {  	s21 =	spop (v2sf);
	(v2sf) =	vpush v18, $0x5  }
0x887: {  	s22 =	spop (v2sf);
	(v2sf) =	vpush v18, $0x6;
	v19 =	vld.idx.msk [tilespmem:v20+s3+$0x0], $0xffff  }
0x888: {  	s23 =	spop (v2sf);
	(v2sf) =	vpush v18, $0x7;
	v22 =	vld.idx.msk [tilespmem:v21+s3+$0x0], $0xffff  }
0x889: {  	s24 =	spop (v2sf);
	(v2sf) =	vpush v18, $0xD;
	v17 =	vadd.s32 $0x8000, v20  }
0x88a: {  	(v2sf) =	vpush v18, $0x8;
	s17 =	spop (v2sf)  }
0x88b: {  	s20 =	spop (v2sf)  }
0x88c: {  	s0 =	spop (v2sf)  }
0x88d: {  	s25 =	spop (v2sf);
	v18 =	vsub.f32 v19, v10;
	v19 =	vsub.f32 v22, v11  }
0x88e: {  	v23 =	vmov s10;
	s10 =	spop (v2sf);
	v22 =	vld.idx.msk [tilespmem:v17+s3+$0x0], $0xffff  }
0x88f: {  	v23 =	vshll.u32 v23, $0x7;
	s28 =	spop (v2sf);
	v24 =	vmul.f32 v18, v8;
	v25 =	vmul.f32 v19, v9  }
0x890: {  	v23 =	vor.u32 v5, v23;
	s31 =	spop (v2sf);
	v18 =	vmul.f32 v18, v9;
	v26 =	vmul.f32 v19, v8  }
0x891: {  	(drf) =	srem.u32 s31, s24;
	s29 =	spop (v2sf);
	v19 =	vor.u32 $0x1, v23;
	v24 =	vadd.f32 v25, v24  }
0x892: {  	(drf) =	srem.u32 s29, s23;
	s31 =	spop (v2sf);
	v63 =	vsub.f32 v26, v18;
	v18 =	vor.u32 $0x2, v23  }
0x893: {  	(drf) =	srem.u32 s31, s22;
	s23 =	spop (v2sf);
	v22 =	vsub.f32 v22, v15;
	v24 =	vmul.f32 v24, v14  }
0x894: {  	(drf) =	srem.u32 s23, s21;
	s24 =	spop (v2sf);
	v25 =	vmul.f32 v63, v14  }
0x895: {  	(drf) =	srem.u32 s10, s8;
	s29 =	spop (v2sf);
	v22 =	vmul.f32 v22, v14;
	[tilespmem:v23+s2+$0x0] =	vst.idx.msk $0xffff, v24  }
0x896: {  	(drf) =	srem.u32 s28, s7;
	s31 =	spop (v2sf);
	[tilespmem:v19+s2+$0x0] =	vst.idx.msk $0xffff, v25  }
0x897: {  	(drf) =	srem.u32 s29, s4;
	s10 =	spop (v2sf);
	[tilespmem:v18+s2+$0x0] =	vst.idx.msk $0xffff, v22  }
0x898: {  	(drf) =	srem.u32 s31, s1;
	s1 =	spop (v2sf);
	v20 =	vld.idx.msk [tilespmem:v20+s26+$0x0], $0xffff  }
0x899: {  	(drf) =	srem.u32 s24, s19;
	s19 =	spop (v2sf)  }
0x89a: {  	(drf) =	srem.u32 s10, s18;
	s21 =	spop (drf)  }
0x89b: {  	(drf) =	srem.u32 s25, s16;
	s22 =	spop (drf)  }
0x89c: {  	(drf) =	srem.u32 s19, s15;
	s23 =	spop (drf)  }
0x89d: {  	s24 =	spop (drf);
	v20 =	vmul.f32 v20, v14  }
0x89e: {  	(drf) =	srem.u32 s0, s14;
	s25 =	spop (drf);
	v22 =	vmov s24  }
0x89f: {  	s28 =	spop (drf);
	[tilespmem:v23+s6+$0x0] =	vst.idx.msk $0xffff, v20;
	v20 =	vsel vm0, s23, v22  }
0x8a0: {  	(drf) =	srem.u32 s20, s13;
	s29 =	spop (drf);
	v21 =	vld.idx.msk [tilespmem:v21+s26+$0x0], $0xffff;
	v20 =	vsel vm1, s22, v20  }
0x8a1: {  	(drf) =	srem.u32 s1, s12;
	s31 =	spop (drf);
	v20 =	vsel vm2, s21, v20  }
0x8a2: {  	s0 =	spop (drf);
	v20 =	vsel vm3, s28, v20  }
0x8a3: {  	(drf) =	srem.u32 s17, s11;
	s13 =	spop (drf);
	v20 =	vsel vm4, s25, v20  }
0x8a4: {  	s1 =	spop (drf);
	v22 =	vsel vm5, s29, v20  }
0x8a5: {  	s30 =	simm.s32 $0x18080;
	s10 =	simm.s32 $0x20;
	s11 =	spop (drf);
	v20 =	vmul.f32 v21, v14;
	v21 =	vsel vm6, s31, v22  }
.LBB2_43:
0x8a6: {  	p1 =	sne.s32 s10, $0x30  }
0x8a7: {  	(v2sf) =	vpush v12, $0xE;
	v21 =	vsel vm7, s13, v21;
	s4 =	spop (drf);
	[tilespmem:v19+s6+$0x0] =	vst.idx.msk $0xffff, v20;
	s16 =	smov.u32 s10;
	s10 =	sadd.s32 $0x10, s10  }
0x8a8: {  	(v2sf) =	vpush v12, $0xD;
	v19 =	vsel vm8, s11, v21;
	v17 =	vld.idx.msk [tilespmem:v17+s26+$0x0], $0xffff  }
0x8a9: {  	(v2sf) =	vpush v12, $0xC;
	v19 =	vsel vm9, s0, v19;
	s0 =	spop (drf)  }
0x8aa: {  	(v2sf) =	vpush v12, $0xB;
	v19 =	vsel vm10, s1, v19;
	s1 =	spop (drf)  }
0x8ab: {  	(v2sf) =	vpush v12, $0x8;
	v19 =	vsel vm11, s4, v19  }
0x8ac: {  	(v2sf) =	vpush v12, $0xA;
	v19 =	vsel vm12, s0, v19;
	s0 =	spop (drf)  }
0x8ad: {  	(v2sf) =	vpush v12, $0x7;
	v19 =	vsel vm13, s1, v19  }
0x8ae: {  	v17 =	vmul.f32 v17, v14;
	(v2sf) =	vpush v12, $0x9;
	v19 =	vsel vm14, s0, v19  }
0x8af: {  	(v2sf) =	vpush v12, $0x6  }
0x8b0: {  	(v2sf) =	vpush v12, $0x5;
	[tilespmem:v18+s6+$0x0] =	vst.idx.msk $0xffff, v17  }
0x8b1: {  	(v2sf) =	vpush v12, $0x3  }
0x8b2: {  	(v2sf) =	vpush v12, $0x4  }
0x8b3: {  	(v2sf) =	vpush v12, $0xF;
	v17 =	vld.idx.msk [tilespmem:v19+s30+$0x0], $0xffff  }
0x8b4: {  	(v2sf) =	vpush v12, $0x0  }
0x8b5: {  	(v2sf) =	vpush v12, $0x1  }
0x8b6: {  	v18 =	vor.u32 s16, v16;
	(v2sf) =	vpush v12, $0x2;
	s11 =	spop (v2sf)  }
0x8b7: {  	s12 =	spop (v2sf);
	(v2sf) =	vpush v18, $0xE  }
0x8b8: {  	(v2sf) =	vpush v18, $0xC;
	s13 =	spop (v2sf)  }
0x8b9: {  	v20 =	vmul.u32 v13, v17;
	(v2sf) =	vpush v18, $0xB;
	s14 =	spop (v2sf)  }
0x8ba: {  	s15 =	spop (v2sf);
	(v2sf) =	vpush v18, $0xA  }
0x8bb: {  	v21 =	vadd.s32 $0x4000, v20;
	(v2sf) =	vpush v18, $0x4;
	s17 =	spop (v2sf)  }
0x8bc: {  	(v2sf) =	vpush v18, $0x3;
	s18 =	spop (v2sf)  }
0x8bd: {  	(v2sf) =	vpush v18, $0x2;
	s20 =	spop (v2sf)  }
0x8be: {  	(v2sf) =	vpush v18, $0x1;
	s21 =	spop (v2sf)  }
0x8bf: {  	(v2sf) =	vpush v18, $0x0;
	s22 =	spop (v2sf);
	v19 =	vld.idx.msk [tilespmem:v20+s3+$0x0], $0xffff  }
0x8c0: {  	v17 =	vadd.s32 $0x8000, v20;
	(v2sf) =	vpush v18, $0xF;
	s23 =	spop (v2sf);
	v22 =	vld.idx.msk [tilespmem:v21+s3+$0x0], $0xffff  }
0x8c1: {  	s1 =	spop (v2sf);
	(v2sf) =	vpush v18, $0x9  }
0x8c2: {  	s4 =	spop (v2sf);
	(v2sf) =	vpush v18, $0x5  }
0x8c3: {  	s7 =	spop (v2sf);
	(v2sf) =	vpush v18, $0x6  }
0x8c4: {  	s8 =	spop (v2sf);
	(v2sf) =	vpush v18, $0x7  }
0x8c5: {  	v19 =	vsub.f32 v19, v10;
	s24 =	spop (v2sf);
	(v2sf) =	vpush v18, $0xD;
	v23 =	vld.idx.msk [tilespmem:v17+s3+$0x0], $0xffff  }
0x8c6: {  	v22 =	vsub.f32 v22, v11;
	(v2sf) =	vpush v18, $0x8;
	s19 =	spop (v2sf);
	v18 =	vmov s9;
	s9 =	smov.u32 s16  }
0x8c7: {  	v24 =	vmul.f32 v19, v8;
	v25 =	vmul.f32 v19, v9;
	s16 =	spop (v2sf);
	v18 =	vshll.u32 v18, $0x7  }
0x8c8: {  	v26 =	vmul.f32 v22, v9;
	v22 =	vmul.f32 v22, v8;
	s0 =	spop (v2sf);
	v27 =	vor.u32 v5, v18  }
0x8c9: {  	s25 =	spop (v2sf);
	v19 =	vor.u32 $0x1, v27  }
0x8ca: {  	v24 =	vadd.f32 v26, v24;
	v22 =	vsub.f32 v22, v25;
	v18 =	vor.u32 $0x2, v27;
	s28 =	spop (v2sf)  }
0x8cb: {  	v23 =	vsub.f32 v23, v15;
	s29 =	spop (v2sf)  }
0x8cc: {  	v24 =	vmul.f32 v24, v14;
	v22 =	vmul.f32 v22, v14;
	s30 =	spop (v2sf)  }
0x8cd: {  	v23 =	vmul.f32 v23, v14;
	s31 =	spop (v2sf);
	(drf) =	srem.u32 s30, s24;
	s30 =	simm.s32 $0x18080  }
0x8ce: {  	s24 =	spop (v2sf);
	(drf) =	srem.u32 s31, s8;
	[tilespmem:v27+s2+$0x0] =	vst.idx.msk $0xffff, v24  }
0x8cf: {  	(drf) =	srem.u32 s24, s7;
	s7 =	spop (v2sf);
	[tilespmem:v19+s2+$0x0] =	vst.idx.msk $0xffff, v22  }
0x8d0: {  	(drf) =	srem.u32 s7, s4;
	s4 =	spop (v2sf);
	[tilespmem:v18+s2+$0x0] =	vst.idx.msk $0xffff, v23  }
0x8d1: {  	(drf) =	srem.u32 s28, s1;
	s1 =	spop (v2sf);
	v20 =	vld.idx.msk [tilespmem:v20+s26+$0x0], $0xffff  }
0x8d2: {  	(drf) =	srem.u32 s29, s23;
	s7 =	spop (v2sf)  }
0x8d3: {  	(drf) =	srem.u32 s1, s22;
	s1 =	spop (v2sf)  }
0x8d4: {  	(drf) =	srem.u32 s7, s21;
	s7 =	spop (v2sf)  }
0x8d5: {  	s8 =	spop (v2sf);
	(drf) =	srem.u32 s4, s20  }
0x8d6: {  	s4 =	spop (drf);
	(drf) =	srem.u32 s1, s18  }
0x8d7: {  	v20 =	vmul.f32 v20, v14;
	s1 =	spop (drf);
	(drf) =	srem.u32 s25, s17  }
0x8d8: {  	s17 =	spop (drf);
	(drf) =	srem.u32 s8, s15  }
0x8d9: {  	s8 =	spop (drf);
	(drf) =	srem.u32 s0, s14;
	[tilespmem:v27+s6+$0x0] =	vst.idx.msk $0xffff, v20  }
0x8da: {  	v20 =	vmov s8;
	s8 =	spop (drf);
	v21 =	vld.idx.msk [tilespmem:v21+s26+$0x0], $0xffff  }
0x8db: {  	v20 =	vsel vm0, s17, v20;
	s0 =	spop (drf);
	(drf) =	srem.u32 s16, s13  }
0x8dc: {  	v20 =	vsel vm1, s1, v20;
	s1 =	spop (drf);
	(drf) =	srem.u32 s7, s12  }
.Ltmp24:
0x8dd: {  	v20 =	vsel vm2, s4, v20;
	s4 =	spop (drf);
	(pc) =	sbr.rel @p1 .LBB2_43-.Ltmp24, $4  }
0x8de: {  	v20 =	vsel vm3, s0, v20;
	s0 =	spop (drf);
	(drf) =	srem.u32 s19, s11  }
0x8df: {  	v20 =	vsel vm4, s8, v20;
	s13 =	spop (drf)  }
0x8e0: {  	v22 =	vsel vm5, s1, v20;
	s1 =	spop (drf);
	v20 =	vmul.f32 v21, v14  }
0x8e1: {  	v21 =	vsel vm6, s4, v22;
	s11 =	spop (drf)  }
0x8e2: {  	_ = 	snop  }
0x8e3: {  	v16 =	vsel vm7, s13, v21  }
0x8e4: {  	v16 =	vsel vm8, s11, v16  }
0x8e5: {  	v16 =	vsel vm9, s0, v16  }
0x8e6: {  	s25 =	spop (drf);
	[tilespmem:v19+s6+$0x0] =	vst.idx.msk $0xffff, v20;
	v16 =	vsel vm10, s1, v16  }
0x8e7: {  	v17 =	vld.idx.msk [tilespmem:v17+s26+$0x0], $0xffff;
	s28 =	spop (drf);
	v16 =	vsel vm11, s25, v16  }
0x8e8: {  	s29 =	spop (drf);
	v16 =	vsel vm12, s28, v16  }
0x8e9: {  	s31 =	spop (drf);
	v16 =	vsel vm13, s29, v16  }
0x8ea: {  	v16 =	vsel vm14, s31, v16;
	_ =	sdelay $0x1  }
0x8eb: {  	v17 =	vmul.f32 v17, v14;
	_ =	sdelay $0x1  }
0x8ec: {  	[tilespmem:v18+s6+$0x0] =	vst.idx.msk $0xffff, v17  }
0x8ed: {  	v16 =	vld.idx.msk [tilespmem:v16+s30+$0x0], $0xffff;
	_ =	sdelay $0x4  }
0x8ee: {  	v16 =	vmul.u32 v13, v16;
	_ =	sdelay $0x1  }
0x8ef: {  	v17 =	vadd.s32 $0x4000, v16;
	_ =	sdelay $0x3  }
0x8f0: {  	v18 =	vld.idx.msk [tilespmem:v16+s3+$0x0], $0xffff  }
0x8f1: {  	v19 =	vld.idx.msk [tilespmem:v17+s3+$0x0], $0xffff  }
0x8f2: {  	v61 =	vadd.s32 $0x8000, v16;
	_ =	sdelay $0x3  }
0x8f3: {  	v18 =	vsub.f32 v18, v10;
	v19 =	vsub.f32 v19, v11  }
0x8f4: {  	v22 =	vmov s9;
	v62 =	vld.idx.msk [tilespmem:v61+s3+$0x0], $0xffff  }
0x8f5: {  	v22 =	vshll.u32 v22, $0x7;
	v23 =	vmul.f32 v18, v8;
	v24 =	vmul.f32 v19, v9  }
0x8f6: {  	v22 =	vor.u32 v5, v22;
	v18 =	vmul.f32 v18, v9;
	v19 =	vmul.f32 v19, v8  }
0x8f7: {  	v25 =	vor.u32 $0x1, v22;
	v23 =	vadd.f32 v24, v23  }
0x8f8: {  	v63 =	vor.u32 $0x2, v22;
	v18 =	vsub.f32 v19, v18  }
0x8f9: {  	v21 =	vsub.f32 v62, v15;
	v23 =	vmul.f32 v23, v14  }
0x8fa: {  	v18 =	vmul.f32 v18, v14  }
0x8fb: {  	v21 =	vmul.f32 v21, v14;
	[tilespmem:v22+s2+$0x0] =	vst.idx.msk $0xffff, v23  }
0x8fc: {  	[tilespmem:v25+s2+$0x0] =	vst.idx.msk $0xffff, v18  }
0x8fd: {  	[tilespmem:v63+s2+$0x0] =	vst.idx.msk $0xffff, v21  }
0x8fe: {  	v16 =	vld.idx.msk [tilespmem:v16+s26+$0x0], $0xffff;
	_ =	sdelay $0x4  }
0x8ff: {  	v16 =	vmul.f32 v16, v14;
	_ =	sdelay $0x1  }
0x900: {  	[tilespmem:v22+s6+$0x0] =	vst.idx.msk $0xffff, v16  }
0x901: {  	v16 =	vld.idx.msk [tilespmem:v17+s26+$0x0], $0xffff;
	_ =	sdelay $0x4  }
0x902: {  	v16 =	vmul.f32 v16, v14;
	_ =	sdelay $0x1  }
0x903: {  	[tilespmem:v25+s6+$0x0] =	vst.idx.msk $0xffff, v16  }
0x904: {  	v16 =	vld.idx.msk [tilespmem:v61+s26+$0x0], $0xffff;
	_ =	sdelay $0x2  }
.Ltmp25:
0x905: {  	_ = 	snop;
	(pc) =	sbr.rel @p0 .LBB2_48-.Ltmp25, $3  }
0x906: {  	_ = 	snop  }
0x907: {  	v16 =	vmul.f32 v16, v14;
	_ =	sdelay $0x1  }
0x908: {  	[tilespmem:v63+s6+$0x0] =	vst.idx.msk $0xffff, v16  }
0x909: {  	s0 =	simm.s32 $0x0;
	s1 =	simm.s32 $0x200  }
.LBB2_46:
0x90a: {  	p1 =	sne.s32 s1, $0x7E00;
	[tilespmem:s0+$0x18570] =	vst v3  }
0x90b: {  	[tilespmem:s0+$0x18500] =	vst v3  }
0x90c: {  	[tilespmem:s0+$0x18510] =	vst v3  }
.Ltmp26:
0x90d: {  	[tilespmem:s0+$0x18520] =	vst v3;
	(pc) =	sbr.rel @p1 .LBB2_46-.Ltmp26, $4  }
0x90e: {  	[tilespmem:s0+$0x18530] =	vst v3  }
0x90f: {  	[tilespmem:s0+$0x18540] =	vst v3  }
0x910: {  	[tilespmem:s0+$0x18550] =	vst v3  }
0x911: {  	[tilespmem:s0+$0x18560] =	vst v3;
	s0 =	sshra.s32 s1, $0x2;
	s1 =	sadd.s32 $0x200, s1  }
0x912: {  	[tilespmem:s0+$0x18570] =	vst v3  }
0x913: {  	[tilespmem:s0+$0x18500] =	vst v3  }
0x914: {  	[tilespmem:s0+$0x18510] =	vst v3  }
0x915: {  	[tilespmem:s0+$0x18520] =	vst v3  }
0x916: {  	[tilespmem:s0+$0x18530] =	vst v3  }
0x917: {  	[tilespmem:s0+$0x18540] =	vst v3  }
0x918: {  	[tilespmem:s0+$0x18550] =	vst v3  }
0x919: {  	[tilespmem:s0+$0x18560] =	vst v3  }
.LBB2_48:
0x91a: {  	s0 =	rddreg [dreg:$0x16]  }
0x91b: {  	s7 =	rddreg [dreg:$0x1d];
	s1 =	simm.s32 $0x400  }
0x91c: {  	s4 =	simm.s32 $0x800;
	s17 =	rddreg [dreg:$0x17];
	s0 =	sadd.s32 s7, s0  }
0x91d: {  	[hbm4b:s0+s1] =	stream.strided.scatter [tilespmem:s2], [sflag:$0x3], $0x2000, s4, s1, $0x38;
	[tilespmem:$0x1E500] =	vst v63  }
0x91e: {  	s18 =	simm.s32 $0x3;
	s0 =	sadd.s32 s7, s17  }
0x91f: {  	[hbm4b:s0+s1] =	stream.strided.scatter [tilespmem:s6], [sflag:$0x3], $0x2000, s4, s1, $0x38;
	[tilespmem:$0x1E500] =	vst v63  }
0x920: {  	_ =	swait.ge [sflag:s18], $0x2000  }
0x921: {  	[sflag:s18] =	ssyncset.done $0x0  }
0x922: {  	[sflag:s18] =	ssyncadd.s32 $0xFFFFE000  }
0x923: {  	_ =	swait.ge [sflag:s18], $0x2000  }
0x924: {  	[sflag:s18] =	ssyncset.done $0x0  }
0x925: {  	s31 =	simm.s32 $0x2;
	[sflag:s18] =	ssyncadd.s32 $0xFFFFE000  }
0x926: {  	_ =	swait.ge [sflag:s31], $0x2000  }
0x927: {  	(v2sf) =	vpush v12, $0xE  }
0x928: {  	(v2sf) =	vpush v12, $0xD  }
0x929: {  	(v2sf) =	vpush v12, $0xC  }
0x92a: {  	(v2sf) =	vpush v12, $0xB  }
0x92b: {  	(v2sf) =	vpush v12, $0x8  }
0x92c: {  	(v2sf) =	vpush v12, $0xA  }
0x92d: {  	(v2sf) =	vpush v12, $0x7  }
0x92e: {  	(v2sf) =	vpush v12, $0x9  }
0x92f: {  	(v2sf) =	vpush v12, $0x6  }
0x930: {  	(v2sf) =	vpush v12, $0x5  }
0x931: {  	(v2sf) =	vpush v12, $0x3  }
0x932: {  	(v2sf) =	vpush v12, $0x4  }
0x933: {  	(v2sf) =	vpush v12, $0xF  }
0x934: {  	(v2sf) =	vpush v12, $0x0  }
0x935: {  	s10 =	simm.s32 $0x0;
	v16 =	vor.u32 $0x1C0, v2;
	(v2sf) =	vpush v12, $0x1  }
0x936: {  	v17 =	vor.u32 s10, v16;
	(v2sf) =	vpush v12, $0x2;
	s9 =	spop (v2sf)  }
0x937: {  	s11 =	spop (v2sf);
	(v2sf) =	vpush v17, $0xE  }
0x938: {  	(v2sf) =	vpush v17, $0xC;
	s12 =	spop (v2sf)  }
0x939: {  	(v2sf) =	vpush v17, $0xB;
	s0 =	spop (v2sf)  }
0x93a: {  	s1 =	spop (v2sf);
	(v2sf) =	vpush v17, $0xA  }
0x93b: {  	(v2sf) =	vpush v17, $0x4;
	s4 =	spop (v2sf)  }
0x93c: {  	(v2sf) =	vpush v17, $0x3;
	s7 =	spop (v2sf)  }
0x93d: {  	(v2sf) =	vpush v17, $0x2;
	s8 =	spop (v2sf)  }
0x93e: {  	(v2sf) =	vpush v17, $0x1;
	s13 =	spop (v2sf)  }
0x93f: {  	(v2sf) =	vpush v17, $0x0;
	s14 =	spop (v2sf)  }
0x940: {  	(v2sf) =	vpush v17, $0xF;
	s15 =	spop (v2sf)  }
0x941: {  	s16 =	spop (v2sf);
	(v2sf) =	vpush v17, $0x9  }
0x942: {  	s17 =	spop (v2sf);
	(v2sf) =	vpush v17, $0x5  }
0x943: {  	s18 =	spop (v2sf);
	(v2sf) =	vpush v17, $0x6  }
0x944: {  	s19 =	spop (v2sf);
	(v2sf) =	vpush v17, $0x7  }
0x945: {  	s20 =	spop (v2sf);
	(v2sf) =	vpush v17, $0xD  }
0x946: {  	(v2sf) =	vpush v17, $0x8;
	s21 =	spop (v2sf)  }
0x947: {  	s22 =	spop (v2sf)  }
0x948: {  	s23 =	spop (v2sf)  }
0x949: {  	s24 =	spop (v2sf)  }
0x94a: {  	s25 =	spop (v2sf)  }
0x94b: {  	s28 =	spop (v2sf)  }
0x94c: {  	s29 =	spop (v2sf)  }
0x94d: {  	(drf) =	srem.u32 s29, s20;
	s20 =	spop (v2sf)  }
0x94e: {  	s29 =	spop (v2sf);
	(drf) =	srem.u32 s20, s19  }
0x94f: {  	(drf) =	srem.u32 s29, s18;
	s19 =	spop (v2sf)  }
0x950: {  	(drf) =	srem.u32 s19, s17;
	s17 =	spop (v2sf)  }
0x951: {  	s20 =	spop (v2sf)  }
0x952: {  	(drf) =	srem.u32 s25, s16;
	s25 =	spop (v2sf)  }
0x953: {  	(drf) =	srem.u32 s28, s15;
	s29 =	spop (v2sf)  }
0x954: {  	(drf) =	srem.u32 s20, s14;
	s19 =	spop (v2sf)  }
0x955: {  	(drf) =	srem.u32 s25, s13;
	s20 =	spop (v2sf)  }
0x956: {  	(drf) =	srem.u32 s17, s8;
	s25 =	spop (drf)  }
0x957: {  	(drf) =	srem.u32 s29, s7;
	s28 =	spop (drf)  }
0x958: {  	(drf) =	srem.u32 s24, s4;
	s29 =	spop (drf)  }
0x959: {  	(drf) =	srem.u32 s20, s1;
	s15 =	spop (drf)  }
0x95a: {  	v17 =	vmov s15  }
0x95b: {  	s16 =	spop (drf);
	v17 =	vsel vm0, s29, v17  }
0x95c: {  	(drf) =	srem.u32 s23, s0;
	s17 =	spop (drf);
	v17 =	vsel vm1, s28, v17  }
0x95d: {  	(v2sf) =	vpush v12, $0xE;
	(drf) =	srem.u32 s22, s12;
	s18 =	spop (drf);
	v17 =	vsel vm2, s25, v17  }
0x95e: {  	(v2sf) =	vpush v12, $0xD;
	(drf) =	srem.u32 s19, s11;
	s19 =	spop (drf);
	v17 =	vsel vm3, s17, v17  }
0x95f: {  	(v2sf) =	vpush v12, $0xC;
	(drf) =	srem.u32 s21, s9;
	s20 =	spop (drf);
	v17 =	vsel vm4, s16, v17  }
0x960: {  	(v2sf) =	vpush v12, $0xB;
	s21 =	spop (drf);
	v17 =	vsel vm5, s18, v17  }
0x961: {  	(v2sf) =	vpush v12, $0x8;
	s22 =	spop (drf);
	v17 =	vsel vm6, s19, v17  }
0x962: {  	(v2sf) =	vpush v12, $0xA;
	s23 =	spop (drf);
	v17 =	vsel vm7, s21, v17  }
0x963: {  	(v2sf) =	vpush v12, $0x7;
	v17 =	vsel vm8, s23, v17  }
0x964: {  	(v2sf) =	vpush v12, $0x9;
	v17 =	vsel vm9, s20, v17  }
0x965: {  	(v2sf) =	vpush v12, $0x6;
	s24 =	spop (drf);
	v17 =	vsel vm10, s22, v17  }
0x966: {  	(v2sf) =	vpush v12, $0x5;
	s25 =	spop (drf);
	v17 =	vsel vm11, s24, v17  }
0x967: {  	(v2sf) =	vpush v12, $0x3;
	s28 =	spop (drf);
	v17 =	vsel vm12, s25, v17  }
0x968: {  	(v2sf) =	vpush v12, $0x4;
	s29 =	spop (drf);
	v17 =	vsel vm13, s28, v17  }
0x969: {  	(v2sf) =	vpush v12, $0xF;
	v17 =	vsel vm14, s29, v17  }
0x96a: {  	(v2sf) =	vpush v12, $0x0  }
0x96b: {  	(v2sf) =	vpush v12, $0x1;
	s9 =	simm.s32 $0x10  }
0x96c: {  	[sflag:s31] =	ssyncset.done $0x0;
	(v2sf) =	vpush v12, $0x2;
	s11 =	spop (v2sf);
	v18 =	vor.u32 s9, v16  }
0x96d: {  	[sflag:s31] =	ssyncadd.s32 $0xFFFFE000;
	s12 =	spop (v2sf);
	(v2sf) =	vpush v18, $0xE  }
0x96e: {  	s13 =	spop (v2sf);
	(v2sf) =	vpush v18, $0xC;
	v17 =	vld.idx.msk [tilespmem:v17+s30+$0x0], $0xffff  }
0x96f: {  	s14 =	spop (v2sf);
	(v2sf) =	vpush v18, $0xB  }
0x970: {  	s15 =	spop (v2sf);
	(v2sf) =	vpush v18, $0xA  }
0x971: {  	s16 =	spop (v2sf);
	(v2sf) =	vpush v18, $0x4  }
0x972: {  	s18 =	spop (v2sf);
	(v2sf) =	vpush v18, $0x3  }
0x973: {  	s19 =	spop (v2sf);
	(v2sf) =	vpush v18, $0x2;
	v20 =	vmul.u32 v13, v17  }
0x974: {  	s1 =	spop (v2sf);
	(v2sf) =	vpush v18, $0x1  }
0x975: {  	s4 =	spop (v2sf);
	(v2sf) =	vpush v18, $0x0;
	v21 =	vadd.s32 $0x4000, v20  }
0x976: {  	s7 =	spop (v2sf);
	(v2sf) =	vpush v18, $0xF  }
0x977: {  	s8 =	spop (v2sf);
	(v2sf) =	vpush v18, $0x9  }
0x978: {  	s21 =	spop (v2sf);
	(v2sf) =	vpush v18, $0x5  }
0x979: {  	s22 =	spop (v2sf);
	(v2sf) =	vpush v18, $0x6;
	v19 =	vld.idx.msk [tilespmem:v20+s3+$0x0], $0xffff  }
0x97a: {  	s23 =	spop (v2sf);
	(v2sf) =	vpush v18, $0x7;
	v22 =	vld.idx.msk [tilespmem:v21+s3+$0x0], $0xffff  }
0x97b: {  	s24 =	spop (v2sf);
	(v2sf) =	vpush v18, $0xD;
	v17 =	vadd.s32 $0x8000, v20  }
0x97c: {  	(v2sf) =	vpush v18, $0x8;
	s17 =	spop (v2sf)  }
0x97d: {  	s20 =	spop (v2sf)  }
0x97e: {  	s0 =	spop (v2sf)  }
0x97f: {  	s25 =	spop (v2sf);
	v18 =	vsub.f32 v19, v10;
	v19 =	vsub.f32 v22, v11  }
0x980: {  	v23 =	vmov s10;
	s10 =	spop (v2sf);
	v22 =	vld.idx.msk [tilespmem:v17+s3+$0x0], $0xffff  }
0x981: {  	v23 =	vshll.u32 v23, $0x7;
	s28 =	spop (v2sf);
	v24 =	vmul.f32 v18, v8;
	v25 =	vmul.f32 v19, v9  }
0x982: {  	v23 =	vor.u32 v5, v23;
	s31 =	spop (v2sf);
	v18 =	vmul.f32 v18, v9;
	v26 =	vmul.f32 v19, v8  }
0x983: {  	(drf) =	srem.u32 s31, s24;
	s29 =	spop (v2sf);
	v19 =	vor.u32 $0x1, v23;
	v24 =	vadd.f32 v25, v24  }
0x984: {  	(drf) =	srem.u32 s29, s23;
	s31 =	spop (v2sf);
	v63 =	vsub.f32 v26, v18;
	v18 =	vor.u32 $0x2, v23  }
0x985: {  	(drf) =	srem.u32 s31, s22;
	s23 =	spop (v2sf);
	v22 =	vsub.f32 v22, v15;
	v24 =	vmul.f32 v24, v14  }
0x986: {  	(drf) =	srem.u32 s23, s21;
	s24 =	spop (v2sf);
	v25 =	vmul.f32 v63, v14  }
0x987: {  	(drf) =	srem.u32 s10, s8;
	s29 =	spop (v2sf);
	v22 =	vmul.f32 v22, v14;
	[tilespmem:v23+s5+$0x0] =	vst.idx.msk $0xffff, v24  }
0x988: {  	(drf) =	srem.u32 s28, s7;
	s31 =	spop (v2sf);
	[tilespmem:v19+s5+$0x0] =	vst.idx.msk $0xffff, v25  }
0x989: {  	(drf) =	srem.u32 s29, s4;
	s10 =	spop (v2sf);
	[tilespmem:v18+s5+$0x0] =	vst.idx.msk $0xffff, v22  }
0x98a: {  	(drf) =	srem.u32 s31, s1;
	s1 =	spop (v2sf);
	v20 =	vld.idx.msk [tilespmem:v20+s26+$0x0], $0xffff  }
0x98b: {  	(drf) =	srem.u32 s24, s19;
	s19 =	spop (v2sf)  }
0x98c: {  	(drf) =	srem.u32 s10, s18;
	s21 =	spop (drf)  }
0x98d: {  	(drf) =	srem.u32 s25, s16;
	s22 =	spop (drf)  }
0x98e: {  	(drf) =	srem.u32 s19, s15;
	s23 =	spop (drf)  }
0x98f: {  	s24 =	spop (drf);
	v20 =	vmul.f32 v20, v14  }
0x990: {  	(drf) =	srem.u32 s0, s14;
	s25 =	spop (drf);
	v22 =	vmov s24  }
0x991: {  	s28 =	spop (drf);
	[tilespmem:v23+s6+$0x0] =	vst.idx.msk $0xffff, v20;
	v20 =	vsel vm0, s23, v22  }
0x992: {  	(drf) =	srem.u32 s20, s13;
	s29 =	spop (drf);
	v21 =	vld.idx.msk [tilespmem:v21+s26+$0x0], $0xffff;
	v20 =	vsel vm1, s22, v20  }
0x993: {  	(drf) =	srem.u32 s1, s12;
	s31 =	spop (drf);
	v20 =	vsel vm2, s21, v20  }
0x994: {  	s0 =	spop (drf);
	v20 =	vsel vm3, s28, v20  }
0x995: {  	(drf) =	srem.u32 s17, s11;
	s13 =	spop (drf);
	v20 =	vsel vm4, s25, v20  }
0x996: {  	s1 =	spop (drf);
	v22 =	vsel vm5, s29, v20  }
0x997: {  	s10 =	simm.s32 $0x20;
	s11 =	spop (drf);
	v20 =	vmul.f32 v21, v14;
	v21 =	vsel vm6, s31, v22  }
.LBB2_49:
0x998: {  	p1 =	sne.s32 s10, $0x30  }
0x999: {  	(v2sf) =	vpush v12, $0xE;
	v21 =	vsel vm7, s13, v21;
	s4 =	spop (drf);
	[tilespmem:v19+s6+$0x0] =	vst.idx.msk $0xffff, v20;
	s16 =	smov.u32 s10;
	s10 =	sadd.s32 $0x10, s10  }
0x99a: {  	(v2sf) =	vpush v12, $0xD;
	v19 =	vsel vm8, s11, v21;
	v17 =	vld.idx.msk [tilespmem:v17+s26+$0x0], $0xffff  }
0x99b: {  	(v2sf) =	vpush v12, $0xC;
	v19 =	vsel vm9, s0, v19;
	s0 =	spop (drf)  }
0x99c: {  	(v2sf) =	vpush v12, $0xB;
	v19 =	vsel vm10, s1, v19;
	s1 =	spop (drf)  }
0x99d: {  	(v2sf) =	vpush v12, $0x8;
	v19 =	vsel vm11, s4, v19  }
0x99e: {  	(v2sf) =	vpush v12, $0xA;
	v19 =	vsel vm12, s0, v19;
	s0 =	spop (drf)  }
0x99f: {  	(v2sf) =	vpush v12, $0x7;
	v19 =	vsel vm13, s1, v19  }
0x9a0: {  	v17 =	vmul.f32 v17, v14;
	(v2sf) =	vpush v12, $0x9;
	v19 =	vsel vm14, s0, v19  }
0x9a1: {  	(v2sf) =	vpush v12, $0x6  }
0x9a2: {  	(v2sf) =	vpush v12, $0x5;
	[tilespmem:v18+s6+$0x0] =	vst.idx.msk $0xffff, v17  }
0x9a3: {  	(v2sf) =	vpush v12, $0x3  }
0x9a4: {  	(v2sf) =	vpush v12, $0x4  }
0x9a5: {  	(v2sf) =	vpush v12, $0xF;
	v17 =	vld.idx.msk [tilespmem:v19+s30+$0x0], $0xffff  }
0x9a6: {  	(v2sf) =	vpush v12, $0x0  }
0x9a7: {  	(v2sf) =	vpush v12, $0x1  }
0x9a8: {  	v18 =	vor.u32 s16, v16;
	(v2sf) =	vpush v12, $0x2;
	s11 =	spop (v2sf)  }
0x9a9: {  	s12 =	spop (v2sf);
	(v2sf) =	vpush v18, $0xE  }
0x9aa: {  	(v2sf) =	vpush v18, $0xC;
	s13 =	spop (v2sf)  }
0x9ab: {  	v20 =	vmul.u32 v13, v17;
	(v2sf) =	vpush v18, $0xB;
	s14 =	spop (v2sf)  }
0x9ac: {  	s15 =	spop (v2sf);
	(v2sf) =	vpush v18, $0xA  }
0x9ad: {  	v21 =	vadd.s32 $0x4000, v20;
	(v2sf) =	vpush v18, $0x4;
	s17 =	spop (v2sf)  }
0x9ae: {  	(v2sf) =	vpush v18, $0x3;
	s18 =	spop (v2sf)  }
0x9af: {  	(v2sf) =	vpush v18, $0x2;
	s20 =	spop (v2sf)  }
0x9b0: {  	(v2sf) =	vpush v18, $0x1;
	s21 =	spop (v2sf)  }
0x9b1: {  	(v2sf) =	vpush v18, $0x0;
	s22 =	spop (v2sf);
	v19 =	vld.idx.msk [tilespmem:v20+s3+$0x0], $0xffff  }
0x9b2: {  	v17 =	vadd.s32 $0x8000, v20;
	(v2sf) =	vpush v18, $0xF;
	s23 =	spop (v2sf);
	v22 =	vld.idx.msk [tilespmem:v21+s3+$0x0], $0xffff  }
0x9b3: {  	s1 =	spop (v2sf);
	(v2sf) =	vpush v18, $0x9  }
0x9b4: {  	s4 =	spop (v2sf);
	(v2sf) =	vpush v18, $0x5  }
0x9b5: {  	s7 =	spop (v2sf);
	(v2sf) =	vpush v18, $0x6  }
0x9b6: {  	s8 =	spop (v2sf);
	(v2sf) =	vpush v18, $0x7  }
0x9b7: {  	v19 =	vsub.f32 v19, v10;
	s24 =	spop (v2sf);
	(v2sf) =	vpush v18, $0xD;
	v23 =	vld.idx.msk [tilespmem:v17+s3+$0x0], $0xffff  }
0x9b8: {  	v22 =	vsub.f32 v22, v11;
	(v2sf) =	vpush v18, $0x8;
	s19 =	spop (v2sf);
	v18 =	vmov s9;
	s9 =	smov.u32 s16  }
0x9b9: {  	v24 =	vmul.f32 v19, v8;
	v25 =	vmul.f32 v19, v9;
	s16 =	spop (v2sf);
	v18 =	vshll.u32 v18, $0x7  }
0x9ba: {  	v26 =	vmul.f32 v22, v9;
	v22 =	vmul.f32 v22, v8;
	s0 =	spop (v2sf);
	v27 =	vor.u32 v5, v18  }
0x9bb: {  	s25 =	spop (v2sf);
	v19 =	vor.u32 $0x1, v27  }
0x9bc: {  	v24 =	vadd.f32 v26, v24;
	v22 =	vsub.f32 v22, v25;
	v18 =	vor.u32 $0x2, v27;
	s28 =	spop (v2sf)  }
0x9bd: {  	v23 =	vsub.f32 v23, v15;
	s29 =	spop (v2sf)  }
0x9be: {  	v24 =	vmul.f32 v24, v14;
	v22 =	vmul.f32 v22, v14;
	s30 =	spop (v2sf)  }
0x9bf: {  	v23 =	vmul.f32 v23, v14;
	s31 =	spop (v2sf);
	(drf) =	srem.u32 s30, s24;
	s30 =	simm.s32 $0x18080  }
0x9c0: {  	s24 =	spop (v2sf);
	(drf) =	srem.u32 s31, s8;
	[tilespmem:v27+s5+$0x0] =	vst.idx.msk $0xffff, v24  }
0x9c1: {  	(drf) =	srem.u32 s24, s7;
	s7 =	spop (v2sf);
	[tilespmem:v19+s5+$0x0] =	vst.idx.msk $0xffff, v22  }
0x9c2: {  	(drf) =	srem.u32 s7, s4;
	s4 =	spop (v2sf);
	[tilespmem:v18+s5+$0x0] =	vst.idx.msk $0xffff, v23  }
0x9c3: {  	(drf) =	srem.u32 s28, s1;
	s1 =	spop (v2sf);
	v20 =	vld.idx.msk [tilespmem:v20+s26+$0x0], $0xffff  }
0x9c4: {  	(drf) =	srem.u32 s29, s23;
	s7 =	spop (v2sf)  }
0x9c5: {  	(drf) =	srem.u32 s1, s22;
	s1 =	spop (v2sf)  }
0x9c6: {  	(drf) =	srem.u32 s7, s21;
	s7 =	spop (v2sf)  }
0x9c7: {  	s8 =	spop (v2sf);
	(drf) =	srem.u32 s4, s20  }
0x9c8: {  	s4 =	spop (drf);
	(drf) =	srem.u32 s1, s18  }
0x9c9: {  	v20 =	vmul.f32 v20, v14;
	s1 =	spop (drf);
	(drf) =	srem.u32 s25, s17  }
0x9ca: {  	s17 =	spop (drf);
	(drf) =	srem.u32 s8, s15  }
0x9cb: {  	s8 =	spop (drf);
	(drf) =	srem.u32 s0, s14;
	[tilespmem:v27+s6+$0x0] =	vst.idx.msk $0xffff, v20  }
0x9cc: {  	v20 =	vmov s8;
	s8 =	spop (drf);
	v21 =	vld.idx.msk [tilespmem:v21+s26+$0x0], $0xffff  }
0x9cd: {  	v20 =	vsel vm0, s17, v20;
	s0 =	spop (drf);
	(drf) =	srem.u32 s16, s13  }
0x9ce: {  	v20 =	vsel vm1, s1, v20;
	s1 =	spop (drf);
	(drf) =	srem.u32 s7, s12  }
.Ltmp27:
0x9cf: {  	v20 =	vsel vm2, s4, v20;
	s4 =	spop (drf);
	(pc) =	sbr.rel @p1 .LBB2_49-.Ltmp27, $4  }
0x9d0: {  	v20 =	vsel vm3, s0, v20;
	s0 =	spop (drf);
	(drf) =	srem.u32 s19, s11  }
0x9d1: {  	v20 =	vsel vm4, s8, v20;
	s13 =	spop (drf)  }
0x9d2: {  	v22 =	vsel vm5, s1, v20;
	s1 =	spop (drf);
	v20 =	vmul.f32 v21, v14  }
0x9d3: {  	v21 =	vsel vm6, s4, v22;
	s11 =	spop (drf)  }
0x9d4: {  	_ = 	snop  }
0x9d5: {  	v12 =	vsel vm7, s13, v21  }
0x9d6: {  	v12 =	vsel vm8, s11, v12  }
0x9d7: {  	v12 =	vsel vm9, s0, v12  }
0x9d8: {  	s24 =	spop (drf);
	[tilespmem:v19+s6+$0x0] =	vst.idx.msk $0xffff, v20;
	v12 =	vsel vm10, s1, v12  }
0x9d9: {  	v16 =	vld.idx.msk [tilespmem:v17+s26+$0x0], $0xffff;
	s25 =	spop (drf);
	v12 =	vsel vm11, s24, v12  }
0x9da: {  	s28 =	spop (drf);
	v12 =	vsel vm12, s25, v12  }
0x9db: {  	s29 =	spop (drf);
	v12 =	vsel vm13, s28, v12  }
0x9dc: {  	v12 =	vsel vm14, s29, v12;
	_ =	sdelay $0x1  }
0x9dd: {  	v16 =	vmul.f32 v16, v14;
	_ =	sdelay $0x1  }
0x9de: {  	[tilespmem:v18+s6+$0x0] =	vst.idx.msk $0xffff, v16  }
0x9df: {  	v12 =	vld.idx.msk [tilespmem:v12+s30+$0x0], $0xffff;
	_ =	sdelay $0x4  }
0x9e0: {  	v12 =	vmul.u32 v13, v12;
	_ =	sdelay $0x1  }
0x9e1: {  	v13 =	vadd.s32 $0x4000, v12;
	_ =	sdelay $0x3  }
0x9e2: {  	v16 =	vld.idx.msk [tilespmem:v12+s3+$0x0], $0xffff  }
0x9e3: {  	v52 =	vld.idx.msk [tilespmem:v13+s3+$0x0], $0xffff  }
0x9e4: {  	v53 =	vadd.s32 $0x8000, v12;
	_ =	sdelay $0x3  }
0x9e5: {  	v10 =	vsub.f32 v16, v10;
	v11 =	vsub.f32 v52, v11  }
0x9e6: {  	v55 =	vmov s9;
	v54 =	vld.idx.msk [tilespmem:v53+s3+$0x0], $0xffff  }
0x9e7: {  	v17 =	vshll.u32 v55, $0x7;
	v56 =	vmul.f32 v10, v8;
	v57 =	vmul.f32 v11, v9  }
0x9e8: {  	v59 =	vor.u32 v5, v17;
	v58 =	vmul.f32 v10, v9;
	v8 =	vmul.f32 v11, v8  }
0x9e9: {  	v60 =	vor.u32 $0x1, v59;
	v61 =	vadd.f32 v57, v56  }
0x9ea: {  	v62 =	vor.u32 $0x2, v59;
	v8 =	vsub.f32 v8, v58  }
0x9eb: {  	v15 =	vsub.f32 v54, v15;
	v63 =	vmul.f32 v61, v14  }
0x9ec: {  	v8 =	vmul.f32 v8, v14  }
0x9ed: {  	v15 =	vmul.f32 v15, v14;
	[tilespmem:v59+s5+$0x0] =	vst.idx.msk $0xffff, v63  }
0x9ee: {  	[tilespmem:v60+s5+$0x0] =	vst.idx.msk $0xffff, v8  }
0x9ef: {  	[tilespmem:v62+s5+$0x0] =	vst.idx.msk $0xffff, v15  }
0x9f0: {  	v8 =	vld.idx.msk [tilespmem:v12+s26+$0x0], $0xffff;
	_ =	sdelay $0x4  }
0x9f1: {  	v8 =	vmul.f32 v8, v14;
	_ =	sdelay $0x1  }
0x9f2: {  	[tilespmem:v59+s6+$0x0] =	vst.idx.msk $0xffff, v8  }
0x9f3: {  	v8 =	vld.idx.msk [tilespmem:v13+s26+$0x0], $0xffff;
	_ =	sdelay $0x4  }
0x9f4: {  	v8 =	vmul.f32 v8, v14;
	_ =	sdelay $0x1  }
0x9f5: {  	[tilespmem:v60+s6+$0x0] =	vst.idx.msk $0xffff, v8  }
0x9f6: {  	v8 =	vld.idx.msk [tilespmem:v53+s26+$0x0], $0xffff;
	_ =	sdelay $0x2  }
.Ltmp28:
0x9f7: {  	_ = 	snop;
	(pc) =	sbr.rel @p0 .LBB2_54-.Ltmp28, $3  }
0x9f8: {  	_ = 	snop  }
0x9f9: {  	v8 =	vmul.f32 v8, v14;
	_ =	sdelay $0x1  }
0x9fa: {  	s31 =	simm.s32 $0x18300;
	[tilespmem:v62+s6+$0x0] =	vst.idx.msk $0xffff, v8  }
0x9fb: {  	s0 =	simm.s32 $0x0;
	s1 =	simm.s32 $0x200  }
.LBB2_52:
0x9fc: {  	p0 =	sne.s32 s1, $0x7E00;
	[tilespmem:s0+$0x1A570] =	vst v3  }
0x9fd: {  	[tilespmem:s0+$0x1A500] =	vst v3  }
0x9fe: {  	[tilespmem:s0+$0x1A510] =	vst v3  }
.Ltmp29:
0x9ff: {  	[tilespmem:s0+$0x1A520] =	vst v3;
	(pc) =	sbr.rel @p0 .LBB2_52-.Ltmp29, $4  }
0xa00: {  	[tilespmem:s0+$0x1A530] =	vst v3  }
0xa01: {  	[tilespmem:s0+$0x1A540] =	vst v3  }
0xa02: {  	[tilespmem:s0+$0x1A550] =	vst v3  }
0xa03: {  	[tilespmem:s0+$0x1A560] =	vst v3;
	s0 =	sshra.s32 s1, $0x2;
	s1 =	sadd.s32 $0x200, s1  }
0xa04: {  	[tilespmem:s0+$0x1A570] =	vst v3  }
0xa05: {  	[tilespmem:s0+$0x1A500] =	vst v3  }
0xa06: {  	[tilespmem:s0+$0x1A510] =	vst v3  }
.Ltmp30:
0xa07: {  	[tilespmem:s0+$0x1A520] =	vst v3;
	(pc) =	sbr.rel .LBB2_54-.Ltmp30, $4  }
0xa08: {  	[tilespmem:s0+$0x1A530] =	vst v3  }
0xa09: {  	[tilespmem:s0+$0x1A540] =	vst v3  }
0xa0a: {  	[tilespmem:s0+$0x1A550] =	vst v3  }
0xa0b: {  	[tilespmem:s0+$0x1A560] =	vst v3  }
.LBB2_56:
0xa0c: {  	_ =	sfence.sel $0x180000  }
0xa0d: {  	[bflag:$0x0] =	sbarrier.arrive $0xFFFF  }
0xa0e: {  	_ =	strace $0x90000047  }
0xa0f: {  	s0 =	stileid.u32;
	[bflag:$0x2] =	sbarrier.arrive $0xFFFF  }
0xa10: {  	p0 =	sne.s32 s0, $0x0;
	s0 =	rddreg [dreg:$0x5]  }
0xa11: {  	s0 =	sadd.s32 @!p0 $0x100000, s0  }
0xa12: {  	[sflag:s0] =	ssyncadd.tile.s32 @!p0 $0x1;
	_ =	shalt  }
.Lfunc_end2:
_tile_overlayer_lowered:
.L_overlay_start_2:
0xa13: {  	(tag) =	ssettag $0x2  }
0xa14: {  	s0 =	rddreg [dreg:$0x0];
	s2 =	stileid.u32  }
0xa15: {  	s1 =	rddreg [dreg:$0x1];
	p0 =	sne.s32 s2, $0x0  }
0xa16: {  	s3 =	rddreg [dreg:$0x2];
	[bflag:$0x3] =	sbarrier.arrive $0xFFFF;
	s2 =	simm.s32 @!p0 $0x1C04  }
0xa17: {  	[timem:s3], [sflag:s2] =	dma.local @!p0 [hbm:s0], s1  }
0xa18: {  	s0 =	simm.s32 @!p0 $0x4  }
0xa19: {  	_ =	swait.ge @!p0 [sflag:s0], s1  }
0xa1a: {  	s1 =	ssub.s32 @!p0 $0x0, s1;
	[sflag:s0] =	ssyncset.done @!p0 $0x0  }
0xa1b: {  	[sflag:s0] =	ssyncadd.s32 @!p0 s1  }
0xa1c: {  	[bflag:$0x3] =	sbarrier.arrive $0xFFFF  }
0xa1d: {  	_ =	shalt  }

</sc_bundles>
